<compile_context>
chip_gen: v7x
topology: tpu7x:2x2x1
jax: 0.10.2.dev20260603
libtpu: 0.0.44.dev20260713+nightly
codegen_flags: <defaults>
</compile_context>

<pallas_src>
import functools

import jax
import jax.numpy as jnp
from jax import lax
from jax.experimental import pallas as pl
from jax.experimental.pallas import tpu as pltpu
from jax.experimental.pallas import tpu_sc as plsc

N = 10000
D = 128
R = 8
E = 320000

NC = 2
NS = 16
NW = NC * NS
L = 16

B = 128
NBLK = -(-E // (NW * B))
EB = NBLK * B
E_PAD = NW * EB

N_PAD = NBLK * B
NRB = N_PAD // B

K0 = 108
K1 = 2 * NBLK - K0
TOT_BLK = NS * 2 * NBLK

_mesh = functools.partial(
    plsc.VectorSubcoreMesh, core_axis_name="c", subcore_axis_name="s")
_SC_PARAMS = pltpu.CompilerParams(needs_layout_passes=False)


def _wid():
  return lax.axis_index("s") * NC + lax.axis_index("c")


def _count_body(dst_hbm, type_hbm, cnt_hbm, dstb, typeb, tbl):
  wid = _wid()

  def zero_step(i, _):
    tbl[pl.ds(i * L, L)] = jnp.zeros((L,), jnp.float32)
    return 0
  lax.fori_loop(0, (N * R) // L, zero_step, 0)

  pltpu.sync_copy(dst_hbm.at[wid], dstb)
  pltpu.sync_copy(type_hbm.at[wid], typeb)

  ones = jnp.ones((L,), jnp.float32)
  iota = lax.iota(jnp.int32, L)
  base0 = wid * EB

  def step(i, _):
    d = dstb[pl.ds(i * L, L)]
    t = typeb[pl.ds(i * L, L)]
    idx = d * R + t
    valid = (base0 + i * L + iota) < E
    plsc.addupdate_scatter(tbl, [idx], ones, mask=valid)
    return 0
  lax.fori_loop(0, EB // L, step, 0)

  pltpu.sync_copy(tbl, cnt_hbm.at[wid])


def _count_phase(dst_pad, type_pad):
  k = pl.kernel(
      _count_body,
      out_type=jax.ShapeDtypeStruct((NW, N * R), jnp.float32),
      mesh=_mesh(),
      compiler_params=_SC_PARAMS,
      scratch_types=[
          pltpu.VMEM((EB,), jnp.int32),
          pltpu.VMEM((EB,), jnp.int32),
          pltpu.VMEM((N * R,), jnp.float32),
      ],
  )
  return k(dst_pad.reshape(NW, EB), type_pad.reshape(NW, EB))


def _wtbl_body(cnt_ref, w_ref):
  s = jnp.sum(cnt_ref[...], axis=0)
  w_ref[...] = 1.0 / jnp.maximum(s, 1.0)


def _wtbl_phase(cnt_parts):
  nrows = (N * R) // 128
  return pl.pallas_call(
      _wtbl_body,
      out_shape=jax.ShapeDtypeStruct((nrows, 128), jnp.float32),
  )(cnt_parts.reshape(NW, nrows, 128))


def _edge_body(src_hbm, dst_hbm, type_hbm, wtbl_hbm,
               hidx_hbm, wedge_hbm, srcb, dstb, typeb, wt):
  wid = _wid()
  pltpu.sync_copy(wtbl_hbm, wt)
  pltpu.sync_copy(src_hbm.at[wid], srcb)
  pltpu.sync_copy(dst_hbm.at[wid], dstb)
  pltpu.sync_copy(type_hbm.at[wid], typeb)

  iota = lax.iota(jnp.int32, L)
  base0 = wid * EB

  def step(i4, _):
    for u in range(4):
      i = i4 * 4 + u
      sl = pl.ds(i * L, L)
      s = srcb[sl]
      t = typeb[sl]
      d = dstb[sl]
      srcb[sl] = t * N + s
      w16 = plsc.load_gather(wt, [d * R + t])
      valid = (base0 + i * L + iota) < E
      w16 = jnp.where(valid, w16, 0.0)
      typeb[sl] = plsc.bitcast(w16, jnp.int32)
    return 0
  lax.fori_loop(0, EB // L // 4, step, 0)

  pltpu.sync_copy(srcb, hidx_hbm.at[wid])
  pltpu.sync_copy(typeb, wedge_hbm.at[wid])


def _edge_phase(src_pad, dst_pad, type_pad, wtbl):
  k = pl.kernel(
      _edge_body,
      out_type=(jax.ShapeDtypeStruct((NW, EB), jnp.int32),
                jax.ShapeDtypeStruct((NW, EB), jnp.int32)),
      mesh=_mesh(),
      compiler_params=_SC_PARAMS,
      scratch_types=[
          pltpu.VMEM((EB,), jnp.int32),
          pltpu.VMEM((EB,), jnp.int32),
          pltpu.VMEM((EB,), jnp.int32),
          pltpu.VMEM((N * R,), jnp.float32),
      ],
  )
  hidx, wedge_i32 = k(src_pad.reshape(NW, EB), dst_pad.reshape(NW, EB),
                      type_pad.reshape(NW, EB), wtbl.reshape(N * R))
  packed = jnp.stack([hidx.reshape(TOT_BLK, B),
                      dst_pad.reshape(TOT_BLK, B),
                      wedge_i32.reshape(TOT_BLK, B)], axis=1)
  return packed


def _msg_body(h_hbm, pk_hbm, out_hbm,
              buf0, buf1, x0, x1, out_sh, rs0, rs1, xs0, xs1):
  c = lax.axis_index("c")
  s = lax.axis_index("s")
  nblk = jnp.where(c == 0, K0, K1)
  base = s * (2 * NBLK) + c * K0
  bufs = (buf0, buf1)
  rsems = (rs0, rs1)
  xbufs = (x0, x1)
  xsems = (xs0, xs1)

  def zbuf(k4, _):
    for u in range(4):
      for cc in range(D // L):
        buf0[k4 * 4 + u, pl.ds(cc * L, L)] = jnp.zeros((L,), jnp.float32)
    return 0
  lax.fori_loop(0, B // 4, zbuf, 0)

  def zrow(g, _):
    b = s + g * NS
    @pl.when(b < NRB)
    def _():
      pltpu.sync_copy(buf0, out_sh.at[pl.ds(b * B, B)])
    return 0
  lax.fori_loop(0, -(-NRB // NS), zrow, 0)
  plsc.subcore_barrier()

  def xload(j, p):
    return pltpu.make_async_copy(pk_hbm.at[base + j], xbufs[p], xsems[p])

  def rgather(j, p):
    return pltpu.make_async_copy(
        h_hbm.at[xbufs[p].at[0]], bufs[p], rsems[p])

  xload(0, 0).start()
  xload(1, 1).start()
  xload(0, 0).wait()
  rgather(0, 0).start()

  def pair(g, _):
    for p in (0, 1):
      j = g * 2 + p

      @pl.when(j < nblk)
      def _():
        rgather(j, p).wait()

        @pl.when(j + 1 < nblk)
        def _():
          xload(j + 1, 1 - p).wait()
          rgather(j + 1, 1 - p).start()

        bufp = bufs[p]
        xp = xbufs[p]

        def scale(k4, _):
          for u in range(4):
            k = k4 * 4 + u
            wbits = plsc.load_gather(xp, [jnp.full((L,), 2, jnp.int32),
                                          jnp.full((L,), k, jnp.int32)])
            w16 = plsc.bitcast(wbits, jnp.float32)
            for cc in range(D // L):
              sl = pl.ds(cc * L, L)
              bufp[k, sl] = bufp[k, sl] * w16
          return 0
        lax.fori_loop(0, B // 4, scale, 0)

        pltpu.sync_copy(bufp, out_sh.at[xp.at[1]], add=True)

        @pl.when(j + 2 < nblk)
        def _():
          xload(j + 2, p).start()
    return 0
  lax.fori_loop(0, (max(K0, K1) + 1) // 2, pair, 0)

  plsc.subcore_barrier()

  def wrow(g, _):
    b = s + g * NS
    @pl.when(b < NRB)
    def _():
      rs = pl.ds(b * B, B)
      pltpu.sync_copy(out_sh.at[rs], out_hbm.at[c, rs])
    return 0
  lax.fori_loop(0, -(-NRB // NS), wrow, 0)


def _msg_phase(h_flat, packed):
  k = pl.kernel(
      _msg_body,
      out_type=jax.ShapeDtypeStruct((NC, N_PAD, D), jnp.float32),
      mesh=_mesh(),
      compiler_params=_SC_PARAMS,
      scratch_types=[
          pltpu.VMEM((B, D), jnp.float32),
          pltpu.VMEM((B, D), jnp.float32),
          pltpu.VMEM((3, B), jnp.int32),
          pltpu.VMEM((3, B), jnp.int32),
          pltpu.VMEM_SHARED((N_PAD, D), jnp.float32),
          pltpu.SemaphoreType.DMA,
          pltpu.SemaphoreType.DMA,
          pltpu.SemaphoreType.DMA,
          pltpu.SemaphoreType.DMA,
      ],
  )
  return k(h_flat, packed)[:, :N, :]


def _dense_phase(xa, xb, w, root, b, relu_in):
  blk = 1000
  nrel = w.shape[0]
  dout = w.shape[2]

  def body(*refs):
    if relu_in:
      xa_ref, xb_ref, w_ref, root_ref, b_ref, h_ref, init_ref = refs
      x = jax.nn.relu(xa_ref[0] + xa_ref[1] + xb_ref[...])
    else:
      xa_ref, w_ref, root_ref, b_ref, h_ref, init_ref = refs
      x = xa_ref[...]
    for r in range(nrel):
      h_ref[r] = jnp.dot(x, w_ref[r], preferred_element_type=jnp.float32)
    init_ref[...] = (
        jnp.dot(x, root_ref[...], preferred_element_type=jnp.float32)
        + b_ref[...])

  if relu_in:
    x_specs = [pl.BlockSpec((NC, blk, D), lambda i: (0, i, 0)),
               pl.BlockSpec((blk, D), lambda i: (i, 0))]
    x_args = [xa, xb]
  else:
    x_specs = [pl.BlockSpec((blk, D), lambda i: (i, 0))]
    x_args = [xa]

  h, init = pl.pallas_call(
      body,
      grid=(N // blk,),
      in_specs=x_specs + [
          pl.BlockSpec((nrel, D, dout), lambda i: (0, 0, 0)),
          pl.BlockSpec((D, dout), lambda i: (0, 0)),
          pl.BlockSpec((1, dout), lambda i: (0, 0)),
      ],
      out_specs=[
          pl.BlockSpec((nrel, blk, dout), lambda i: (0, i, 0)),
          pl.BlockSpec((blk, dout), lambda i: (i, 0)),
      ],
      out_shape=[
          jax.ShapeDtypeStruct((nrel, N, dout), jnp.float32),
          jax.ShapeDtypeStruct((N, dout), jnp.float32),
      ],
  )(*x_args, w, root, b.reshape(1, dout))
  return h.reshape(nrel * N, dout), init


def _final_body(p_ref, init_ref, cw_ref, cb_ref, o_ref):
  h = jax.nn.relu(p_ref[0] + p_ref[1] + init_ref[...])
  o_ref[...] = (
      jnp.dot(h, cw_ref[...], preferred_element_type=jnp.float32)
      + cb_ref[...])


def _final_phase(parts, init, cls_w, cls_b):
  blk = 1000
  out = pl.pallas_call(
      _final_body,
      grid=(N // blk,),
      in_specs=[
          pl.BlockSpec((NC, blk, D), lambda i: (0, i, 0)),
          pl.BlockSpec((blk, D), lambda i: (i, 0)),
          pl.BlockSpec((D, 1), lambda i: (0, 0)),
          pl.BlockSpec((1, 1), lambda i: (0, 0)),
      ],
      out_specs=pl.BlockSpec((blk, 1), lambda i: (i, 0)),
      out_shape=jax.ShapeDtypeStruct((N, 1), jnp.float32),
  )(parts, init, cls_w, cls_b.reshape(1, 1))
  return out.reshape(N)


@jax.jit
def kernel(x, edge_index, edge_type, W1, root1, b1, W2, root2, b2,
           cls_w, cls_b):
  pad = E_PAD - E
  src_pad = jnp.concatenate(
      [edge_index[0], jnp.zeros((pad,), jnp.int32)])
  dst_pad = jnp.concatenate(
      [edge_index[1], jnp.zeros((pad,), jnp.int32)])
  type_pad = jnp.concatenate([edge_type, jnp.zeros((pad,), jnp.int32)])

  cnt_parts = _count_phase(dst_pad, type_pad)
  wtbl = _wtbl_phase(cnt_parts)
  packed = _edge_phase(src_pad, dst_pad, type_pad, wtbl)

  h1, init1 = _dense_phase(x, None, W1, root1, b1, relu_in=False)
  p1 = _msg_phase(h1, packed)
  h2, init2 = _dense_phase(p1, init1, W2, root2, b2, relu_in=True)
  p2 = _msg_phase(h2, packed)
  return _final_phase(p2, init2, cls_w, cls_b)

# --- scband reference (transcript-rebuilt; emitter-appended) ---
"""Pipeline reference for scband-rgcnnode-classifier-1726576853586 (READ-ONLY COPY).

The authoritative reference and input builder live on the scoring server;
editing this copy changes nothing except your own understanding.
"""

import jax, jax.numpy as jnp
import numpy as np

N_NODES = 10000
D_IN = 128
D_HID = 128
N_EDGES = 320000
N_REL = 8


def rgcn_conv(x, edge_index, edge_type, W, root, bias):
    # Faithful to PyG RGCNConv (default aggr='mean'):
    # out_i = x_i @ root + bias + sum_r mean_{j in N_r(i)} (x_j @ W_r)
    src = edge_index[0]
    dst = edge_index[1]
    N = x.shape[0]
    out = x @ root + bias
    for r in range(W.shape[0]):
        mask = (edge_type == r).astype(x.dtype)
        h = x @ W[r]                      # node-level transform (same math as per-edge)
        msg = h[src] * mask[:, None]      # gather + relation mask
        summed = jax.ops.segment_sum(msg, dst, num_segments=N)
        cnt = jax.ops.segment_sum(mask, dst, num_segments=N)
        out = out + summed / jnp.clip(cnt, 1.0)[:, None]
    return out


def setup_inputs(seed: int = 0) -> dict:
    key = jax.random.key(seed)
    ks = jax.random.split(key, 12)
    x = jax.random.normal(ks[0], (N_NODES, D_IN), dtype=jnp.float32)
    edge_index = jax.random.randint(ks[1], (2, N_EDGES), 0, N_NODES, dtype=jnp.int32)
    edge_type = jax.random.randint(ks[2], (N_EDGES,), 0, N_REL, dtype=jnp.int32)
    s1 = 1.0 / np.sqrt(D_IN)
    s2 = 1.0 / np.sqrt(D_HID)
    W1 = jax.random.normal(ks[3], (N_REL, D_IN, D_HID), dtype=jnp.float32) * s1
    root1 = jax.random.normal(ks[4], (D_IN, D_HID), dtype=jnp.float32) * s1
    b1 = jnp.zeros((D_HID,), dtype=jnp.float32)
    W2 = jax.random.normal(ks[5], (N_REL, D_HID, D_HID), dtype=jnp.float32) * s2
    root2 = jax.random.normal(ks[6], (D_HID, D_HID), dtype=jnp.float32) * s2
    b2 = jnp.zeros((D_HID,), dtype=jnp.float32)
    cls_w = jax.random.normal(ks[7], (D_HID, 1), dtype=jnp.float32) * s2
    cls_b = jnp.zeros((1,), dtype=jnp.float32)
    return {"x": x, "edge_index": edge_index, "edge_type": edge_type,
            "W1": W1, "root1": root1, "b1": b1,
            "W2": W2, "root2": root2, "b2": b2,
            "cls_w": cls_w, "cls_b": cls_b}


def reference(x, edge_index, edge_type, W1, root1, b1, W2, root2, b2, cls_w, cls_b):
    h = jax.nn.relu(rgcn_conv(x, edge_index, edge_type, W1, root1, b1))
    # dropout p=0.2 is a no-op in eval mode
    h = jax.nn.relu(rgcn_conv(h, edge_index, edge_type, W2, root2, b2))
    out = h @ cls_w + cls_b
    return out.squeeze(-1)

if __name__ == "__main__":
    import jax
    _d = setup_inputs()
    print(jax.jit(kernel)(*tuple(_d.values())))

</pallas_src>

<mosaic_0001>
#map = affine_map<(d0, d1) -> (0, 0)>
module attributes {stable_mosaic.version = 14 : i64} {
  func.func @_count_body(%arg0: i32, %arg1: i32, %arg2: memref<32x10112xi32, #tpu.memory_space<hbm>>, %arg3: memref<32x10112xi32, #tpu.memory_space<hbm>>, %arg4: memref<32x80000xf32, #tpu.memory_space<hbm>>, %arg5: memref<10112xi32, #tpu.memory_space<vmem>>, %arg6: memref<10112xi32, #tpu.memory_space<vmem>>, %arg7: memref<80000xf32, #tpu.memory_space<vmem>>) attributes {dimension_semantics = [#tpu.dimension_semantics<core_parallel>, #tpu.dimension_semantics<subcore_parallel>], iteration_bounds = array<i64: 2, 16>, scalar_prefetch = 0 : i64, scratch_operands = 3 : i64, tpu.core_type = #tpu.core_type<sc_vector_subcore>, window_params = [{transform_indices = #map}, {transform_indices = #map}, {transform_indices = #map}]} {
    %mul3A = arith.constant 2 : i32
    %mul3A_0 = arith.muli %arg1, %mul3A : i32
    %add3A = arith.addi %mul3A_0, %arg0 : i32
    %scan3A = arith.constant 0 : i32
    %scan3A_1 = arith.constant 0 : i32
    %scan3A_2 = arith.constant 5000 : i32
    %scan3A_3 = arith.addi %scan3A_1, %scan3A_2 : i32
    %scan3A_4 = arith.constant 1 : i32
    %scan3A_5 = scf.for %scan3A_17 = %scan3A_1 to %scan3A_3 step %scan3A_4 iter_args(%scan3A_18 = %scan3A) -> (i32)  : i32 {
      %broadcast_in_dim3A_19 = arith.constant 0.000000e+00 : f32
      %broadcast_in_dim3A_20 = vector.broadcast %broadcast_in_dim3A_19 : f32 to vector<16xf32>
      %mul3A_21 = arith.constant 16 : i32
      %mul3A_22 = arith.muli %scan3A_17, %mul3A_21 : i32
      %swap3A = arith.index_cast %mul3A_22 : i32 to index
      %swap3A_23 = tpu.vector_load %arg7[%swap3A] {strides = array<i32>} : memref<80000xf32, #tpu.memory_space<vmem>>, vector<16xf32>,
      tpu.vector_store %arg7[%swap3A], %broadcast_in_dim3A_20 {strides = array<i32>} : memref<80000xf32, #tpu.memory_space<vmem>>, vector<16xf32>,
      %scan3A_24 = arith.constant 0 : i32
      scf.yield %scan3A_24 : i32
    }
    %scan3A_6 = arith.constant 5000 : i32
    "tpu.region"() ({
      %run_scoped3A = tpu.sem_alloc : memref<!tpu.dma_semaphore, #tpu.memory_space<semaphore_mem>>
      %dma_start3A = arith.constant 0 : i32
      %dma_start3A_17 = tpu.memref_slice %arg2[%add3A, %dma_start3A] : memref<32x10112xi32, #tpu.memory_space<hbm>> -> memref<1x10112xi32, #tpu.memory_space<hbm>>
      %dma_start3A_18 = tpu.memref_squeeze %dma_start3A_17 : memref<1x10112xi32, #tpu.memory_space<hbm>> -> memref<10112xi32, #tpu.memory_space<hbm>>
      %dma_start3A_19 = arith.constant 0 : i32
      %dma_start3A_20 = tpu.memref_slice %arg2[%add3A, %dma_start3A_19] : memref<32x10112xi32, #tpu.memory_space<hbm>> -> memref<1x10112xi32, #tpu.memory_space<hbm>>
      %dma_start3A_21 = tpu.memref_squeeze %dma_start3A_20 : memref<1x10112xi32, #tpu.memory_space<hbm>> -> memref<10112xi32, #tpu.memory_space<hbm>>
      tpu.enqueue_dma source(%dma_start3A_21 : memref<10112xi32, #tpu.memory_space<hbm>>) target(%arg5 : memref<10112xi32, #tpu.memory_space<vmem>>) target_semaphore(%run_scoped3A : memref<!tpu.dma_semaphore, #tpu.memory_space<semaphore_mem>>)
      %dma_wait3A = arith.constant 0 : i32
      %dma_wait3A_22 = tpu.memref_slice %arg2[%add3A, %dma_wait3A] : memref<32x10112xi32, #tpu.memory_space<hbm>> -> memref<1x10112xi32, #tpu.memory_space<hbm>>
      %dma_wait3A_23 = tpu.memref_squeeze %dma_wait3A_22 : memref<1x10112xi32, #tpu.memory_space<hbm>> -> memref<10112xi32, #tpu.memory_space<hbm>>
      %dma_wait3A_24 = arith.constant 0 : i32
      %dma_wait3A_25 = tpu.memref_slice %arg2[%add3A, %dma_wait3A_24] : memref<32x10112xi32, #tpu.memory_space<hbm>> -> memref<1x10112xi32, #tpu.memory_space<hbm>>
      %dma_wait3A_26 = tpu.memref_squeeze %dma_wait3A_25 : memref<1x10112xi32, #tpu.memory_space<hbm>> -> memref<10112xi32, #tpu.memory_space<hbm>>
      tpu.wait_dma2 semaphore(%run_scoped3A : memref<!tpu.dma_semaphore, #tpu.memory_space<semaphore_mem>>) src(%dma_wait3A_26 : memref<10112xi32, #tpu.memory_space<hbm>>) dst(%arg5 : memref<10112xi32, #tpu.memory_space<vmem>>)
      tpu.yield
    }) : () -> ()
    "tpu.region"() ({
      %run_scoped3A = tpu.sem_alloc : memref<!tpu.dma_semaphore, #tpu.memory_space<semaphore_mem>>
      %dma_start3A = arith.constant 0 : i32
      %dma_start3A_17 = tpu.memref_slice %arg3[%add3A, %dma_start3A] : memref<32x10112xi32, #tpu.memory_space<hbm>> -> memref<1x10112xi32, #tpu.memory_space<hbm>>
      %dma_start3A_18 = tpu.memref_squeeze %dma_start3A_17 : memref<1x10112xi32, #tpu.memory_space<hbm>> -> memref<10112xi32, #tpu.memory_space<hbm>>
      %dma_start3A_19 = arith.constant 0 : i32
      %dma_start3A_20 = tpu.memref_slice %arg3[%add3A, %dma_start3A_19] : memref<32x10112xi32, #tpu.memory_space<hbm>> -> memref<1x10112xi32, #tpu.memory_space<hbm>>
      %dma_start3A_21 = tpu.memref_squeeze %dma_start3A_20 : memref<1x10112xi32, #tpu.memory_space<hbm>> -> memref<10112xi32, #tpu.memory_space<hbm>>
      tpu.enqueue_dma source(%dma_start3A_21 : memref<10112xi32, #tpu.memory_space<hbm>>) target(%arg6 : memref<10112xi32, #tpu.memory_space<vmem>>) target_semaphore(%run_scoped3A : memref<!tpu.dma_semaphore, #tpu.memory_space<semaphore_mem>>)
      %dma_wait3A = arith.constant 0 : i32
      %dma_wait3A_22 = tpu.memref_slice %arg3[%add3A, %dma_wait3A] : memref<32x10112xi32, #tpu.memory_space<hbm>> -> memref<1x10112xi32, #tpu.memory_space<hbm>>
      %dma_wait3A_23 = tpu.memref_squeeze %dma_wait3A_22 : memref<1x10112xi32, #tpu.memory_space<hbm>> -> memref<10112xi32, #tpu.memory_space<hbm>>
      %dma_wait3A_24 = arith.constant 0 : i32
      %dma_wait3A_25 = tpu.memref_slice %arg3[%add3A, %dma_wait3A_24] : memref<32x10112xi32, #tpu.memory_space<hbm>> -> memref<1x10112xi32, #tpu.memory_space<hbm>>
      %dma_wait3A_26 = tpu.memref_squeeze %dma_wait3A_25 : memref<1x10112xi32, #tpu.memory_space<hbm>> -> memref<10112xi32, #tpu.memory_space<hbm>>
      tpu.wait_dma2 semaphore(%run_scoped3A : memref<!tpu.dma_semaphore, #tpu.memory_space<semaphore_mem>>) src(%dma_wait3A_26 : memref<10112xi32, #tpu.memory_space<hbm>>) dst(%arg6 : memref<10112xi32, #tpu.memory_space<vmem>>)
      tpu.yield
    }) : () -> ()
    %broadcast_in_dim3A = arith.constant 1.000000e+00 : f32
    %broadcast_in_dim3A_7 = vector.broadcast %broadcast_in_dim3A : f32 to vector<16xf32>
    %iota3A = tpu.iota {dimensions = array<i32: 0>} : vector<16xi32>
    %mul3A_8 = arith.constant 10112 : i32
    %mul3A_9 = arith.muli %add3A, %mul3A_8 : i32
    %scan3A_10 = arith.constant 0 : i32
    %scan3A_11 = arith.constant 0 : i32
    %scan3A_12 = arith.constant 632 : i32
    %scan3A_13 = arith.addi %scan3A_11, %scan3A_12 : i32
    %scan3A_14 = arith.constant 1 : i32
    %scan3A_15 = scf.for %scan3A_17 = %scan3A_11 to %scan3A_13 step %scan3A_14 iter_args(%scan3A_18 = %scan3A_10) -> (i32)  : i32 {
      %mul3A_19 = arith.constant 16 : i32
      %mul3A_20 = arith.muli %scan3A_17, %mul3A_19 : i32
      %get3A = arith.index_cast %mul3A_20 : i32 to index
      %get3A_21 = tpu.vector_load %arg5[%get3A] {strides = array<i32>} : memref<10112xi32, #tpu.memory_space<vmem>>, vector<16xi32>,
      %mul3A_22 = arith.constant 16 : i32
      %mul3A_23 = arith.muli %scan3A_17, %mul3A_22 : i32
      %get3A_24 = arith.index_cast %mul3A_23 : i32 to index
      %get3A_25 = tpu.vector_load %arg6[%get3A_24] {strides = array<i32>} : memref<10112xi32, #tpu.memory_space<vmem>>, vector<16xi32>,
      %mul3A_26 = arith.constant 8 : i32
      %mul3A_27 = vector.broadcast %mul3A_26 : i32 to vector<16xi32>
      %mul3A_28 = arith.muli %get3A_21, %mul3A_27 : vector<16xi32>
      %add3A_29 = arith.addi %mul3A_28, %get3A_25 : vector<16xi32>
      %mul3A_30 = arith.constant 16 : i32
      %mul3A_31 = arith.muli %scan3A_17, %mul3A_30 : i32
      %add3A_32 = arith.addi %mul3A_9, %mul3A_31 : i32
      %add3A_33 = vector.broadcast %add3A_32 : i32 to vector<16xi32>
      %add3A_34 = arith.addi %add3A_33, %iota3A : vector<16xi32>
      %lt3A = arith.constant 320000 : i32
      %lt3A_35 = vector.broadcast %lt3A : i32 to vector<16xi32>
      %lt3A_36 = arith.cmpi slt, %add3A_34, %lt3A_35 : vector<16xi32>
      tpu.vector_store_idx %arg7[%add3A_29], %broadcast_in_dim3A_7 masked %lt3A_36 {add = true} : memref<80000xf32, #tpu.memory_space<vmem>>[vector<16xi32>], vector<16xf32>, vector<16xi1>
      %scan3A_37 = arith.constant 0 : i32
      scf.yield %scan3A_37 : i32
    }
    %scan3A_16 = arith.constant 632 : i32
    "tpu.region"() ({
      %run_scoped3A = tpu.sem_alloc : memref<!tpu.dma_semaphore, #tpu.memory_space<semaphore_mem>>
      %dma_start3A = arith.constant 0 : i32
      %dma_start3A_17 = tpu.memref_slice %arg4[%add3A, %dma_start3A] : memref<32x80000xf32, #tpu.memory_space<hbm>> -> memref<1x80000xf32, #tpu.memory_space<hbm>>
      %dma_start3A_18 = tpu.memref_squeeze %dma_start3A_17 : memref<1x80000xf32, #tpu.memory_space<hbm>> -> memref<80000xf32, #tpu.memory_space<hbm>>
      %dma_start3A_19 = arith.constant 0 : i32
      %dma_start3A_20 = tpu.memref_slice %arg4[%add3A, %dma_start3A_19] : memref<32x80000xf32, #tpu.memory_space<hbm>> -> memref<1x80000xf32, #tpu.memory_space<hbm>>
      %dma_start3A_21 = tpu.memref_squeeze %dma_start3A_20 : memref<1x80000xf32, #tpu.memory_space<hbm>> -> memref<80000xf32, #tpu.memory_space<hbm>>
      tpu.enqueue_dma source(%arg7 : memref<80000xf32, #tpu.memory_space<vmem>>) target(%dma_start3A_21 : memref<80000xf32, #tpu.memory_space<hbm>>) target_semaphore(%run_scoped3A : memref<!tpu.dma_semaphore, #tpu.memory_space<semaphore_mem>>)
      %dma_wait3A = arith.constant 0 : i32
      %dma_wait3A_22 = tpu.memref_slice %arg4[%add3A, %dma_wait3A] : memref<32x80000xf32, #tpu.memory_space<hbm>> -> memref<1x80000xf32, #tpu.memory_space<hbm>>
      %dma_wait3A_23 = tpu.memref_squeeze %dma_wait3A_22 : memref<1x80000xf32, #tpu.memory_space<hbm>> -> memref<80000xf32, #tpu.memory_space<hbm>>
      %dma_wait3A_24 = arith.constant 0 : i32
      %dma_wait3A_25 = tpu.memref_slice %arg4[%add3A, %dma_wait3A_24] : memref<32x80000xf32, #tpu.memory_space<hbm>> -> memref<1x80000xf32, #tpu.memory_space<hbm>>
      %dma_wait3A_26 = tpu.memref_squeeze %dma_wait3A_25 : memref<1x80000xf32, #tpu.memory_space<hbm>> -> memref<80000xf32, #tpu.memory_space<hbm>>
      tpu.wait_dma2 semaphore(%run_scoped3A : memref<!tpu.dma_semaphore, #tpu.memory_space<semaphore_mem>>) src(%arg7 : memref<80000xf32, #tpu.memory_space<vmem>>) dst(%dma_wait3A_26 : memref<80000xf32, #tpu.memory_space<hbm>>)
      tpu.yield
    }) : () -> ()
    return
  }
}

#map = affine_map<(d0, d1) -> (0, 0)>
#map1 = affine_map<(d0, d1) -> (0, 0, 0)>
module attributes {stable_mosaic.version = 14 : i64} {
  func.func @_msg_body(%arg0: i32, %arg1: i32, %arg2: memref<80000x128xf32, #tpu.memory_space<hbm>>, %arg3: memref<2528x3x128xi32, #tpu.memory_space<hbm>>, %arg4: memref<2x10112x128xf32, #tpu.memory_space<hbm>>, %arg5: memref<128x128xf32, #tpu.memory_space<vmem>>, %arg6: memref<128x128xf32, #tpu.memory_space<vmem>>, %arg7: memref<3x128xi32, #tpu.memory_space<vmem>>, %arg8: memref<3x128xi32, #tpu.memory_space<vmem>>, %arg9: memref<10112x128xf32, #tpu.memory_space<vmem_shared>>, %arg10: memref<!tpu.dma_semaphore, #tpu.memory_space<semaphore_mem>>, %arg11: memref<!tpu.dma_semaphore, #tpu.memory_space<semaphore_mem>>, %arg12: memref<!tpu.dma_semaphore, #tpu.memory_space<semaphore_mem>>, %arg13: memref<!tpu.dma_semaphore, #tpu.memory_space<semaphore_mem>>) attributes {dimension_semantics = [#tpu.dimension_semantics<core_parallel>, #tpu.dimension_semantics<subcore_parallel>], iteration_bounds = array<i64: 2, 16>, scalar_prefetch = 0 : i64, scratch_operands = 9 : i64, tpu.core_type = #tpu.core_type<sc_vector_subcore>, window_params = [{transform_indices = #map}, {transform_indices = #map1}, {transform_indices = #map1}]} {
    %eq3A = arith.constant 0 : i32
    %eq3A_0 = arith.cmpi eq, %arg0, %eq3A : i32
    %jit3A = arith.constant 108 : i32
    %jit3A_1 = arith.constant 50 : i32
    %select_n3A = arith.select %eq3A_0, %jit3A, %jit3A_1 : i32
    %mul3A = arith.constant 158 : i32
    %mul3A_2 = arith.muli %arg1, %mul3A : i32
    %mul3A_3 = arith.constant 108 : i32
    %mul3A_4 = arith.muli %arg0, %mul3A_3 : i32
    %add3A = arith.addi %mul3A_2, %mul3A_4 : i32
    %scan3A = arith.constant 0 : i32
    %scan3A_5 = arith.constant 0 : i32
    %scan3A_6 = arith.constant 32 : i32
    %scan3A_7 = arith.addi %scan3A_5, %scan3A_6 : i32
    %scan3A_8 = arith.constant 1 : i32
    %scan3A_9 = scf.for %scan3A_68 = %scan3A_5 to %scan3A_7 step %scan3A_8 iter_args(%scan3A_69 = %scan3A) -> (i32)  : i32 {
      %broadcast_in_dim3A = arith.constant 0.000000e+00 : f32
      %broadcast_in_dim3A_70 = vector.broadcast %broadcast_in_dim3A : f32 to vector<16xf32>
      %mul3A_71 = arith.constant 4 : i32
      %mul3A_72 = arith.muli %scan3A_68, %mul3A_71 : i32
      %add3A_73 = arith.constant 0 : i32
      %add3A_74 = arith.addi %mul3A_72, %add3A_73 : i32
      %swap3A = arith.index_cast %add3A_74 : i32 to index
      %swap3A_75 = arith.constant 0 : index
      %swap3A_76 = tpu.vector_load %arg5[%swap3A, %swap3A_75] {strides = array<i32>} : memref<128x128xf32, #tpu.memory_space<vmem>>, vector<16xf32>,
      tpu.vector_store %arg5[%swap3A, %swap3A_75], %broadcast_in_dim3A_70 {strides = array<i32>} : memref<128x128xf32, #tpu.memory_space<vmem>>, vector<16xf32>,
      %broadcast_in_dim3A_77 = arith.constant 0.000000e+00 : f32
      %broadcast_in_dim3A_78 = vector.broadcast %broadcast_in_dim3A_77 : f32 to vector<16xf32>
      %mul3A_79 = arith.constant 4 : i32
      %mul3A_80 = arith.muli %scan3A_68, %mul3A_79 : i32
      %add3A_81 = arith.constant 0 : i32
      %add3A_82 = arith.addi %mul3A_80, %add3A_81 : i32
      %swap3A_83 = arith.index_cast %add3A_82 : i32 to index
      %swap3A_84 = arith.constant 16 : index
      %swap3A_85 = tpu.vector_load %arg5[%swap3A_83, %swap3A_84] {strides = array<i32>} : memref<128x128xf32, #tpu.memory_space<vmem>>, vector<16xf32>,
      tpu.vector_store %arg5[%swap3A_83, %swap3A_84], %broadcast_in_dim3A_78 {strides = array<i32>} : memref<128x128xf32, #tpu.memory_space<vmem>>, vector<16xf32>,
      %broadcast_in_dim3A_86 = arith.constant 0.000000e+00 : f32
      %broadcast_in_dim3A_87 = vector.broadcast %broadcast_in_dim3A_86 : f32 to vector<16xf32>
      %mul3A_88 = arith.constant 4 : i32
      %mul3A_89 = arith.muli %scan3A_68, %mul3A_88 : i32
      %add3A_90 = arith.constant 0 : i32
      %add3A_91 = arith.addi %mul3A_89, %add3A_90 : i32
      %swap3A_92 = arith.index_cast %add3A_91 : i32 to index
      %swap3A_93 = arith.constant 32 : index
      %swap3A_94 = tpu.vector_load %arg5[%swap3A_92, %swap3A_93] {strides = array<i32>} : memref<128x128xf32, #tpu.memory_space<vmem>>, vector<16xf32>,
      tpu.vector_store %arg5[%swap3A_92, %swap3A_93], %broadcast_in_dim3A_87 {strides = array<i32>} : memref<128x128xf32, #tpu.memory_space<vmem>>, vector<16xf32>,
      %broadcast_in_dim3A_95 = arith.constant 0.000000e+00 : f32
      %broadcast_in_dim3A_96 = vector.broadcast %broadcast_in_dim3A_95 : f32 to vector<16xf32>
      %mul3A_97 = arith.constant 4 : i32
      %mul3A_98 = arith.muli %scan3A_68, %mul3A_97 : i32
      %add3A_99 = arith.constant 0 : i32
      %add3A_100 = arith.addi %mul3A_98, %add3A_99 : i32
      %swap3A_101 = arith.index_cast %add3A_100 : i32 to index
      %swap3A_102 = arith.constant 48 : index
      %swap3A_103 = tpu.vector_load %arg5[%swap3A_101, %swap3A_102] {strides = array<i32>} : memref<128x128xf32, #tpu.memory_space<vmem>>, vector<16xf32>,
      tpu.vector_store %arg5[%swap3A_101, %swap3A_102], %broadcast_in_dim3A_96 {strides = array<i32>} : memref<128x128xf32, #tpu.memory_space<vmem>>, vector<16xf32>,
      %broadcast_in_dim3A_104 = arith.constant 0.000000e+00 : f32
      %broadcast_in_dim3A_105 = vector.broadcast %broadcast_in_dim3A_104 : f32 to vector<16xf32>
      %mul3A_106 = arith.constant 4 : i32
      %mul3A_107 = arith.muli %scan3A_68, %mul3A_106 : i32
      %add3A_108 = arith.constant 0 : i32
      %add3A_109 = arith.addi %mul3A_107, %add3A_108 : i32
      %swap3A_110 = arith.index_cast %add3A_109 : i32 to index
      %swap3A_111 = arith.constant 64 : index
      %swap3A_112 = tpu.vector_load %arg5[%swap3A_110, %swap3A_111] {strides = array<i32>} : memref<128x128xf32, #tpu.memory_space<vmem>>, vector<16xf32>,
      tpu.vector_store %arg5[%swap3A_110, %swap3A_111], %broadcast_in_dim3A_105 {strides = array<i32>} : memref<128x128xf32, #tpu.memory_space<vmem>>, vector<16xf32>,
      %broadcast_in_dim3A_113 = arith.constant 0.000000e+00 : f32
      %broadcast_in_dim3A_114 = vector.broadcast %broadcast_in_dim3A_113 : f32 to vector<16xf32>
      %mul3A_115 = arith.constant 4 : i32
      %mul3A_116 = arith.muli %scan3A_68, %mul3A_115 : i32
      %add3A_117 = arith.constant 0 : i32
      %add3A_118 = arith.addi %mul3A_116, %add3A_117 : i32
      %swap3A_119 = arith.index_cast %add3A_118 : i32 to index
      %swap3A_120 = arith.constant 80 : index
      %swap3A_121 = tpu.vector_load %arg5[%swap3A_119, %swap3A_120] {strides = array<i32>} : memref<128x128xf32, #tpu.memory_space<vmem>>, vector<16xf32>,
      tpu.vector_store %arg5[%swap3A_119, %swap3A_120], %broadcast_in_dim3A_114 {strides = array<i32>} : memref<128x128xf32, #tpu.memory_space<vmem>>, vector<16xf32>,
      %broadcast_in_dim3A_122 = arith.constant 0.000000e+00 : f32
      %broadcast_in_dim3A_123 = vector.broadcast %broadcast_in_dim3A_122 : f32 to vector<16xf32>
      %mul3A_124 = arith.constant 4 : i32
      %mul3A_125 = arith.muli %scan3A_68, %mul3A_124 : i32
      %add3A_126 = arith.constant 0 : i32
      %add3A_127 = arith.addi %mul3A_125, %add3A_126 : i32
      %swap3A_128 = arith.index_cast %add3A_127 : i32 to index
      %swap3A_129 = arith.constant 96 : index
      %swap3A_130 = tpu.vector_load %arg5[%swap3A_128, %swap3A_129] {strides = array<i32>} : memref<128x128xf32, #tpu.memory_space<vmem>>, vector<16xf32>,
      tpu.vector_store %arg5[%swap3A_128, %swap3A_129], %broadcast_in_dim3A_123 {strides = array<i32>} : memref<128x128xf32, #tpu.memory_space<vmem>>, vector<16xf32>,
      %broadcast_in_dim3A_131 = arith.constant 0.000000e+00 : f32
      %broadcast_in_dim3A_132 = vector.broadcast %broadcast_in_dim3A_131 : f32 to vector<16xf32>
      %mul3A_133 = arith.constant 4 : i32
      %mul3A_134 = arith.muli %scan3A_68, %mul3A_133 : i32
      %add3A_135 = arith.constant 0 : i32
      %add3A_136 = arith.addi %mul3A_134, %add3A_135 : i32
      %swap3A_137 = arith.index_cast %add3A_136 : i32 to index
      %swap3A_138 = arith.constant 112 : index
      %swap3A_139 = tpu.vector_load %arg5[%swap3A_137, %swap3A_138] {strides = array<i32>} : memref<128x128xf32, #tpu.memory_space<vmem>>, vector<16xf32>,
      tpu.vector_store %arg5[%swap3A_137, %swap3A_138], %broadcast_in_dim3A_132 {strides = array<i32>} : memref<128x128xf32, #tpu.memory_space<vmem>>, vector<16xf32>,
      %broadcast_in_dim3A_140 = arith.constant 0.000000e+00 : f32
      %broadcast_in_dim3A_141 = vector.broadcast %broadcast_in_dim3A_140 : f32 to vector<16xf32>
      %mul3A_142 = arith.constant 4 : i32
      %mul3A_143 = arith.muli %scan3A_68, %mul3A_142 : i32
      %add3A_144 = arith.constant 1 : i32
      %add3A_145 = arith.addi %mul3A_143, %add3A_144 : i32
      %swap3A_146 = arith.index_cast %add3A_145 : i32 to index
      %swap3A_147 = arith.constant 0 : index
      %swap3A_148 = tpu.vector_load %arg5[%swap3A_146, %swap3A_147] {strides = array<i32>} : memref<128x128xf32, #tpu.memory_space<vmem>>, vector<16xf32>,
      tpu.vector_store %arg5[%swap3A_146, %swap3A_147], %broadcast_in_dim3A_141 {strides = array<i32>} : memref<128x128xf32, #tpu.memory_space<vmem>>, vector<16xf32>,
      %broadcast_in_dim3A_149 = arith.constant 0.000000e+00 : f32
      %broadcast_in_dim3A_150 = vector.broadcast %broadcast_in_dim3A_149 : f32 to vector<16xf32>
      %mul3A_151 = arith.constant 4 : i32
      %mul3A_152 = arith.muli %scan3A_68, %mul3A_151 : i32
      %add3A_153 = arith.constant 1 : i32
      %add3A_154 = arith.addi %mul3A_152, %add3A_153 : i32
      %swap3A_155 = arith.index_cast %add3A_154 : i32 to index
      %swap3A_156 = arith.constant 16 : index
      %swap3A_157 = tpu.vector_load %arg5[%swap3A_155, %swap3A_156] {strides = array<i32>} : memref<128x128xf32, #tpu.memory_space<vmem>>, vector<16xf32>,
      tpu.vector_store %arg5[%swap3A_155, %swap3A_156], %broadcast_in_dim3A_150 {strides = array<i32>} : memref<128x128xf32, #tpu.memory_space<vmem>>, vector<16xf32>,
      %broadcast_in_dim3A_158 = arith.constant 0.000000e+00 : f32
      %broadcast_in_dim3A_159 = vector.broadcast %broadcast_in_dim3A_158 : f32 to vector<16xf32>
      %mul3A_160 = arith.constant 4 : i32
      %mul3A_161 = arith.muli %scan3A_68, %mul3A_160 : i32
      %add3A_162 = arith.constant 1 : i32
      %add3A_163 = arith.addi %mul3A_161, %add3A_162 : i32
      %swap3A_164 = arith.index_cast %add3A_163 : i32 to index
      %swap3A_165 = arith.constant 32 : index
      %swap3A_166 = tpu.vector_load %arg5[%swap3A_164, %swap3A_165] {strides = array<i32>} : memref<128x128xf32, #tpu.memory_space<vmem>>, vector<16xf32>,
      tpu.vector_store %arg5[%swap3A_164, %swap3A_165], %broadcast_in_dim3A_159 {strides = array<i32>} : memref<128x128xf32, #tpu.memory_space<vmem>>, vector<16xf32>,
      %broadcast_in_dim3A_167 = arith.constant 0.000000e+00 : f32
      %broadcast_in_dim3A_168 = vector.broadcast %broadcast_in_dim3A_167 : f32 to vector<16xf32>
      %mul3A_169 = arith.constant 4 : i32
      %mul3A_170 = arith.muli %scan3A_68, %mul3A_169 : i32
      %add3A_171 = arith.constant 1 : i32
      %add3A_172 = arith.addi %mul3A_170, %add3A_171 : i32
      %swap3A_173 = arith.index_cast %add3A_172 : i32 to index
      %swap3A_174 = arith.constant 48 : index
      %swap3A_175 = tpu.vector_load %arg5[%swap3A_173, %swap3A_174] {strides = array<i32>} : memref<128x128xf32, #tpu.memory_space<vmem>>, vector<16xf32>,
      tpu.vector_store %arg5[%swap3A_173, %swap3A_174], %broadcast_in_dim3A_168 {strides = array<i32>} : memref<128x128xf32, #tpu.memory_space<vmem>>, vector<16xf32>,
      %broadcast_in_dim3A_176 = arith.constant 0.000000e+00 : f32
      %broadcast_in_dim3A_177 = vector.broadcast %broadcast_in_dim3A_176 : f32 to vector<16xf32>
      %mul3A_178 = arith.constant 4 : i32
      %mul3A_179 = arith.muli %scan3A_68, %mul3A_178 : i32
      %add3A_180 = arith.constant 1 : i32
      %add3A_181 = arith.addi %mul3A_179, %add3A_180 : i32
      %swap3A_182 = arith.index_cast %add3A_181 : i32 to index
      %swap3A_183 = arith.constant 64 : index
      %swap3A_184 = tpu.vector_load %arg5[%swap3A_182, %swap3A_183] {strides = array<i32>} : memref<128x128xf32, #tpu.memory_space<vmem>>, vector<16xf32>,
      tpu.vector_store %arg5[%swap3A_182, %swap3A_183], %broadcast_in_dim3A_177 {strides = array<i32>} : memref<128x128xf32, #tpu.memory_space<vmem>>, vector<16xf32>,
      %broadcast_in_dim3A_185 = arith.constant 0.000000e+00 : f32
      %broadcast_in_dim3A_186 = vector.broadcast %broadcast_in_dim3A_185 : f32 to vector<16xf32>
      %mul3A_187 = arith.constant 4 : i32
      %mul3A_188 = arith.muli %scan3A_68, %mul3A_187 : i32
      %add3A_189 = arith.constant 1 : i32
      %add3A_190 = arith.addi %mul3A_188, %add3A_189 : i32
      %swap3A_191 = arith.index_cast %add3A_190 : i32 to index
      %swap3A_192 = arith.constant 80 : index
      %swap3A_193 = tpu.vector_load %arg5[%swap3A_191, %swap3A_192] {strides = array<i32>} : memref<128x128xf32, #tpu.memory_space<vmem>>, vector<16xf32>,
      tpu.vector_store %arg5[%swap3A_191, %swap3A_192], %broadcast_in_dim3A_186 {strides = array<i32>} : memref<128x128xf32, #tpu.memory_space<vmem>>, vector<16xf32>,
      %broadcast_in_dim3A_194 = arith.constant 0.000000e+00 : f32
      %broadcast_in_dim3A_195 = vector.broadcast %broadcast_in_dim3A_194 : f32 to vector<16xf32>
      %mul3A_196 = arith.constant 4 : i32
      %mul3A_197 = arith.muli %scan3A_68, %mul3A_196 : i32
      %add3A_198 = arith.constant 1 : i32
      %add3A_199 = arith.addi %mul3A_197, %add3A_198 : i32
      %swap3A_200 = arith.index_cast %add3A_199 : i32 to index
      %swap3A_201 = arith.constant 96 : index
      %swap3A_202 = tpu.vector_load %arg5[%swap3A_200, %swap3A_201] {strides = array<i32>} : memref<128x128xf32, #tpu.memory_space<vmem>>, vector<16xf32>,
      tpu.vector_store %arg5[%swap3A_200, %swap3A_201], %broadcast_in_dim3A_195 {strides = array<i32>} : memref<128x128xf32, #tpu.memory_space<vmem>>, vector<16xf32>,
      %broadcast_in_dim3A_203 = arith.constant 0.000000e+00 : f32
      %broadcast_in_dim3A_204 = vector.broadcast %broadcast_in_dim3A_203 : f32 to vector<16xf32>
      %mul3A_205 = arith.constant 4 : i32
      %mul3A_206 = arith.muli %scan3A_68, %mul3A_205 : i32
      %add3A_207 = arith.constant 1 : i32
      %add3A_208 = arith.addi %mul3A_206, %add3A_207 : i32
      %swap3A_209 = arith.index_cast %add3A_208 : i32 to index
      %swap3A_210 = arith.constant 112 : index
      %swap3A_211 = tpu.vector_load %arg5[%swap3A_209, %swap3A_210] {strides = array<i32>} : memref<128x128xf32, #tpu.memory_space<vmem>>, vector<16xf32>,
      tpu.vector_store %arg5[%swap3A_209, %swap3A_210], %broadcast_in_dim3A_204 {strides = array<i32>} : memref<128x128xf32, #tpu.memory_space<vmem>>, vector<16xf32>,
      %broadcast_in_dim3A_212 = arith.constant 0.000000e+00 : f32
      %broadcast_in_dim3A_213 = vector.broadcast %broadcast_in_dim3A_212 : f32 to vector<16xf32>
      %mul3A_214 = arith.constant 4 : i32
      %mul3A_215 = arith.muli %scan3A_68, %mul3A_214 : i32
      %add3A_216 = arith.constant 2 : i32
      %add3A_217 = arith.addi %mul3A_215, %add3A_216 : i32
      %swap3A_218 = arith.index_cast %add3A_217 : i32 to index
      %swap3A_219 = arith.constant 0 : index
      %swap3A_220 = tpu.vector_load %arg5[%swap3A_218, %swap3A_219] {strides = array<i32>} : memref<128x128xf32, #tpu.memory_space<vmem>>, vector<16xf32>,
      tpu.vector_store %arg5[%swap3A_218, %swap3A_219], %broadcast_in_dim3A_213 {strides = array<i32>} : memref<128x128xf32, #tpu.memory_space<vmem>>, vector<16xf32>,
      %broadcast_in_dim3A_221 = arith.constant 0.000000e+00 : f32
      %broadcast_in_dim3A_222 = vector.broadcast %broadcast_in_dim3A_221 : f32 to vector<16xf32>
      %mul3A_223 = arith.constant 4 : i32
      %mul3A_224 = arith.muli %scan3A_68, %mul3A_223 : i32
      %add3A_225 = arith.constant 2 : i32
      %add3A_226 = arith.addi %mul3A_224, %add3A_225 : i32
      %swap3A_227 = arith.index_cast %add3A_226 : i32 to index
      %swap3A_228 = arith.constant 16 : index
      %swap3A_229 = tpu.vector_load %arg5[%swap3A_227, %swap3A_228] {strides = array<i32>} : memref<128x128xf32, #tpu.memory_space<vmem>>, vector<16xf32>,
      tpu.vector_store %arg5[%swap3A_227, %swap3A_228], %broadcast_in_dim3A_222 {strides = array<i32>} : memref<128x128xf32, #tpu.memory_space<vmem>>, vector<16xf32>,
      %broadcast_in_dim3A_230 = arith.constant 0.000000e+00 : f32
      %broadcast_in_dim3A_231 = vector.broadcast %broadcast_in_dim3A_230 : f32 to vector<16xf32>
      %mul3A_232 = arith.constant 4 : i32
      %mul3A_233 = arith.muli %scan3A_68, %mul3A_232 : i32
      %add3A_234 = arith.constant 2 : i32
      %add3A_235 = arith.addi %mul3A_233, %add3A_234 : i32
      %swap3A_236 = arith.index_cast %add3A_235 : i32 to index
      %swap3A_237 = arith.constant 32 : index
      %swap3A_238 = tpu.vector_load %arg5[%swap3A_236, %swap3A_237] {strides = array<i32>} : memref<128x128xf32, #tpu.memory_space<vmem>>, vector<16xf32>,
      tpu.vector_store %arg5[%swap3A_236, %swap3A_237], %broadcast_in_dim3A_231 {strides = array<i32>} : memref<128x128xf32, #tpu.memory_space<vmem>>, vector<16xf32>,
      %broadcast_in_dim3A_239 = arith.constant 0.000000e+00 : f32
      %broadcast_in_dim3A_240 = vector.broadcast %broadcast_in_dim3A_239 : f32 to vector<16xf32>
      %mul3A_241 = arith.constant 4 : i32
      %mul3A_242 = arith.muli %scan3A_68, %mul3A_241 : i32
      %add3A_243 = arith.constant 2 : i32
      %add3A_244 = arith.addi %mul3A_242, %add3A_243 : i32
      %swap3A_245 = arith.index_cast %add3A_244 : i32 to index
      %swap3A_246 = arith.constant 48 : index
      %swap3A_247 = tpu.vector_load %arg5[%swap3A_245, %swap3A_246] {strides = array<i32>} : memref<128x128xf32, #tpu.memory_space<vmem>>, vector<16xf32>,
      tpu.vector_store %arg5[%swap3A_245, %swap3A_246], %broadcast_in_dim3A_240 {strides = array<i32>} : memref<128x128xf32, #tpu.memory_space<vmem>>, vector<16xf32>,
      %broadcast_in_dim3A_248 = arith.constant 0.000000e+00 : f32
      %broadcast_in_dim3A_249 = vector.broadcast %broadcast_in_dim3A_248 : f32 to vector<16xf32>
      %mul3A_250 = arith.constant 4 : i32
      %mul3A_251 = arith.muli %scan3A_68, %mul3A_250 : i32
      %add3A_252 = arith.constant 2 : i32
      %add3A_253 = arith.addi %mul3A_251, %add3A_252 : i32
      %swap3A_254 = arith.index_cast %add3A_253 : i32 to index
      %swap3A_255 = arith.constant 64 : index
      %swap3A_256 = tpu.vector_load %arg5[%swap3A_254, %swap3A_255] {strides = array<i32>} : memref<128x128xf32, #tpu.memory_space<vmem>>, vector<16xf32>,
      tpu.vector_store %arg5[%swap3A_254, %swap3A_255], %broadcast_in_dim3A_249 {strides = array<i32>} : memref<128x128xf32, #tpu.memory_space<vmem>>, vector<16xf32>,
      %broadcast_in_dim3A_257 = arith.constant 0.000000e+00 : f32
      %broadcast_in_dim3A_258 = vector.broadcast %broadcast_in_dim3A_257 : f32 to vector<16xf32>
      %mul3A_259 = arith.constant 4 : i32
      %mul3A_260 = arith.muli %scan3A_68, %mul3A_259 : i32
      %add3A_261 = arith.constant 2 : i32
      %add3A_262 = arith.addi %mul3A_260, %add3A_261 : i32
      %swap3A_263 = arith.index_cast %add3A_262 : i32 to index
      %swap3A_264 = arith.constant 80 : index
      %swap3A_265 = tpu.vector_load %arg5[%swap3A_263, %swap3A_264] {strides = array<i32>} : memref<128x128xf32, #tpu.memory_space<vmem>>, vector<16xf32>,
      tpu.vector_store %arg5[%swap3A_263, %swap3A_264], %broadcast_in_dim3A_258 {strides = array<i32>} : memref<128x128xf32, #tpu.memory_space<vmem>>, vector<16xf32>,
      %broadcast_in_dim3A_266 = arith.constant 0.000000e+00 : f32
      %broadcast_in_dim3A_267 = vector.broadcast %broadcast_in_dim3A_266 : f32 to vector<16xf32>
      %mul3A_268 = arith.constant 4 : i32
      %mul3A_269 = arith.muli %scan3A_68, %mul3A_268 : i32
      %add3A_270 = arith.constant 2 : i32
      %add3A_271 = arith.addi %mul3A_269, %add3A_270 : i32
      %swap3A_272 = arith.index_cast %add3A_271 : i32 to index
      %swap3A_273 = arith.constant 96 : index
      %swap3A_274 = tpu.vector_load %arg5[%swap3A_272, %swap3A_273] {strides = array<i32>} : memref<128x128xf32, #tpu.memory_space<vmem>>, vector<16xf32>,
      tpu.vector_store %arg5[%swap3A_272, %swap3A_273], %broadcast_in_dim3A_267 {strides = array<i32>} : memref<128x128xf32, #tpu.memory_space<vmem>>, vector<16xf32>,
      %broadcast_in_dim3A_275 = arith.constant 0.000000e+00 : f32
      %broadcast_in_dim3A_276 = vector.broadcast %broadcast_in_dim3A_275 : f32 to vector<16xf32>
      %mul3A_277 = arith.constant 4 : i32
      %mul3A_278 = arith.muli %scan3A_68, %mul3A_277 : i32
      %add3A_279 = arith.constant 2 : i32
      %add3A_280 = arith.addi %mul3A_278, %add3A_279 : i32
      %swap3A_281 = arith.index_cast %add3A_280 : i32 to index
      %swap3A_282 = arith.constant 112 : index
      %swap3A_283 = tpu.vector_load %arg5[%swap3A_281, %swap3A_282] {strides = array<i32>} : memref<128x128xf32, #tpu.memory_space<vmem>>, vector<16xf32>,
      tpu.vector_store %arg5[%swap3A_281, %swap3A_282], %broadcast_in_dim3A_276 {strides = array<i32>} : memref<128x128xf32, #tpu.memory_space<vmem>>, vector<16xf32>,
      %broadcast_in_dim3A_284 = arith.constant 0.000000e+00 : f32
      %broadcast_in_dim3A_285 = vector.broadcast %broadcast_in_dim3A_284 : f32 to vector<16xf32>
      %mul3A_286 = arith.constant 4 : i32
      %mul3A_287 = arith.muli %scan3A_68, %mul3A_286 : i32
      %add3A_288 = arith.constant 3 : i32
      %add3A_289 = arith.addi %mul3A_287, %add3A_288 : i32
      %swap3A_290 = arith.index_cast %add3A_289 : i32 to index
      %swap3A_291 = arith.constant 0 : index
      %swap3A_292 = tpu.vector_load %arg5[%swap3A_290, %swap3A_291] {strides = array<i32>} : memref<128x128xf32, #tpu.memory_space<vmem>>, vector<16xf32>,
      tpu.vector_store %arg5[%swap3A_290, %swap3A_291], %broadcast_in_dim3A_285 {strides = array<i32>} : memref<128x128xf32, #tpu.memory_space<vmem>>, vector<16xf32>,
      %broadcast_in_dim3A_293 = arith.constant 0.000000e+00 : f32
      %broadcast_in_dim3A_294 = vector.broadcast %broadcast_in_dim3A_293 : f32 to vector<16xf32>
      %mul3A_295 = arith.constant 4 : i32
      %mul3A_296 = arith.muli %scan3A_68, %mul3A_295 : i32
      %add3A_297 = arith.constant 3 : i32
      %add3A_298 = arith.addi %mul3A_296, %add3A_297 : i32
      %swap3A_299 = arith.index_cast %add3A_298 : i32 to index
      %swap3A_300 = arith.constant 16 : index
      %swap3A_301 = tpu.vector_load %arg5[%swap3A_299, %swap3A_300] {strides = array<i32>} : memref<128x128xf32, #tpu.memory_space<vmem>>, vector<16xf32>,
      tpu.vector_store %arg5[%swap3A_299, %swap3A_300], %broadcast_in_dim3A_294 {strides = array<i32>} : memref<128x128xf32, #tpu.memory_space<vmem>>, vector<16xf32>,
      %broadcast_in_dim3A_302 = arith.constant 0.000000e+00 : f32
      %broadcast_in_dim3A_303 = vector.broadcast %broadcast_in_dim3A_302 : f32 to vector<16xf32>
      %mul3A_304 = arith.constant 4 : i32
      %mul3A_305 = arith.muli %scan3A_68, %mul3A_304 : i32
      %add3A_306 = arith.constant 3 : i32
      %add3A_307 = arith.addi %mul3A_305, %add3A_306 : i32
      %swap3A_308 = arith.index_cast %add3A_307 : i32 to index
      %swap3A_309 = arith.constant 32 : index
      %swap3A_310 = tpu.vector_load %arg5[%swap3A_308, %swap3A_309] {strides = array<i32>} : memref<128x128xf32, #tpu.memory_space<vmem>>, vector<16xf32>,
      tpu.vector_store %arg5[%swap3A_308, %swap3A_309], %broadcast_in_dim3A_303 {strides = array<i32>} : memref<128x128xf32, #tpu.memory_space<vmem>>, vector<16xf32>,
      %broadcast_in_dim3A_311 = arith.constant 0.000000e+00 : f32
      %broadcast_in_dim3A_312 = vector.broadcast %broadcast_in_dim3A_311 : f32 to vector<16xf32>
      %mul3A_313 = arith.constant 4 : i32
      %mul3A_314 = arith.muli %scan3A_68, %mul3A_313 : i32
      %add3A_315 = arith.constant 3 : i32
      %add3A_316 = arith.addi %mul3A_314, %add3A_315 : i32
      %swap3A_317 = arith.index_cast %add3A_316 : i32 to index
      %swap3A_318 = arith.constant 48 : index
      %swap3A_319 = tpu.vector_load %arg5[%swap3A_317, %swap3A_318] {strides = array<i32>} : memref<128x128xf32, #tpu.memory_space<vmem>>, vector<16xf32>,
      tpu.vector_store %arg5[%swap3A_317, %swap3A_318], %broadcast_in_dim3A_312 {strides = array<i32>} : memref<128x128xf32, #tpu.memory_space<vmem>>, vector<16xf32>,
      %broadcast_in_dim3A_320 = arith.constant 0.000000e+00 : f32
      %broadcast_in_dim3A_321 = vector.broadcast %broadcast_in_dim3A_320 : f32 to vector<16xf32>
      %mul3A_322 = arith.constant 4 : i32
      %mul3A_323 = arith.muli %scan3A_68, %mul3A_322 : i32
      %add3A_324 = arith.constant 3 : i32
      %add3A_325 = arith.addi %mul3A_323, %add3A_324 : i32
      %swap3A_326 = arith.index_cast %add3A_325 : i32 to index
      %swap3A_327 = arith.constant 64 : index
      %swap3A_328 = tpu.vector_load %arg5[%swap3A_326, %swap3A_327] {strides = array<i32>} : memref<128x128xf32, #tpu.memory_space<vmem>>, vector<16xf32>,
      tpu.vector_store %arg5[%swap3A_326, %swap3A_327], %broadcast_in_dim3A_321 {strides = array<i32>} : memref<128x128xf32, #tpu.memory_space<vmem>>, vector<16xf32>,
      %broadcast_in_dim3A_329 = arith.constant 0.000000e+00 : f32
      %broadcast_in_dim3A_330 = vector.broadcast %broadcast_in_dim3A_329 : f32 to vector<16xf32>
      %mul3A_331 = arith.constant 4 : i32
      %mul3A_332 = arith.muli %scan3A_68, %mul3A_331 : i32
      %add3A_333 = arith.constant 3 : i32
      %add3A_334 = arith.addi %mul3A_332, %add3A_333 : i32
      %swap3A_335 = arith.index_cast %add3A_334 : i32 to index
      %swap3A_336 = arith.constant 80 : index
      %swap3A_337 = tpu.vector_load %arg5[%swap3A_335, %swap3A_336] {strides = array<i32>} : memref<128x128xf32, #tpu.memory_space<vmem>>, vector<16xf32>,
      tpu.vector_store %arg5[%swap3A_335, %swap3A_336], %broadcast_in_dim3A_330 {strides = array<i32>} : memref<128x128xf32, #tpu.memory_space<vmem>>, vector<16xf32>,
      %broadcast_in_dim3A_338 = arith.constant 0.000000e+00 : f32
      %broadcast_in_dim3A_339 = vector.broadcast %broadcast_in_dim3A_338 : f32 to vector<16xf32>
      %mul3A_340 = arith.constant 4 : i32
      %mul3A_341 = arith.muli %scan3A_68, %mul3A_340 : i32
      %add3A_342 = arith.constant 3 : i32
      %add3A_343 = arith.addi %mul3A_341, %add3A_342 : i32
      %swap3A_344 = arith.index_cast %add3A_343 : i32 to index
      %swap3A_345 = arith.constant 96 : index
      %swap3A_346 = tpu.vector_load %arg5[%swap3A_344, %swap3A_345] {strides = array<i32>} : memref<128x128xf32, #tpu.memory_space<vmem>>, vector<16xf32>,
      tpu.vector_store %arg5[%swap3A_344, %swap3A_345], %broadcast_in_dim3A_339 {strides = array<i32>} : memref<128x128xf32, #tpu.memory_space<vmem>>, vector<16xf32>,
      %broadcast_in_dim3A_347 = arith.constant 0.000000e+00 : f32
      %broadcast_in_dim3A_348 = vector.broadcast %broadcast_in_dim3A_347 : f32 to vector<16xf32>
      %mul3A_349 = arith.constant 4 : i32
      %mul3A_350 = arith.muli %scan3A_68, %mul3A_349 : i32
      %add3A_351 = arith.constant 3 : i32
      %add3A_352 = arith.addi %mul3A_350, %add3A_351 : i32
      %swap3A_353 = arith.index_cast %add3A_352 : i32 to index
      %swap3A_354 = arith.constant 112 : index
      %swap3A_355 = tpu.vector_load %arg5[%swap3A_353, %swap3A_354] {strides = array<i32>} : memref<128x128xf32, #tpu.memory_space<vmem>>, vector<16xf32>,
      tpu.vector_store %arg5[%swap3A_353, %swap3A_354], %broadcast_in_dim3A_348 {strides = array<i32>} : memref<128x128xf32, #tpu.memory_space<vmem>>, vector<16xf32>,
      %scan3A_356 = arith.constant 0 : i32
      scf.yield %scan3A_356 : i32
    }
    %scan3A_10 = arith.constant 32 : i32
    %scan3A_11 = arith.constant 0 : i32
    %scan3A_12 = arith.constant 0 : i32
    %scan3A_13 = arith.constant 5 : i32
    %scan3A_14 = arith.addi %scan3A_12, %scan3A_13 : i32
    %scan3A_15 = arith.constant 1 : i32
    %scan3A_16 = scf.for %scan3A_68 = %scan3A_12 to %scan3A_14 step %scan3A_15 iter_args(%scan3A_69 = %scan3A_11) -> (i32)  : i32 {
      %mul3A_70 = arith.constant 16 : i32
      %mul3A_71 = arith.muli %scan3A_68, %mul3A_70 : i32
      %add3A_72 = arith.addi %arg1, %mul3A_71 : i32
      %lt3A = arith.constant 79 : i32
      %lt3A_73 = arith.cmpi slt, %add3A_72, %lt3A : i32
      %convert_element_type3A = arith.extui %lt3A_73 : i1 to i32
      %cond3A = arith.constant 0 : i32
      %cond3A_74 = arith.cmpi ne, %convert_element_type3A, %cond3A : i32
      scf.if %cond3A_74 {
        %mul3A_76 = arith.constant 128 : i32
        %mul3A_77 = arith.muli %add3A_72, %mul3A_76 : i32
        "tpu.region"() ({
          %run_scoped3A = tpu.sem_alloc : memref<!tpu.dma_semaphore, #tpu.memory_space<semaphore_mem>>
          %dma_start3A_78 = arith.constant 0 : i32
          %dma_start3A_79 = tpu.memref_slice %arg9[%mul3A_77, %dma_start3A_78] : memref<10112x128xf32, #tpu.memory_space<vmem_shared>> -> memref<128x128xf32, #tpu.memory_space<vmem_shared>>
          %dma_start3A_80 = arith.constant 0 : i32
          %dma_start3A_81 = tpu.memref_slice %arg9[%mul3A_77, %dma_start3A_80] : memref<10112x128xf32, #tpu.memory_space<vmem_shared>> -> memref<128x128xf32, #tpu.memory_space<vmem_shared>>
          tpu.enqueue_dma source(%arg5 : memref<128x128xf32, #tpu.memory_space<vmem>>) target(%dma_start3A_81 : memref<128x128xf32, #tpu.memory_space<vmem_shared>>) target_semaphore(%run_scoped3A : memref<!tpu.dma_semaphore, #tpu.memory_space<semaphore_mem>>)
          %dma_wait3A_82 = arith.constant 0 : i32
          %dma_wait3A_83 = tpu.memref_slice %arg9[%mul3A_77, %dma_wait3A_82] : memref<10112x128xf32, #tpu.memory_space<vmem_shared>> -> memref<128x128xf32, #tpu.memory_space<vmem_shared>>
          %dma_wait3A_84 = arith.constant 0 : i32
          %dma_wait3A_85 = tpu.memref_slice %arg9[%mul3A_77, %dma_wait3A_84] : memref<10112x128xf32, #tpu.memory_space<vmem_shared>> -> memref<128x128xf32, #tpu.memory_space<vmem_shared>>
          tpu.wait_dma2 semaphore(%run_scoped3A : memref<!tpu.dma_semaphore, #tpu.memory_space<semaphore_mem>>) src(%arg5 : memref<128x128xf32, #tpu.memory_space<vmem>>) dst(%dma_wait3A_85 : memref<128x128xf32, #tpu.memory_space<vmem_shared>>)
          tpu.yield
        }) : () -> ()
      } else {
      }
      %scan3A_75 = arith.constant 0 : i32
      scf.yield %scan3A_75 : i32
    }
    %scan3A_17 = arith.constant 5 : i32
    %barrier3A = arith.constant 0 : index
    tpu.barrier barrier_id(%barrier3A)
    %add3A_18 = arith.constant 0 : i32
    %add3A_19 = arith.addi %add3A, %add3A_18 : i32
    %dma_start3A = arith.constant 0 : i32
    %dma_start3A_20 = arith.constant 0 : i32
    %dma_start3A_21 = tpu.memref_slice %arg3[%add3A_19, %dma_start3A, %dma_start3A_20] : memref<2528x3x128xi32, #tpu.memory_space<hbm>> -> memref<1x3x128xi32, #tpu.memory_space<hbm>>
    %dma_start3A_22 = tpu.memref_squeeze %dma_start3A_21 : memref<1x3x128xi32, #tpu.memory_space<hbm>> -> memref<3x128xi32, #tpu.memory_space<hbm>>
    %dma_start3A_23 = arith.constant 0 : i32
    %dma_start3A_24 = arith.constant 0 : i32
    %dma_start3A_25 = tpu.memref_slice %arg3[%add3A_19, %dma_start3A_23, %dma_start3A_24] : memref<2528x3x128xi32, #tpu.memory_space<hbm>> -> memref<1x3x128xi32, #tpu.memory_space<hbm>>
    %dma_start3A_26 = tpu.memref_squeeze %dma_start3A_25 : memref<1x3x128xi32, #tpu.memory_space<hbm>> -> memref<3x128xi32, #tpu.memory_space<hbm>>
    tpu.enqueue_dma source(%dma_start3A_26 : memref<3x128xi32, #tpu.memory_space<hbm>>) target(%arg7 : memref<3x128xi32, #tpu.memory_space<vmem>>) target_semaphore(%arg12 : memref<!tpu.dma_semaphore, #tpu.memory_space<semaphore_mem>>)
    %add3A_27 = arith.constant 1 : i32
    %add3A_28 = arith.addi %add3A, %add3A_27 : i32
    %dma_start3A_29 = arith.constant 0 : i32
    %dma_start3A_30 = arith.constant 0 : i32
    %dma_start3A_31 = tpu.memref_slice %arg3[%add3A_28, %dma_start3A_29, %dma_start3A_30] : memref<2528x3x128xi32, #tpu.memory_space<hbm>> -> memref<1x3x128xi32, #tpu.memory_space<hbm>>
    %dma_start3A_32 = tpu.memref_squeeze %dma_start3A_31 : memref<1x3x128xi32, #tpu.memory_space<hbm>> -> memref<3x128xi32, #tpu.memory_space<hbm>>
    %dma_start3A_33 = arith.constant 0 : i32
    %dma_start3A_34 = arith.constant 0 : i32
    %dma_start3A_35 = tpu.memref_slice %arg3[%add3A_28, %dma_start3A_33, %dma_start3A_34] : memref<2528x3x128xi32, #tpu.memory_space<hbm>> -> memref<1x3x128xi32, #tpu.memory_space<hbm>>
    %dma_start3A_36 = tpu.memref_squeeze %dma_start3A_35 : memref<1x3x128xi32, #tpu.memory_space<hbm>> -> memref<3x128xi32, #tpu.memory_space<hbm>>
    tpu.enqueue_dma source(%dma_start3A_36 : memref<3x128xi32, #tpu.memory_space<hbm>>) target(%arg8 : memref<3x128xi32, #tpu.memory_space<vmem>>) target_semaphore(%arg13 : memref<!tpu.dma_semaphore, #tpu.memory_space<semaphore_mem>>)
    %add3A_37 = arith.constant 0 : i32
    %add3A_38 = arith.addi %add3A, %add3A_37 : i32
    %dma_wait3A = arith.constant 0 : i32
    %dma_wait3A_39 = arith.constant 0 : i32
    %dma_wait3A_40 = tpu.memref_slice %arg3[%add3A_38, %dma_wait3A, %dma_wait3A_39] : memref<2528x3x128xi32, #tpu.memory_space<hbm>> -> memref<1x3x128xi32, #tpu.memory_space<hbm>>
    %dma_wait3A_41 = tpu.memref_squeeze %dma_wait3A_40 : memref<1x3x128xi32, #tpu.memory_space<hbm>> -> memref<3x128xi32, #tpu.memory_space<hbm>>
    %dma_wait3A_42 = arith.constant 0 : i32
    %dma_wait3A_43 = arith.constant 0 : i32
    %dma_wait3A_44 = tpu.memref_slice %arg3[%add3A_38, %dma_wait3A_42, %dma_wait3A_43] : memref<2528x3x128xi32, #tpu.memory_space<hbm>> -> memref<1x3x128xi32, #tpu.memory_space<hbm>>
    %dma_wait3A_45 = tpu.memref_squeeze %dma_wait3A_44 : memref<1x3x128xi32, #tpu.memory_space<hbm>> -> memref<3x128xi32, #tpu.memory_space<hbm>>
    tpu.wait_dma2 semaphore(%arg12 : memref<!tpu.dma_semaphore, #tpu.memory_space<semaphore_mem>>) src(%dma_wait3A_45 : memref<3x128xi32, #tpu.memory_space<hbm>>) dst(%arg7 : memref<3x128xi32, #tpu.memory_space<vmem>>)
    %dma_start3A_46 = arith.constant 0 : i32
    %dma_start3A_47 = arith.constant 0 : i32
    %dma_start3A_48 = tpu.memref_slice %arg7[%dma_start3A_46, %dma_start3A_47] : memref<3x128xi32, #tpu.memory_space<vmem>> -> memref<1x128xi32, #tpu.memory_space<vmem>>
    %dma_start3A_49 = tpu.memref_squeeze %dma_start3A_48 : memref<1x128xi32, #tpu.memory_space<vmem>> -> memref<128xi32, #tpu.memory_space<vmem>>
    %dma_start3A_50 = arith.constant 0 : i32
    %dma_start3A_51 = arith.constant 0 : i32
    %dma_start3A_52 = tpu.memref_slice %arg2[%dma_start3A_50, %dma_start3A_51] : memref<80000x128xf32, #tpu.memory_space<hbm>> -> memref<80000x128xf32, #tpu.memory_space<hbm>>
    tpu.enqueue_indirect_dma source(%dma_start3A_52 : memref<80000x128xf32, #tpu.memory_space<hbm>>) target(%arg5 : memref<128x128xf32, #tpu.memory_space<vmem>>) offsets(%dma_start3A_49 : memref<128xi32, #tpu.memory_space<vmem>>) semaphore(%arg10 : memref<!tpu.dma_semaphore, #tpu.memory_space<semaphore_mem>>)
    %scan3A_53 = arith.constant 0 : i32
    %scan3A_54 = arith.constant 0 : i32
    %scan3A_55 = arith.constant 54 : i32
    %scan3A_56 = arith.addi %scan3A_54, %scan3A_55 : i32
    %scan3A_57 = arith.constant 1 : i32
    %scan3A_58 = scf.for %scan3A_68 = %scan3A_54 to %scan3A_56 step %scan3A_57 iter_args(%scan3A_69 = %scan3A_53) -> (i32)  : i32 {
      %mul3A_70 = arith.constant 2 : i32
      %mul3A_71 = arith.muli %scan3A_68, %mul3A_70 : i32
      %add3A_72 = arith.constant 0 : i32
      %add3A_73 = arith.addi %mul3A_71, %add3A_72 : i32
      %lt3A = arith.cmpi slt, %add3A_73, %select_n3A : i32
      %convert_element_type3A = arith.extui %lt3A : i1 to i32
      %cond3A = arith.constant 0 : i32
      %cond3A_74 = arith.cmpi ne, %convert_element_type3A, %cond3A : i32
      scf.if %cond3A_74 {
        %dma_wait3A_84 = arith.constant 0 : i32
        %dma_wait3A_85 = arith.constant 0 : i32
        %dma_wait3A_86 = tpu.memref_slice %arg7[%dma_wait3A_84, %dma_wait3A_85] : memref<3x128xi32, #tpu.memory_space<vmem>> -> memref<1x128xi32, #tpu.memory_space<vmem>>
        %dma_wait3A_87 = tpu.memref_squeeze %dma_wait3A_86 : memref<1x128xi32, #tpu.memory_space<vmem>> -> memref<128xi32, #tpu.memory_space<vmem>>
        %dma_wait3A_88 = arith.constant 0 : i32
        %dma_wait3A_89 = arith.constant 0 : i32
        %dma_wait3A_90 = tpu.memref_slice %arg2[%dma_wait3A_88, %dma_wait3A_89] : memref<80000x128xf32, #tpu.memory_space<hbm>> -> memref<80000x128xf32, #tpu.memory_space<hbm>>
        tpu.wait_indirect_dma semaphore(%arg10 : memref<!tpu.dma_semaphore, #tpu.memory_space<semaphore_mem>>) src(%dma_wait3A_90 : memref<80000x128xf32, #tpu.memory_space<hbm>>) dst(%arg5 : memref<128x128xf32, #tpu.memory_space<vmem>>)
        %add3A_91 = arith.constant 1 : i32
        %add3A_92 = arith.addi %add3A_73, %add3A_91 : i32
        %lt3A_93 = arith.cmpi slt, %add3A_92, %select_n3A : i32
        %convert_element_type3A_94 = arith.extui %lt3A_93 : i1 to i32
        %cond3A_95 = arith.constant 0 : i32
        %cond3A_96 = arith.cmpi ne, %convert_element_type3A_94, %cond3A_95 : i32
        scf.if %cond3A_96 {
          %add3A_110 = arith.constant 1 : i32
          %add3A_111 = arith.addi %add3A_73, %add3A_110 : i32
          %add3A_112 = arith.addi %add3A, %add3A_111 : i32
          %dma_wait3A_113 = arith.constant 0 : i32
          %dma_wait3A_114 = arith.constant 0 : i32
          %dma_wait3A_115 = tpu.memref_slice %arg3[%add3A_112, %dma_wait3A_113, %dma_wait3A_114] : memref<2528x3x128xi32, #tpu.memory_space<hbm>> -> memref<1x3x128xi32, #tpu.memory_space<hbm>>
          %dma_wait3A_116 = tpu.memref_squeeze %dma_wait3A_115 : memref<1x3x128xi32, #tpu.memory_space<hbm>> -> memref<3x128xi32, #tpu.memory_space<hbm>>
          %dma_wait3A_117 = arith.constant 0 : i32
          %dma_wait3A_118 = arith.constant 0 : i32
          %dma_wait3A_119 = tpu.memref_slice %arg3[%add3A_112, %dma_wait3A_117, %dma_wait3A_118] : memref<2528x3x128xi32, #tpu.memory_space<hbm>> -> memref<1x3x128xi32, #tpu.memory_space<hbm>>
          %dma_wait3A_120 = tpu.memref_squeeze %dma_wait3A_119 : memref<1x3x128xi32, #tpu.memory_space<hbm>> -> memref<3x128xi32, #tpu.memory_space<hbm>>
          tpu.wait_dma2 semaphore(%arg13 : memref<!tpu.dma_semaphore, #tpu.memory_space<semaphore_mem>>) src(%dma_wait3A_120 : memref<3x128xi32, #tpu.memory_space<hbm>>) dst(%arg8 : memref<3x128xi32, #tpu.memory_space<vmem>>)
          %add3A_121 = arith.constant 1 : i32
          %add3A_122 = arith.addi %add3A_73, %add3A_121 : i32
          %dma_start3A_123 = arith.constant 0 : i32
          %dma_start3A_124 = arith.constant 0 : i32
          %dma_start3A_125 = tpu.memref_slice %arg8[%dma_start3A_123, %dma_start3A_124] : memref<3x128xi32, #tpu.memory_space<vmem>> -> memref<1x128xi32, #tpu.memory_space<vmem>>
          %dma_start3A_126 = tpu.memref_squeeze %dma_start3A_125 : memref<1x128xi32, #tpu.memory_space<vmem>> -> memref<128xi32, #tpu.memory_space<vmem>>
          %dma_start3A_127 = arith.constant 0 : i32
          %dma_start3A_128 = arith.constant 0 : i32
          %dma_start3A_129 = tpu.memref_slice %arg2[%dma_start3A_127, %dma_start3A_128] : memref<80000x128xf32, #tpu.memory_space<hbm>> -> memref<80000x128xf32, #tpu.memory_space<hbm>>
          tpu.enqueue_indirect_dma source(%dma_start3A_129 : memref<80000x128xf32, #tpu.memory_space<hbm>>) target(%arg6 : memref<128x128xf32, #tpu.memory_space<vmem>>) offsets(%dma_start3A_126 : memref<128xi32, #tpu.memory_space<vmem>>) semaphore(%arg11 : memref<!tpu.dma_semaphore, #tpu.memory_space<semaphore_mem>>)
        } else {
        }
        %scan3A_97 = arith.constant 0 : i32
        %scan3A_98 = arith.constant 0 : i32
        %scan3A_99 = arith.constant 32 : i32
        %scan3A_100 = arith.addi %scan3A_98, %scan3A_99 : i32
        %scan3A_101 = arith.constant 1 : i32
        %scan3A_102 = scf.for %scan3A_110 = %scan3A_98 to %scan3A_100 step %scan3A_101 iter_args(%scan3A_111 = %scan3A_97) -> (i32)  : i32 {
          %mul3A_112 = arith.constant 4 : i32
          %mul3A_113 = arith.muli %scan3A_110, %mul3A_112 : i32
          %add3A_114 = arith.constant 0 : i32
          %add3A_115 = arith.addi %mul3A_113, %add3A_114 : i32
          %broadcast_in_dim3A = arith.constant 2 : i32
          %broadcast_in_dim3A_116 = vector.broadcast %broadcast_in_dim3A : i32 to vector<16xi32>
          %broadcast_in_dim3A_117 = vector.broadcast %add3A_115 : i32 to vector<16xi32>
          %gather3A = tpu.vector_load_idx %arg7[%broadcast_in_dim3A_116, %broadcast_in_dim3A_117] : memref<3x128xi32, #tpu.memory_space<vmem>>[vector<16xi32>, vector<16xi32>], vector<16xi32>,
          %bitcast3A = vector.bitcast %gather3A : vector<16xi32> to vector<16xf32>
          %get3A = arith.index_cast %add3A_115 : i32 to index
          %get3A_118 = arith.constant 0 : index
          %get3A_119 = tpu.vector_load %arg5[%get3A, %get3A_118] {strides = array<i32>} : memref<128x128xf32, #tpu.memory_space<vmem>>, vector<16xf32>,
          %mul3A_120 = arith.mulf %get3A_119, %bitcast3A : vector<16xf32>
          %swap3A = arith.index_cast %add3A_115 : i32 to index
          %swap3A_121 = arith.constant 0 : index
          %swap3A_122 = tpu.vector_load %arg5[%swap3A, %swap3A_121] {strides = array<i32>} : memref<128x128xf32, #tpu.memory_space<vmem>>, vector<16xf32>,
          tpu.vector_store %arg5[%swap3A, %swap3A_121], %mul3A_120 {strides = array<i32>} : memref<128x128xf32, #tpu.memory_space<vmem>>, vector<16xf32>,
          %get3A_123 = arith.index_cast %add3A_115 : i32 to index
          %get3A_124 = arith.constant 16 : index
          %get3A_125 = tpu.vector_load %arg5[%get3A_123, %get3A_124] {strides = array<i32>} : memref<128x128xf32, #tpu.memory_space<vmem>>, vector<16xf32>,
          %mul3A_126 = arith.mulf %get3A_125, %bitcast3A : vector<16xf32>
          %swap3A_127 = arith.index_cast %add3A_115 : i32 to index
          %swap3A_128 = arith.constant 16 : index
          %swap3A_129 = tpu.vector_load %arg5[%swap3A_127, %swap3A_128] {strides = array<i32>} : memref<128x128xf32, #tpu.memory_space<vmem>>, vector<16xf32>,
          tpu.vector_store %arg5[%swap3A_127, %swap3A_128], %mul3A_126 {strides = array<i32>} : memref<128x128xf32, #tpu.memory_space<vmem>>, vector<16xf32>,
          %get3A_130 = arith.index_cast %add3A_115 : i32 to index
          %get3A_131 = arith.constant 32 : index
          %get3A_132 = tpu.vector_load %arg5[%get3A_130, %get3A_131] {strides = array<i32>} : memref<128x128xf32, #tpu.memory_space<vmem>>, vector<16xf32>,
          %mul3A_133 = arith.mulf %get3A_132, %bitcast3A : vector<16xf32>
          %swap3A_134 = arith.index_cast %add3A_115 : i32 to index
          %swap3A_135 = arith.constant 32 : index
          %swap3A_136 = tpu.vector_load %arg5[%swap3A_134, %swap3A_135] {strides = array<i32>} : memref<128x128xf32, #tpu.memory_space<vmem>>, vector<16xf32>,
          tpu.vector_store %arg5[%swap3A_134, %swap3A_135], %mul3A_133 {strides = array<i32>} : memref<128x128xf32, #tpu.memory_space<vmem>>, vector<16xf32>,
          %get3A_137 = arith.index_cast %add3A_115 : i32 to index
          %get3A_138 = arith.constant 48 : index
          %get3A_139 = tpu.vector_load %arg5[%get3A_137, %get3A_138] {strides = array<i32>} : memref<128x128xf32, #tpu.memory_space<vmem>>, vector<16xf32>,
          %mul3A_140 = arith.mulf %get3A_139, %bitcast3A : vector<16xf32>
          %swap3A_141 = arith.index_cast %add3A_115 : i32 to index
          %swap3A_142 = arith.constant 48 : index
          %swap3A_143 = tpu.vector_load %arg5[%swap3A_141, %swap3A_142] {strides = array<i32>} : memref<128x128xf32, #tpu.memory_space<vmem>>, vector<16xf32>,
          tpu.vector_store %arg5[%swap3A_141, %swap3A_142], %mul3A_140 {strides = array<i32>} : memref<128x128xf32, #tpu.memory_space<vmem>>, vector<16xf32>,
          %get3A_144 = arith.index_cast %add3A_115 : i32 to index
          %get3A_145 = arith.constant 64 : index
          %get3A_146 = tpu.vector_load %arg5[%get3A_144, %get3A_145] {strides = array<i32>} : memref<128x128xf32, #tpu.memory_space<vmem>>, vector<16xf32>,
          %mul3A_147 = arith.mulf %get3A_146, %bitcast3A : vector<16xf32>
          %swap3A_148 = arith.index_cast %add3A_115 : i32 to index
          %swap3A_149 = arith.constant 64 : index
          %swap3A_150 = tpu.vector_load %arg5[%swap3A_148, %swap3A_149] {strides = array<i32>} : memref<128x128xf32, #tpu.memory_space<vmem>>, vector<16xf32>,
          tpu.vector_store %arg5[%swap3A_148, %swap3A_149], %mul3A_147 {strides = array<i32>} : memref<128x128xf32, #tpu.memory_space<vmem>>, vector<16xf32>,
          %get3A_151 = arith.index_cast %add3A_115 : i32 to index
          %get3A_152 = arith.constant 80 : index
          %get3A_153 = tpu.vector_load %arg5[%get3A_151, %get3A_152] {strides = array<i32>} : memref<128x128xf32, #tpu.memory_space<vmem>>, vector<16xf32>,
          %mul3A_154 = arith.mulf %get3A_153, %bitcast3A : vector<16xf32>
          %swap3A_155 = arith.index_cast %add3A_115 : i32 to index
          %swap3A_156 = arith.constant 80 : index
          %swap3A_157 = tpu.vector_load %arg5[%swap3A_155, %swap3A_156] {strides = array<i32>} : memref<128x128xf32, #tpu.memory_space<vmem>>, vector<16xf32>,
          tpu.vector_store %arg5[%swap3A_155, %swap3A_156], %mul3A_154 {strides = array<i32>} : memref<128x128xf32, #tpu.memory_space<vmem>>, vector<16xf32>,
          %get3A_158 = arith.index_cast %add3A_115 : i32 to index
          %get3A_159 = arith.constant 96 : index
          %get3A_160 = tpu.vector_load %arg5[%get3A_158, %get3A_159] {strides = array<i32>} : memref<128x128xf32, #tpu.memory_space<vmem>>, vector<16xf32>,
          %mul3A_161 = arith.mulf %get3A_160, %bitcast3A : vector<16xf32>
          %swap3A_162 = arith.index_cast %add3A_115 : i32 to index
          %swap3A_163 = arith.constant 96 : index
          %swap3A_164 = tpu.vector_load %arg5[%swap3A_162, %swap3A_163] {strides = array<i32>} : memref<128x128xf32, #tpu.memory_space<vmem>>, vector<16xf32>,
          tpu.vector_store %arg5[%swap3A_162, %swap3A_163], %mul3A_161 {strides = array<i32>} : memref<128x128xf32, #tpu.memory_space<vmem>>, vector<16xf32>,
          %get3A_165 = arith.index_cast %add3A_115 : i32 to index
          %get3A_166 = arith.constant 112 : index
          %get3A_167 = tpu.vector_load %arg5[%get3A_165, %get3A_166] {strides = array<i32>} : memref<128x128xf32, #tpu.memory_space<vmem>>, vector<16xf32>,
          %mul3A_168 = arith.mulf %get3A_167, %bitcast3A : vector<16xf32>
          %swap3A_169 = arith.index_cast %add3A_115 : i32 to index
          %swap3A_170 = arith.constant 112 : index
          %swap3A_171 = tpu.vector_load %arg5[%swap3A_169, %swap3A_170] {strides = array<i32>} : memref<128x128xf32, #tpu.memory_space<vmem>>, vector<16xf32>,
          tpu.vector_store %arg5[%swap3A_169, %swap3A_170], %mul3A_168 {strides = array<i32>} : memref<128x128xf32, #tpu.memory_space<vmem>>, vector<16xf32>,
          %mul3A_172 = arith.constant 4 : i32
          %mul3A_173 = arith.muli %scan3A_110, %mul3A_172 : i32
          %add3A_174 = arith.constant 1 : i32
          %add3A_175 = arith.addi %mul3A_173, %add3A_174 : i32
          %broadcast_in_dim3A_176 = arith.constant 2 : i32
          %broadcast_in_dim3A_177 = vector.broadcast %broadcast_in_dim3A_176 : i32 to vector<16xi32>
          %broadcast_in_dim3A_178 = vector.broadcast %add3A_175 : i32 to vector<16xi32>
          %gather3A_179 = tpu.vector_load_idx %arg7[%broadcast_in_dim3A_177, %broadcast_in_dim3A_178] : memref<3x128xi32, #tpu.memory_space<vmem>>[vector<16xi32>, vector<16xi32>], vector<16xi32>,
          %bitcast3A_180 = vector.bitcast %gather3A_179 : vector<16xi32> to vector<16xf32>
          %get3A_181 = arith.index_cast %add3A_175 : i32 to index
          %get3A_182 = arith.constant 0 : index
          %get3A_183 = tpu.vector_load %arg5[%get3A_181, %get3A_182] {strides = array<i32>} : memref<128x128xf32, #tpu.memory_space<vmem>>, vector<16xf32>,
          %mul3A_184 = arith.mulf %get3A_183, %bitcast3A_180 : vector<16xf32>
          %swap3A_185 = arith.index_cast %add3A_175 : i32 to index
          %swap3A_186 = arith.constant 0 : index
          %swap3A_187 = tpu.vector_load %arg5[%swap3A_185, %swap3A_186] {strides = array<i32>} : memref<128x128xf32, #tpu.memory_space<vmem>>, vector<16xf32>,
          tpu.vector_store %arg5[%swap3A_185, %swap3A_186], %mul3A_184 {strides = array<i32>} : memref<128x128xf32, #tpu.memory_space<vmem>>, vector<16xf32>,
          %get3A_188 = arith.index_cast %add3A_175 : i32 to index
          %get3A_189 = arith.constant 16 : index
          %get3A_190 = tpu.vector_load %arg5[%get3A_188, %get3A_189] {strides = array<i32>} : memref<128x128xf32, #tpu.memory_space<vmem>>, vector<16xf32>,
          %mul3A_191 = arith.mulf %get3A_190, %bitcast3A_180 : vector<16xf32>
          %swap3A_192 = arith.index_cast %add3A_175 : i32 to index
          %swap3A_193 = arith.constant 16 : index
          %swap3A_194 = tpu.vector_load %arg5[%swap3A_192, %swap3A_193] {strides = array<i32>} : memref<128x128xf32, #tpu.memory_space<vmem>>, vector<16xf32>,
          tpu.vector_store %arg5[%swap3A_192, %swap3A_193], %mul3A_191 {strides = array<i32>} : memref<128x128xf32, #tpu.memory_space<vmem>>, vector<16xf32>,
          %get3A_195 = arith.index_cast %add3A_175 : i32 to index
          %get3A_196 = arith.constant 32 : index
          %get3A_197 = tpu.vector_load %arg5[%get3A_195, %get3A_196] {strides = array<i32>} : memref<128x128xf32, #tpu.memory_space<vmem>>, vector<16xf32>,
          %mul3A_198 = arith.mulf %get3A_197, %bitcast3A_180 : vector<16xf32>
          %swap3A_199 = arith.index_cast %add3A_175 : i32 to index
          %swap3A_200 = arith.constant 32 : index
          %swap3A_201 = tpu.vector_load %arg5[%swap3A_199, %swap3A_200] {strides = array<i32>} : memref<128x128xf32, #tpu.memory_space<vmem>>, vector<16xf32>,
          tpu.vector_store %arg5[%swap3A_199, %swap3A_200], %mul3A_198 {strides = array<i32>} : memref<128x128xf32, #tpu.memory_space<vmem>>, vector<16xf32>,
          %get3A_202 = arith.index_cast %add3A_175 : i32 to index
          %get3A_203 = arith.constant 48 : index
          %get3A_204 = tpu.vector_load %arg5[%get3A_202, %get3A_203] {strides = array<i32>} : memref<128x128xf32, #tpu.memory_space<vmem>>, vector<16xf32>,
          %mul3A_205 = arith.mulf %get3A_204, %bitcast3A_180 : vector<16xf32>
          %swap3A_206 = arith.index_cast %add3A_175 : i32 to index
          %swap3A_207 = arith.constant 48 : index
          %swap3A_208 = tpu.vector_load %arg5[%swap3A_206, %swap3A_207] {strides = array<i32>} : memref<128x128xf32, #tpu.memory_space<vmem>>, vector<16xf32>,
          tpu.vector_store %arg5[%swap3A_206, %swap3A_207], %mul3A_205 {strides = array<i32>} : memref<128x128xf32, #tpu.memory_space<vmem>>, vector<16xf32>,
          %get3A_209 = arith.index_cast %add3A_175 : i32 to index
          %get3A_210 = arith.constant 64 : index
          %get3A_211 = tpu.vector_load %arg5[%get3A_209, %get3A_210] {strides = array<i32>} : memref<128x128xf32, #tpu.memory_space<vmem>>, vector<16xf32>,
          %mul3A_212 = arith.mulf %get3A_211, %bitcast3A_180 : vector<16xf32>
          %swap3A_213 = arith.index_cast %add3A_175 : i32 to index
          %swap3A_214 = arith.constant 64 : index
          %swap3A_215 = tpu.vector_load %arg5[%swap3A_213, %swap3A_214] {strides = array<i32>} : memref<128x128xf32, #tpu.memory_space<vmem>>, vector<16xf32>,
          tpu.vector_store %arg5[%swap3A_213, %swap3A_214], %mul3A_212 {strides = array<i32>} : memref<128x128xf32, #tpu.memory_space<vmem>>, vector<16xf32>,
          %get3A_216 = arith.index_cast %add3A_175 : i32 to index
          %get3A_217 = arith.constant 80 : index
          %get3A_218 = tpu.vector_load %arg5[%get3A_216, %get3A_217] {strides = array<i32>} : memref<128x128xf32, #tpu.memory_space<vmem>>, vector<16xf32>,
          %mul3A_219 = arith.mulf %get3A_218, %bitcast3A_180 : vector<16xf32>
          %swap3A_220 = arith.index_cast %add3A_175 : i32 to index
          %swap3A_221 = arith.constant 80 : index
          %swap3A_222 = tpu.vector_load %arg5[%swap3A_220, %swap3A_221] {strides = array<i32>} : memref<128x128xf32, #tpu.memory_space<vmem>>, vector<16xf32>,
          tpu.vector_store %arg5[%swap3A_220, %swap3A_221], %mul3A_219 {strides = array<i32>} : memref<128x128xf32, #tpu.memory_space<vmem>>, vector<16xf32>,
          %get3A_223 = arith.index_cast %add3A_175 : i32 to index
          %get3A_224 = arith.constant 96 : index
          %get3A_225 = tpu.vector_load %arg5[%get3A_223, %get3A_224] {strides = array<i32>} : memref<128x128xf32, #tpu.memory_space<vmem>>, vector<16xf32>,
          %mul3A_226 = arith.mulf %get3A_225, %bitcast3A_180 : vector<16xf32>
          %swap3A_227 = arith.index_cast %add3A_175 : i32 to index
          %swap3A_228 = arith.constant 96 : index
          %swap3A_229 = tpu.vector_load %arg5[%swap3A_227, %swap3A_228] {strides = array<i32>} : memref<128x128xf32, #tpu.memory_space<vmem>>, vector<16xf32>,
          tpu.vector_store %arg5[%swap3A_227, %swap3A_228], %mul3A_226 {strides = array<i32>} : memref<128x128xf32, #tpu.memory_space<vmem>>, vector<16xf32>,
          %get3A_230 = arith.index_cast %add3A_175 : i32 to index
          %get3A_231 = arith.constant 112 : index
          %get3A_232 = tpu.vector_load %arg5[%get3A_230, %get3A_231] {strides = array<i32>} : memref<128x128xf32, #tpu.memory_space<vmem>>, vector<16xf32>,
          %mul3A_233 = arith.mulf %get3A_232, %bitcast3A_180 : vector<16xf32>
          %swap3A_234 = arith.index_cast %add3A_175 : i32 to index
          %swap3A_235 = arith.constant 112 : index
          %swap3A_236 = tpu.vector_load %arg5[%swap3A_234, %swap3A_235] {strides = array<i32>} : memref<128x128xf32, #tpu.memory_space<vmem>>, vector<16xf32>,
          tpu.vector_store %arg5[%swap3A_234, %swap3A_235], %mul3A_233 {strides = array<i32>} : memref<128x128xf32, #tpu.memory_space<vmem>>, vector<16xf32>,
          %mul3A_237 = arith.constant 4 : i32
          %mul3A_238 = arith.muli %scan3A_110, %mul3A_237 : i32
          %add3A_239 = arith.constant 2 : i32
          %add3A_240 = arith.addi %mul3A_238, %add3A_239 : i32
          %broadcast_in_dim3A_241 = arith.constant 2 : i32
          %broadcast_in_dim3A_242 = vector.broadcast %broadcast_in_dim3A_241 : i32 to vector<16xi32>
          %broadcast_in_dim3A_243 = vector.broadcast %add3A_240 : i32 to vector<16xi32>
          %gather3A_244 = tpu.vector_load_idx %arg7[%broadcast_in_dim3A_242, %broadcast_in_dim3A_243] : memref<3x128xi32, #tpu.memory_space<vmem>>[vector<16xi32>, vector<16xi32>], vector<16xi32>,
          %bitcast3A_245 = vector.bitcast %gather3A_244 : vector<16xi32> to vector<16xf32>
          %get3A_246 = arith.index_cast %add3A_240 : i32 to index
          %get3A_247 = arith.constant 0 : index
          %get3A_248 = tpu.vector_load %arg5[%get3A_246, %get3A_247] {strides = array<i32>} : memref<128x128xf32, #tpu.memory_space<vmem>>, vector<16xf32>,
          %mul3A_249 = arith.mulf %get3A_248, %bitcast3A_245 : vector<16xf32>
          %swap3A_250 = arith.index_cast %add3A_240 : i32 to index
          %swap3A_251 = arith.constant 0 : index
          %swap3A_252 = tpu.vector_load %arg5[%swap3A_250, %swap3A_251] {strides = array<i32>} : memref<128x128xf32, #tpu.memory_space<vmem>>, vector<16xf32>,
          tpu.vector_store %arg5[%swap3A_250, %swap3A_251], %mul3A_249 {strides = array<i32>} : memref<128x128xf32, #tpu.memory_space<vmem>>, vector<16xf32>,
          %get3A_253 = arith.index_cast %add3A_240 : i32 to index
          %get3A_254 = arith.constant 16 : index
          %get3A_255 = tpu.vector_load %arg5[%get3A_253, %get3A_254] {strides = array<i32>} : memref<128x128xf32, #tpu.memory_space<vmem>>, vector<16xf32>,
          %mul3A_256 = arith.mulf %get3A_255, %bitcast3A_245 : vector<16xf32>
          %swap3A_257 = arith.index_cast %add3A_240 : i32 to index
          %swap3A_258 = arith.constant 16 : index
          %swap3A_259 = tpu.vector_load %arg5[%swap3A_257, %swap3A_258] {strides = array<i32>} : memref<128x128xf32, #tpu.memory_space<vmem>>, vector<16xf32>,
          tpu.vector_store %arg5[%swap3A_257, %swap3A_258], %mul3A_256 {strides = array<i32>} : memref<128x128xf32, #tpu.memory_space<vmem>>, vector<16xf32>,
          %get3A_260 = arith.index_cast %add3A_240 : i32 to index
          %get3A_261 = arith.constant 32 : index
          %get3A_262 = tpu.vector_load %arg5[%get3A_260, %get3A_261] {strides = array<i32>} : memref<128x128xf32, #tpu.memory_space<vmem>>, vector<16xf32>,
          %mul3A_263 = arith.mulf %get3A_262, %bitcast3A_245 : vector<16xf32>
          %swap3A_264 = arith.index_cast %add3A_240 : i32 to index
          %swap3A_265 = arith.constant 32 : index
          %swap3A_266 = tpu.vector_load %arg5[%swap3A_264, %swap3A_265] {strides = array<i32>} : memref<128x128xf32, #tpu.memory_space<vmem>>, vector<16xf32>,
          tpu.vector_store %arg5[%swap3A_264, %swap3A_265], %mul3A_263 {strides = array<i32>} : memref<128x128xf32, #tpu.memory_space<vmem>>, vector<16xf32>,
          %get3A_267 = arith.index_cast %add3A_240 : i32 to index
          %get3A_268 = arith.constant 48 : index
          %get3A_269 = tpu.vector_load %arg5[%get3A_267, %get3A_268] {strides = array<i32>} : memref<128x128xf32, #tpu.memory_space<vmem>>, vector<16xf32>,
          %mul3A_270 = arith.mulf %get3A_269, %bitcast3A_245 : vector<16xf32>
          %swap3A_271 = arith.index_cast %add3A_240 : i32 to index
          %swap3A_272 = arith.constant 48 : index
          %swap3A_273 = tpu.vector_load %arg5[%swap3A_271, %swap3A_272] {strides = array<i32>} : memref<128x128xf32, #tpu.memory_space<vmem>>, vector<16xf32>,
          tpu.vector_store %arg5[%swap3A_271, %swap3A_272], %mul3A_270 {strides = array<i32>} : memref<128x128xf32, #tpu.memory_space<vmem>>, vector<16xf32>,
          %get3A_274 = arith.index_cast %add3A_240 : i32 to index
          %get3A_275 = arith.constant 64 : index
          %get3A_276 = tpu.vector_load %arg5[%get3A_274, %get3A_275] {strides = array<i32>} : memref<128x128xf32, #tpu.memory_space<vmem>>, vector<16xf32>,
          %mul3A_277 = arith.mulf %get3A_276, %bitcast3A_245 : vector<16xf32>
          %swap3A_278 = arith.index_cast %add3A_240 : i32 to index
          %swap3A_279 = arith.constant 64 : index
          %swap3A_280 = tpu.vector_load %arg5[%swap3A_278, %swap3A_279] {strides = array<i32>} : memref<128x128xf32, #tpu.memory_space<vmem>>, vector<16xf32>,
          tpu.vector_store %arg5[%swap3A_278, %swap3A_279], %mul3A_277 {strides = array<i32>} : memref<128x128xf32, #tpu.memory_space<vmem>>, vector<16xf32>,
          %get3A_281 = arith.index_cast %add3A_240 : i32 to index
          %get3A_282 = arith.constant 80 : index
          %get3A_283 = tpu.vector_load %arg5[%get3A_281, %get3A_282] {strides = array<i32>} : memref<128x128xf32, #tpu.memory_space<vmem>>, vector<16xf32>,
          %mul3A_284 = arith.mulf %get3A_283, %bitcast3A_245 : vector<16xf32>
          %swap3A_285 = arith.index_cast %add3A_240 : i32 to index
          %swap3A_286 = arith.constant 80 : index
          %swap3A_287 = tpu.vector_load %arg5[%swap3A_285, %swap3A_286] {strides = array<i32>} : memref<128x128xf32, #tpu.memory_space<vmem>>, vector<16xf32>,
          tpu.vector_store %arg5[%swap3A_285, %swap3A_286], %mul3A_284 {strides = array<i32>} : memref<128x128xf32, #tpu.memory_space<vmem>>, vector<16xf32>,
          %get3A_288 = arith.index_cast %add3A_240 : i32 to index
          %get3A_289 = arith.constant 96 : index
          %get3A_290 = tpu.vector_load %arg5[%get3A_288, %get3A_289] {strides = array<i32>} : memref<128x128xf32, #tpu.memory_space<vmem>>, vector<16xf32>,
          %mul3A_291 = arith.mulf %get3A_290, %bitcast3A_245 : vector<16xf32>
          %swap3A_292 = arith.index_cast %add3A_240 : i32 to index
          %swap3A_293 = arith.constant 96 : index
          %swap3A_294 = tpu.vector_load %arg5[%swap3A_292, %swap3A_293] {strides = array<i32>} : memref<128x128xf32, #tpu.memory_space<vmem>>, vector<16xf32>,
          tpu.vector_store %arg5[%swap3A_292, %swap3A_293], %mul3A_291 {strides = array<i32>} : memref<128x128xf32, #tpu.memory_space<vmem>>, vector<16xf32>,
          %get3A_295 = arith.index_cast %add3A_240 : i32 to index
          %get3A_296 = arith.constant 112 : index
          %get3A_297 = tpu.vector_load %arg5[%get3A_295, %get3A_296] {strides = array<i32>} : memref<128x128xf32, #tpu.memory_space<vmem>>, vector<16xf32>,
          %mul3A_298 = arith.mulf %get3A_297, %bitcast3A_245 : vector<16xf32>
          %swap3A_299 = arith.index_cast %add3A_240 : i32 to index
          %swap3A_300 = arith.constant 112 : index
          %swap3A_301 = tpu.vector_load %arg5[%swap3A_299, %swap3A_300] {strides = array<i32>} : memref<128x128xf32, #tpu.memory_space<vmem>>, vector<16xf32>,
          tpu.vector_store %arg5[%swap3A_299, %swap3A_300], %mul3A_298 {strides = array<i32>} : memref<128x128xf32, #tpu.memory_space<vmem>>, vector<16xf32>,
          %mul3A_302 = arith.constant 4 : i32
          %mul3A_303 = arith.muli %scan3A_110, %mul3A_302 : i32
          %add3A_304 = arith.constant 3 : i32
          %add3A_305 = arith.addi %mul3A_303, %add3A_304 : i32
          %broadcast_in_dim3A_306 = arith.constant 2 : i32
          %broadcast_in_dim3A_307 = vector.broadcast %broadcast_in_dim3A_306 : i32 to vector<16xi32>
          %broadcast_in_dim3A_308 = vector.broadcast %add3A_305 : i32 to vector<16xi32>
          %gather3A_309 = tpu.vector_load_idx %arg7[%broadcast_in_dim3A_307, %broadcast_in_dim3A_308] : memref<3x128xi32, #tpu.memory_space<vmem>>[vector<16xi32>, vector<16xi32>], vector<16xi32>,
          %bitcast3A_310 = vector.bitcast %gather3A_309 : vector<16xi32> to vector<16xf32>
          %get3A_311 = arith.index_cast %add3A_305 : i32 to index
          %get3A_312 = arith.constant 0 : index
          %get3A_313 = tpu.vector_load %arg5[%get3A_311, %get3A_312] {strides = array<i32>} : memref<128x128xf32, #tpu.memory_space<vmem>>, vector<16xf32>,
          %mul3A_314 = arith.mulf %get3A_313, %bitcast3A_310 : vector<16xf32>
          %swap3A_315 = arith.index_cast %add3A_305 : i32 to index
          %swap3A_316 = arith.constant 0 : index
          %swap3A_317 = tpu.vector_load %arg5[%swap3A_315, %swap3A_316] {strides = array<i32>} : memref<128x128xf32, #tpu.memory_space<vmem>>, vector<16xf32>,
          tpu.vector_store %arg5[%swap3A_315, %swap3A_316], %mul3A_314 {strides = array<i32>} : memref<128x128xf32, #tpu.memory_space<vmem>>, vector<16xf32>,
          %get3A_318 = arith.index_cast %add3A_305 : i32 to index
          %get3A_319 = arith.constant 16 : index
          %get3A_320 = tpu.vector_load %arg5[%get3A_318, %get3A_319] {strides = array<i32>} : memref<128x128xf32, #tpu.memory_space<vmem>>, vector<16xf32>,
          %mul3A_321 = arith.mulf %get3A_320, %bitcast3A_310 : vector<16xf32>
          %swap3A_322 = arith.index_cast %add3A_305 : i32 to index
          %swap3A_323 = arith.constant 16 : index
          %swap3A_324 = tpu.vector_load %arg5[%swap3A_322, %swap3A_323] {strides = array<i32>} : memref<128x128xf32, #tpu.memory_space<vmem>>, vector<16xf32>,
          tpu.vector_store %arg5[%swap3A_322, %swap3A_323], %mul3A_321 {strides = array<i32>} : memref<128x128xf32, #tpu.memory_space<vmem>>, vector<16xf32>,
          %get3A_325 = arith.index_cast %add3A_305 : i32 to index
          %get3A_326 = arith.constant 32 : index
          %get3A_327 = tpu.vector_load %arg5[%get3A_325, %get3A_326] {strides = array<i32>} : memref<128x128xf32, #tpu.memory_space<vmem>>, vector<16xf32>,
          %mul3A_328 = arith.mulf %get3A_327, %bitcast3A_310 : vector<16xf32>
          %swap3A_329 = arith.index_cast %add3A_305 : i32 to index
          %swap3A_330 = arith.constant 32 : index
          %swap3A_331 = tpu.vector_load %arg5[%swap3A_329, %swap3A_330] {strides = array<i32>} : memref<128x128xf32, #tpu.memory_space<vmem>>, vector<16xf32>,
          tpu.vector_store %arg5[%swap3A_329, %swap3A_330], %mul3A_328 {strides = array<i32>} : memref<128x128xf32, #tpu.memory_space<vmem>>, vector<16xf32>,
          %get3A_332 = arith.index_cast %add3A_305 : i32 to index
          %get3A_333 = arith.constant 48 : index
          %get3A_334 = tpu.vector_load %arg5[%get3A_332, %get3A_333] {strides = array<i32>} : memref<128x128xf32, #tpu.memory_space<vmem>>, vector<16xf32>,
          %mul3A_335 = arith.mulf %get3A_334, %bitcast3A_310 : vector<16xf32>
          %swap3A_336 = arith.index_cast %add3A_305 : i32 to index
          %swap3A_337 = arith.constant 48 : index
          %swap3A_338 = tpu.vector_load %arg5[%swap3A_336, %swap3A_337] {strides = array<i32>} : memref<128x128xf32, #tpu.memory_space<vmem>>, vector<16xf32>,
          tpu.vector_store %arg5[%swap3A_336, %swap3A_337], %mul3A_335 {strides = array<i32>} : memref<128x128xf32, #tpu.memory_space<vmem>>, vector<16xf32>,
          %get3A_339 = arith.index_cast %add3A_305 : i32 to index
          %get3A_340 = arith.constant 64 : index
          %get3A_341 = tpu.vector_load %arg5[%get3A_339, %get3A_340] {strides = array<i32>} : memref<128x128xf32, #tpu.memory_space<vmem>>, vector<16xf32>,
          %mul3A_342 = arith.mulf %get3A_341, %bitcast3A_310 : vector<16xf32>
          %swap3A_343 = arith.index_cast %add3A_305 : i32 to index
          %swap3A_344 = arith.constant 64 : index
          %swap3A_345 = tpu.vector_load %arg5[%swap3A_343, %swap3A_344] {strides = array<i32>} : memref<128x128xf32, #tpu.memory_space<vmem>>, vector<16xf32>,
          tpu.vector_store %arg5[%swap3A_343, %swap3A_344], %mul3A_342 {strides = array<i32>} : memref<128x128xf32, #tpu.memory_space<vmem>>, vector<16xf32>,
          %get3A_346 = arith.index_cast %add3A_305 : i32 to index
          %get3A_347 = arith.constant 80 : index
          %get3A_348 = tpu.vector_load %arg5[%get3A_346, %get3A_347] {strides = array<i32>} : memref<128x128xf32, #tpu.memory_space<vmem>>, vector<16xf32>,
          %mul3A_349 = arith.mulf %get3A_348, %bitcast3A_310 : vector<16xf32>
          %swap3A_350 = arith.index_cast %add3A_305 : i32 to index
          %swap3A_351 = arith.constant 80 : index
          %swap3A_352 = tpu.vector_load %arg5[%swap3A_350, %swap3A_351] {strides = array<i32>} : memref<128x128xf32, #tpu.memory_space<vmem>>, vector<16xf32>,
          tpu.vector_store %arg5[%swap3A_350, %swap3A_351], %mul3A_349 {strides = array<i32>} : memref<128x128xf32, #tpu.memory_space<vmem>>, vector<16xf32>,
          %get3A_353 = arith.index_cast %add3A_305 : i32 to index
          %get3A_354 = arith.constant 96 : index
          %get3A_355 = tpu.vector_load %arg5[%get3A_353, %get3A_354] {strides = array<i32>} : memref<128x128xf32, #tpu.memory_space<vmem>>, vector<16xf32>,
          %mul3A_356 = arith.mulf %get3A_355, %bitcast3A_310 : vector<16xf32>
          %swap3A_357 = arith.index_cast %add3A_305 : i32 to index
          %swap3A_358 = arith.constant 96 : index
          %swap3A_359 = tpu.vector_load %arg5[%swap3A_357, %swap3A_358] {strides = array<i32>} : memref<128x128xf32, #tpu.memory_space<vmem>>, vector<16xf32>,
          tpu.vector_store %arg5[%swap3A_357, %swap3A_358], %mul3A_356 {strides = array<i32>} : memref<128x128xf32, #tpu.memory_space<vmem>>, vector<16xf32>,
          %get3A_360 = arith.index_cast %add3A_305 : i32 to index
          %get3A_361 = arith.constant 112 : index
          %get3A_362 = tpu.vector_load %arg5[%get3A_360, %get3A_361] {strides = array<i32>} : memref<128x128xf32, #tpu.memory_space<vmem>>, vector<16xf32>,
          %mul3A_363 = arith.mulf %get3A_362, %bitcast3A_310 : vector<16xf32>
          %swap3A_364 = arith.index_cast %add3A_305 : i32 to index
          %swap3A_365 = arith.constant 112 : index
          %swap3A_366 = tpu.vector_load %arg5[%swap3A_364, %swap3A_365] {strides = array<i32>} : memref<128x128xf32, #tpu.memory_space<vmem>>, vector<16xf32>,
          tpu.vector_store %arg5[%swap3A_364, %swap3A_365], %mul3A_363 {strides = array<i32>} : memref<128x128xf32, #tpu.memory_space<vmem>>, vector<16xf32>,
          %scan3A_367 = arith.constant 0 : i32
          scf.yield %scan3A_367 : i32
        }
        %scan3A_103 = arith.constant 32 : i32
        %run_scoped3A = arith.constant 1 : i32
        "tpu.region"() ({
          %run_scoped3A_110 = tpu.sem_alloc : memref<!tpu.dma_semaphore, #tpu.memory_space<semaphore_mem>>
          %dma_start3A_111 = arith.constant 0 : i32
          %dma_start3A_112 = tpu.memref_slice %arg7[%run_scoped3A, %dma_start3A_111] : memref<3x128xi32, #tpu.memory_space<vmem>> -> memref<1x128xi32, #tpu.memory_space<vmem>>
          %dma_start3A_113 = tpu.memref_squeeze %dma_start3A_112 : memref<1x128xi32, #tpu.memory_space<vmem>> -> memref<128xi32, #tpu.memory_space<vmem>>
          %dma_start3A_114 = arith.constant 0 : i32
          %dma_start3A_115 = arith.constant 0 : i32
          %dma_start3A_116 = tpu.memref_slice %arg9[%dma_start3A_114, %dma_start3A_115] : memref<10112x128xf32, #tpu.memory_space<vmem_shared>> -> memref<10112x128xf32, #tpu.memory_space<vmem_shared>>
          tpu.enqueue_indirect_dma source(%arg5 : memref<128x128xf32, #tpu.memory_space<vmem>>) target(%dma_start3A_116 : memref<10112x128xf32, #tpu.memory_space<vmem_shared>>) offsets(%dma_start3A_113 : memref<128xi32, #tpu.memory_space<vmem>>) semaphore(%run_scoped3A_110 : memref<!tpu.dma_semaphore, #tpu.memory_space<semaphore_mem>>) {add = true}
          %dma_wait3A_117 = arith.constant 0 : i32
          %dma_wait3A_118 = tpu.memref_slice %arg7[%run_scoped3A, %dma_wait3A_117] : memref<3x128xi32, #tpu.memory_space<vmem>> -> memref<1x128xi32, #tpu.memory_space<vmem>>
          %dma_wait3A_119 = tpu.memref_squeeze %dma_wait3A_118 : memref<1x128xi32, #tpu.memory_space<vmem>> -> memref<128xi32, #tpu.memory_space<vmem>>
          %dma_wait3A_120 = arith.constant 0 : i32
          %dma_wait3A_121 = arith.constant 0 : i32
          %dma_wait3A_122 = tpu.memref_slice %arg9[%dma_wait3A_120, %dma_wait3A_121] : memref<10112x128xf32, #tpu.memory_space<vmem_shared>> -> memref<10112x128xf32, #tpu.memory_space<vmem_shared>>
          tpu.wait_indirect_dma semaphore(%run_scoped3A_110 : memref<!tpu.dma_semaphore, #tpu.memory_space<semaphore_mem>>) src(%arg5 : memref<128x128xf32, #tpu.memory_space<vmem>>) dst(%dma_wait3A_122 : memref<10112x128xf32, #tpu.memory_space<vmem_shared>>)
          tpu.yield
        }) : () -> ()
        %add3A_104 = arith.constant 2 : i32
        %add3A_105 = arith.addi %add3A_73, %add3A_104 : i32
        %lt3A_106 = arith.cmpi slt, %add3A_105, %select_n3A : i32
        %convert_element_type3A_107 = arith.extui %lt3A_106 : i1 to i32
        %cond3A_108 = arith.constant 0 : i32
        %cond3A_109 = arith.cmpi ne, %convert_element_type3A_107, %cond3A_108 : i32
        scf.if %cond3A_109 {
          %add3A_110 = arith.constant 2 : i32
          %add3A_111 = arith.addi %add3A_73, %add3A_110 : i32
          %add3A_112 = arith.addi %add3A, %add3A_111 : i32
          %dma_start3A_113 = arith.constant 0 : i32
          %dma_start3A_114 = arith.constant 0 : i32
          %dma_start3A_115 = tpu.memref_slice %arg3[%add3A_112, %dma_start3A_113, %dma_start3A_114] : memref<2528x3x128xi32, #tpu.memory_space<hbm>> -> memref<1x3x128xi32, #tpu.memory_space<hbm>>
          %dma_start3A_116 = tpu.memref_squeeze %dma_start3A_115 : memref<1x3x128xi32, #tpu.memory_space<hbm>> -> memref<3x128xi32, #tpu.memory_space<hbm>>
          %dma_start3A_117 = arith.constant 0 : i32
          %dma_start3A_118 = arith.constant 0 : i32
          %dma_start3A_119 = tpu.memref_slice %arg3[%add3A_112, %dma_start3A_117, %dma_start3A_118] : memref<2528x3x128xi32, #tpu.memory_space<hbm>> -> memref<1x3x128xi32, #tpu.memory_space<hbm>>
          %dma_start3A_120 = tpu.memref_squeeze %dma_start3A_119 : memref<1x3x128xi32, #tpu.memory_space<hbm>> -> memref<3x128xi32, #tpu.memory_space<hbm>>
          tpu.enqueue_dma source(%dma_start3A_120 : memref<3x128xi32, #tpu.memory_space<hbm>>) target(%arg7 : memref<3x128xi32, #tpu.memory_space<vmem>>) target_semaphore(%arg12 : memref<!tpu.dma_semaphore, #tpu.memory_space<semaphore_mem>>)
        } else {
        }
      } else {
      }
      %mul3A_75 = arith.constant 2 : i32
      %mul3A_76 = arith.muli %scan3A_68, %mul3A_75 : i32
      %add3A_77 = arith.constant 1 : i32
      %add3A_78 = arith.addi %mul3A_76, %add3A_77 : i32
      %lt3A_79 = arith.cmpi slt, %add3A_78, %select_n3A : i32
      %convert_element_type3A_80 = arith.extui %lt3A_79 : i1 to i32
      %cond3A_81 = arith.constant 0 : i32
      %cond3A_82 = arith.cmpi ne, %convert_element_type3A_80, %cond3A_81 : i32
      scf.if %cond3A_82 {
        %dma_wait3A_84 = arith.constant 0 : i32
        %dma_wait3A_85 = arith.constant 0 : i32
        %dma_wait3A_86 = tpu.memref_slice %arg8[%dma_wait3A_84, %dma_wait3A_85] : memref<3x128xi32, #tpu.memory_space<vmem>> -> memref<1x128xi32, #tpu.memory_space<vmem>>
        %dma_wait3A_87 = tpu.memref_squeeze %dma_wait3A_86 : memref<1x128xi32, #tpu.memory_space<vmem>> -> memref<128xi32, #tpu.memory_space<vmem>>
        %dma_wait3A_88 = arith.constant 0 : i32
        %dma_wait3A_89 = arith.constant 0 : i32
        %dma_wait3A_90 = tpu.memref_slice %arg2[%dma_wait3A_88, %dma_wait3A_89] : memref<80000x128xf32, #tpu.memory_space<hbm>> -> memref<80000x128xf32, #tpu.memory_space<hbm>>
        tpu.wait_indirect_dma semaphore(%arg11 : memref<!tpu.dma_semaphore, #tpu.memory_space<semaphore_mem>>) src(%dma_wait3A_90 : memref<80000x128xf32, #tpu.memory_space<hbm>>) dst(%arg6 : memref<128x128xf32, #tpu.memory_space<vmem>>)
        %add3A_91 = arith.constant 1 : i32
        %add3A_92 = arith.addi %add3A_78, %add3A_91 : i32
        %lt3A_93 = arith.cmpi slt, %add3A_92, %select_n3A : i32
        %convert_element_type3A_94 = arith.extui %lt3A_93 : i1 to i32
        %cond3A_95 = arith.constant 0 : i32
        %cond3A_96 = arith.cmpi ne, %convert_element_type3A_94, %cond3A_95 : i32
        scf.if %cond3A_96 {
          %add3A_110 = arith.constant 1 : i32
          %add3A_111 = arith.addi %add3A_78, %add3A_110 : i32
          %add3A_112 = arith.addi %add3A, %add3A_111 : i32
          %dma_wait3A_113 = arith.constant 0 : i32
          %dma_wait3A_114 = arith.constant 0 : i32
          %dma_wait3A_115 = tpu.memref_slice %arg3[%add3A_112, %dma_wait3A_113, %dma_wait3A_114] : memref<2528x3x128xi32, #tpu.memory_space<hbm>> -> memref<1x3x128xi32, #tpu.memory_space<hbm>>
          %dma_wait3A_116 = tpu.memref_squeeze %dma_wait3A_115 : memref<1x3x128xi32, #tpu.memory_space<hbm>> -> memref<3x128xi32, #tpu.memory_space<hbm>>
          %dma_wait3A_117 = arith.constant 0 : i32
          %dma_wait3A_118 = arith.constant 0 : i32
          %dma_wait3A_119 = tpu.memref_slice %arg3[%add3A_112, %dma_wait3A_117, %dma_wait3A_118] : memref<2528x3x128xi32, #tpu.memory_space<hbm>> -> memref<1x3x128xi32, #tpu.memory_space<hbm>>
          %dma_wait3A_120 = tpu.memref_squeeze %dma_wait3A_119 : memref<1x3x128xi32, #tpu.memory_space<hbm>> -> memref<3x128xi32, #tpu.memory_space<hbm>>
          tpu.wait_dma2 semaphore(%arg12 : memref<!tpu.dma_semaphore, #tpu.memory_space<semaphore_mem>>) src(%dma_wait3A_120 : memref<3x128xi32, #tpu.memory_space<hbm>>) dst(%arg7 : memref<3x128xi32, #tpu.memory_space<vmem>>)
          %add3A_121 = arith.constant 1 : i32
          %add3A_122 = arith.addi %add3A_78, %add3A_121 : i32
          %dma_start3A_123 = arith.constant 0 : i32
          %dma_start3A_124 = arith.constant 0 : i32
          %dma_start3A_125 = tpu.memref_slice %arg7[%dma_start3A_123, %dma_start3A_124] : memref<3x128xi32, #tpu.memory_space<vmem>> -> memref<1x128xi32, #tpu.memory_space<vmem>>
          %dma_start3A_126 = tpu.memref_squeeze %dma_start3A_125 : memref<1x128xi32, #tpu.memory_space<vmem>> -> memref<128xi32, #tpu.memory_space<vmem>>
          %dma_start3A_127 = arith.constant 0 : i32
          %dma_start3A_128 = arith.constant 0 : i32
          %dma_start3A_129 = tpu.memref_slice %arg2[%dma_start3A_127, %dma_start3A_128] : memref<80000x128xf32, #tpu.memory_space<hbm>> -> memref<80000x128xf32, #tpu.memory_space<hbm>>
          tpu.enqueue_indirect_dma source(%dma_start3A_129 : memref<80000x128xf32, #tpu.memory_space<hbm>>) target(%arg5 : memref<128x128xf32, #tpu.memory_space<vmem>>) offsets(%dma_start3A_126 : memref<128xi32, #tpu.memory_space<vmem>>) semaphore(%arg10 : memref<!tpu.dma_semaphore, #tpu.memory_space<semaphore_mem>>)
        } else {
        }
        %scan3A_97 = arith.constant 0 : i32
        %scan3A_98 = arith.constant 0 : i32
        %scan3A_99 = arith.constant 32 : i32
        %scan3A_100 = arith.addi %scan3A_98, %scan3A_99 : i32
        %scan3A_101 = arith.constant 1 : i32
        %scan3A_102 = scf.for %scan3A_110 = %scan3A_98 to %scan3A_100 step %scan3A_101 iter_args(%scan3A_111 = %scan3A_97) -> (i32)  : i32 {
          %mul3A_112 = arith.constant 4 : i32
          %mul3A_113 = arith.muli %scan3A_110, %mul3A_112 : i32
          %add3A_114 = arith.constant 0 : i32
          %add3A_115 = arith.addi %mul3A_113, %add3A_114 : i32
          %broadcast_in_dim3A = arith.constant 2 : i32
          %broadcast_in_dim3A_116 = vector.broadcast %broadcast_in_dim3A : i32 to vector<16xi32>
          %broadcast_in_dim3A_117 = vector.broadcast %add3A_115 : i32 to vector<16xi32>
          %gather3A = tpu.vector_load_idx %arg8[%broadcast_in_dim3A_116, %broadcast_in_dim3A_117] : memref<3x128xi32, #tpu.memory_space<vmem>>[vector<16xi32>, vector<16xi32>], vector<16xi32>,
          %bitcast3A = vector.bitcast %gather3A : vector<16xi32> to vector<16xf32>
          %get3A = arith.index_cast %add3A_115 : i32 to index
          %get3A_118 = arith.constant 0 : index
          %get3A_119 = tpu.vector_load %arg6[%get3A, %get3A_118] {strides = array<i32>} : memref<128x128xf32, #tpu.memory_space<vmem>>, vector<16xf32>,
          %mul3A_120 = arith.mulf %get3A_119, %bitcast3A : vector<16xf32>
          %swap3A = arith.index_cast %add3A_115 : i32 to index
          %swap3A_121 = arith.constant 0 : index
          %swap3A_122 = tpu.vector_load %arg6[%swap3A, %swap3A_121] {strides = array<i32>} : memref<128x128xf32, #tpu.memory_space<vmem>>, vector<16xf32>,
          tpu.vector_store %arg6[%swap3A, %swap3A_121], %mul3A_120 {strides = array<i32>} : memref<128x128xf32, #tpu.memory_space<vmem>>, vector<16xf32>,
          %get3A_123 = arith.index_cast %add3A_115 : i32 to index
          %get3A_124 = arith.constant 16 : index
          %get3A_125 = tpu.vector_load %arg6[%get3A_123, %get3A_124] {strides = array<i32>} : memref<128x128xf32, #tpu.memory_space<vmem>>, vector<16xf32>,
          %mul3A_126 = arith.mulf %get3A_125, %bitcast3A : vector<16xf32>
          %swap3A_127 = arith.index_cast %add3A_115 : i32 to index
          %swap3A_128 = arith.constant 16 : index
          %swap3A_129 = tpu.vector_load %arg6[%swap3A_127, %swap3A_128] {strides = array<i32>} : memref<128x128xf32, #tpu.memory_space<vmem>>, vector<16xf32>,
          tpu.vector_store %arg6[%swap3A_127, %swap3A_128], %mul3A_126 {strides = array<i32>} : memref<128x128xf32, #tpu.memory_space<vmem>>, vector<16xf32>,
          %get3A_130 = arith.index_cast %add3A_115 : i32 to index
          %get3A_131 = arith.constant 32 : index
          %get3A_132 = tpu.vector_load %arg6[%get3A_130, %get3A_131] {strides = array<i32>} : memref<128x128xf32, #tpu.memory_space<vmem>>, vector<16xf32>,
          %mul3A_133 = arith.mulf %get3A_132, %bitcast3A : vector<16xf32>
          %swap3A_134 = arith.index_cast %add3A_115 : i32 to index
          %swap3A_135 = arith.constant 32 : index
          %swap3A_136 = tpu.vector_load %arg6[%swap3A_134, %swap3A_135] {strides = array<i32>} : memref<128x128xf32, #tpu.memory_space<vmem>>, vector<16xf32>,
          tpu.vector_store %arg6[%swap3A_134, %swap3A_135], %mul3A_133 {strides = array<i32>} : memref<128x128xf32, #tpu.memory_space<vmem>>, vector<16xf32>,
          %get3A_137 = arith.index_cast %add3A_115 : i32 to index
          %get3A_138 = arith.constant 48 : index
          %get3A_139 = tpu.vector_load %arg6[%get3A_137, %get3A_138] {strides = array<i32>} : memref<128x128xf32, #tpu.memory_space<vmem>>, vector<16xf32>,
          %mul3A_140 = arith.mulf %get3A_139, %bitcast3A : vector<16xf32>
          %swap3A_141 = arith.index_cast %add3A_115 : i32 to index
          %swap3A_142 = arith.constant 48 : index
          %swap3A_143 = tpu.vector_load %arg6[%swap3A_141, %swap3A_142] {strides = array<i32>} : memref<128x128xf32, #tpu.memory_space<vmem>>, vector<16xf32>,
          tpu.vector_store %arg6[%swap3A_141, %swap3A_142], %mul3A_140 {strides = array<i32>} : memref<128x128xf32, #tpu.memory_space<vmem>>, vector<16xf32>,
          %get3A_144 = arith.index_cast %add3A_115 : i32 to index
          %get3A_145 = arith.constant 64 : index
          %get3A_146 = tpu.vector_load %arg6[%get3A_144, %get3A_145] {strides = array<i32>} : memref<128x128xf32, #tpu.memory_space<vmem>>, vector<16xf32>,
          %mul3A_147 = arith.mulf %get3A_146, %bitcast3A : vector<16xf32>
          %swap3A_148 = arith.index_cast %add3A_115 : i32 to index
          %swap3A_149 = arith.constant 64 : index
          %swap3A_150 = tpu.vector_load %arg6[%swap3A_148, %swap3A_149] {strides = array<i32>} : memref<128x128xf32, #tpu.memory_space<vmem>>, vector<16xf32>,
          tpu.vector_store %arg6[%swap3A_148, %swap3A_149], %mul3A_147 {strides = array<i32>} : memref<128x128xf32, #tpu.memory_space<vmem>>, vector<16xf32>,
          %get3A_151 = arith.index_cast %add3A_115 : i32 to index
          %get3A_152 = arith.constant 80 : index
          %get3A_153 = tpu.vector_load %arg6[%get3A_151, %get3A_152] {strides = array<i32>} : memref<128x128xf32, #tpu.memory_space<vmem>>, vector<16xf32>,
          %mul3A_154 = arith.mulf %get3A_153, %bitcast3A : vector<16xf32>
          %swap3A_155 = arith.index_cast %add3A_115 : i32 to index
          %swap3A_156 = arith.constant 80 : index
          %swap3A_157 = tpu.vector_load %arg6[%swap3A_155, %swap3A_156] {strides = array<i32>} : memref<128x128xf32, #tpu.memory_space<vmem>>, vector<16xf32>,
          tpu.vector_store %arg6[%swap3A_155, %swap3A_156], %mul3A_154 {strides = array<i32>} : memref<128x128xf32, #tpu.memory_space<vmem>>, vector<16xf32>,
          %get3A_158 = arith.index_cast %add3A_115 : i32 to index
          %get3A_159 = arith.constant 96 : index
          %get3A_160 = tpu.vector_load %arg6[%get3A_158, %get3A_159] {strides = array<i32>} : memref<128x128xf32, #tpu.memory_space<vmem>>, vector<16xf32>,
          %mul3A_161 = arith.mulf %get3A_160, %bitcast3A : vector<16xf32>
          %swap3A_162 = arith.index_cast %add3A_115 : i32 to index
          %swap3A_163 = arith.constant 96 : index
          %swap3A_164 = tpu.vector_load %arg6[%swap3A_162, %swap3A_163] {strides = array<i32>} : memref<128x128xf32, #tpu.memory_space<vmem>>, vector<16xf32>,
          tpu.vector_store %arg6[%swap3A_162, %swap3A_163], %mul3A_161 {strides = array<i32>} : memref<128x128xf32, #tpu.memory_space<vmem>>, vector<16xf32>,
          %get3A_165 = arith.index_cast %add3A_115 : i32 to index
          %get3A_166 = arith.constant 112 : index
          %get3A_167 = tpu.vector_load %arg6[%get3A_165, %get3A_166] {strides = array<i32>} : memref<128x128xf32, #tpu.memory_space<vmem>>, vector<16xf32>,
          %mul3A_168 = arith.mulf %get3A_167, %bitcast3A : vector<16xf32>
          %swap3A_169 = arith.index_cast %add3A_115 : i32 to index
          %swap3A_170 = arith.constant 112 : index
          %swap3A_171 = tpu.vector_load %arg6[%swap3A_169, %swap3A_170] {strides = array<i32>} : memref<128x128xf32, #tpu.memory_space<vmem>>, vector<16xf32>,
          tpu.vector_store %arg6[%swap3A_169, %swap3A_170], %mul3A_168 {strides = array<i32>} : memref<128x128xf32, #tpu.memory_space<vmem>>, vector<16xf32>,
          %mul3A_172 = arith.constant 4 : i32
          %mul3A_173 = arith.muli %scan3A_110, %mul3A_172 : i32
          %add3A_174 = arith.constant 1 : i32
          %add3A_175 = arith.addi %mul3A_173, %add3A_174 : i32
          %broadcast_in_dim3A_176 = arith.constant 2 : i32
          %broadcast_in_dim3A_177 = vector.broadcast %broadcast_in_dim3A_176 : i32 to vector<16xi32>
          %broadcast_in_dim3A_178 = vector.broadcast %add3A_175 : i32 to vector<16xi32>
          %gather3A_179 = tpu.vector_load_idx %arg8[%broadcast_in_dim3A_177, %broadcast_in_dim3A_178] : memref<3x128xi32, #tpu.memory_space<vmem>>[vector<16xi32>, vector<16xi32>], vector<16xi32>,
          %bitcast3A_180 = vector.bitcast %gather3A_179 : vector<16xi32> to vector<16xf32>
          %get3A_181 = arith.index_cast %add3A_175 : i32 to index
          %get3A_182 = arith.constant 0 : index
          %get3A_183 = tpu.vector_load %arg6[%get3A_181, %get3A_182] {strides = array<i32>} : memref<128x128xf32, #tpu.memory_space<vmem>>, vector<16xf32>,
          %mul3A_184 = arith.mulf %get3A_183, %bitcast3A_180 : vector<16xf32>
          %swap3A_185 = arith.index_cast %add3A_175 : i32 to index
          %swap3A_186 = arith.constant 0 : index
          %swap3A_187 = tpu.vector_load %arg6[%swap3A_185, %swap3A_186] {strides = array<i32>} : memref<128x128xf32, #tpu.memory_space<vmem>>, vector<16xf32>,
          tpu.vector_store %arg6[%swap3A_185, %swap3A_186], %mul3A_184 {strides = array<i32>} : memref<128x128xf32, #tpu.memory_space<vmem>>, vector<16xf32>,
          %get3A_188 = arith.index_cast %add3A_175 : i32 to index
          %get3A_189 = arith.constant 16 : index
          %get3A_190 = tpu.vector_load %arg6[%get3A_188, %get3A_189] {strides = array<i32>} : memref<128x128xf32, #tpu.memory_space<vmem>>, vector<16xf32>,
          %mul3A_191 = arith.mulf %get3A_190, %bitcast3A_180 : vector<16xf32>
          %swap3A_192 = arith.index_cast %add3A_175 : i32 to index
          %swap3A_193 = arith.constant 16 : index
          %swap3A_194 = tpu.vector_load %arg6[%swap3A_192, %swap3A_193] {strides = array<i32>} : memref<128x128xf32, #tpu.memory_space<vmem>>, vector<16xf32>,
          tpu.vector_store %arg6[%swap3A_192, %swap3A_193], %mul3A_191 {strides = array<i32>} : memref<128x128xf32, #tpu.memory_space<vmem>>, vector<16xf32>,
          %get3A_195 = arith.index_cast %add3A_175 : i32 to index
          %get3A_196 = arith.constant 32 : index
          %get3A_197 = tpu.vector_load %arg6[%get3A_195, %get3A_196] {strides = array<i32>} : memref<128x128xf32, #tpu.memory_space<vmem>>, vector<16xf32>,
          %mul3A_198 = arith.mulf %get3A_197, %bitcast3A_180 : vector<16xf32>
          %swap3A_199 = arith.index_cast %add3A_175 : i32 to index
          %swap3A_200 = arith.constant 32 : index
          %swap3A_201 = tpu.vector_load %arg6[%swap3A_199, %swap3A_200] {strides = array<i32>} : memref<128x128xf32, #tpu.memory_space<vmem>>, vector<16xf32>,
          tpu.vector_store %arg6[%swap3A_199, %swap3A_200], %mul3A_198 {strides = array<i32>} : memref<128x128xf32, #tpu.memory_space<vmem>>, vector<16xf32>,
          %get3A_202 = arith.index_cast %add3A_175 : i32 to index
          %get3A_203 = arith.constant 48 : index
          %get3A_204 = tpu.vector_load %arg6[%get3A_202, %get3A_203] {strides = array<i32>} : memref<128x128xf32, #tpu.memory_space<vmem>>, vector<16xf32>,
          %mul3A_205 = arith.mulf %get3A_204, %bitcast3A_180 : vector<16xf32>
          %swap3A_206 = arith.index_cast %add3A_175 : i32 to index
          %swap3A_207 = arith.constant 48 : index
          %swap3A_208 = tpu.vector_load %arg6[%swap3A_206, %swap3A_207] {strides = array<i32>} : memref<128x128xf32, #tpu.memory_space<vmem>>, vector<16xf32>,
          tpu.vector_store %arg6[%swap3A_206, %swap3A_207], %mul3A_205 {strides = array<i32>} : memref<128x128xf32, #tpu.memory_space<vmem>>, vector<16xf32>,
          %get3A_209 = arith.index_cast %add3A_175 : i32 to index
          %get3A_210 = arith.constant 64 : index
          %get3A_211 = tpu.vector_load %arg6[%get3A_209, %get3A_210] {strides = array<i32>} : memref<128x128xf32, #tpu.memory_space<vmem>>, vector<16xf32>,
          %mul3A_212 = arith.mulf %get3A_211, %bitcast3A_180 : vector<16xf32>
          %swap3A_213 = arith.index_cast %add3A_175 : i32 to index
          %swap3A_214 = arith.constant 64 : index
          %swap3A_215 = tpu.vector_load %arg6[%swap3A_213, %swap3A_214] {strides = array<i32>} : memref<128x128xf32, #tpu.memory_space<vmem>>, vector<16xf32>,
          tpu.vector_store %arg6[%swap3A_213, %swap3A_214], %mul3A_212 {strides = array<i32>} : memref<128x128xf32, #tpu.memory_space<vmem>>, vector<16xf32>,
          %get3A_216 = arith.index_cast %add3A_175 : i32 to index
          %get3A_217 = arith.constant 80 : index
          %get3A_218 = tpu.vector_load %arg6[%get3A_216, %get3A_217] {strides = array<i32>} : memref<128x128xf32, #tpu.memory_space<vmem>>, vector<16xf32>,
          %mul3A_219 = arith.mulf %get3A_218, %bitcast3A_180 : vector<16xf32>
          %swap3A_220 = arith.index_cast %add3A_175 : i32 to index
          %swap3A_221 = arith.constant 80 : index
          %swap3A_222 = tpu.vector_load %arg6[%swap3A_220, %swap3A_221] {strides = array<i32>} : memref<128x128xf32, #tpu.memory_space<vmem>>, vector<16xf32>,
          tpu.vector_store %arg6[%swap3A_220, %swap3A_221], %mul3A_219 {strides = array<i32>} : memref<128x128xf32, #tpu.memory_space<vmem>>, vector<16xf32>,
          %get3A_223 = arith.index_cast %add3A_175 : i32 to index
          %get3A_224 = arith.constant 96 : index
          %get3A_225 = tpu.vector_load %arg6[%get3A_223, %get3A_224] {strides = array<i32>} : memref<128x128xf32, #tpu.memory_space<vmem>>, vector<16xf32>,
          %mul3A_226 = arith.mulf %get3A_225, %bitcast3A_180 : vector<16xf32>
          %swap3A_227 = arith.index_cast %add3A_175 : i32 to index
          %swap3A_228 = arith.constant 96 : index
          %swap3A_229 = tpu.vector_load %arg6[%swap3A_227, %swap3A_228] {strides = array<i32>} : memref<128x128xf32, #tpu.memory_space<vmem>>, vector<16xf32>,
          tpu.vector_store %arg6[%swap3A_227, %swap3A_228], %mul3A_226 {strides = array<i32>} : memref<128x128xf32, #tpu.memory_space<vmem>>, vector<16xf32>,
          %get3A_230 = arith.index_cast %add3A_175 : i32 to index
          %get3A_231 = arith.constant 112 : index
          %get3A_232 = tpu.vector_load %arg6[%get3A_230, %get3A_231] {strides = array<i32>} : memref<128x128xf32, #tpu.memory_space<vmem>>, vector<16xf32>,
          %mul3A_233 = arith.mulf %get3A_232, %bitcast3A_180 : vector<16xf32>
          %swap3A_234 = arith.index_cast %add3A_175 : i32 to index
          %swap3A_235 = arith.constant 112 : index
          %swap3A_236 = tpu.vector_load %arg6[%swap3A_234, %swap3A_235] {strides = array<i32>} : memref<128x128xf32, #tpu.memory_space<vmem>>, vector<16xf32>,
          tpu.vector_store %arg6[%swap3A_234, %swap3A_235], %mul3A_233 {strides = array<i32>} : memref<128x128xf32, #tpu.memory_space<vmem>>, vector<16xf32>,
          %mul3A_237 = arith.constant 4 : i32
          %mul3A_238 = arith.muli %scan3A_110, %mul3A_237 : i32
          %add3A_239 = arith.constant 2 : i32
          %add3A_240 = arith.addi %mul3A_238, %add3A_239 : i32
          %broadcast_in_dim3A_241 = arith.constant 2 : i32
          %broadcast_in_dim3A_242 = vector.broadcast %broadcast_in_dim3A_241 : i32 to vector<16xi32>
          %broadcast_in_dim3A_243 = vector.broadcast %add3A_240 : i32 to vector<16xi32>
          %gather3A_244 = tpu.vector_load_idx %arg8[%broadcast_in_dim3A_242, %broadcast_in_dim3A_243] : memref<3x128xi32, #tpu.memory_space<vmem>>[vector<16xi32>, vector<16xi32>], vector<16xi32>,
          %bitcast3A_245 = vector.bitcast %gather3A_244 : vector<16xi32> to vector<16xf32>
          %get3A_246 = arith.index_cast %add3A_240 : i32 to index
          %get3A_247 = arith.constant 0 : index
          %get3A_248 = tpu.vector_load %arg6[%get3A_246, %get3A_247] {strides = array<i32>} : memref<128x128xf32, #tpu.memory_space<vmem>>, vector<16xf32>,
          %mul3A_249 = arith.mulf %get3A_248, %bitcast3A_245 : vector<16xf32>
          %swap3A_250 = arith.index_cast %add3A_240 : i32 to index
          %swap3A_251 = arith.constant 0 : index
          %swap3A_252 = tpu.vector_load %arg6[%swap3A_250, %swap3A_251] {strides = array<i32>} : memref<128x128xf32, #tpu.memory_space<vmem>>, vector<16xf32>,
          tpu.vector_store %arg6[%swap3A_250, %swap3A_251], %mul3A_249 {strides = array<i32>} : memref<128x128xf32, #tpu.memory_space<vmem>>, vector<16xf32>,
          %get3A_253 = arith.index_cast %add3A_240 : i32 to index
          %get3A_254 = arith.constant 16 : index
          %get3A_255 = tpu.vector_load %arg6[%get3A_253, %get3A_254] {strides = array<i32>} : memref<128x128xf32, #tpu.memory_space<vmem>>, vector<16xf32>,
          %mul3A_256 = arith.mulf %get3A_255, %bitcast3A_245 : vector<16xf32>
          %swap3A_257 = arith.index_cast %add3A_240 : i32 to index
          %swap3A_258 = arith.constant 16 : index
          %swap3A_259 = tpu.vector_load %arg6[%swap3A_257, %swap3A_258] {strides = array<i32>} : memref<128x128xf32, #tpu.memory_space<vmem>>, vector<16xf32>,
          tpu.vector_store %arg6[%swap3A_257, %swap3A_258], %mul3A_256 {strides = array<i32>} : memref<128x128xf32, #tpu.memory_space<vmem>>, vector<16xf32>,
          %get3A_260 = arith.index_cast %add3A_240 : i32 to index
          %get3A_261 = arith.constant 32 : index
          %get3A_262 = tpu.vector_load %arg6[%get3A_260, %get3A_261] {strides = array<i32>} : memref<128x128xf32, #tpu.memory_space<vmem>>, vector<16xf32>,
          %mul3A_263 = arith.mulf %get3A_262, %bitcast3A_245 : vector<16xf32>
          %swap3A_264 = arith.index_cast %add3A_240 : i32 to index
          %swap3A_265 = arith.constant 32 : index
          %swap3A_266 = tpu.vector_load %arg6[%swap3A_264, %swap3A_265] {strides = array<i32>} : memref<128x128xf32, #tpu.memory_space<vmem>>, vector<16xf32>,
          tpu.vector_store %arg6[%swap3A_264, %swap3A_265], %mul3A_263 {strides = array<i32>} : memref<128x128xf32, #tpu.memory_space<vmem>>, vector<16xf32>,
          %get3A_267 = arith.index_cast %add3A_240 : i32 to index
          %get3A_268 = arith.constant 48 : index
          %get3A_269 = tpu.vector_load %arg6[%get3A_267, %get3A_268] {strides = array<i32>} : memref<128x128xf32, #tpu.memory_space<vmem>>, vector<16xf32>,
          %mul3A_270 = arith.mulf %get3A_269, %bitcast3A_245 : vector<16xf32>
          %swap3A_271 = arith.index_cast %add3A_240 : i32 to index
          %swap3A_272 = arith.constant 48 : index
          %swap3A_273 = tpu.vector_load %arg6[%swap3A_271, %swap3A_272] {strides = array<i32>} : memref<128x128xf32, #tpu.memory_space<vmem>>, vector<16xf32>,
          tpu.vector_store %arg6[%swap3A_271, %swap3A_272], %mul3A_270 {strides = array<i32>} : memref<128x128xf32, #tpu.memory_space<vmem>>, vector<16xf32>,
          %get3A_274 = arith.index_cast %add3A_240 : i32 to index
          %get3A_275 = arith.constant 64 : index
          %get3A_276 = tpu.vector_load %arg6[%get3A_274, %get3A_275] {strides = array<i32>} : memref<128x128xf32, #tpu.memory_space<vmem>>, vector<16xf32>,
          %mul3A_277 = arith.mulf %get3A_276, %bitcast3A_245 : vector<16xf32>
          %swap3A_278 = arith.index_cast %add3A_240 : i32 to index
          %swap3A_279 = arith.constant 64 : index
          %swap3A_280 = tpu.vector_load %arg6[%swap3A_278, %swap3A_279] {strides = array<i32>} : memref<128x128xf32, #tpu.memory_space<vmem>>, vector<16xf32>,
          tpu.vector_store %arg6[%swap3A_278, %swap3A_279], %mul3A_277 {strides = array<i32>} : memref<128x128xf32, #tpu.memory_space<vmem>>, vector<16xf32>,
          %get3A_281 = arith.index_cast %add3A_240 : i32 to index
          %get3A_282 = arith.constant 80 : index
          %get3A_283 = tpu.vector_load %arg6[%get3A_281, %get3A_282] {strides = array<i32>} : memref<128x128xf32, #tpu.memory_space<vmem>>, vector<16xf32>,
          %mul3A_284 = arith.mulf %get3A_283, %bitcast3A_245 : vector<16xf32>
          %swap3A_285 = arith.index_cast %add3A_240 : i32 to index
          %swap3A_286 = arith.constant 80 : index
          %swap3A_287 = tpu.vector_load %arg6[%swap3A_285, %swap3A_286] {strides = array<i32>} : memref<128x128xf32, #tpu.memory_space<vmem>>, vector<16xf32>,
          tpu.vector_store %arg6[%swap3A_285, %swap3A_286], %mul3A_284 {strides = array<i32>} : memref<128x128xf32, #tpu.memory_space<vmem>>, vector<16xf32>,
          %get3A_288 = arith.index_cast %add3A_240 : i32 to index
          %get3A_289 = arith.constant 96 : index
          %get3A_290 = tpu.vector_load %arg6[%get3A_288, %get3A_289] {strides = array<i32>} : memref<128x128xf32, #tpu.memory_space<vmem>>, vector<16xf32>,
          %mul3A_291 = arith.mulf %get3A_290, %bitcast3A_245 : vector<16xf32>
          %swap3A_292 = arith.index_cast %add3A_240 : i32 to index
          %swap3A_293 = arith.constant 96 : index
          %swap3A_294 = tpu.vector_load %arg6[%swap3A_292, %swap3A_293] {strides = array<i32>} : memref<128x128xf32, #tpu.memory_space<vmem>>, vector<16xf32>,
          tpu.vector_store %arg6[%swap3A_292, %swap3A_293], %mul3A_291 {strides = array<i32>} : memref<128x128xf32, #tpu.memory_space<vmem>>, vector<16xf32>,
          %get3A_295 = arith.index_cast %add3A_240 : i32 to index
          %get3A_296 = arith.constant 112 : index
          %get3A_297 = tpu.vector_load %arg6[%get3A_295, %get3A_296] {strides = array<i32>} : memref<128x128xf32, #tpu.memory_space<vmem>>, vector<16xf32>,
          %mul3A_298 = arith.mulf %get3A_297, %bitcast3A_245 : vector<16xf32>
          %swap3A_299 = arith.index_cast %add3A_240 : i32 to index
          %swap3A_300 = arith.constant 112 : index
          %swap3A_301 = tpu.vector_load %arg6[%swap3A_299, %swap3A_300] {strides = array<i32>} : memref<128x128xf32, #tpu.memory_space<vmem>>, vector<16xf32>,
          tpu.vector_store %arg6[%swap3A_299, %swap3A_300], %mul3A_298 {strides = array<i32>} : memref<128x128xf32, #tpu.memory_space<vmem>>, vector<16xf32>,
          %mul3A_302 = arith.constant 4 : i32
          %mul3A_303 = arith.muli %scan3A_110, %mul3A_302 : i32
          %add3A_304 = arith.constant 3 : i32
          %add3A_305 = arith.addi %mul3A_303, %add3A_304 : i32
          %broadcast_in_dim3A_306 = arith.constant 2 : i32
          %broadcast_in_dim3A_307 = vector.broadcast %broadcast_in_dim3A_306 : i32 to vector<16xi32>
          %broadcast_in_dim3A_308 = vector.broadcast %add3A_305 : i32 to vector<16xi32>
          %gather3A_309 = tpu.vector_load_idx %arg8[%broadcast_in_dim3A_307, %broadcast_in_dim3A_308] : memref<3x128xi32, #tpu.memory_space<vmem>>[vector<16xi32>, vector<16xi32>], vector<16xi32>,
          %bitcast3A_310 = vector.bitcast %gather3A_309 : vector<16xi32> to vector<16xf32>
          %get3A_311 = arith.index_cast %add3A_305 : i32 to index
          %get3A_312 = arith.constant 0 : index
          %get3A_313 = tpu.vector_load %arg6[%get3A_311, %get3A_312] {strides = array<i32>} : memref<128x128xf32, #tpu.memory_space<vmem>>, vector<16xf32>,
          %mul3A_314 = arith.mulf %get3A_313, %bitcast3A_310 : vector<16xf32>
          %swap3A_315 = arith.index_cast %add3A_305 : i32 to index
          %swap3A_316 = arith.constant 0 : index
          %swap3A_317 = tpu.vector_load %arg6[%swap3A_315, %swap3A_316] {strides = array<i32>} : memref<128x128xf32, #tpu.memory_space<vmem>>, vector<16xf32>,
          tpu.vector_store %arg6[%swap3A_315, %swap3A_316], %mul3A_314 {strides = array<i32>} : memref<128x128xf32, #tpu.memory_space<vmem>>, vector<16xf32>,
          %get3A_318 = arith.index_cast %add3A_305 : i32 to index
          %get3A_319 = arith.constant 16 : index
          %get3A_320 = tpu.vector_load %arg6[%get3A_318, %get3A_319] {strides = array<i32>} : memref<128x128xf32, #tpu.memory_space<vmem>>, vector<16xf32>,
          %mul3A_321 = arith.mulf %get3A_320, %bitcast3A_310 : vector<16xf32>
          %swap3A_322 = arith.index_cast %add3A_305 : i32 to index
          %swap3A_323 = arith.constant 16 : index
          %swap3A_324 = tpu.vector_load %arg6[%swap3A_322, %swap3A_323] {strides = array<i32>} : memref<128x128xf32, #tpu.memory_space<vmem>>, vector<16xf32>,
          tpu.vector_store %arg6[%swap3A_322, %swap3A_323], %mul3A_321 {strides = array<i32>} : memref<128x128xf32, #tpu.memory_space<vmem>>, vector<16xf32>,
          %get3A_325 = arith.index_cast %add3A_305 : i32 to index
          %get3A_326 = arith.constant 32 : index
          %get3A_327 = tpu.vector_load %arg6[%get3A_325, %get3A_326] {strides = array<i32>} : memref<128x128xf32, #tpu.memory_space<vmem>>, vector<16xf32>,
          %mul3A_328 = arith.mulf %get3A_327, %bitcast3A_310 : vector<16xf32>
          %swap3A_329 = arith.index_cast %add3A_305 : i32 to index
          %swap3A_330 = arith.constant 32 : index
          %swap3A_331 = tpu.vector_load %arg6[%swap3A_329, %swap3A_330] {strides = array<i32>} : memref<128x128xf32, #tpu.memory_space<vmem>>, vector<16xf32>,
          tpu.vector_store %arg6[%swap3A_329, %swap3A_330], %mul3A_328 {strides = array<i32>} : memref<128x128xf32, #tpu.memory_space<vmem>>, vector<16xf32>,
          %get3A_332 = arith.index_cast %add3A_305 : i32 to index
          %get3A_333 = arith.constant 48 : index
          %get3A_334 = tpu.vector_load %arg6[%get3A_332, %get3A_333] {strides = array<i32>} : memref<128x128xf32, #tpu.memory_space<vmem>>, vector<16xf32>,
          %mul3A_335 = arith.mulf %get3A_334, %bitcast3A_310 : vector<16xf32>
          %swap3A_336 = arith.index_cast %add3A_305 : i32 to index
          %swap3A_337 = arith.constant 48 : index
          %swap3A_338 = tpu.vector_load %arg6[%swap3A_336, %swap3A_337] {strides = array<i32>} : memref<128x128xf32, #tpu.memory_space<vmem>>, vector<16xf32>,
          tpu.vector_store %arg6[%swap3A_336, %swap3A_337], %mul3A_335 {strides = array<i32>} : memref<128x128xf32, #tpu.memory_space<vmem>>, vector<16xf32>,
          %get3A_339 = arith.index_cast %add3A_305 : i32 to index
          %get3A_340 = arith.constant 64 : index
          %get3A_341 = tpu.vector_load %arg6[%get3A_339, %get3A_340] {strides = array<i32>} : memref<128x128xf32, #tpu.memory_space<vmem>>, vector<16xf32>,
          %mul3A_342 = arith.mulf %get3A_341, %bitcast3A_310 : vector<16xf32>
          %swap3A_343 = arith.index_cast %add3A_305 : i32 to index
          %swap3A_344 = arith.constant 64 : index
          %swap3A_345 = tpu.vector_load %arg6[%swap3A_343, %swap3A_344] {strides = array<i32>} : memref<128x128xf32, #tpu.memory_space<vmem>>, vector<16xf32>,
          tpu.vector_store %arg6[%swap3A_343, %swap3A_344], %mul3A_342 {strides = array<i32>} : memref<128x128xf32, #tpu.memory_space<vmem>>, vector<16xf32>,
          %get3A_346 = arith.index_cast %add3A_305 : i32 to index
          %get3A_347 = arith.constant 80 : index
          %get3A_348 = tpu.vector_load %arg6[%get3A_346, %get3A_347] {strides = array<i32>} : memref<128x128xf32, #tpu.memory_space<vmem>>, vector<16xf32>,
          %mul3A_349 = arith.mulf %get3A_348, %bitcast3A_310 : vector<16xf32>
          %swap3A_350 = arith.index_cast %add3A_305 : i32 to index
          %swap3A_351 = arith.constant 80 : index
          %swap3A_352 = tpu.vector_load %arg6[%swap3A_350, %swap3A_351] {strides = array<i32>} : memref<128x128xf32, #tpu.memory_space<vmem>>, vector<16xf32>,
          tpu.vector_store %arg6[%swap3A_350, %swap3A_351], %mul3A_349 {strides = array<i32>} : memref<128x128xf32, #tpu.memory_space<vmem>>, vector<16xf32>,
          %get3A_353 = arith.index_cast %add3A_305 : i32 to index
          %get3A_354 = arith.constant 96 : index
          %get3A_355 = tpu.vector_load %arg6[%get3A_353, %get3A_354] {strides = array<i32>} : memref<128x128xf32, #tpu.memory_space<vmem>>, vector<16xf32>,
          %mul3A_356 = arith.mulf %get3A_355, %bitcast3A_310 : vector<16xf32>
          %swap3A_357 = arith.index_cast %add3A_305 : i32 to index
          %swap3A_358 = arith.constant 96 : index
          %swap3A_359 = tpu.vector_load %arg6[%swap3A_357, %swap3A_358] {strides = array<i32>} : memref<128x128xf32, #tpu.memory_space<vmem>>, vector<16xf32>,
          tpu.vector_store %arg6[%swap3A_357, %swap3A_358], %mul3A_356 {strides = array<i32>} : memref<128x128xf32, #tpu.memory_space<vmem>>, vector<16xf32>,
          %get3A_360 = arith.index_cast %add3A_305 : i32 to index
          %get3A_361 = arith.constant 112 : index
          %get3A_362 = tpu.vector_load %arg6[%get3A_360, %get3A_361] {strides = array<i32>} : memref<128x128xf32, #tpu.memory_space<vmem>>, vector<16xf32>,
          %mul3A_363 = arith.mulf %get3A_362, %bitcast3A_310 : vector<16xf32>
          %swap3A_364 = arith.index_cast %add3A_305 : i32 to index
          %swap3A_365 = arith.constant 112 : index
          %swap3A_366 = tpu.vector_load %arg6[%swap3A_364, %swap3A_365] {strides = array<i32>} : memref<128x128xf32, #tpu.memory_space<vmem>>, vector<16xf32>,
          tpu.vector_store %arg6[%swap3A_364, %swap3A_365], %mul3A_363 {strides = array<i32>} : memref<128x128xf32, #tpu.memory_space<vmem>>, vector<16xf32>,
          %scan3A_367 = arith.constant 0 : i32
          scf.yield %scan3A_367 : i32
        }
        %scan3A_103 = arith.constant 32 : i32
        %run_scoped3A = arith.constant 1 : i32
        "tpu.region"() ({
          %run_scoped3A_110 = tpu.sem_alloc : memref<!tpu.dma_semaphore, #tpu.memory_space<semaphore_mem>>
          %dma_start3A_111 = arith.constant 0 : i32
          %dma_start3A_112 = tpu.memref_slice %arg8[%run_scoped3A, %dma_start3A_111] : memref<3x128xi32, #tpu.memory_space<vmem>> -> memref<1x128xi32, #tpu.memory_space<vmem>>
          %dma_start3A_113 = tpu.memref_squeeze %dma_start3A_112 : memref<1x128xi32, #tpu.memory_space<vmem>> -> memref<128xi32, #tpu.memory_space<vmem>>
          %dma_start3A_114 = arith.constant 0 : i32
          %dma_start3A_115 = arith.constant 0 : i32
          %dma_start3A_116 = tpu.memref_slice %arg9[%dma_start3A_114, %dma_start3A_115] : memref<10112x128xf32, #tpu.memory_space<vmem_shared>> -> memref<10112x128xf32, #tpu.memory_space<vmem_shared>>
          tpu.enqueue_indirect_dma source(%arg6 : memref<128x128xf32, #tpu.memory_space<vmem>>) target(%dma_start3A_116 : memref<10112x128xf32, #tpu.memory_space<vmem_shared>>) offsets(%dma_start3A_113 : memref<128xi32, #tpu.memory_space<vmem>>) semaphore(%run_scoped3A_110 : memref<!tpu.dma_semaphore, #tpu.memory_space<semaphore_mem>>) {add = true}
          %dma_wait3A_117 = arith.constant 0 : i32
          %dma_wait3A_118 = tpu.memref_slice %arg8[%run_scoped3A, %dma_wait3A_117] : memref<3x128xi32, #tpu.memory_space<vmem>> -> memref<1x128xi32, #tpu.memory_space<vmem>>
          %dma_wait3A_119 = tpu.memref_squeeze %dma_wait3A_118 : memref<1x128xi32, #tpu.memory_space<vmem>> -> memref<128xi32, #tpu.memory_space<vmem>>
          %dma_wait3A_120 = arith.constant 0 : i32
          %dma_wait3A_121 = arith.constant 0 : i32
          %dma_wait3A_122 = tpu.memref_slice %arg9[%dma_wait3A_120, %dma_wait3A_121] : memref<10112x128xf32, #tpu.memory_space<vmem_shared>> -> memref<10112x128xf32, #tpu.memory_space<vmem_shared>>
          tpu.wait_indirect_dma semaphore(%run_scoped3A_110 : memref<!tpu.dma_semaphore, #tpu.memory_space<semaphore_mem>>) src(%arg6 : memref<128x128xf32, #tpu.memory_space<vmem>>) dst(%dma_wait3A_122 : memref<10112x128xf32, #tpu.memory_space<vmem_shared>>)
          tpu.yield
        }) : () -> ()
        %add3A_104 = arith.constant 2 : i32
        %add3A_105 = arith.addi %add3A_78, %add3A_104 : i32
        %lt3A_106 = arith.cmpi slt, %add3A_105, %select_n3A : i32
        %convert_element_type3A_107 = arith.extui %lt3A_106 : i1 to i32
        %cond3A_108 = arith.constant 0 : i32
        %cond3A_109 = arith.cmpi ne, %convert_element_type3A_107, %cond3A_108 : i32
        scf.if %cond3A_109 {
          %add3A_110 = arith.constant 2 : i32
          %add3A_111 = arith.addi %add3A_78, %add3A_110 : i32
          %add3A_112 = arith.addi %add3A, %add3A_111 : i32
          %dma_start3A_113 = arith.constant 0 : i32
          %dma_start3A_114 = arith.constant 0 : i32
          %dma_start3A_115 = tpu.memref_slice %arg3[%add3A_112, %dma_start3A_113, %dma_start3A_114] : memref<2528x3x128xi32, #tpu.memory_space<hbm>> -> memref<1x3x128xi32, #tpu.memory_space<hbm>>
          %dma_start3A_116 = tpu.memref_squeeze %dma_start3A_115 : memref<1x3x128xi32, #tpu.memory_space<hbm>> -> memref<3x128xi32, #tpu.memory_space<hbm>>
          %dma_start3A_117 = arith.constant 0 : i32
          %dma_start3A_118 = arith.constant 0 : i32
          %dma_start3A_119 = tpu.memref_slice %arg3[%add3A_112, %dma_start3A_117, %dma_start3A_118] : memref<2528x3x128xi32, #tpu.memory_space<hbm>> -> memref<1x3x128xi32, #tpu.memory_space<hbm>>
          %dma_start3A_120 = tpu.memref_squeeze %dma_start3A_119 : memref<1x3x128xi32, #tpu.memory_space<hbm>> -> memref<3x128xi32, #tpu.memory_space<hbm>>
          tpu.enqueue_dma source(%dma_start3A_120 : memref<3x128xi32, #tpu.memory_space<hbm>>) target(%arg8 : memref<3x128xi32, #tpu.memory_space<vmem>>) target_semaphore(%arg13 : memref<!tpu.dma_semaphore, #tpu.memory_space<semaphore_mem>>)
        } else {
        }
      } else {
      }
      %scan3A_83 = arith.constant 0 : i32
      scf.yield %scan3A_83 : i32
    }
    %scan3A_59 = arith.constant 54 : i32
    %barrier3A_60 = arith.constant 0 : index
    tpu.barrier barrier_id(%barrier3A_60)
    %scan3A_61 = arith.constant 0 : i32
    %scan3A_62 = arith.constant 0 : i32
    %scan3A_63 = arith.constant 5 : i32
    %scan3A_64 = arith.addi %scan3A_62, %scan3A_63 : i32
    %scan3A_65 = arith.constant 1 : i32
    %scan3A_66 = scf.for %scan3A_68 = %scan3A_62 to %scan3A_64 step %scan3A_65 iter_args(%scan3A_69 = %scan3A_61) -> (i32)  : i32 {
      %mul3A_70 = arith.constant 16 : i32
      %mul3A_71 = arith.muli %scan3A_68, %mul3A_70 : i32
      %add3A_72 = arith.addi %arg1, %mul3A_71 : i32
      %lt3A = arith.constant 79 : i32
      %lt3A_73 = arith.cmpi slt, %add3A_72, %lt3A : i32
      %convert_element_type3A = arith.extui %lt3A_73 : i1 to i32
      %cond3A = arith.constant 0 : i32
      %cond3A_74 = arith.cmpi ne, %convert_element_type3A, %cond3A : i32
      scf.if %cond3A_74 {
        %mul3A_76 = arith.constant 128 : i32
        %mul3A_77 = arith.muli %add3A_72, %mul3A_76 : i32
        "tpu.region"() ({
          %run_scoped3A = tpu.sem_alloc : memref<!tpu.dma_semaphore, #tpu.memory_space<semaphore_mem>>
          %dma_start3A_78 = arith.constant 0 : i32
          %dma_start3A_79 = tpu.memref_slice %arg4[%arg0, %mul3A_77, %dma_start3A_78] : memref<2x10112x128xf32, #tpu.memory_space<hbm>> -> memref<1x128x128xf32, #tpu.memory_space<hbm>>
          %dma_start3A_80 = tpu.memref_squeeze %dma_start3A_79 : memref<1x128x128xf32, #tpu.memory_space<hbm>> -> memref<128x128xf32, #tpu.memory_space<hbm>>
          %dma_start3A_81 = arith.constant 0 : i32
          %dma_start3A_82 = tpu.memref_slice %arg9[%mul3A_77, %dma_start3A_81] : memref<10112x128xf32, #tpu.memory_space<vmem_shared>> -> memref<128x128xf32, #tpu.memory_space<vmem_shared>>
          tpu.enqueue_dma source(%dma_start3A_82 : memref<128x128xf32, #tpu.memory_space<vmem_shared>>) target(%dma_start3A_80 : memref<128x128xf32, #tpu.memory_space<hbm>>) target_semaphore(%run_scoped3A : memref<!tpu.dma_semaphore, #tpu.memory_space<semaphore_mem>>)
          %dma_wait3A_83 = arith.constant 0 : i32
          %dma_wait3A_84 = tpu.memref_slice %arg4[%arg0, %mul3A_77, %dma_wait3A_83] : memref<2x10112x128xf32, #tpu.memory_space<hbm>> -> memref<1x128x128xf32, #tpu.memory_space<hbm>>
          %dma_wait3A_85 = tpu.memref_squeeze %dma_wait3A_84 : memref<1x128x128xf32, #tpu.memory_space<hbm>> -> memref<128x128xf32, #tpu.memory_space<hbm>>
          %dma_wait3A_86 = arith.constant 0 : i32
          %dma_wait3A_87 = tpu.memref_slice %arg9[%mul3A_77, %dma_wait3A_86] : memref<10112x128xf32, #tpu.memory_space<vmem_shared>> -> memref<128x128xf32, #tpu.memory_space<vmem_shared>>
          tpu.wait_dma2 semaphore(%run_scoped3A : memref<!tpu.dma_semaphore, #tpu.memory_space<semaphore_mem>>) src(%dma_wait3A_87 : memref<128x128xf32, #tpu.memory_space<vmem_shared>>) dst(%dma_wait3A_85 : memref<128x128xf32, #tpu.memory_space<hbm>>)
          tpu.yield
        }) : () -> ()
      } else {
      }
      %scan3A_75 = arith.constant 0 : i32
      scf.yield %scan3A_75 : i32
    }
    %scan3A_67 = arith.constant 5 : i32
    return
  }
}

#map = affine_map<(d0, d1) -> (0, 0)>
#map1 = affine_map<(d0, d1) -> (0, 0, 0)>
module attributes {stable_mosaic.version = 14 : i64} {
  func.func @_msg_body(%arg0: i32, %arg1: i32, %arg2: memref<80000x128xf32, #tpu.memory_space<hbm>>, %arg3: memref<2528x3x128xi32, #tpu.memory_space<hbm>>, %arg4: memref<2x10112x128xf32, #tpu.memory_space<hbm>>, %arg5: memref<128x128xf32, #tpu.memory_space<vmem>>, %arg6: memref<128x128xf32, #tpu.memory_space<vmem>>, %arg7: memref<3x128xi32, #tpu.memory_space<vmem>>, %arg8: memref<3x128xi32, #tpu.memory_space<vmem>>, %arg9: memref<10112x128xf32, #tpu.memory_space<vmem_shared>>, %arg10: memref<!tpu.dma_semaphore, #tpu.memory_space<semaphore_mem>>, %arg11: memref<!tpu.dma_semaphore, #tpu.memory_space<semaphore_mem>>, %arg12: memref<!tpu.dma_semaphore, #tpu.memory_space<semaphore_mem>>, %arg13: memref<!tpu.dma_semaphore, #tpu.memory_space<semaphore_mem>>) attributes {dimension_semantics = [#tpu.dimension_semantics<core_parallel>, #tpu.dimension_semantics<subcore_parallel>], iteration_bounds = array<i64: 2, 16>, scalar_prefetch = 0 : i64, scratch_operands = 9 : i64, tpu.core_type = #tpu.core_type<sc_vector_subcore>, window_params = [{transform_indices = #map}, {transform_indices = #map1}, {transform_indices = #map1}]} {
    %eq3A = arith.constant 0 : i32
    %eq3A_0 = arith.cmpi eq, %arg0, %eq3A : i32
    %jit3A = arith.constant 108 : i32
    %jit3A_1 = arith.constant 50 : i32
    %select_n3A = arith.select %eq3A_0, %jit3A, %jit3A_1 : i32
    %mul3A = arith.constant 158 : i32
    %mul3A_2 = arith.muli %arg1, %mul3A : i32
    %mul3A_3 = arith.constant 108 : i32
    %mul3A_4 = arith.muli %arg0, %mul3A_3 : i32
    %add3A = arith.addi %mul3A_2, %mul3A_4 : i32
    %scan3A = arith.constant 0 : i32
    %scan3A_5 = arith.constant 0 : i32
    %scan3A_6 = arith.constant 32 : i32
    %scan3A_7 = arith.addi %scan3A_5, %scan3A_6 : i32
    %scan3A_8 = arith.constant 1 : i32
    %scan3A_9 = scf.for %scan3A_68 = %scan3A_5 to %scan3A_7 step %scan3A_8 iter_args(%scan3A_69 = %scan3A) -> (i32)  : i32 {
      %broadcast_in_dim3A = arith.constant 0.000000e+00 : f32
      %broadcast_in_dim3A_70 = vector.broadcast %broadcast_in_dim3A : f32 to vector<16xf32>
      %mul3A_71 = arith.constant 4 : i32
      %mul3A_72 = arith.muli %scan3A_68, %mul3A_71 : i32
      %add3A_73 = arith.constant 0 : i32
      %add3A_74 = arith.addi %mul3A_72, %add3A_73 : i32
      %swap3A = arith.index_cast %add3A_74 : i32 to index
      %swap3A_75 = arith.constant 0 : index
      %swap3A_76 = tpu.vector_load %arg5[%swap3A, %swap3A_75] {strides = array<i32>} : memref<128x128xf32, #tpu.memory_space<vmem>>, vector<16xf32>,
      tpu.vector_store %arg5[%swap3A, %swap3A_75], %broadcast_in_dim3A_70 {strides = array<i32>} : memref<128x128xf32, #tpu.memory_space<vmem>>, vector<16xf32>,
      %broadcast_in_dim3A_77 = arith.constant 0.000000e+00 : f32
      %broadcast_in_dim3A_78 = vector.broadcast %broadcast_in_dim3A_77 : f32 to vector<16xf32>
      %mul3A_79 = arith.constant 4 : i32
      %mul3A_80 = arith.muli %scan3A_68, %mul3A_79 : i32
      %add3A_81 = arith.constant 0 : i32
      %add3A_82 = arith.addi %mul3A_80, %add3A_81 : i32
      %swap3A_83 = arith.index_cast %add3A_82 : i32 to index
      %swap3A_84 = arith.constant 16 : index
      %swap3A_85 = tpu.vector_load %arg5[%swap3A_83, %swap3A_84] {strides = array<i32>} : memref<128x128xf32, #tpu.memory_space<vmem>>, vector<16xf32>,
      tpu.vector_store %arg5[%swap3A_83, %swap3A_84], %broadcast_in_dim3A_78 {strides = array<i32>} : memref<128x128xf32, #tpu.memory_space<vmem>>, vector<16xf32>,
      %broadcast_in_dim3A_86 = arith.constant 0.000000e+00 : f32
      %broadcast_in_dim3A_87 = vector.broadcast %broadcast_in_dim3A_86 : f32 to vector<16xf32>
      %mul3A_88 = arith.constant 4 : i32
      %mul3A_89 = arith.muli %scan3A_68, %mul3A_88 : i32
      %add3A_90 = arith.constant 0 : i32
      %add3A_91 = arith.addi %mul3A_89, %add3A_90 : i32
      %swap3A_92 = arith.index_cast %add3A_91 : i32 to index
      %swap3A_93 = arith.constant 32 : index
      %swap3A_94 = tpu.vector_load %arg5[%swap3A_92, %swap3A_93] {strides = array<i32>} : memref<128x128xf32, #tpu.memory_space<vmem>>, vector<16xf32>,
      tpu.vector_store %arg5[%swap3A_92, %swap3A_93], %broadcast_in_dim3A_87 {strides = array<i32>} : memref<128x128xf32, #tpu.memory_space<vmem>>, vector<16xf32>,
      %broadcast_in_dim3A_95 = arith.constant 0.000000e+00 : f32
      %broadcast_in_dim3A_96 = vector.broadcast %broadcast_in_dim3A_95 : f32 to vector<16xf32>
      %mul3A_97 = arith.constant 4 : i32
      %mul3A_98 = arith.muli %scan3A_68, %mul3A_97 : i32
      %add3A_99 = arith.constant 0 : i32
      %add3A_100 = arith.addi %mul3A_98, %add3A_99 : i32
      %swap3A_101 = arith.index_cast %add3A_100 : i32 to index
      %swap3A_102 = arith.constant 48 : index
      %swap3A_103 = tpu.vector_load %arg5[%swap3A_101, %swap3A_102] {strides = array<i32>} : memref<128x128xf32, #tpu.memory_space<vmem>>, vector<16xf32>,
      tpu.vector_store %arg5[%swap3A_101, %swap3A_102], %broadcast_in_dim3A_96 {strides = array<i32>} : memref<128x128xf32, #tpu.memory_space<vmem>>, vector<16xf32>,
      %broadcast_in_dim3A_104 = arith.constant 0.000000e+00 : f32
      %broadcast_in_dim3A_105 = vector.broadcast %broadcast_in_dim3A_104 : f32 to vector<16xf32>
      %mul3A_106 = arith.constant 4 : i32
      %mul3A_107 = arith.muli %scan3A_68, %mul3A_106 : i32
      %add3A_108 = arith.constant 0 : i32
      %add3A_109 = arith.addi %mul3A_107, %add3A_108 : i32
      %swap3A_110 = arith.index_cast %add3A_109 : i32 to index
      %swap3A_111 = arith.constant 64 : index
      %swap3A_112 = tpu.vector_load %arg5[%swap3A_110, %swap3A_111] {strides = array<i32>} : memref<128x128xf32, #tpu.memory_space<vmem>>, vector<16xf32>,
      tpu.vector_store %arg5[%swap3A_110, %swap3A_111], %broadcast_in_dim3A_105 {strides = array<i32>} : memref<128x128xf32, #tpu.memory_space<vmem>>, vector<16xf32>,
      %broadcast_in_dim3A_113 = arith.constant 0.000000e+00 : f32
      %broadcast_in_dim3A_114 = vector.broadcast %broadcast_in_dim3A_113 : f32 to vector<16xf32>
      %mul3A_115 = arith.constant 4 : i32
      %mul3A_116 = arith.muli %scan3A_68, %mul3A_115 : i32
      %add3A_117 = arith.constant 0 : i32
      %add3A_118 = arith.addi %mul3A_116, %add3A_117 : i32
      %swap3A_119 = arith.index_cast %add3A_118 : i32 to index
      %swap3A_120 = arith.constant 80 : index
      %swap3A_121 = tpu.vector_load %arg5[%swap3A_119, %swap3A_120] {strides = array<i32>} : memref<128x128xf32, #tpu.memory_space<vmem>>, vector<16xf32>,
      tpu.vector_store %arg5[%swap3A_119, %swap3A_120], %broadcast_in_dim3A_114 {strides = array<i32>} : memref<128x128xf32, #tpu.memory_space<vmem>>, vector<16xf32>,
      %broadcast_in_dim3A_122 = arith.constant 0.000000e+00 : f32
      %broadcast_in_dim3A_123 = vector.broadcast %broadcast_in_dim3A_122 : f32 to vector<16xf32>
      %mul3A_124 = arith.constant 4 : i32
      %mul3A_125 = arith.muli %scan3A_68, %mul3A_124 : i32
      %add3A_126 = arith.constant 0 : i32
      %add3A_127 = arith.addi %mul3A_125, %add3A_126 : i32
      %swap3A_128 = arith.index_cast %add3A_127 : i32 to index
      %swap3A_129 = arith.constant 96 : index
      %swap3A_130 = tpu.vector_load %arg5[%swap3A_128, %swap3A_129] {strides = array<i32>} : memref<128x128xf32, #tpu.memory_space<vmem>>, vector<16xf32>,
      tpu.vector_store %arg5[%swap3A_128, %swap3A_129], %broadcast_in_dim3A_123 {strides = array<i32>} : memref<128x128xf32, #tpu.memory_space<vmem>>, vector<16xf32>,
      %broadcast_in_dim3A_131 = arith.constant 0.000000e+00 : f32
      %broadcast_in_dim3A_132 = vector.broadcast %broadcast_in_dim3A_131 : f32 to vector<16xf32>
      %mul3A_133 = arith.constant 4 : i32
      %mul3A_134 = arith.muli %scan3A_68, %mul3A_133 : i32
      %add3A_135 = arith.constant 0 : i32
      %add3A_136 = arith.addi %mul3A_134, %add3A_135 : i32
      %swap3A_137 = arith.index_cast %add3A_136 : i32 to index
      %swap3A_138 = arith.constant 112 : index
      %swap3A_139 = tpu.vector_load %arg5[%swap3A_137, %swap3A_138] {strides = array<i32>} : memref<128x128xf32, #tpu.memory_space<vmem>>, vector<16xf32>,
      tpu.vector_store %arg5[%swap3A_137, %swap3A_138], %broadcast_in_dim3A_132 {strides = array<i32>} : memref<128x128xf32, #tpu.memory_space<vmem>>, vector<16xf32>,
      %broadcast_in_dim3A_140 = arith.constant 0.000000e+00 : f32
      %broadcast_in_dim3A_141 = vector.broadcast %broadcast_in_dim3A_140 : f32 to vector<16xf32>
      %mul3A_142 = arith.constant 4 : i32
      %mul3A_143 = arith.muli %scan3A_68, %mul3A_142 : i32
      %add3A_144 = arith.constant 1 : i32
      %add3A_145 = arith.addi %mul3A_143, %add3A_144 : i32
      %swap3A_146 = arith.index_cast %add3A_145 : i32 to index
      %swap3A_147 = arith.constant 0 : index
      %swap3A_148 = tpu.vector_load %arg5[%swap3A_146, %swap3A_147] {strides = array<i32>} : memref<128x128xf32, #tpu.memory_space<vmem>>, vector<16xf32>,
      tpu.vector_store %arg5[%swap3A_146, %swap3A_147], %broadcast_in_dim3A_141 {strides = array<i32>} : memref<128x128xf32, #tpu.memory_space<vmem>>, vector<16xf32>,
      %broadcast_in_dim3A_149 = arith.constant 0.000000e+00 : f32
      %broadcast_in_dim3A_150 = vector.broadcast %broadcast_in_dim3A_149 : f32 to vector<16xf32>
      %mul3A_151 = arith.constant 4 : i32
      %mul3A_152 = arith.muli %scan3A_68, %mul3A_151 : i32
      %add3A_153 = arith.constant 1 : i32
      %add3A_154 = arith.addi %mul3A_152, %add3A_153 : i32
      %swap3A_155 = arith.index_cast %add3A_154 : i32 to index
      %swap3A_156 = arith.constant 16 : index
      %swap3A_157 = tpu.vector_load %arg5[%swap3A_155, %swap3A_156] {strides = array<i32>} : memref<128x128xf32, #tpu.memory_space<vmem>>, vector<16xf32>,
      tpu.vector_store %arg5[%swap3A_155, %swap3A_156], %broadcast_in_dim3A_150 {strides = array<i32>} : memref<128x128xf32, #tpu.memory_space<vmem>>, vector<16xf32>,
      %broadcast_in_dim3A_158 = arith.constant 0.000000e+00 : f32
      %broadcast_in_dim3A_159 = vector.broadcast %broadcast_in_dim3A_158 : f32 to vector<16xf32>
      %mul3A_160 = arith.constant 4 : i32
      %mul3A_161 = arith.muli %scan3A_68, %mul3A_160 : i32
      %add3A_162 = arith.constant 1 : i32
      %add3A_163 = arith.addi %mul3A_161, %add3A_162 : i32
      %swap3A_164 = arith.index_cast %add3A_163 : i32 to index
      %swap3A_165 = arith.constant 32 : index
      %swap3A_166 = tpu.vector_load %arg5[%swap3A_164, %swap3A_165] {strides = array<i32>} : memref<128x128xf32, #tpu.memory_space<vmem>>, vector<16xf32>,
      tpu.vector_store %arg5[%swap3A_164, %swap3A_165], %broadcast_in_dim3A_159 {strides = array<i32>} : memref<128x128xf32, #tpu.memory_space<vmem>>, vector<16xf32>,
      %broadcast_in_dim3A_167 = arith.constant 0.000000e+00 : f32
      %broadcast_in_dim3A_168 = vector.broadcast %broadcast_in_dim3A_167 : f32 to vector<16xf32>
      %mul3A_169 = arith.constant 4 : i32
      %mul3A_170 = arith.muli %scan3A_68, %mul3A_169 : i32
      %add3A_171 = arith.constant 1 : i32
      %add3A_172 = arith.addi %mul3A_170, %add3A_171 : i32
      %swap3A_173 = arith.index_cast %add3A_172 : i32 to index
      %swap3A_174 = arith.constant 48 : index
      %swap3A_175 = tpu.vector_load %arg5[%swap3A_173, %swap3A_174] {strides = array<i32>} : memref<128x128xf32, #tpu.memory_space<vmem>>, vector<16xf32>,
      tpu.vector_store %arg5[%swap3A_173, %swap3A_174], %broadcast_in_dim3A_168 {strides = array<i32>} : memref<128x128xf32, #tpu.memory_space<vmem>>, vector<16xf32>,
      %broadcast_in_dim3A_176 = arith.constant 0.000000e+00 : f32
      %broadcast_in_dim3A_177 = vector.broadcast %broadcast_in_dim3A_176 : f32 to vector<16xf32>
      %mul3A_178 = arith.constant 4 : i32
      %mul3A_179 = arith.muli %scan3A_68, %mul3A_178 : i32
      %add3A_180 = arith.constant 1 : i32
      %add3A_181 = arith.addi %mul3A_179, %add3A_180 : i32
      %swap3A_182 = arith.index_cast %add3A_181 : i32 to index
      %swap3A_183 = arith.constant 64 : index
      %swap3A_184 = tpu.vector_load %arg5[%swap3A_182, %swap3A_183] {strides = array<i32>} : memref<128x128xf32, #tpu.memory_space<vmem>>, vector<16xf32>,
      tpu.vector_store %arg5[%swap3A_182, %swap3A_183], %broadcast_in_dim3A_177 {strides = array<i32>} : memref<128x128xf32, #tpu.memory_space<vmem>>, vector<16xf32>,
      %broadcast_in_dim3A_185 = arith.constant 0.000000e+00 : f32
      %broadcast_in_dim3A_186 = vector.broadcast %broadcast_in_dim3A_185 : f32 to vector<16xf32>
      %mul3A_187 = arith.constant 4 : i32
      %mul3A_188 = arith.muli %scan3A_68, %mul3A_187 : i32
      %add3A_189 = arith.constant 1 : i32
      %add3A_190 = arith.addi %mul3A_188, %add3A_189 : i32
      %swap3A_191 = arith.index_cast %add3A_190 : i32 to index
      %swap3A_192 = arith.constant 80 : index
      %swap3A_193 = tpu.vector_load %arg5[%swap3A_191, %swap3A_192] {strides = array<i32>} : memref<128x128xf32, #tpu.memory_space<vmem>>, vector<16xf32>,
      tpu.vector_store %arg5[%swap3A_191, %swap3A_192], %broadcast_in_dim3A_186 {strides = array<i32>} : memref<128x128xf32, #tpu.memory_space<vmem>>, vector<16xf32>,
      %broadcast_in_dim3A_194 = arith.constant 0.000000e+00 : f32
      %broadcast_in_dim3A_195 = vector.broadcast %broadcast_in_dim3A_194 : f32 to vector<16xf32>
      %mul3A_196 = arith.constant 4 : i32
      %mul3A_197 = arith.muli %scan3A_68, %mul3A_196 : i32
      %add3A_198 = arith.constant 1 : i32
      %add3A_199 = arith.addi %mul3A_197, %add3A_198 : i32
      %swap3A_200 = arith.index_cast %add3A_199 : i32 to index
      %swap3A_201 = arith.constant 96 : index
      %swap3A_202 = tpu.vector_load %arg5[%swap3A_200, %swap3A_201] {strides = array<i32>} : memref<128x128xf32, #tpu.memory_space<vmem>>, vector<16xf32>,
      tpu.vector_store %arg5[%swap3A_200, %swap3A_201], %broadcast_in_dim3A_195 {strides = array<i32>} : memref<128x128xf32, #tpu.memory_space<vmem>>, vector<16xf32>,
      %broadcast_in_dim3A_203 = arith.constant 0.000000e+00 : f32
      %broadcast_in_dim3A_204 = vector.broadcast %broadcast_in_dim3A_203 : f32 to vector<16xf32>
      %mul3A_205 = arith.constant 4 : i32
      %mul3A_206 = arith.muli %scan3A_68, %mul3A_205 : i32
      %add3A_207 = arith.constant 1 : i32
      %add3A_208 = arith.addi %mul3A_206, %add3A_207 : i32
      %swap3A_209 = arith.index_cast %add3A_208 : i32 to index
      %swap3A_210 = arith.constant 112 : index
      %swap3A_211 = tpu.vector_load %arg5[%swap3A_209, %swap3A_210] {strides = array<i32>} : memref<128x128xf32, #tpu.memory_space<vmem>>, vector<16xf32>,
      tpu.vector_store %arg5[%swap3A_209, %swap3A_210], %broadcast_in_dim3A_204 {strides = array<i32>} : memref<128x128xf32, #tpu.memory_space<vmem>>, vector<16xf32>,
      %broadcast_in_dim3A_212 = arith.constant 0.000000e+00 : f32
      %broadcast_in_dim3A_213 = vector.broadcast %broadcast_in_dim3A_212 : f32 to vector<16xf32>
      %mul3A_214 = arith.constant 4 : i32
      %mul3A_215 = arith.muli %scan3A_68, %mul3A_214 : i32
      %add3A_216 = arith.constant 2 : i32
      %add3A_217 = arith.addi %mul3A_215, %add3A_216 : i32
      %swap3A_218 = arith.index_cast %add3A_217 : i32 to index
      %swap3A_219 = arith.constant 0 : index
      %swap3A_220 = tpu.vector_load %arg5[%swap3A_218, %swap3A_219] {strides = array<i32>} : memref<128x128xf32, #tpu.memory_space<vmem>>, vector<16xf32>,
      tpu.vector_store %arg5[%swap3A_218, %swap3A_219], %broadcast_in_dim3A_213 {strides = array<i32>} : memref<128x128xf32, #tpu.memory_space<vmem>>, vector<16xf32>,
      %broadcast_in_dim3A_221 = arith.constant 0.000000e+00 : f32
      %broadcast_in_dim3A_222 = vector.broadcast %broadcast_in_dim3A_221 : f32 to vector<16xf32>
      %mul3A_223 = arith.constant 4 : i32
      %mul3A_224 = arith.muli %scan3A_68, %mul3A_223 : i32
      %add3A_225 = arith.constant 2 : i32
      %add3A_226 = arith.addi %mul3A_224, %add3A_225 : i32
      %swap3A_227 = arith.index_cast %add3A_226 : i32 to index
      %swap3A_228 = arith.constant 16 : index
      %swap3A_229 = tpu.vector_load %arg5[%swap3A_227, %swap3A_228] {strides = array<i32>} : memref<128x128xf32, #tpu.memory_space<vmem>>, vector<16xf32>,
      tpu.vector_store %arg5[%swap3A_227, %swap3A_228], %broadcast_in_dim3A_222 {strides = array<i32>} : memref<128x128xf32, #tpu.memory_space<vmem>>, vector<16xf32>,
      %broadcast_in_dim3A_230 = arith.constant 0.000000e+00 : f32
      %broadcast_in_dim3A_231 = vector.broadcast %broadcast_in_dim3A_230 : f32 to vector<16xf32>
      %mul3A_232 = arith.constant 4 : i32
      %mul3A_233 = arith.muli %scan3A_68, %mul3A_232 : i32
      %add3A_234 = arith.constant 2 : i32
      %add3A_235 = arith.addi %mul3A_233, %add3A_234 : i32
      %swap3A_236 = arith.index_cast %add3A_235 : i32 to index
      %swap3A_237 = arith.constant 32 : index
      %swap3A_238 = tpu.vector_load %arg5[%swap3A_236, %swap3A_237] {strides = array<i32>} : memref<128x128xf32, #tpu.memory_space<vmem>>, vector<16xf32>,
      tpu.vector_store %arg5[%swap3A_236, %swap3A_237], %broadcast_in_dim3A_231 {strides = array<i32>} : memref<128x128xf32, #tpu.memory_space<vmem>>, vector<16xf32>,
      %broadcast_in_dim3A_239 = arith.constant 0.000000e+00 : f32
      %broadcast_in_dim3A_240 = vector.broadcast %broadcast_in_dim3A_239 : f32 to vector<16xf32>
      %mul3A_241 = arith.constant 4 : i32
      %mul3A_242 = arith.muli %scan3A_68, %mul3A_241 : i32
      %add3A_243 = arith.constant 2 : i32
      %add3A_244 = arith.addi %mul3A_242, %add3A_243 : i32
      %swap3A_245 = arith.index_cast %add3A_244 : i32 to index
      %swap3A_246 = arith.constant 48 : index
      %swap3A_247 = tpu.vector_load %arg5[%swap3A_245, %swap3A_246] {strides = array<i32>} : memref<128x128xf32, #tpu.memory_space<vmem>>, vector<16xf32>,
      tpu.vector_store %arg5[%swap3A_245, %swap3A_246], %broadcast_in_dim3A_240 {strides = array<i32>} : memref<128x128xf32, #tpu.memory_space<vmem>>, vector<16xf32>,
      %broadcast_in_dim3A_248 = arith.constant 0.000000e+00 : f32
      %broadcast_in_dim3A_249 = vector.broadcast %broadcast_in_dim3A_248 : f32 to vector<16xf32>
      %mul3A_250 = arith.constant 4 : i32
      %mul3A_251 = arith.muli %scan3A_68, %mul3A_250 : i32
      %add3A_252 = arith.constant 2 : i32
      %add3A_253 = arith.addi %mul3A_251, %add3A_252 : i32
      %swap3A_254 = arith.index_cast %add3A_253 : i32 to index
      %swap3A_255 = arith.constant 64 : index
      %swap3A_256 = tpu.vector_load %arg5[%swap3A_254, %swap3A_255] {strides = array<i32>} : memref<128x128xf32, #tpu.memory_space<vmem>>, vector<16xf32>,
      tpu.vector_store %arg5[%swap3A_254, %swap3A_255], %broadcast_in_dim3A_249 {strides = array<i32>} : memref<128x128xf32, #tpu.memory_space<vmem>>, vector<16xf32>,
      %broadcast_in_dim3A_257 = arith.constant 0.000000e+00 : f32
      %broadcast_in_dim3A_258 = vector.broadcast %broadcast_in_dim3A_257 : f32 to vector<16xf32>
      %mul3A_259 = arith.constant 4 : i32
      %mul3A_260 = arith.muli %scan3A_68, %mul3A_259 : i32
      %add3A_261 = arith.constant 2 : i32
      %add3A_262 = arith.addi %mul3A_260, %add3A_261 : i32
      %swap3A_263 = arith.index_cast %add3A_262 : i32 to index
      %swap3A_264 = arith.constant 80 : index
      %swap3A_265 = tpu.vector_load %arg5[%swap3A_263, %swap3A_264] {strides = array<i32>} : memref<128x128xf32, #tpu.memory_space<vmem>>, vector<16xf32>,
      tpu.vector_store %arg5[%swap3A_263, %swap3A_264], %broadcast_in_dim3A_258 {strides = array<i32>} : memref<128x128xf32, #tpu.memory_space<vmem>>, vector<16xf32>,
      %broadcast_in_dim3A_266 = arith.constant 0.000000e+00 : f32
      %broadcast_in_dim3A_267 = vector.broadcast %broadcast_in_dim3A_266 : f32 to vector<16xf32>
      %mul3A_268 = arith.constant 4 : i32
      %mul3A_269 = arith.muli %scan3A_68, %mul3A_268 : i32
      %add3A_270 = arith.constant 2 : i32
      %add3A_271 = arith.addi %mul3A_269, %add3A_270 : i32
      %swap3A_272 = arith.index_cast %add3A_271 : i32 to index
      %swap3A_273 = arith.constant 96 : index
      %swap3A_274 = tpu.vector_load %arg5[%swap3A_272, %swap3A_273] {strides = array<i32>} : memref<128x128xf32, #tpu.memory_space<vmem>>, vector<16xf32>,
      tpu.vector_store %arg5[%swap3A_272, %swap3A_273], %broadcast_in_dim3A_267 {strides = array<i32>} : memref<128x128xf32, #tpu.memory_space<vmem>>, vector<16xf32>,
      %broadcast_in_dim3A_275 = arith.constant 0.000000e+00 : f32
      %broadcast_in_dim3A_276 = vector.broadcast %broadcast_in_dim3A_275 : f32 to vector<16xf32>
      %mul3A_277 = arith.constant 4 : i32
      %mul3A_278 = arith.muli %scan3A_68, %mul3A_277 : i32
      %add3A_279 = arith.constant 2 : i32
      %add3A_280 = arith.addi %mul3A_278, %add3A_279 : i32
      %swap3A_281 = arith.index_cast %add3A_280 : i32 to index
      %swap3A_282 = arith.constant 112 : index
      %swap3A_283 = tpu.vector_load %arg5[%swap3A_281, %swap3A_282] {strides = array<i32>} : memref<128x128xf32, #tpu.memory_space<vmem>>, vector<16xf32>,
      tpu.vector_store %arg5[%swap3A_281, %swap3A_282], %broadcast_in_dim3A_276 {strides = array<i32>} : memref<128x128xf32, #tpu.memory_space<vmem>>, vector<16xf32>,
      %broadcast_in_dim3A_284 = arith.constant 0.000000e+00 : f32
      %broadcast_in_dim3A_285 = vector.broadcast %broadcast_in_dim3A_284 : f32 to vector<16xf32>
      %mul3A_286 = arith.constant 4 : i32
      %mul3A_287 = arith.muli %scan3A_68, %mul3A_286 : i32
      %add3A_288 = arith.constant 3 : i32
      %add3A_289 = arith.addi %mul3A_287, %add3A_288 : i32
      %swap3A_290 = arith.index_cast %add3A_289 : i32 to index
      %swap3A_291 = arith.constant 0 : index
      %swap3A_292 = tpu.vector_load %arg5[%swap3A_290, %swap3A_291] {strides = array<i32>} : memref<128x128xf32, #tpu.memory_space<vmem>>, vector<16xf32>,
      tpu.vector_store %arg5[%swap3A_290, %swap3A_291], %broadcast_in_dim3A_285 {strides = array<i32>} : memref<128x128xf32, #tpu.memory_space<vmem>>, vector<16xf32>,
      %broadcast_in_dim3A_293 = arith.constant 0.000000e+00 : f32
      %broadcast_in_dim3A_294 = vector.broadcast %broadcast_in_dim3A_293 : f32 to vector<16xf32>
      %mul3A_295 = arith.constant 4 : i32
      %mul3A_296 = arith.muli %scan3A_68, %mul3A_295 : i32
      %add3A_297 = arith.constant 3 : i32
      %add3A_298 = arith.addi %mul3A_296, %add3A_297 : i32
      %swap3A_299 = arith.index_cast %add3A_298 : i32 to index
      %swap3A_300 = arith.constant 16 : index
      %swap3A_301 = tpu.vector_load %arg5[%swap3A_299, %swap3A_300] {strides = array<i32>} : memref<128x128xf32, #tpu.memory_space<vmem>>, vector<16xf32>,
      tpu.vector_store %arg5[%swap3A_299, %swap3A_300], %broadcast_in_dim3A_294 {strides = array<i32>} : memref<128x128xf32, #tpu.memory_space<vmem>>, vector<16xf32>,
      %broadcast_in_dim3A_302 = arith.constant 0.000000e+00 : f32
      %broadcast_in_dim3A_303 = vector.broadcast %broadcast_in_dim3A_302 : f32 to vector<16xf32>
      %mul3A_304 = arith.constant 4 : i32
      %mul3A_305 = arith.muli %scan3A_68, %mul3A_304 : i32
      %add3A_306 = arith.constant 3 : i32
      %add3A_307 = arith.addi %mul3A_305, %add3A_306 : i32
      %swap3A_308 = arith.index_cast %add3A_307 : i32 to index
      %swap3A_309 = arith.constant 32 : index
      %swap3A_310 = tpu.vector_load %arg5[%swap3A_308, %swap3A_309] {strides = array<i32>} : memref<128x128xf32, #tpu.memory_space<vmem>>, vector<16xf32>,
      tpu.vector_store %arg5[%swap3A_308, %swap3A_309], %broadcast_in_dim3A_303 {strides = array<i32>} : memref<128x128xf32, #tpu.memory_space<vmem>>, vector<16xf32>,
      %broadcast_in_dim3A_311 = arith.constant 0.000000e+00 : f32
      %broadcast_in_dim3A_312 = vector.broadcast %broadcast_in_dim3A_311 : f32 to vector<16xf32>
      %mul3A_313 = arith.constant 4 : i32
      %mul3A_314 = arith.muli %scan3A_68, %mul3A_313 : i32
      %add3A_315 = arith.constant 3 : i32
      %add3A_316 = arith.addi %mul3A_314, %add3A_315 : i32
      %swap3A_317 = arith.index_cast %add3A_316 : i32 to index
      %swap3A_318 = arith.constant 48 : index
      %swap3A_319 = tpu.vector_load %arg5[%swap3A_317, %swap3A_318] {strides = array<i32>} : memref<128x128xf32, #tpu.memory_space<vmem>>, vector<16xf32>,
      tpu.vector_store %arg5[%swap3A_317, %swap3A_318], %broadcast_in_dim3A_312 {strides = array<i32>} : memref<128x128xf32, #tpu.memory_space<vmem>>, vector<16xf32>,
      %broadcast_in_dim3A_320 = arith.constant 0.000000e+00 : f32
      %broadcast_in_dim3A_321 = vector.broadcast %broadcast_in_dim3A_320 : f32 to vector<16xf32>
      %mul3A_322 = arith.constant 4 : i32
      %mul3A_323 = arith.muli %scan3A_68, %mul3A_322 : i32
      %add3A_324 = arith.constant 3 : i32
      %add3A_325 = arith.addi %mul3A_323, %add3A_324 : i32
      %swap3A_326 = arith.index_cast %add3A_325 : i32 to index
      %swap3A_327 = arith.constant 64 : index
      %swap3A_328 = tpu.vector_load %arg5[%swap3A_326, %swap3A_327] {strides = array<i32>} : memref<128x128xf32, #tpu.memory_space<vmem>>, vector<16xf32>,
      tpu.vector_store %arg5[%swap3A_326, %swap3A_327], %broadcast_in_dim3A_321 {strides = array<i32>} : memref<128x128xf32, #tpu.memory_space<vmem>>, vector<16xf32>,
      %broadcast_in_dim3A_329 = arith.constant 0.000000e+00 : f32
      %broadcast_in_dim3A_330 = vector.broadcast %broadcast_in_dim3A_329 : f32 to vector<16xf32>
      %mul3A_331 = arith.constant 4 : i32
      %mul3A_332 = arith.muli %scan3A_68, %mul3A_331 : i32
      %add3A_333 = arith.constant 3 : i32
      %add3A_334 = arith.addi %mul3A_332, %add3A_333 : i32
      %swap3A_335 = arith.index_cast %add3A_334 : i32 to index
      %swap3A_336 = arith.constant 80 : index
      %swap3A_337 = tpu.vector_load %arg5[%swap3A_335, %swap3A_336] {strides = array<i32>} : memref<128x128xf32, #tpu.memory_space<vmem>>, vector<16xf32>,
      tpu.vector_store %arg5[%swap3A_335, %swap3A_336], %broadcast_in_dim3A_330 {strides = array<i32>} : memref<128x128xf32, #tpu.memory_space<vmem>>, vector<16xf32>,
      %broadcast_in_dim3A_338 = arith.constant 0.000000e+00 : f32
      %broadcast_in_dim3A_339 = vector.broadcast %broadcast_in_dim3A_338 : f32 to vector<16xf32>
      %mul3A_340 = arith.constant 4 : i32
      %mul3A_341 = arith.muli %scan3A_68, %mul3A_340 : i32
      %add3A_342 = arith.constant 3 : i32
      %add3A_343 = arith.addi %mul3A_341, %add3A_342 : i32
      %swap3A_344 = arith.index_cast %add3A_343 : i32 to index
      %swap3A_345 = arith.constant 96 : index
      %swap3A_346 = tpu.vector_load %arg5[%swap3A_344, %swap3A_345] {strides = array<i32>} : memref<128x128xf32, #tpu.memory_space<vmem>>, vector<16xf32>,
      tpu.vector_store %arg5[%swap3A_344, %swap3A_345], %broadcast_in_dim3A_339 {strides = array<i32>} : memref<128x128xf32, #tpu.memory_space<vmem>>, vector<16xf32>,
      %broadcast_in_dim3A_347 = arith.constant 0.000000e+00 : f32
      %broadcast_in_dim3A_348 = vector.broadcast %broadcast_in_dim3A_347 : f32 to vector<16xf32>
      %mul3A_349 = arith.constant 4 : i32
      %mul3A_350 = arith.muli %scan3A_68, %mul3A_349 : i32
      %add3A_351 = arith.constant 3 : i32
      %add3A_352 = arith.addi %mul3A_350, %add3A_351 : i32
      %swap3A_353 = arith.index_cast %add3A_352 : i32 to index
      %swap3A_354 = arith.constant 112 : index
      %swap3A_355 = tpu.vector_load %arg5[%swap3A_353, %swap3A_354] {strides = array<i32>} : memref<128x128xf32, #tpu.memory_space<vmem>>, vector<16xf32>,
      tpu.vector_store %arg5[%swap3A_353, %swap3A_354], %broadcast_in_dim3A_348 {strides = array<i32>} : memref<128x128xf32, #tpu.memory_space<vmem>>, vector<16xf32>,
      %scan3A_356 = arith.constant 0 : i32
      scf.yield %scan3A_356 : i32
    }
    %scan3A_10 = arith.constant 32 : i32
    %scan3A_11 = arith.constant 0 : i32
    %scan3A_12 = arith.constant 0 : i32
    %scan3A_13 = arith.constant 5 : i32
    %scan3A_14 = arith.addi %scan3A_12, %scan3A_13 : i32
    %scan3A_15 = arith.constant 1 : i32
    %scan3A_16 = scf.for %scan3A_68 = %scan3A_12 to %scan3A_14 step %scan3A_15 iter_args(%scan3A_69 = %scan3A_11) -> (i32)  : i32 {
      %mul3A_70 = arith.constant 16 : i32
      %mul3A_71 = arith.muli %scan3A_68, %mul3A_70 : i32
      %add3A_72 = arith.addi %arg1, %mul3A_71 : i32
      %lt3A = arith.constant 79 : i32
      %lt3A_73 = arith.cmpi slt, %add3A_72, %lt3A : i32
      %convert_element_type3A = arith.extui %lt3A_73 : i1 to i32
      %cond3A = arith.constant 0 : i32
      %cond3A_74 = arith.cmpi ne, %convert_element_type3A, %cond3A : i32
      scf.if %cond3A_74 {
        %mul3A_76 = arith.constant 128 : i32
        %mul3A_77 = arith.muli %add3A_72, %mul3A_76 : i32
        "tpu.region"() ({
          %run_scoped3A = tpu.sem_alloc : memref<!tpu.dma_semaphore, #tpu.memory_space<semaphore_mem>>
          %dma_start3A_78 = arith.constant 0 : i32
          %dma_start3A_79 = tpu.memref_slice %arg9[%mul3A_77, %dma_start3A_78] : memref<10112x128xf32, #tpu.memory_space<vmem_shared>> -> memref<128x128xf32, #tpu.memory_space<vmem_shared>>
          %dma_start3A_80 = arith.constant 0 : i32
          %dma_start3A_81 = tpu.memref_slice %arg9[%mul3A_77, %dma_start3A_80] : memref<10112x128xf32, #tpu.memory_space<vmem_shared>> -> memref<128x128xf32, #tpu.memory_space<vmem_shared>>
          tpu.enqueue_dma source(%arg5 : memref<128x128xf32, #tpu.memory_space<vmem>>) target(%dma_start3A_81 : memref<128x128xf32, #tpu.memory_space<vmem_shared>>) target_semaphore(%run_scoped3A : memref<!tpu.dma_semaphore, #tpu.memory_space<semaphore_mem>>)
          %dma_wait3A_82 = arith.constant 0 : i32
          %dma_wait3A_83 = tpu.memref_slice %arg9[%mul3A_77, %dma_wait3A_82] : memref<10112x128xf32, #tpu.memory_space<vmem_shared>> -> memref<128x128xf32, #tpu.memory_space<vmem_shared>>
          %dma_wait3A_84 = arith.constant 0 : i32
          %dma_wait3A_85 = tpu.memref_slice %arg9[%mul3A_77, %dma_wait3A_84] : memref<10112x128xf32, #tpu.memory_space<vmem_shared>> -> memref<128x128xf32, #tpu.memory_space<vmem_shared>>
          tpu.wait_dma2 semaphore(%run_scoped3A : memref<!tpu.dma_semaphore, #tpu.memory_space<semaphore_mem>>) src(%arg5 : memref<128x128xf32, #tpu.memory_space<vmem>>) dst(%dma_wait3A_85 : memref<128x128xf32, #tpu.memory_space<vmem_shared>>)
          tpu.yield
        }) : () -> ()
      } else {
      }
      %scan3A_75 = arith.constant 0 : i32
      scf.yield %scan3A_75 : i32
    }
    %scan3A_17 = arith.constant 5 : i32
    %barrier3A = arith.constant 0 : index
    tpu.barrier barrier_id(%barrier3A)
    %add3A_18 = arith.constant 0 : i32
    %add3A_19 = arith.addi %add3A, %add3A_18 : i32
    %dma_start3A = arith.constant 0 : i32
    %dma_start3A_20 = arith.constant 0 : i32
    %dma_start3A_21 = tpu.memref_slice %arg3[%add3A_19, %dma_start3A, %dma_start3A_20] : memref<2528x3x128xi32, #tpu.memory_space<hbm>> -> memref<1x3x128xi32, #tpu.memory_space<hbm>>
    %dma_start3A_22 = tpu.memref_squeeze %dma_start3A_21 : memref<1x3x128xi32, #tpu.memory_space<hbm>> -> memref<3x128xi32, #tpu.memory_space<hbm>>
    %dma_start3A_23 = arith.constant 0 : i32
    %dma_start3A_24 = arith.constant 0 : i32
    %dma_start3A_25 = tpu.memref_slice %arg3[%add3A_19, %dma_start3A_23, %dma_start3A_24] : memref<2528x3x128xi32, #tpu.memory_space<hbm>> -> memref<1x3x128xi32, #tpu.memory_space<hbm>>
    %dma_start3A_26 = tpu.memref_squeeze %dma_start3A_25 : memref<1x3x128xi32, #tpu.memory_space<hbm>> -> memref<3x128xi32, #tpu.memory_space<hbm>>
    tpu.enqueue_dma source(%dma_start3A_26 : memref<3x128xi32, #tpu.memory_space<hbm>>) target(%arg7 : memref<3x128xi32, #tpu.memory_space<vmem>>) target_semaphore(%arg12 : memref<!tpu.dma_semaphore, #tpu.memory_space<semaphore_mem>>)
    %add3A_27 = arith.constant 1 : i32
    %add3A_28 = arith.addi %add3A, %add3A_27 : i32
    %dma_start3A_29 = arith.constant 0 : i32
    %dma_start3A_30 = arith.constant 0 : i32
    %dma_start3A_31 = tpu.memref_slice %arg3[%add3A_28, %dma_start3A_29, %dma_start3A_30] : memref<2528x3x128xi32, #tpu.memory_space<hbm>> -> memref<1x3x128xi32, #tpu.memory_space<hbm>>
    %dma_start3A_32 = tpu.memref_squeeze %dma_start3A_31 : memref<1x3x128xi32, #tpu.memory_space<hbm>> -> memref<3x128xi32, #tpu.memory_space<hbm>>
    %dma_start3A_33 = arith.constant 0 : i32
    %dma_start3A_34 = arith.constant 0 : i32
    %dma_start3A_35 = tpu.memref_slice %arg3[%add3A_28, %dma_start3A_33, %dma_start3A_34] : memref<2528x3x128xi32, #tpu.memory_space<hbm>> -> memref<1x3x128xi32, #tpu.memory_space<hbm>>
    %dma_start3A_36 = tpu.memref_squeeze %dma_start3A_35 : memref<1x3x128xi32, #tpu.memory_space<hbm>> -> memref<3x128xi32, #tpu.memory_space<hbm>>
    tpu.enqueue_dma source(%dma_start3A_36 : memref<3x128xi32, #tpu.memory_space<hbm>>) target(%arg8 : memref<3x128xi32, #tpu.memory_space<vmem>>) target_semaphore(%arg13 : memref<!tpu.dma_semaphore, #tpu.memory_space<semaphore_mem>>)
    %add3A_37 = arith.constant 0 : i32
    %add3A_38 = arith.addi %add3A, %add3A_37 : i32
    %dma_wait3A = arith.constant 0 : i32
    %dma_wait3A_39 = arith.constant 0 : i32
    %dma_wait3A_40 = tpu.memref_slice %arg3[%add3A_38, %dma_wait3A, %dma_wait3A_39] : memref<2528x3x128xi32, #tpu.memory_space<hbm>> -> memref<1x3x128xi32, #tpu.memory_space<hbm>>
    %dma_wait3A_41 = tpu.memref_squeeze %dma_wait3A_40 : memref<1x3x128xi32, #tpu.memory_space<hbm>> -> memref<3x128xi32, #tpu.memory_space<hbm>>
    %dma_wait3A_42 = arith.constant 0 : i32
    %dma_wait3A_43 = arith.constant 0 : i32
    %dma_wait3A_44 = tpu.memref_slice %arg3[%add3A_38, %dma_wait3A_42, %dma_wait3A_43] : memref<2528x3x128xi32, #tpu.memory_space<hbm>> -> memref<1x3x128xi32, #tpu.memory_space<hbm>>
    %dma_wait3A_45 = tpu.memref_squeeze %dma_wait3A_44 : memref<1x3x128xi32, #tpu.memory_space<hbm>> -> memref<3x128xi32, #tpu.memory_space<hbm>>
    tpu.wait_dma2 semaphore(%arg12 : memref<!tpu.dma_semaphore, #tpu.memory_space<semaphore_mem>>) src(%dma_wait3A_45 : memref<3x128xi32, #tpu.memory_space<hbm>>) dst(%arg7 : memref<3x128xi32, #tpu.memory_space<vmem>>)
    %dma_start3A_46 = arith.constant 0 : i32
    %dma_start3A_47 = arith.constant 0 : i32
    %dma_start3A_48 = tpu.memref_slice %arg7[%dma_start3A_46, %dma_start3A_47] : memref<3x128xi32, #tpu.memory_space<vmem>> -> memref<1x128xi32, #tpu.memory_space<vmem>>
    %dma_start3A_49 = tpu.memref_squeeze %dma_start3A_48 : memref<1x128xi32, #tpu.memory_space<vmem>> -> memref<128xi32, #tpu.memory_space<vmem>>
    %dma_start3A_50 = arith.constant 0 : i32
    %dma_start3A_51 = arith.constant 0 : i32
    %dma_start3A_52 = tpu.memref_slice %arg2[%dma_start3A_50, %dma_start3A_51] : memref<80000x128xf32, #tpu.memory_space<hbm>> -> memref<80000x128xf32, #tpu.memory_space<hbm>>
    tpu.enqueue_indirect_dma source(%dma_start3A_52 : memref<80000x128xf32, #tpu.memory_space<hbm>>) target(%arg5 : memref<128x128xf32, #tpu.memory_space<vmem>>) offsets(%dma_start3A_49 : memref<128xi32, #tpu.memory_space<vmem>>) semaphore(%arg10 : memref<!tpu.dma_semaphore, #tpu.memory_space<semaphore_mem>>)
    %scan3A_53 = arith.constant 0 : i32
    %scan3A_54 = arith.constant 0 : i32
    %scan3A_55 = arith.constant 54 : i32
    %scan3A_56 = arith.addi %scan3A_54, %scan3A_55 : i32
    %scan3A_57 = arith.constant 1 : i32
    %scan3A_58 = scf.for %scan3A_68 = %scan3A_54 to %scan3A_56 step %scan3A_57 iter_args(%scan3A_69 = %scan3A_53) -> (i32)  : i32 {
      %mul3A_70 = arith.constant 2 : i32
      %mul3A_71 = arith.muli %scan3A_68, %mul3A_70 : i32
      %add3A_72 = arith.constant 0 : i32
      %add3A_73 = arith.addi %mul3A_71, %add3A_72 : i32
      %lt3A = arith.cmpi slt, %add3A_73, %select_n3A : i32
      %convert_element_type3A = arith.extui %lt3A : i1 to i32
      %cond3A = arith.constant 0 : i32
      %cond3A_74 = arith.cmpi ne, %convert_element_type3A, %cond3A : i32
      scf.if %cond3A_74 {
        %dma_wait3A_84 = arith.constant 0 : i32
        %dma_wait3A_85 = arith.constant 0 : i32
        %dma_wait3A_86 = tpu.memref_slice %arg7[%dma_wait3A_84, %dma_wait3A_85] : memref<3x128xi32, #tpu.memory_space<vmem>> -> memref<1x128xi32, #tpu.memory_space<vmem>>
        %dma_wait3A_87 = tpu.memref_squeeze %dma_wait3A_86 : memref<1x128xi32, #tpu.memory_space<vmem>> -> memref<128xi32, #tpu.memory_space<vmem>>
        %dma_wait3A_88 = arith.constant 0 : i32
        %dma_wait3A_89 = arith.constant 0 : i32
        %dma_wait3A_90 = tpu.memref_slice %arg2[%dma_wait3A_88, %dma_wait3A_89] : memref<80000x128xf32, #tpu.memory_space<hbm>> -> memref<80000x128xf32, #tpu.memory_space<hbm>>
        tpu.wait_indirect_dma semaphore(%arg10 : memref<!tpu.dma_semaphore, #tpu.memory_space<semaphore_mem>>) src(%dma_wait3A_90 : memref<80000x128xf32, #tpu.memory_space<hbm>>) dst(%arg5 : memref<128x128xf32, #tpu.memory_space<vmem>>)
        %add3A_91 = arith.constant 1 : i32
        %add3A_92 = arith.addi %add3A_73, %add3A_91 : i32
        %lt3A_93 = arith.cmpi slt, %add3A_92, %select_n3A : i32
        %convert_element_type3A_94 = arith.extui %lt3A_93 : i1 to i32
        %cond3A_95 = arith.constant 0 : i32
        %cond3A_96 = arith.cmpi ne, %convert_element_type3A_94, %cond3A_95 : i32
        scf.if %cond3A_96 {
          %add3A_110 = arith.constant 1 : i32
          %add3A_111 = arith.addi %add3A_73, %add3A_110 : i32
          %add3A_112 = arith.addi %add3A, %add3A_111 : i32
          %dma_wait3A_113 = arith.constant 0 : i32
          %dma_wait3A_114 = arith.constant 0 : i32
          %dma_wait3A_115 = tpu.memref_slice %arg3[%add3A_112, %dma_wait3A_113, %dma_wait3A_114] : memref<2528x3x128xi32, #tpu.memory_space<hbm>> -> memref<1x3x128xi32, #tpu.memory_space<hbm>>
          %dma_wait3A_116 = tpu.memref_squeeze %dma_wait3A_115 : memref<1x3x128xi32, #tpu.memory_space<hbm>> -> memref<3x128xi32, #tpu.memory_space<hbm>>
          %dma_wait3A_117 = arith.constant 0 : i32
          %dma_wait3A_118 = arith.constant 0 : i32
          %dma_wait3A_119 = tpu.memref_slice %arg3[%add3A_112, %dma_wait3A_117, %dma_wait3A_118] : memref<2528x3x128xi32, #tpu.memory_space<hbm>> -> memref<1x3x128xi32, #tpu.memory_space<hbm>>
          %dma_wait3A_120 = tpu.memref_squeeze %dma_wait3A_119 : memref<1x3x128xi32, #tpu.memory_space<hbm>> -> memref<3x128xi32, #tpu.memory_space<hbm>>
          tpu.wait_dma2 semaphore(%arg13 : memref<!tpu.dma_semaphore, #tpu.memory_space<semaphore_mem>>) src(%dma_wait3A_120 : memref<3x128xi32, #tpu.memory_space<hbm>>) dst(%arg8 : memref<3x128xi32, #tpu.memory_space<vmem>>)
          %add3A_121 = arith.constant 1 : i32
          %add3A_122 = arith.addi %add3A_73, %add3A_121 : i32
          %dma_start3A_123 = arith.constant 0 : i32
          %dma_start3A_124 = arith.constant 0 : i32
          %dma_start3A_125 = tpu.memref_slice %arg8[%dma_start3A_123, %dma_start3A_124] : memref<3x128xi32, #tpu.memory_space<vmem>> -> memref<1x128xi32, #tpu.memory_space<vmem>>
          %dma_start3A_126 = tpu.memref_squeeze %dma_start3A_125 : memref<1x128xi32, #tpu.memory_space<vmem>> -> memref<128xi32, #tpu.memory_space<vmem>>
          %dma_start3A_127 = arith.constant 0 : i32
          %dma_start3A_128 = arith.constant 0 : i32
          %dma_start3A_129 = tpu.memref_slice %arg2[%dma_start3A_127, %dma_start3A_128] : memref<80000x128xf32, #tpu.memory_space<hbm>> -> memref<80000x128xf32, #tpu.memory_space<hbm>>
          tpu.enqueue_indirect_dma source(%dma_start3A_129 : memref<80000x128xf32, #tpu.memory_space<hbm>>) target(%arg6 : memref<128x128xf32, #tpu.memory_space<vmem>>) offsets(%dma_start3A_126 : memref<128xi32, #tpu.memory_space<vmem>>) semaphore(%arg11 : memref<!tpu.dma_semaphore, #tpu.memory_space<semaphore_mem>>)
        } else {
        }
        %scan3A_97 = arith.constant 0 : i32
        %scan3A_98 = arith.constant 0 : i32
        %scan3A_99 = arith.constant 32 : i32
        %scan3A_100 = arith.addi %scan3A_98, %scan3A_99 : i32
        %scan3A_101 = arith.constant 1 : i32
        %scan3A_102 = scf.for %scan3A_110 = %scan3A_98 to %scan3A_100 step %scan3A_101 iter_args(%scan3A_111 = %scan3A_97) -> (i32)  : i32 {
          %mul3A_112 = arith.constant 4 : i32
          %mul3A_113 = arith.muli %scan3A_110, %mul3A_112 : i32
          %add3A_114 = arith.constant 0 : i32
          %add3A_115 = arith.addi %mul3A_113, %add3A_114 : i32
          %broadcast_in_dim3A = arith.constant 2 : i32
          %broadcast_in_dim3A_116 = vector.broadcast %broadcast_in_dim3A : i32 to vector<16xi32>
          %broadcast_in_dim3A_117 = vector.broadcast %add3A_115 : i32 to vector<16xi32>
          %gather3A = tpu.vector_load_idx %arg7[%broadcast_in_dim3A_116, %broadcast_in_dim3A_117] : memref<3x128xi32, #tpu.memory_space<vmem>>[vector<16xi32>, vector<16xi32>], vector<16xi32>,
          %bitcast3A = vector.bitcast %gather3A : vector<16xi32> to vector<16xf32>
          %get3A = arith.index_cast %add3A_115 : i32 to index
          %get3A_118 = arith.constant 0 : index
          %get3A_119 = tpu.vector_load %arg5[%get3A, %get3A_118] {strides = array<i32>} : memref<128x128xf32, #tpu.memory_space<vmem>>, vector<16xf32>,
          %mul3A_120 = arith.mulf %get3A_119, %bitcast3A : vector<16xf32>
          %swap3A = arith.index_cast %add3A_115 : i32 to index
          %swap3A_121 = arith.constant 0 : index
          %swap3A_122 = tpu.vector_load %arg5[%swap3A, %swap3A_121] {strides = array<i32>} : memref<128x128xf32, #tpu.memory_space<vmem>>, vector<16xf32>,
          tpu.vector_store %arg5[%swap3A, %swap3A_121], %mul3A_120 {strides = array<i32>} : memref<128x128xf32, #tpu.memory_space<vmem>>, vector<16xf32>,
          %get3A_123 = arith.index_cast %add3A_115 : i32 to index
          %get3A_124 = arith.constant 16 : index
          %get3A_125 = tpu.vector_load %arg5[%get3A_123, %get3A_124] {strides = array<i32>} : memref<128x128xf32, #tpu.memory_space<vmem>>, vector<16xf32>,
          %mul3A_126 = arith.mulf %get3A_125, %bitcast3A : vector<16xf32>
          %swap3A_127 = arith.index_cast %add3A_115 : i32 to index
          %swap3A_128 = arith.constant 16 : index
          %swap3A_129 = tpu.vector_load %arg5[%swap3A_127, %swap3A_128] {strides = array<i32>} : memref<128x128xf32, #tpu.memory_space<vmem>>, vector<16xf32>,
          tpu.vector_store %arg5[%swap3A_127, %swap3A_128], %mul3A_126 {strides = array<i32>} : memref<128x128xf32, #tpu.memory_space<vmem>>, vector<16xf32>,
          %get3A_130 = arith.index_cast %add3A_115 : i32 to index
          %get3A_131 = arith.constant 32 : index
          %get3A_132 = tpu.vector_load %arg5[%get3A_130, %get3A_131] {strides = array<i32>} : memref<128x128xf32, #tpu.memory_space<vmem>>, vector<16xf32>,
          %mul3A_133 = arith.mulf %get3A_132, %bitcast3A : vector<16xf32>
          %swap3A_134 = arith.index_cast %add3A_115 : i32 to index
          %swap3A_135 = arith.constant 32 : index
          %swap3A_136 = tpu.vector_load %arg5[%swap3A_134, %swap3A_135] {strides = array<i32>} : memref<128x128xf32, #tpu.memory_space<vmem>>, vector<16xf32>,
          tpu.vector_store %arg5[%swap3A_134, %swap3A_135], %mul3A_133 {strides = array<i32>} : memref<128x128xf32, #tpu.memory_space<vmem>>, vector<16xf32>,
          %get3A_137 = arith.index_cast %add3A_115 : i32 to index
          %get3A_138 = arith.constant 48 : index
          %get3A_139 = tpu.vector_load %arg5[%get3A_137, %get3A_138] {strides = array<i32>} : memref<128x128xf32, #tpu.memory_space<vmem>>, vector<16xf32>,
          %mul3A_140 = arith.mulf %get3A_139, %bitcast3A : vector<16xf32>
          %swap3A_141 = arith.index_cast %add3A_115 : i32 to index
          %swap3A_142 = arith.constant 48 : index
          %swap3A_143 = tpu.vector_load %arg5[%swap3A_141, %swap3A_142] {strides = array<i32>} : memref<128x128xf32, #tpu.memory_space<vmem>>, vector<16xf32>,
          tpu.vector_store %arg5[%swap3A_141, %swap3A_142], %mul3A_140 {strides = array<i32>} : memref<128x128xf32, #tpu.memory_space<vmem>>, vector<16xf32>,
          %get3A_144 = arith.index_cast %add3A_115 : i32 to index
          %get3A_145 = arith.constant 64 : index
          %get3A_146 = tpu.vector_load %arg5[%get3A_144, %get3A_145] {strides = array<i32>} : memref<128x128xf32, #tpu.memory_space<vmem>>, vector<16xf32>,
          %mul3A_147 = arith.mulf %get3A_146, %bitcast3A : vector<16xf32>
          %swap3A_148 = arith.index_cast %add3A_115 : i32 to index
          %swap3A_149 = arith.constant 64 : index
          %swap3A_150 = tpu.vector_load %arg5[%swap3A_148, %swap3A_149] {strides = array<i32>} : memref<128x128xf32, #tpu.memory_space<vmem>>, vector<16xf32>,
          tpu.vector_store %arg5[%swap3A_148, %swap3A_149], %mul3A_147 {strides = array<i32>} : memref<128x128xf32, #tpu.memory_space<vmem>>, vector<16xf32>,
          %get3A_151 = arith.index_cast %add3A_115 : i32 to index
          %get3A_152 = arith.constant 80 : index
          %get3A_153 = tpu.vector_load %arg5[%get3A_151, %get3A_152] {strides = array<i32>} : memref<128x128xf32, #tpu.memory_space<vmem>>, vector<16xf32>,
          %mul3A_154 = arith.mulf %get3A_153, %bitcast3A : vector<16xf32>
          %swap3A_155 = arith.index_cast %add3A_115 : i32 to index
          %swap3A_156 = arith.constant 80 : index
          %swap3A_157 = tpu.vector_load %arg5[%swap3A_155, %swap3A_156] {strides = array<i32>} : memref<128x128xf32, #tpu.memory_space<vmem>>, vector<16xf32>,
          tpu.vector_store %arg5[%swap3A_155, %swap3A_156], %mul3A_154 {strides = array<i32>} : memref<128x128xf32, #tpu.memory_space<vmem>>, vector<16xf32>,
          %get3A_158 = arith.index_cast %add3A_115 : i32 to index
          %get3A_159 = arith.constant 96 : index
          %get3A_160 = tpu.vector_load %arg5[%get3A_158, %get3A_159] {strides = array<i32>} : memref<128x128xf32, #tpu.memory_space<vmem>>, vector<16xf32>,
          %mul3A_161 = arith.mulf %get3A_160, %bitcast3A : vector<16xf32>
          %swap3A_162 = arith.index_cast %add3A_115 : i32 to index
          %swap3A_163 = arith.constant 96 : index
          %swap3A_164 = tpu.vector_load %arg5[%swap3A_162, %swap3A_163] {strides = array<i32>} : memref<128x128xf32, #tpu.memory_space<vmem>>, vector<16xf32>,
          tpu.vector_store %arg5[%swap3A_162, %swap3A_163], %mul3A_161 {strides = array<i32>} : memref<128x128xf32, #tpu.memory_space<vmem>>, vector<16xf32>,
          %get3A_165 = arith.index_cast %add3A_115 : i32 to index
          %get3A_166 = arith.constant 112 : index
          %get3A_167 = tpu.vector_load %arg5[%get3A_165, %get3A_166] {strides = array<i32>} : memref<128x128xf32, #tpu.memory_space<vmem>>, vector<16xf32>,
          %mul3A_168 = arith.mulf %get3A_167, %bitcast3A : vector<16xf32>
          %swap3A_169 = arith.index_cast %add3A_115 : i32 to index
          %swap3A_170 = arith.constant 112 : index
          %swap3A_171 = tpu.vector_load %arg5[%swap3A_169, %swap3A_170] {strides = array<i32>} : memref<128x128xf32, #tpu.memory_space<vmem>>, vector<16xf32>,
          tpu.vector_store %arg5[%swap3A_169, %swap3A_170], %mul3A_168 {strides = array<i32>} : memref<128x128xf32, #tpu.memory_space<vmem>>, vector<16xf32>,
          %mul3A_172 = arith.constant 4 : i32
          %mul3A_173 = arith.muli %scan3A_110, %mul3A_172 : i32
          %add3A_174 = arith.constant 1 : i32
          %add3A_175 = arith.addi %mul3A_173, %add3A_174 : i32
          %broadcast_in_dim3A_176 = arith.constant 2 : i32
          %broadcast_in_dim3A_177 = vector.broadcast %broadcast_in_dim3A_176 : i32 to vector<16xi32>
          %broadcast_in_dim3A_178 = vector.broadcast %add3A_175 : i32 to vector<16xi32>
          %gather3A_179 = tpu.vector_load_idx %arg7[%broadcast_in_dim3A_177, %broadcast_in_dim3A_178] : memref<3x128xi32, #tpu.memory_space<vmem>>[vector<16xi32>, vector<16xi32>], vector<16xi32>,
          %bitcast3A_180 = vector.bitcast %gather3A_179 : vector<16xi32> to vector<16xf32>
          %get3A_181 = arith.index_cast %add3A_175 : i32 to index
          %get3A_182 = arith.constant 0 : index
          %get3A_183 = tpu.vector_load %arg5[%get3A_181, %get3A_182] {strides = array<i32>} : memref<128x128xf32, #tpu.memory_space<vmem>>, vector<16xf32>,
          %mul3A_184 = arith.mulf %get3A_183, %bitcast3A_180 : vector<16xf32>
          %swap3A_185 = arith.index_cast %add3A_175 : i32 to index
          %swap3A_186 = arith.constant 0 : index
          %swap3A_187 = tpu.vector_load %arg5[%swap3A_185, %swap3A_186] {strides = array<i32>} : memref<128x128xf32, #tpu.memory_space<vmem>>, vector<16xf32>,
          tpu.vector_store %arg5[%swap3A_185, %swap3A_186], %mul3A_184 {strides = array<i32>} : memref<128x128xf32, #tpu.memory_space<vmem>>, vector<16xf32>,
          %get3A_188 = arith.index_cast %add3A_175 : i32 to index
          %get3A_189 = arith.constant 16 : index
          %get3A_190 = tpu.vector_load %arg5[%get3A_188, %get3A_189] {strides = array<i32>} : memref<128x128xf32, #tpu.memory_space<vmem>>, vector<16xf32>,
          %mul3A_191 = arith.mulf %get3A_190, %bitcast3A_180 : vector<16xf32>
          %swap3A_192 = arith.index_cast %add3A_175 : i32 to index
          %swap3A_193 = arith.constant 16 : index
          %swap3A_194 = tpu.vector_load %arg5[%swap3A_192, %swap3A_193] {strides = array<i32>} : memref<128x128xf32, #tpu.memory_space<vmem>>, vector<16xf32>,
          tpu.vector_store %arg5[%swap3A_192, %swap3A_193], %mul3A_191 {strides = array<i32>} : memref<128x128xf32, #tpu.memory_space<vmem>>, vector<16xf32>,
          %get3A_195 = arith.index_cast %add3A_175 : i32 to index
          %get3A_196 = arith.constant 32 : index
          %get3A_197 = tpu.vector_load %arg5[%get3A_195, %get3A_196] {strides = array<i32>} : memref<128x128xf32, #tpu.memory_space<vmem>>, vector<16xf32>,
          %mul3A_198 = arith.mulf %get3A_197, %bitcast3A_180 : vector<16xf32>
          %swap3A_199 = arith.index_cast %add3A_175 : i32 to index
          %swap3A_200 = arith.constant 32 : index
          %swap3A_201 = tpu.vector_load %arg5[%swap3A_199, %swap3A_200] {strides = array<i32>} : memref<128x128xf32, #tpu.memory_space<vmem>>, vector<16xf32>,
          tpu.vector_store %arg5[%swap3A_199, %swap3A_200], %mul3A_198 {strides = array<i32>} : memref<128x128xf32, #tpu.memory_space<vmem>>, vector<16xf32>,
          %get3A_202 = arith.index_cast %add3A_175 : i32 to index
          %get3A_203 = arith.constant 48 : index
          %get3A_204 = tpu.vector_load %arg5[%get3A_202, %get3A_203] {strides = array<i32>} : memref<128x128xf32, #tpu.memory_space<vmem>>, vector<16xf32>,
          %mul3A_205 = arith.mulf %get3A_204, %bitcast3A_180 : vector<16xf32>
          %swap3A_206 = arith.index_cast %add3A_175 : i32 to index
          %swap3A_207 = arith.constant 48 : index
          %swap3A_208 = tpu.vector_load %arg5[%swap3A_206, %swap3A_207] {strides = array<i32>} : memref<128x128xf32, #tpu.memory_space<vmem>>, vector<16xf32>,
          tpu.vector_store %arg5[%swap3A_206, %swap3A_207], %mul3A_205 {strides = array<i32>} : memref<128x128xf32, #tpu.memory_space<vmem>>, vector<16xf32>,
          %get3A_209 = arith.index_cast %add3A_175 : i32 to index
          %get3A_210 = arith.constant 64 : index
          %get3A_211 = tpu.vector_load %arg5[%get3A_209, %get3A_210] {strides = array<i32>} : memref<128x128xf32, #tpu.memory_space<vmem>>, vector<16xf32>,
          %mul3A_212 = arith.mulf %get3A_211, %bitcast3A_180 : vector<16xf32>
          %swap3A_213 = arith.index_cast %add3A_175 : i32 to index
          %swap3A_214 = arith.constant 64 : index
          %swap3A_215 = tpu.vector_load %arg5[%swap3A_213, %swap3A_214] {strides = array<i32>} : memref<128x128xf32, #tpu.memory_space<vmem>>, vector<16xf32>,
          tpu.vector_store %arg5[%swap3A_213, %swap3A_214], %mul3A_212 {strides = array<i32>} : memref<128x128xf32, #tpu.memory_space<vmem>>, vector<16xf32>,
          %get3A_216 = arith.index_cast %add3A_175 : i32 to index
          %get3A_217 = arith.constant 80 : index
          %get3A_218 = tpu.vector_load %arg5[%get3A_216, %get3A_217] {strides = array<i32>} : memref<128x128xf32, #tpu.memory_space<vmem>>, vector<16xf32>,
          %mul3A_219 = arith.mulf %get3A_218, %bitcast3A_180 : vector<16xf32>
          %swap3A_220 = arith.index_cast %add3A_175 : i32 to index
          %swap3A_221 = arith.constant 80 : index
          %swap3A_222 = tpu.vector_load %arg5[%swap3A_220, %swap3A_221] {strides = array<i32>} : memref<128x128xf32, #tpu.memory_space<vmem>>, vector<16xf32>,
          tpu.vector_store %arg5[%swap3A_220, %swap3A_221], %mul3A_219 {strides = array<i32>} : memref<128x128xf32, #tpu.memory_space<vmem>>, vector<16xf32>,
          %get3A_223 = arith.index_cast %add3A_175 : i32 to index
          %get3A_224 = arith.constant 96 : index
          %get3A_225 = tpu.vector_load %arg5[%get3A_223, %get3A_224] {strides = array<i32>} : memref<128x128xf32, #tpu.memory_space<vmem>>, vector<16xf32>,
          %mul3A_226 = arith.mulf %get3A_225, %bitcast3A_180 : vector<16xf32>
          %swap3A_227 = arith.index_cast %add3A_175 : i32 to index
          %swap3A_228 = arith.constant 96 : index
          %swap3A_229 = tpu.vector_load %arg5[%swap3A_227, %swap3A_228] {strides = array<i32>} : memref<128x128xf32, #tpu.memory_space<vmem>>, vector<16xf32>,
          tpu.vector_store %arg5[%swap3A_227, %swap3A_228], %mul3A_226 {strides = array<i32>} : memref<128x128xf32, #tpu.memory_space<vmem>>, vector<16xf32>,
          %get3A_230 = arith.index_cast %add3A_175 : i32 to index
          %get3A_231 = arith.constant 112 : index
          %get3A_232 = tpu.vector_load %arg5[%get3A_230, %get3A_231] {strides = array<i32>} : memref<128x128xf32, #tpu.memory_space<vmem>>, vector<16xf32>,
          %mul3A_233 = arith.mulf %get3A_232, %bitcast3A_180 : vector<16xf32>
          %swap3A_234 = arith.index_cast %add3A_175 : i32 to index
          %swap3A_235 = arith.constant 112 : index
          %swap3A_236 = tpu.vector_load %arg5[%swap3A_234, %swap3A_235] {strides = array<i32>} : memref<128x128xf32, #tpu.memory_space<vmem>>, vector<16xf32>,
          tpu.vector_store %arg5[%swap3A_234, %swap3A_235], %mul3A_233 {strides = array<i32>} : memref<128x128xf32, #tpu.memory_space<vmem>>, vector<16xf32>,
          %mul3A_237 = arith.constant 4 : i32
          %mul3A_238 = arith.muli %scan3A_110, %mul3A_237 : i32
          %add3A_239 = arith.constant 2 : i32
          %add3A_240 = arith.addi %mul3A_238, %add3A_239 : i32
          %broadcast_in_dim3A_241 = arith.constant 2 : i32
          %broadcast_in_dim3A_242 = vector.broadcast %broadcast_in_dim3A_241 : i32 to vector<16xi32>
          %broadcast_in_dim3A_243 = vector.broadcast %add3A_240 : i32 to vector<16xi32>
          %gather3A_244 = tpu.vector_load_idx %arg7[%broadcast_in_dim3A_242, %broadcast_in_dim3A_243] : memref<3x128xi32, #tpu.memory_space<vmem>>[vector<16xi32>, vector<16xi32>], vector<16xi32>,
          %bitcast3A_245 = vector.bitcast %gather3A_244 : vector<16xi32> to vector<16xf32>
          %get3A_246 = arith.index_cast %add3A_240 : i32 to index
          %get3A_247 = arith.constant 0 : index
          %get3A_248 = tpu.vector_load %arg5[%get3A_246, %get3A_247] {strides = array<i32>} : memref<128x128xf32, #tpu.memory_space<vmem>>, vector<16xf32>,
          %mul3A_249 = arith.mulf %get3A_248, %bitcast3A_245 : vector<16xf32>
          %swap3A_250 = arith.index_cast %add3A_240 : i32 to index
          %swap3A_251 = arith.constant 0 : index
          %swap3A_252 = tpu.vector_load %arg5[%swap3A_250, %swap3A_251] {strides = array<i32>} : memref<128x128xf32, #tpu.memory_space<vmem>>, vector<16xf32>,
          tpu.vector_store %arg5[%swap3A_250, %swap3A_251], %mul3A_249 {strides = array<i32>} : memref<128x128xf32, #tpu.memory_space<vmem>>, vector<16xf32>,
          %get3A_253 = arith.index_cast %add3A_240 : i32 to index
          %get3A_254 = arith.constant 16 : index
          %get3A_255 = tpu.vector_load %arg5[%get3A_253, %get3A_254] {strides = array<i32>} : memref<128x128xf32, #tpu.memory_space<vmem>>, vector<16xf32>,
          %mul3A_256 = arith.mulf %get3A_255, %bitcast3A_245 : vector<16xf32>
          %swap3A_257 = arith.index_cast %add3A_240 : i32 to index
          %swap3A_258 = arith.constant 16 : index
          %swap3A_259 = tpu.vector_load %arg5[%swap3A_257, %swap3A_258] {strides = array<i32>} : memref<128x128xf32, #tpu.memory_space<vmem>>, vector<16xf32>,
          tpu.vector_store %arg5[%swap3A_257, %swap3A_258], %mul3A_256 {strides = array<i32>} : memref<128x128xf32, #tpu.memory_space<vmem>>, vector<16xf32>,
          %get3A_260 = arith.index_cast %add3A_240 : i32 to index
          %get3A_261 = arith.constant 32 : index
          %get3A_262 = tpu.vector_load %arg5[%get3A_260, %get3A_261] {strides = array<i32>} : memref<128x128xf32, #tpu.memory_space<vmem>>, vector<16xf32>,
          %mul3A_263 = arith.mulf %get3A_262, %bitcast3A_245 : vector<16xf32>
          %swap3A_264 = arith.index_cast %add3A_240 : i32 to index
          %swap3A_265 = arith.constant 32 : index
          %swap3A_266 = tpu.vector_load %arg5[%swap3A_264, %swap3A_265] {strides = array<i32>} : memref<128x128xf32, #tpu.memory_space<vmem>>, vector<16xf32>,
          tpu.vector_store %arg5[%swap3A_264, %swap3A_265], %mul3A_263 {strides = array<i32>} : memref<128x128xf32, #tpu.memory_space<vmem>>, vector<16xf32>,
          %get3A_267 = arith.index_cast %add3A_240 : i32 to index
          %get3A_268 = arith.constant 48 : index
          %get3A_269 = tpu.vector_load %arg5[%get3A_267, %get3A_268] {strides = array<i32>} : memref<128x128xf32, #tpu.memory_space<vmem>>, vector<16xf32>,
          %mul3A_270 = arith.mulf %get3A_269, %bitcast3A_245 : vector<16xf32>
          %swap3A_271 = arith.index_cast %add3A_240 : i32 to index
          %swap3A_272 = arith.constant 48 : index
          %swap3A_273 = tpu.vector_load %arg5[%swap3A_271, %swap3A_272] {strides = array<i32>} : memref<128x128xf32, #tpu.memory_space<vmem>>, vector<16xf32>,
          tpu.vector_store %arg5[%swap3A_271, %swap3A_272], %mul3A_270 {strides = array<i32>} : memref<128x128xf32, #tpu.memory_space<vmem>>, vector<16xf32>,
          %get3A_274 = arith.index_cast %add3A_240 : i32 to index
          %get3A_275 = arith.constant 64 : index
          %get3A_276 = tpu.vector_load %arg5[%get3A_274, %get3A_275] {strides = array<i32>} : memref<128x128xf32, #tpu.memory_space<vmem>>, vector<16xf32>,
          %mul3A_277 = arith.mulf %get3A_276, %bitcast3A_245 : vector<16xf32>
          %swap3A_278 = arith.index_cast %add3A_240 : i32 to index
          %swap3A_279 = arith.constant 64 : index
          %swap3A_280 = tpu.vector_load %arg5[%swap3A_278, %swap3A_279] {strides = array<i32>} : memref<128x128xf32, #tpu.memory_space<vmem>>, vector<16xf32>,
          tpu.vector_store %arg5[%swap3A_278, %swap3A_279], %mul3A_277 {strides = array<i32>} : memref<128x128xf32, #tpu.memory_space<vmem>>, vector<16xf32>,
          %get3A_281 = arith.index_cast %add3A_240 : i32 to index
          %get3A_282 = arith.constant 80 : index
          %get3A_283 = tpu.vector_load %arg5[%get3A_281, %get3A_282] {strides = array<i32>} : memref<128x128xf32, #tpu.memory_space<vmem>>, vector<16xf32>,
          %mul3A_284 = arith.mulf %get3A_283, %bitcast3A_245 : vector<16xf32>
          %swap3A_285 = arith.index_cast %add3A_240 : i32 to index
          %swap3A_286 = arith.constant 80 : index
          %swap3A_287 = tpu.vector_load %arg5[%swap3A_285, %swap3A_286] {strides = array<i32>} : memref<128x128xf32, #tpu.memory_space<vmem>>, vector<16xf32>,
          tpu.vector_store %arg5[%swap3A_285, %swap3A_286], %mul3A_284 {strides = array<i32>} : memref<128x128xf32, #tpu.memory_space<vmem>>, vector<16xf32>,
          %get3A_288 = arith.index_cast %add3A_240 : i32 to index
          %get3A_289 = arith.constant 96 : index
          %get3A_290 = tpu.vector_load %arg5[%get3A_288, %get3A_289] {strides = array<i32>} : memref<128x128xf32, #tpu.memory_space<vmem>>, vector<16xf32>,
          %mul3A_291 = arith.mulf %get3A_290, %bitcast3A_245 : vector<16xf32>
          %swap3A_292 = arith.index_cast %add3A_240 : i32 to index
          %swap3A_293 = arith.constant 96 : index
          %swap3A_294 = tpu.vector_load %arg5[%swap3A_292, %swap3A_293] {strides = array<i32>} : memref<128x128xf32, #tpu.memory_space<vmem>>, vector<16xf32>,
          tpu.vector_store %arg5[%swap3A_292, %swap3A_293], %mul3A_291 {strides = array<i32>} : memref<128x128xf32, #tpu.memory_space<vmem>>, vector<16xf32>,
          %get3A_295 = arith.index_cast %add3A_240 : i32 to index
          %get3A_296 = arith.constant 112 : index
          %get3A_297 = tpu.vector_load %arg5[%get3A_295, %get3A_296] {strides = array<i32>} : memref<128x128xf32, #tpu.memory_space<vmem>>, vector<16xf32>,
          %mul3A_298 = arith.mulf %get3A_297, %bitcast3A_245 : vector<16xf32>
          %swap3A_299 = arith.index_cast %add3A_240 : i32 to index
          %swap3A_300 = arith.constant 112 : index
          %swap3A_301 = tpu.vector_load %arg5[%swap3A_299, %swap3A_300] {strides = array<i32>} : memref<128x128xf32, #tpu.memory_space<vmem>>, vector<16xf32>,
          tpu.vector_store %arg5[%swap3A_299, %swap3A_300], %mul3A_298 {strides = array<i32>} : memref<128x128xf32, #tpu.memory_space<vmem>>, vector<16xf32>,
          %mul3A_302 = arith.constant 4 : i32
          %mul3A_303 = arith.muli %scan3A_110, %mul3A_302 : i32
          %add3A_304 = arith.constant 3 : i32
          %add3A_305 = arith.addi %mul3A_303, %add3A_304 : i32
          %broadcast_in_dim3A_306 = arith.constant 2 : i32
          %broadcast_in_dim3A_307 = vector.broadcast %broadcast_in_dim3A_306 : i32 to vector<16xi32>
          %broadcast_in_dim3A_308 = vector.broadcast %add3A_305 : i32 to vector<16xi32>
          %gather3A_309 = tpu.vector_load_idx %arg7[%broadcast_in_dim3A_307, %broadcast_in_dim3A_308] : memref<3x128xi32, #tpu.memory_space<vmem>>[vector<16xi32>, vector<16xi32>], vector<16xi32>,
          %bitcast3A_310 = vector.bitcast %gather3A_309 : vector<16xi32> to vector<16xf32>
          %get3A_311 = arith.index_cast %add3A_305 : i32 to index
          %get3A_312 = arith.constant 0 : index
          %get3A_313 = tpu.vector_load %arg5[%get3A_311, %get3A_312] {strides = array<i32>} : memref<128x128xf32, #tpu.memory_space<vmem>>, vector<16xf32>,
          %mul3A_314 = arith.mulf %get3A_313, %bitcast3A_310 : vector<16xf32>
          %swap3A_315 = arith.index_cast %add3A_305 : i32 to index
          %swap3A_316 = arith.constant 0 : index
          %swap3A_317 = tpu.vector_load %arg5[%swap3A_315, %swap3A_316] {strides = array<i32>} : memref<128x128xf32, #tpu.memory_space<vmem>>, vector<16xf32>,
          tpu.vector_store %arg5[%swap3A_315, %swap3A_316], %mul3A_314 {strides = array<i32>} : memref<128x128xf32, #tpu.memory_space<vmem>>, vector<16xf32>,
          %get3A_318 = arith.index_cast %add3A_305 : i32 to index
          %get3A_319 = arith.constant 16 : index
          %get3A_320 = tpu.vector_load %arg5[%get3A_318, %get3A_319] {strides = array<i32>} : memref<128x128xf32, #tpu.memory_space<vmem>>, vector<16xf32>,
          %mul3A_321 = arith.mulf %get3A_320, %bitcast3A_310 : vector<16xf32>
          %swap3A_322 = arith.index_cast %add3A_305 : i32 to index
          %swap3A_323 = arith.constant 16 : index
          %swap3A_324 = tpu.vector_load %arg5[%swap3A_322, %swap3A_323] {strides = array<i32>} : memref<128x128xf32, #tpu.memory_space<vmem>>, vector<16xf32>,
          tpu.vector_store %arg5[%swap3A_322, %swap3A_323], %mul3A_321 {strides = array<i32>} : memref<128x128xf32, #tpu.memory_space<vmem>>, vector<16xf32>,
          %get3A_325 = arith.index_cast %add3A_305 : i32 to index
          %get3A_326 = arith.constant 32 : index
          %get3A_327 = tpu.vector_load %arg5[%get3A_325, %get3A_326] {strides = array<i32>} : memref<128x128xf32, #tpu.memory_space<vmem>>, vector<16xf32>,
          %mul3A_328 = arith.mulf %get3A_327, %bitcast3A_310 : vector<16xf32>
          %swap3A_329 = arith.index_cast %add3A_305 : i32 to index
          %swap3A_330 = arith.constant 32 : index
          %swap3A_331 = tpu.vector_load %arg5[%swap3A_329, %swap3A_330] {strides = array<i32>} : memref<128x128xf32, #tpu.memory_space<vmem>>, vector<16xf32>,
          tpu.vector_store %arg5[%swap3A_329, %swap3A_330], %mul3A_328 {strides = array<i32>} : memref<128x128xf32, #tpu.memory_space<vmem>>, vector<16xf32>,
          %get3A_332 = arith.index_cast %add3A_305 : i32 to index
          %get3A_333 = arith.constant 48 : index
          %get3A_334 = tpu.vector_load %arg5[%get3A_332, %get3A_333] {strides = array<i32>} : memref<128x128xf32, #tpu.memory_space<vmem>>, vector<16xf32>,
          %mul3A_335 = arith.mulf %get3A_334, %bitcast3A_310 : vector<16xf32>
          %swap3A_336 = arith.index_cast %add3A_305 : i32 to index
          %swap3A_337 = arith.constant 48 : index
          %swap3A_338 = tpu.vector_load %arg5[%swap3A_336, %swap3A_337] {strides = array<i32>} : memref<128x128xf32, #tpu.memory_space<vmem>>, vector<16xf32>,
          tpu.vector_store %arg5[%swap3A_336, %swap3A_337], %mul3A_335 {strides = array<i32>} : memref<128x128xf32, #tpu.memory_space<vmem>>, vector<16xf32>,
          %get3A_339 = arith.index_cast %add3A_305 : i32 to index
          %get3A_340 = arith.constant 64 : index
          %get3A_341 = tpu.vector_load %arg5[%get3A_339, %get3A_340] {strides = array<i32>} : memref<128x128xf32, #tpu.memory_space<vmem>>, vector<16xf32>,
          %mul3A_342 = arith.mulf %get3A_341, %bitcast3A_310 : vector<16xf32>
          %swap3A_343 = arith.index_cast %add3A_305 : i32 to index
          %swap3A_344 = arith.constant 64 : index
          %swap3A_345 = tpu.vector_load %arg5[%swap3A_343, %swap3A_344] {strides = array<i32>} : memref<128x128xf32, #tpu.memory_space<vmem>>, vector<16xf32>,
          tpu.vector_store %arg5[%swap3A_343, %swap3A_344], %mul3A_342 {strides = array<i32>} : memref<128x128xf32, #tpu.memory_space<vmem>>, vector<16xf32>,
          %get3A_346 = arith.index_cast %add3A_305 : i32 to index
          %get3A_347 = arith.constant 80 : index
          %get3A_348 = tpu.vector_load %arg5[%get3A_346, %get3A_347] {strides = array<i32>} : memref<128x128xf32, #tpu.memory_space<vmem>>, vector<16xf32>,
          %mul3A_349 = arith.mulf %get3A_348, %bitcast3A_310 : vector<16xf32>
          %swap3A_350 = arith.index_cast %add3A_305 : i32 to index
          %swap3A_351 = arith.constant 80 : index
          %swap3A_352 = tpu.vector_load %arg5[%swap3A_350, %swap3A_351] {strides = array<i32>} : memref<128x128xf32, #tpu.memory_space<vmem>>, vector<16xf32>,
          tpu.vector_store %arg5[%swap3A_350, %swap3A_351], %mul3A_349 {strides = array<i32>} : memref<128x128xf32, #tpu.memory_space<vmem>>, vector<16xf32>,
          %get3A_353 = arith.index_cast %add3A_305 : i32 to index
          %get3A_354 = arith.constant 96 : index
          %get3A_355 = tpu.vector_load %arg5[%get3A_353, %get3A_354] {strides = array<i32>} : memref<128x128xf32, #tpu.memory_space<vmem>>, vector<16xf32>,
          %mul3A_356 = arith.mulf %get3A_355, %bitcast3A_310 : vector<16xf32>
          %swap3A_357 = arith.index_cast %add3A_305 : i32 to index
          %swap3A_358 = arith.constant 96 : index
          %swap3A_359 = tpu.vector_load %arg5[%swap3A_357, %swap3A_358] {strides = array<i32>} : memref<128x128xf32, #tpu.memory_space<vmem>>, vector<16xf32>,
          tpu.vector_store %arg5[%swap3A_357, %swap3A_358], %mul3A_356 {strides = array<i32>} : memref<128x128xf32, #tpu.memory_space<vmem>>, vector<16xf32>,
          %get3A_360 = arith.index_cast %add3A_305 : i32 to index
          %get3A_361 = arith.constant 112 : index
          %get3A_362 = tpu.vector_load %arg5[%get3A_360, %get3A_361] {strides = array<i32>} : memref<128x128xf32, #tpu.memory_space<vmem>>, vector<16xf32>,
          %mul3A_363 = arith.mulf %get3A_362, %bitcast3A_310 : vector<16xf32>
          %swap3A_364 = arith.index_cast %add3A_305 : i32 to index
          %swap3A_365 = arith.constant 112 : index
          %swap3A_366 = tpu.vector_load %arg5[%swap3A_364, %swap3A_365] {strides = array<i32>} : memref<128x128xf32, #tpu.memory_space<vmem>>, vector<16xf32>,
          tpu.vector_store %arg5[%swap3A_364, %swap3A_365], %mul3A_363 {strides = array<i32>} : memref<128x128xf32, #tpu.memory_space<vmem>>, vector<16xf32>,
          %scan3A_367 = arith.constant 0 : i32
          scf.yield %scan3A_367 : i32
        }
        %scan3A_103 = arith.constant 32 : i32
        %run_scoped3A = arith.constant 1 : i32
        "tpu.region"() ({
          %run_scoped3A_110 = tpu.sem_alloc : memref<!tpu.dma_semaphore, #tpu.memory_space<semaphore_mem>>
          %dma_start3A_111 = arith.constant 0 : i32
          %dma_start3A_112 = tpu.memref_slice %arg7[%run_scoped3A, %dma_start3A_111] : memref<3x128xi32, #tpu.memory_space<vmem>> -> memref<1x128xi32, #tpu.memory_space<vmem>>
          %dma_start3A_113 = tpu.memref_squeeze %dma_start3A_112 : memref<1x128xi32, #tpu.memory_space<vmem>> -> memref<128xi32, #tpu.memory_space<vmem>>
          %dma_start3A_114 = arith.constant 0 : i32
          %dma_start3A_115 = arith.constant 0 : i32
          %dma_start3A_116 = tpu.memref_slice %arg9[%dma_start3A_114, %dma_start3A_115] : memref<10112x128xf32, #tpu.memory_space<vmem_shared>> -> memref<10112x128xf32, #tpu.memory_space<vmem_shared>>
          tpu.enqueue_indirect_dma source(%arg5 : memref<128x128xf32, #tpu.memory_space<vmem>>) target(%dma_start3A_116 : memref<10112x128xf32, #tpu.memory_space<vmem_shared>>) offsets(%dma_start3A_113 : memref<128xi32, #tpu.memory_space<vmem>>) semaphore(%run_scoped3A_110 : memref<!tpu.dma_semaphore, #tpu.memory_space<semaphore_mem>>) {add = true}
          %dma_wait3A_117 = arith.constant 0 : i32
          %dma_wait3A_118 = tpu.memref_slice %arg7[%run_scoped3A, %dma_wait3A_117] : memref<3x128xi32, #tpu.memory_space<vmem>> -> memref<1x128xi32, #tpu.memory_space<vmem>>
          %dma_wait3A_119 = tpu.memref_squeeze %dma_wait3A_118 : memref<1x128xi32, #tpu.memory_space<vmem>> -> memref<128xi32, #tpu.memory_space<vmem>>
          %dma_wait3A_120 = arith.constant 0 : i32
          %dma_wait3A_121 = arith.constant 0 : i32
          %dma_wait3A_122 = tpu.memref_slice %arg9[%dma_wait3A_120, %dma_wait3A_121] : memref<10112x128xf32, #tpu.memory_space<vmem_shared>> -> memref<10112x128xf32, #tpu.memory_space<vmem_shared>>
          tpu.wait_indirect_dma semaphore(%run_scoped3A_110 : memref<!tpu.dma_semaphore, #tpu.memory_space<semaphore_mem>>) src(%arg5 : memref<128x128xf32, #tpu.memory_space<vmem>>) dst(%dma_wait3A_122 : memref<10112x128xf32, #tpu.memory_space<vmem_shared>>)
          tpu.yield
        }) : () -> ()
        %add3A_104 = arith.constant 2 : i32
        %add3A_105 = arith.addi %add3A_73, %add3A_104 : i32
        %lt3A_106 = arith.cmpi slt, %add3A_105, %select_n3A : i32
        %convert_element_type3A_107 = arith.extui %lt3A_106 : i1 to i32
        %cond3A_108 = arith.constant 0 : i32
        %cond3A_109 = arith.cmpi ne, %convert_element_type3A_107, %cond3A_108 : i32
        scf.if %cond3A_109 {
          %add3A_110 = arith.constant 2 : i32
          %add3A_111 = arith.addi %add3A_73, %add3A_110 : i32
          %add3A_112 = arith.addi %add3A, %add3A_111 : i32
          %dma_start3A_113 = arith.constant 0 : i32
          %dma_start3A_114 = arith.constant 0 : i32
          %dma_start3A_115 = tpu.memref_slice %arg3[%add3A_112, %dma_start3A_113, %dma_start3A_114] : memref<2528x3x128xi32, #tpu.memory_space<hbm>> -> memref<1x3x128xi32, #tpu.memory_space<hbm>>
          %dma_start3A_116 = tpu.memref_squeeze %dma_start3A_115 : memref<1x3x128xi32, #tpu.memory_space<hbm>> -> memref<3x128xi32, #tpu.memory_space<hbm>>
          %dma_start3A_117 = arith.constant 0 : i32
          %dma_start3A_118 = arith.constant 0 : i32
          %dma_start3A_119 = tpu.memref_slice %arg3[%add3A_112, %dma_start3A_117, %dma_start3A_118] : memref<2528x3x128xi32, #tpu.memory_space<hbm>> -> memref<1x3x128xi32, #tpu.memory_space<hbm>>
          %dma_start3A_120 = tpu.memref_squeeze %dma_start3A_119 : memref<1x3x128xi32, #tpu.memory_space<hbm>> -> memref<3x128xi32, #tpu.memory_space<hbm>>
          tpu.enqueue_dma source(%dma_start3A_120 : memref<3x128xi32, #tpu.memory_space<hbm>>) target(%arg7 : memref<3x128xi32, #tpu.memory_space<vmem>>) target_semaphore(%arg12 : memref<!tpu.dma_semaphore, #tpu.memory_space<semaphore_mem>>)
        } else {
        }
      } else {
      }
      %mul3A_75 = arith.constant 2 : i32
      %mul3A_76 = arith.muli %scan3A_68, %mul3A_75 : i32
      %add3A_77 = arith.constant 1 : i32
      %add3A_78 = arith.addi %mul3A_76, %add3A_77 : i32
      %lt3A_79 = arith.cmpi slt, %add3A_78, %select_n3A : i32
      %convert_element_type3A_80 = arith.extui %lt3A_79 : i1 to i32
      %cond3A_81 = arith.constant 0 : i32
      %cond3A_82 = arith.cmpi ne, %convert_element_type3A_80, %cond3A_81 : i32
      scf.if %cond3A_82 {
        %dma_wait3A_84 = arith.constant 0 : i32
        %dma_wait3A_85 = arith.constant 0 : i32
        %dma_wait3A_86 = tpu.memref_slice %arg8[%dma_wait3A_84, %dma_wait3A_85] : memref<3x128xi32, #tpu.memory_space<vmem>> -> memref<1x128xi32, #tpu.memory_space<vmem>>
        %dma_wait3A_87 = tpu.memref_squeeze %dma_wait3A_86 : memref<1x128xi32, #tpu.memory_space<vmem>> -> memref<128xi32, #tpu.memory_space<vmem>>
        %dma_wait3A_88 = arith.constant 0 : i32
        %dma_wait3A_89 = arith.constant 0 : i32
        %dma_wait3A_90 = tpu.memref_slice %arg2[%dma_wait3A_88, %dma_wait3A_89] : memref<80000x128xf32, #tpu.memory_space<hbm>> -> memref<80000x128xf32, #tpu.memory_space<hbm>>
        tpu.wait_indirect_dma semaphore(%arg11 : memref<!tpu.dma_semaphore, #tpu.memory_space<semaphore_mem>>) src(%dma_wait3A_90 : memref<80000x128xf32, #tpu.memory_space<hbm>>) dst(%arg6 : memref<128x128xf32, #tpu.memory_space<vmem>>)
        %add3A_91 = arith.constant 1 : i32
        %add3A_92 = arith.addi %add3A_78, %add3A_91 : i32
        %lt3A_93 = arith.cmpi slt, %add3A_92, %select_n3A : i32
        %convert_element_type3A_94 = arith.extui %lt3A_93 : i1 to i32
        %cond3A_95 = arith.constant 0 : i32
        %cond3A_96 = arith.cmpi ne, %convert_element_type3A_94, %cond3A_95 : i32
        scf.if %cond3A_96 {
          %add3A_110 = arith.constant 1 : i32
          %add3A_111 = arith.addi %add3A_78, %add3A_110 : i32
          %add3A_112 = arith.addi %add3A, %add3A_111 : i32
          %dma_wait3A_113 = arith.constant 0 : i32
          %dma_wait3A_114 = arith.constant 0 : i32
          %dma_wait3A_115 = tpu.memref_slice %arg3[%add3A_112, %dma_wait3A_113, %dma_wait3A_114] : memref<2528x3x128xi32, #tpu.memory_space<hbm>> -> memref<1x3x128xi32, #tpu.memory_space<hbm>>
          %dma_wait3A_116 = tpu.memref_squeeze %dma_wait3A_115 : memref<1x3x128xi32, #tpu.memory_space<hbm>> -> memref<3x128xi32, #tpu.memory_space<hbm>>
          %dma_wait3A_117 = arith.constant 0 : i32
          %dma_wait3A_118 = arith.constant 0 : i32
          %dma_wait3A_119 = tpu.memref_slice %arg3[%add3A_112, %dma_wait3A_117, %dma_wait3A_118] : memref<2528x3x128xi32, #tpu.memory_space<hbm>> -> memref<1x3x128xi32, #tpu.memory_space<hbm>>
          %dma_wait3A_120 = tpu.memref_squeeze %dma_wait3A_119 : memref<1x3x128xi32, #tpu.memory_space<hbm>> -> memref<3x128xi32, #tpu.memory_space<hbm>>
          tpu.wait_dma2 semaphore(%arg12 : memref<!tpu.dma_semaphore, #tpu.memory_space<semaphore_mem>>) src(%dma_wait3A_120 : memref<3x128xi32, #tpu.memory_space<hbm>>) dst(%arg7 : memref<3x128xi32, #tpu.memory_space<vmem>>)
          %add3A_121 = arith.constant 1 : i32
          %add3A_122 = arith.addi %add3A_78, %add3A_121 : i32
          %dma_start3A_123 = arith.constant 0 : i32
          %dma_start3A_124 = arith.constant 0 : i32
          %dma_start3A_125 = tpu.memref_slice %arg7[%dma_start3A_123, %dma_start3A_124] : memref<3x128xi32, #tpu.memory_space<vmem>> -> memref<1x128xi32, #tpu.memory_space<vmem>>
          %dma_start3A_126 = tpu.memref_squeeze %dma_start3A_125 : memref<1x128xi32, #tpu.memory_space<vmem>> -> memref<128xi32, #tpu.memory_space<vmem>>
          %dma_start3A_127 = arith.constant 0 : i32
          %dma_start3A_128 = arith.constant 0 : i32
          %dma_start3A_129 = tpu.memref_slice %arg2[%dma_start3A_127, %dma_start3A_128] : memref<80000x128xf32, #tpu.memory_space<hbm>> -> memref<80000x128xf32, #tpu.memory_space<hbm>>
          tpu.enqueue_indirect_dma source(%dma_start3A_129 : memref<80000x128xf32, #tpu.memory_space<hbm>>) target(%arg5 : memref<128x128xf32, #tpu.memory_space<vmem>>) offsets(%dma_start3A_126 : memref<128xi32, #tpu.memory_space<vmem>>) semaphore(%arg10 : memref<!tpu.dma_semaphore, #tpu.memory_space<semaphore_mem>>)
        } else {
        }
        %scan3A_97 = arith.constant 0 : i32
        %scan3A_98 = arith.constant 0 : i32
        %scan3A_99 = arith.constant 32 : i32
        %scan3A_100 = arith.addi %scan3A_98, %scan3A_99 : i32
        %scan3A_101 = arith.constant 1 : i32
        %scan3A_102 = scf.for %scan3A_110 = %scan3A_98 to %scan3A_100 step %scan3A_101 iter_args(%scan3A_111 = %scan3A_97) -> (i32)  : i32 {
          %mul3A_112 = arith.constant 4 : i32
          %mul3A_113 = arith.muli %scan3A_110, %mul3A_112 : i32
          %add3A_114 = arith.constant 0 : i32
          %add3A_115 = arith.addi %mul3A_113, %add3A_114 : i32
          %broadcast_in_dim3A = arith.constant 2 : i32
          %broadcast_in_dim3A_116 = vector.broadcast %broadcast_in_dim3A : i32 to vector<16xi32>
          %broadcast_in_dim3A_117 = vector.broadcast %add3A_115 : i32 to vector<16xi32>
          %gather3A = tpu.vector_load_idx %arg8[%broadcast_in_dim3A_116, %broadcast_in_dim3A_117] : memref<3x128xi32, #tpu.memory_space<vmem>>[vector<16xi32>, vector<16xi32>], vector<16xi32>,
          %bitcast3A = vector.bitcast %gather3A : vector<16xi32> to vector<16xf32>
          %get3A = arith.index_cast %add3A_115 : i32 to index
          %get3A_118 = arith.constant 0 : index
          %get3A_119 = tpu.vector_load %arg6[%get3A, %get3A_118] {strides = array<i32>} : memref<128x128xf32, #tpu.memory_space<vmem>>, vector<16xf32>,
          %mul3A_120 = arith.mulf %get3A_119, %bitcast3A : vector<16xf32>
          %swap3A = arith.index_cast %add3A_115 : i32 to index
          %swap3A_121 = arith.constant 0 : index
          %swap3A_122 = tpu.vector_load %arg6[%swap3A, %swap3A_121] {strides = array<i32>} : memref<128x128xf32, #tpu.memory_space<vmem>>, vector<16xf32>,
          tpu.vector_store %arg6[%swap3A, %swap3A_121], %mul3A_120 {strides = array<i32>} : memref<128x128xf32, #tpu.memory_space<vmem>>, vector<16xf32>,
          %get3A_123 = arith.index_cast %add3A_115 : i32 to index
          %get3A_124 = arith.constant 16 : index
          %get3A_125 = tpu.vector_load %arg6[%get3A_123, %get3A_124] {strides = array<i32>} : memref<128x128xf32, #tpu.memory_space<vmem>>, vector<16xf32>,
          %mul3A_126 = arith.mulf %get3A_125, %bitcast3A : vector<16xf32>
          %swap3A_127 = arith.index_cast %add3A_115 : i32 to index
          %swap3A_128 = arith.constant 16 : index
          %swap3A_129 = tpu.vector_load %arg6[%swap3A_127, %swap3A_128] {strides = array<i32>} : memref<128x128xf32, #tpu.memory_space<vmem>>, vector<16xf32>,
          tpu.vector_store %arg6[%swap3A_127, %swap3A_128], %mul3A_126 {strides = array<i32>} : memref<128x128xf32, #tpu.memory_space<vmem>>, vector<16xf32>,
          %get3A_130 = arith.index_cast %add3A_115 : i32 to index
          %get3A_131 = arith.constant 32 : index
          %get3A_132 = tpu.vector_load %arg6[%get3A_130, %get3A_131] {strides = array<i32>} : memref<128x128xf32, #tpu.memory_space<vmem>>, vector<16xf32>,
          %mul3A_133 = arith.mulf %get3A_132, %bitcast3A : vector<16xf32>
          %swap3A_134 = arith.index_cast %add3A_115 : i32 to index
          %swap3A_135 = arith.constant 32 : index
          %swap3A_136 = tpu.vector_load %arg6[%swap3A_134, %swap3A_135] {strides = array<i32>} : memref<128x128xf32, #tpu.memory_space<vmem>>, vector<16xf32>,
          tpu.vector_store %arg6[%swap3A_134, %swap3A_135], %mul3A_133 {strides = array<i32>} : memref<128x128xf32, #tpu.memory_space<vmem>>, vector<16xf32>,
          %get3A_137 = arith.index_cast %add3A_115 : i32 to index
          %get3A_138 = arith.constant 48 : index
          %get3A_139 = tpu.vector_load %arg6[%get3A_137, %get3A_138] {strides = array<i32>} : memref<128x128xf32, #tpu.memory_space<vmem>>, vector<16xf32>,
          %mul3A_140 = arith.mulf %get3A_139, %bitcast3A : vector<16xf32>
          %swap3A_141 = arith.index_cast %add3A_115 : i32 to index
          %swap3A_142 = arith.constant 48 : index
          %swap3A_143 = tpu.vector_load %arg6[%swap3A_141, %swap3A_142] {strides = array<i32>} : memref<128x128xf32, #tpu.memory_space<vmem>>, vector<16xf32>,
          tpu.vector_store %arg6[%swap3A_141, %swap3A_142], %mul3A_140 {strides = array<i32>} : memref<128x128xf32, #tpu.memory_space<vmem>>, vector<16xf32>,
          %get3A_144 = arith.index_cast %add3A_115 : i32 to index
          %get3A_145 = arith.constant 64 : index
          %get3A_146 = tpu.vector_load %arg6[%get3A_144, %get3A_145] {strides = array<i32>} : memref<128x128xf32, #tpu.memory_space<vmem>>, vector<16xf32>,
          %mul3A_147 = arith.mulf %get3A_146, %bitcast3A : vector<16xf32>
          %swap3A_148 = arith.index_cast %add3A_115 : i32 to index
          %swap3A_149 = arith.constant 64 : index
          %swap3A_150 = tpu.vector_load %arg6[%swap3A_148, %swap3A_149] {strides = array<i32>} : memref<128x128xf32, #tpu.memory_space<vmem>>, vector<16xf32>,
          tpu.vector_store %arg6[%swap3A_148, %swap3A_149], %mul3A_147 {strides = array<i32>} : memref<128x128xf32, #tpu.memory_space<vmem>>, vector<16xf32>,
          %get3A_151 = arith.index_cast %add3A_115 : i32 to index
          %get3A_152 = arith.constant 80 : index
          %get3A_153 = tpu.vector_load %arg6[%get3A_151, %get3A_152] {strides = array<i32>} : memref<128x128xf32, #tpu.memory_space<vmem>>, vector<16xf32>,
          %mul3A_154 = arith.mulf %get3A_153, %bitcast3A : vector<16xf32>
          %swap3A_155 = arith.index_cast %add3A_115 : i32 to index
          %swap3A_156 = arith.constant 80 : index
          %swap3A_157 = tpu.vector_load %arg6[%swap3A_155, %swap3A_156] {strides = array<i32>} : memref<128x128xf32, #tpu.memory_space<vmem>>, vector<16xf32>,
          tpu.vector_store %arg6[%swap3A_155, %swap3A_156], %mul3A_154 {strides = array<i32>} : memref<128x128xf32, #tpu.memory_space<vmem>>, vector<16xf32>,
          %get3A_158 = arith.index_cast %add3A_115 : i32 to index
          %get3A_159 = arith.constant 96 : index
          %get3A_160 = tpu.vector_load %arg6[%get3A_158, %get3A_159] {strides = array<i32>} : memref<128x128xf32, #tpu.memory_space<vmem>>, vector<16xf32>,
          %mul3A_161 = arith.mulf %get3A_160, %bitcast3A : vector<16xf32>
          %swap3A_162 = arith.index_cast %add3A_115 : i32 to index
          %swap3A_163 = arith.constant 96 : index
          %swap3A_164 = tpu.vector_load %arg6[%swap3A_162, %swap3A_163] {strides = array<i32>} : memref<128x128xf32, #tpu.memory_space<vmem>>, vector<16xf32>,
          tpu.vector_store %arg6[%swap3A_162, %swap3A_163], %mul3A_161 {strides = array<i32>} : memref<128x128xf32, #tpu.memory_space<vmem>>, vector<16xf32>,
          %get3A_165 = arith.index_cast %add3A_115 : i32 to index
          %get3A_166 = arith.constant 112 : index
          %get3A_167 = tpu.vector_load %arg6[%get3A_165, %get3A_166] {strides = array<i32>} : memref<128x128xf32, #tpu.memory_space<vmem>>, vector<16xf32>,
          %mul3A_168 = arith.mulf %get3A_167, %bitcast3A : vector<16xf32>
          %swap3A_169 = arith.index_cast %add3A_115 : i32 to index
          %swap3A_170 = arith.constant 112 : index
          %swap3A_171 = tpu.vector_load %arg6[%swap3A_169, %swap3A_170] {strides = array<i32>} : memref<128x128xf32, #tpu.memory_space<vmem>>, vector<16xf32>,
          tpu.vector_store %arg6[%swap3A_169, %swap3A_170], %mul3A_168 {strides = array<i32>} : memref<128x128xf32, #tpu.memory_space<vmem>>, vector<16xf32>,
          %mul3A_172 = arith.constant 4 : i32
          %mul3A_173 = arith.muli %scan3A_110, %mul3A_172 : i32
          %add3A_174 = arith.constant 1 : i32
          %add3A_175 = arith.addi %mul3A_173, %add3A_174 : i32
          %broadcast_in_dim3A_176 = arith.constant 2 : i32
          %broadcast_in_dim3A_177 = vector.broadcast %broadcast_in_dim3A_176 : i32 to vector<16xi32>
          %broadcast_in_dim3A_178 = vector.broadcast %add3A_175 : i32 to vector<16xi32>
          %gather3A_179 = tpu.vector_load_idx %arg8[%broadcast_in_dim3A_177, %broadcast_in_dim3A_178] : memref<3x128xi32, #tpu.memory_space<vmem>>[vector<16xi32>, vector<16xi32>], vector<16xi32>,
          %bitcast3A_180 = vector.bitcast %gather3A_179 : vector<16xi32> to vector<16xf32>
          %get3A_181 = arith.index_cast %add3A_175 : i32 to index
          %get3A_182 = arith.constant 0 : index
          %get3A_183 = tpu.vector_load %arg6[%get3A_181, %get3A_182] {strides = array<i32>} : memref<128x128xf32, #tpu.memory_space<vmem>>, vector<16xf32>,
          %mul3A_184 = arith.mulf %get3A_183, %bitcast3A_180 : vector<16xf32>
          %swap3A_185 = arith.index_cast %add3A_175 : i32 to index
          %swap3A_186 = arith.constant 0 : index
          %swap3A_187 = tpu.vector_load %arg6[%swap3A_185, %swap3A_186] {strides = array<i32>} : memref<128x128xf32, #tpu.memory_space<vmem>>, vector<16xf32>,
          tpu.vector_store %arg6[%swap3A_185, %swap3A_186], %mul3A_184 {strides = array<i32>} : memref<128x128xf32, #tpu.memory_space<vmem>>, vector<16xf32>,
          %get3A_188 = arith.index_cast %add3A_175 : i32 to index
          %get3A_189 = arith.constant 16 : index
          %get3A_190 = tpu.vector_load %arg6[%get3A_188, %get3A_189] {strides = array<i32>} : memref<128x128xf32, #tpu.memory_space<vmem>>, vector<16xf32>,
          %mul3A_191 = arith.mulf %get3A_190, %bitcast3A_180 : vector<16xf32>
          %swap3A_192 = arith.index_cast %add3A_175 : i32 to index
          %swap3A_193 = arith.constant 16 : index
          %swap3A_194 = tpu.vector_load %arg6[%swap3A_192, %swap3A_193] {strides = array<i32>} : memref<128x128xf32, #tpu.memory_space<vmem>>, vector<16xf32>,
          tpu.vector_store %arg6[%swap3A_192, %swap3A_193], %mul3A_191 {strides = array<i32>} : memref<128x128xf32, #tpu.memory_space<vmem>>, vector<16xf32>,
          %get3A_195 = arith.index_cast %add3A_175 : i32 to index
          %get3A_196 = arith.constant 32 : index
          %get3A_197 = tpu.vector_load %arg6[%get3A_195, %get3A_196] {strides = array<i32>} : memref<128x128xf32, #tpu.memory_space<vmem>>, vector<16xf32>,
          %mul3A_198 = arith.mulf %get3A_197, %bitcast3A_180 : vector<16xf32>
          %swap3A_199 = arith.index_cast %add3A_175 : i32 to index
          %swap3A_200 = arith.constant 32 : index
          %swap3A_201 = tpu.vector_load %arg6[%swap3A_199, %swap3A_200] {strides = array<i32>} : memref<128x128xf32, #tpu.memory_space<vmem>>, vector<16xf32>,
          tpu.vector_store %arg6[%swap3A_199, %swap3A_200], %mul3A_198 {strides = array<i32>} : memref<128x128xf32, #tpu.memory_space<vmem>>, vector<16xf32>,
          %get3A_202 = arith.index_cast %add3A_175 : i32 to index
          %get3A_203 = arith.constant 48 : index
          %get3A_204 = tpu.vector_load %arg6[%get3A_202, %get3A_203] {strides = array<i32>} : memref<128x128xf32, #tpu.memory_space<vmem>>, vector<16xf32>,
          %mul3A_205 = arith.mulf %get3A_204, %bitcast3A_180 : vector<16xf32>
          %swap3A_206 = arith.index_cast %add3A_175 : i32 to index
          %swap3A_207 = arith.constant 48 : index
          %swap3A_208 = tpu.vector_load %arg6[%swap3A_206, %swap3A_207] {strides = array<i32>} : memref<128x128xf32, #tpu.memory_space<vmem>>, vector<16xf32>,
          tpu.vector_store %arg6[%swap3A_206, %swap3A_207], %mul3A_205 {strides = array<i32>} : memref<128x128xf32, #tpu.memory_space<vmem>>, vector<16xf32>,
          %get3A_209 = arith.index_cast %add3A_175 : i32 to index
          %get3A_210 = arith.constant 64 : index
          %get3A_211 = tpu.vector_load %arg6[%get3A_209, %get3A_210] {strides = array<i32>} : memref<128x128xf32, #tpu.memory_space<vmem>>, vector<16xf32>,
          %mul3A_212 = arith.mulf %get3A_211, %bitcast3A_180 : vector<16xf32>
          %swap3A_213 = arith.index_cast %add3A_175 : i32 to index
          %swap3A_214 = arith.constant 64 : index
          %swap3A_215 = tpu.vector_load %arg6[%swap3A_213, %swap3A_214] {strides = array<i32>} : memref<128x128xf32, #tpu.memory_space<vmem>>, vector<16xf32>,
          tpu.vector_store %arg6[%swap3A_213, %swap3A_214], %mul3A_212 {strides = array<i32>} : memref<128x128xf32, #tpu.memory_space<vmem>>, vector<16xf32>,
          %get3A_216 = arith.index_cast %add3A_175 : i32 to index
          %get3A_217 = arith.constant 80 : index
          %get3A_218 = tpu.vector_load %arg6[%get3A_216, %get3A_217] {strides = array<i32>} : memref<128x128xf32, #tpu.memory_space<vmem>>, vector<16xf32>,
          %mul3A_219 = arith.mulf %get3A_218, %bitcast3A_180 : vector<16xf32>
          %swap3A_220 = arith.index_cast %add3A_175 : i32 to index
          %swap3A_221 = arith.constant 80 : index
          %swap3A_222 = tpu.vector_load %arg6[%swap3A_220, %swap3A_221] {strides = array<i32>} : memref<128x128xf32, #tpu.memory_space<vmem>>, vector<16xf32>,
          tpu.vector_store %arg6[%swap3A_220, %swap3A_221], %mul3A_219 {strides = array<i32>} : memref<128x128xf32, #tpu.memory_space<vmem>>, vector<16xf32>,
          %get3A_223 = arith.index_cast %add3A_175 : i32 to index
          %get3A_224 = arith.constant 96 : index
          %get3A_225 = tpu.vector_load %arg6[%get3A_223, %get3A_224] {strides = array<i32>} : memref<128x128xf32, #tpu.memory_space<vmem>>, vector<16xf32>,
          %mul3A_226 = arith.mulf %get3A_225, %bitcast3A_180 : vector<16xf32>
          %swap3A_227 = arith.index_cast %add3A_175 : i32 to index
          %swap3A_228 = arith.constant 96 : index
          %swap3A_229 = tpu.vector_load %arg6[%swap3A_227, %swap3A_228] {strides = array<i32>} : memref<128x128xf32, #tpu.memory_space<vmem>>, vector<16xf32>,
          tpu.vector_store %arg6[%swap3A_227, %swap3A_228], %mul3A_226 {strides = array<i32>} : memref<128x128xf32, #tpu.memory_space<vmem>>, vector<16xf32>,
          %get3A_230 = arith.index_cast %add3A_175 : i32 to index
          %get3A_231 = arith.constant 112 : index
          %get3A_232 = tpu.vector_load %arg6[%get3A_230, %get3A_231] {strides = array<i32>} : memref<128x128xf32, #tpu.memory_space<vmem>>, vector<16xf32>,
          %mul3A_233 = arith.mulf %get3A_232, %bitcast3A_180 : vector<16xf32>
          %swap3A_234 = arith.index_cast %add3A_175 : i32 to index
          %swap3A_235 = arith.constant 112 : index
          %swap3A_236 = tpu.vector_load %arg6[%swap3A_234, %swap3A_235] {strides = array<i32>} : memref<128x128xf32, #tpu.memory_space<vmem>>, vector<16xf32>,
          tpu.vector_store %arg6[%swap3A_234, %swap3A_235], %mul3A_233 {strides = array<i32>} : memref<128x128xf32, #tpu.memory_space<vmem>>, vector<16xf32>,
          %mul3A_237 = arith.constant 4 : i32
          %mul3A_238 = arith.muli %scan3A_110, %mul3A_237 : i32
          %add3A_239 = arith.constant 2 : i32
          %add3A_240 = arith.addi %mul3A_238, %add3A_239 : i32
          %broadcast_in_dim3A_241 = arith.constant 2 : i32
          %broadcast_in_dim3A_242 = vector.broadcast %broadcast_in_dim3A_241 : i32 to vector<16xi32>
          %broadcast_in_dim3A_243 = vector.broadcast %add3A_240 : i32 to vector<16xi32>
          %gather3A_244 = tpu.vector_load_idx %arg8[%broadcast_in_dim3A_242, %broadcast_in_dim3A_243] : memref<3x128xi32, #tpu.memory_space<vmem>>[vector<16xi32>, vector<16xi32>], vector<16xi32>,
          %bitcast3A_245 = vector.bitcast %gather3A_244 : vector<16xi32> to vector<16xf32>
          %get3A_246 = arith.index_cast %add3A_240 : i32 to index
          %get3A_247 = arith.constant 0 : index
          %get3A_248 = tpu.vector_load %arg6[%get3A_246, %get3A_247] {strides = array<i32>} : memref<128x128xf32, #tpu.memory_space<vmem>>, vector<16xf32>,
          %mul3A_249 = arith.mulf %get3A_248, %bitcast3A_245 : vector<16xf32>
          %swap3A_250 = arith.index_cast %add3A_240 : i32 to index
          %swap3A_251 = arith.constant 0 : index
          %swap3A_252 = tpu.vector_load %arg6[%swap3A_250, %swap3A_251] {strides = array<i32>} : memref<128x128xf32, #tpu.memory_space<vmem>>, vector<16xf32>,
          tpu.vector_store %arg6[%swap3A_250, %swap3A_251], %mul3A_249 {strides = array<i32>} : memref<128x128xf32, #tpu.memory_space<vmem>>, vector<16xf32>,
          %get3A_253 = arith.index_cast %add3A_240 : i32 to index
          %get3A_254 = arith.constant 16 : index
          %get3A_255 = tpu.vector_load %arg6[%get3A_253, %get3A_254] {strides = array<i32>} : memref<128x128xf32, #tpu.memory_space<vmem>>, vector<16xf32>,
          %mul3A_256 = arith.mulf %get3A_255, %bitcast3A_245 : vector<16xf32>
          %swap3A_257 = arith.index_cast %add3A_240 : i32 to index
          %swap3A_258 = arith.constant 16 : index
          %swap3A_259 = tpu.vector_load %arg6[%swap3A_257, %swap3A_258] {strides = array<i32>} : memref<128x128xf32, #tpu.memory_space<vmem>>, vector<16xf32>,
          tpu.vector_store %arg6[%swap3A_257, %swap3A_258], %mul3A_256 {strides = array<i32>} : memref<128x128xf32, #tpu.memory_space<vmem>>, vector<16xf32>,
          %get3A_260 = arith.index_cast %add3A_240 : i32 to index
          %get3A_261 = arith.constant 32 : index
          %get3A_262 = tpu.vector_load %arg6[%get3A_260, %get3A_261] {strides = array<i32>} : memref<128x128xf32, #tpu.memory_space<vmem>>, vector<16xf32>,
          %mul3A_263 = arith.mulf %get3A_262, %bitcast3A_245 : vector<16xf32>
          %swap3A_264 = arith.index_cast %add3A_240 : i32 to index
          %swap3A_265 = arith.constant 32 : index
          %swap3A_266 = tpu.vector_load %arg6[%swap3A_264, %swap3A_265] {strides = array<i32>} : memref<128x128xf32, #tpu.memory_space<vmem>>, vector<16xf32>,
          tpu.vector_store %arg6[%swap3A_264, %swap3A_265], %mul3A_263 {strides = array<i32>} : memref<128x128xf32, #tpu.memory_space<vmem>>, vector<16xf32>,
          %get3A_267 = arith.index_cast %add3A_240 : i32 to index
          %get3A_268 = arith.constant 48 : index
          %get3A_269 = tpu.vector_load %arg6[%get3A_267, %get3A_268] {strides = array<i32>} : memref<128x128xf32, #tpu.memory_space<vmem>>, vector<16xf32>,
          %mul3A_270 = arith.mulf %get3A_269, %bitcast3A_245 : vector<16xf32>
          %swap3A_271 = arith.index_cast %add3A_240 : i32 to index
          %swap3A_272 = arith.constant 48 : index
          %swap3A_273 = tpu.vector_load %arg6[%swap3A_271, %swap3A_272] {strides = array<i32>} : memref<128x128xf32, #tpu.memory_space<vmem>>, vector<16xf32>,
          tpu.vector_store %arg6[%swap3A_271, %swap3A_272], %mul3A_270 {strides = array<i32>} : memref<128x128xf32, #tpu.memory_space<vmem>>, vector<16xf32>,
          %get3A_274 = arith.index_cast %add3A_240 : i32 to index
          %get3A_275 = arith.constant 64 : index
          %get3A_276 = tpu.vector_load %arg6[%get3A_274, %get3A_275] {strides = array<i32>} : memref<128x128xf32, #tpu.memory_space<vmem>>, vector<16xf32>,
          %mul3A_277 = arith.mulf %get3A_276, %bitcast3A_245 : vector<16xf32>
          %swap3A_278 = arith.index_cast %add3A_240 : i32 to index
          %swap3A_279 = arith.constant 64 : index
          %swap3A_280 = tpu.vector_load %arg6[%swap3A_278, %swap3A_279] {strides = array<i32>} : memref<128x128xf32, #tpu.memory_space<vmem>>, vector<16xf32>,
          tpu.vector_store %arg6[%swap3A_278, %swap3A_279], %mul3A_277 {strides = array<i32>} : memref<128x128xf32, #tpu.memory_space<vmem>>, vector<16xf32>,
          %get3A_281 = arith.index_cast %add3A_240 : i32 to index
          %get3A_282 = arith.constant 80 : index
          %get3A_283 = tpu.vector_load %arg6[%get3A_281, %get3A_282] {strides = array<i32>} : memref<128x128xf32, #tpu.memory_space<vmem>>, vector<16xf32>,
          %mul3A_284 = arith.mulf %get3A_283, %bitcast3A_245 : vector<16xf32>
          %swap3A_285 = arith.index_cast %add3A_240 : i32 to index
          %swap3A_286 = arith.constant 80 : index
          %swap3A_287 = tpu.vector_load %arg6[%swap3A_285, %swap3A_286] {strides = array<i32>} : memref<128x128xf32, #tpu.memory_space<vmem>>, vector<16xf32>,
          tpu.vector_store %arg6[%swap3A_285, %swap3A_286], %mul3A_284 {strides = array<i32>} : memref<128x128xf32, #tpu.memory_space<vmem>>, vector<16xf32>,
          %get3A_288 = arith.index_cast %add3A_240 : i32 to index
          %get3A_289 = arith.constant 96 : index
          %get3A_290 = tpu.vector_load %arg6[%get3A_288, %get3A_289] {strides = array<i32>} : memref<128x128xf32, #tpu.memory_space<vmem>>, vector<16xf32>,
          %mul3A_291 = arith.mulf %get3A_290, %bitcast3A_245 : vector<16xf32>
          %swap3A_292 = arith.index_cast %add3A_240 : i32 to index
          %swap3A_293 = arith.constant 96 : index
          %swap3A_294 = tpu.vector_load %arg6[%swap3A_292, %swap3A_293] {strides = array<i32>} : memref<128x128xf32, #tpu.memory_space<vmem>>, vector<16xf32>,
          tpu.vector_store %arg6[%swap3A_292, %swap3A_293], %mul3A_291 {strides = array<i32>} : memref<128x128xf32, #tpu.memory_space<vmem>>, vector<16xf32>,
          %get3A_295 = arith.index_cast %add3A_240 : i32 to index
          %get3A_296 = arith.constant 112 : index
          %get3A_297 = tpu.vector_load %arg6[%get3A_295, %get3A_296] {strides = array<i32>} : memref<128x128xf32, #tpu.memory_space<vmem>>, vector<16xf32>,
          %mul3A_298 = arith.mulf %get3A_297, %bitcast3A_245 : vector<16xf32>
          %swap3A_299 = arith.index_cast %add3A_240 : i32 to index
          %swap3A_300 = arith.constant 112 : index
          %swap3A_301 = tpu.vector_load %arg6[%swap3A_299, %swap3A_300] {strides = array<i32>} : memref<128x128xf32, #tpu.memory_space<vmem>>, vector<16xf32>,
          tpu.vector_store %arg6[%swap3A_299, %swap3A_300], %mul3A_298 {strides = array<i32>} : memref<128x128xf32, #tpu.memory_space<vmem>>, vector<16xf32>,
          %mul3A_302 = arith.constant 4 : i32
          %mul3A_303 = arith.muli %scan3A_110, %mul3A_302 : i32
          %add3A_304 = arith.constant 3 : i32
          %add3A_305 = arith.addi %mul3A_303, %add3A_304 : i32
          %broadcast_in_dim3A_306 = arith.constant 2 : i32
          %broadcast_in_dim3A_307 = vector.broadcast %broadcast_in_dim3A_306 : i32 to vector<16xi32>
          %broadcast_in_dim3A_308 = vector.broadcast %add3A_305 : i32 to vector<16xi32>
          %gather3A_309 = tpu.vector_load_idx %arg8[%broadcast_in_dim3A_307, %broadcast_in_dim3A_308] : memref<3x128xi32, #tpu.memory_space<vmem>>[vector<16xi32>, vector<16xi32>], vector<16xi32>,
          %bitcast3A_310 = vector.bitcast %gather3A_309 : vector<16xi32> to vector<16xf32>
          %get3A_311 = arith.index_cast %add3A_305 : i32 to index
          %get3A_312 = arith.constant 0 : index
          %get3A_313 = tpu.vector_load %arg6[%get3A_311, %get3A_312] {strides = array<i32>} : memref<128x128xf32, #tpu.memory_space<vmem>>, vector<16xf32>,
          %mul3A_314 = arith.mulf %get3A_313, %bitcast3A_310 : vector<16xf32>
          %swap3A_315 = arith.index_cast %add3A_305 : i32 to index
          %swap3A_316 = arith.constant 0 : index
          %swap3A_317 = tpu.vector_load %arg6[%swap3A_315, %swap3A_316] {strides = array<i32>} : memref<128x128xf32, #tpu.memory_space<vmem>>, vector<16xf32>,
          tpu.vector_store %arg6[%swap3A_315, %swap3A_316], %mul3A_314 {strides = array<i32>} : memref<128x128xf32, #tpu.memory_space<vmem>>, vector<16xf32>,
          %get3A_318 = arith.index_cast %add3A_305 : i32 to index
          %get3A_319 = arith.constant 16 : index
          %get3A_320 = tpu.vector_load %arg6[%get3A_318, %get3A_319] {strides = array<i32>} : memref<128x128xf32, #tpu.memory_space<vmem>>, vector<16xf32>,
          %mul3A_321 = arith.mulf %get3A_320, %bitcast3A_310 : vector<16xf32>
          %swap3A_322 = arith.index_cast %add3A_305 : i32 to index
          %swap3A_323 = arith.constant 16 : index
          %swap3A_324 = tpu.vector_load %arg6[%swap3A_322, %swap3A_323] {strides = array<i32>} : memref<128x128xf32, #tpu.memory_space<vmem>>, vector<16xf32>,
          tpu.vector_store %arg6[%swap3A_322, %swap3A_323], %mul3A_321 {strides = array<i32>} : memref<128x128xf32, #tpu.memory_space<vmem>>, vector<16xf32>,
          %get3A_325 = arith.index_cast %add3A_305 : i32 to index
          %get3A_326 = arith.constant 32 : index
          %get3A_327 = tpu.vector_load %arg6[%get3A_325, %get3A_326] {strides = array<i32>} : memref<128x128xf32, #tpu.memory_space<vmem>>, vector<16xf32>,
          %mul3A_328 = arith.mulf %get3A_327, %bitcast3A_310 : vector<16xf32>
          %swap3A_329 = arith.index_cast %add3A_305 : i32 to index
          %swap3A_330 = arith.constant 32 : index
          %swap3A_331 = tpu.vector_load %arg6[%swap3A_329, %swap3A_330] {strides = array<i32>} : memref<128x128xf32, #tpu.memory_space<vmem>>, vector<16xf32>,
          tpu.vector_store %arg6[%swap3A_329, %swap3A_330], %mul3A_328 {strides = array<i32>} : memref<128x128xf32, #tpu.memory_space<vmem>>, vector<16xf32>,
          %get3A_332 = arith.index_cast %add3A_305 : i32 to index
          %get3A_333 = arith.constant 48 : index
          %get3A_334 = tpu.vector_load %arg6[%get3A_332, %get3A_333] {strides = array<i32>} : memref<128x128xf32, #tpu.memory_space<vmem>>, vector<16xf32>,
          %mul3A_335 = arith.mulf %get3A_334, %bitcast3A_310 : vector<16xf32>
          %swap3A_336 = arith.index_cast %add3A_305 : i32 to index
          %swap3A_337 = arith.constant 48 : index
          %swap3A_338 = tpu.vector_load %arg6[%swap3A_336, %swap3A_337] {strides = array<i32>} : memref<128x128xf32, #tpu.memory_space<vmem>>, vector<16xf32>,
          tpu.vector_store %arg6[%swap3A_336, %swap3A_337], %mul3A_335 {strides = array<i32>} : memref<128x128xf32, #tpu.memory_space<vmem>>, vector<16xf32>,
          %get3A_339 = arith.index_cast %add3A_305 : i32 to index
          %get3A_340 = arith.constant 64 : index
          %get3A_341 = tpu.vector_load %arg6[%get3A_339, %get3A_340] {strides = array<i32>} : memref<128x128xf32, #tpu.memory_space<vmem>>, vector<16xf32>,
          %mul3A_342 = arith.mulf %get3A_341, %bitcast3A_310 : vector<16xf32>
          %swap3A_343 = arith.index_cast %add3A_305 : i32 to index
          %swap3A_344 = arith.constant 64 : index
          %swap3A_345 = tpu.vector_load %arg6[%swap3A_343, %swap3A_344] {strides = array<i32>} : memref<128x128xf32, #tpu.memory_space<vmem>>, vector<16xf32>,
          tpu.vector_store %arg6[%swap3A_343, %swap3A_344], %mul3A_342 {strides = array<i32>} : memref<128x128xf32, #tpu.memory_space<vmem>>, vector<16xf32>,
          %get3A_346 = arith.index_cast %add3A_305 : i32 to index
          %get3A_347 = arith.constant 80 : index
          %get3A_348 = tpu.vector_load %arg6[%get3A_346, %get3A_347] {strides = array<i32>} : memref<128x128xf32, #tpu.memory_space<vmem>>, vector<16xf32>,
          %mul3A_349 = arith.mulf %get3A_348, %bitcast3A_310 : vector<16xf32>
          %swap3A_350 = arith.index_cast %add3A_305 : i32 to index
          %swap3A_351 = arith.constant 80 : index
          %swap3A_352 = tpu.vector_load %arg6[%swap3A_350, %swap3A_351] {strides = array<i32>} : memref<128x128xf32, #tpu.memory_space<vmem>>, vector<16xf32>,
          tpu.vector_store %arg6[%swap3A_350, %swap3A_351], %mul3A_349 {strides = array<i32>} : memref<128x128xf32, #tpu.memory_space<vmem>>, vector<16xf32>,
          %get3A_353 = arith.index_cast %add3A_305 : i32 to index
          %get3A_354 = arith.constant 96 : index
          %get3A_355 = tpu.vector_load %arg6[%get3A_353, %get3A_354] {strides = array<i32>} : memref<128x128xf32, #tpu.memory_space<vmem>>, vector<16xf32>,
          %mul3A_356 = arith.mulf %get3A_355, %bitcast3A_310 : vector<16xf32>
          %swap3A_357 = arith.index_cast %add3A_305 : i32 to index
          %swap3A_358 = arith.constant 96 : index
          %swap3A_359 = tpu.vector_load %arg6[%swap3A_357, %swap3A_358] {strides = array<i32>} : memref<128x128xf32, #tpu.memory_space<vmem>>, vector<16xf32>,
          tpu.vector_store %arg6[%swap3A_357, %swap3A_358], %mul3A_356 {strides = array<i32>} : memref<128x128xf32, #tpu.memory_space<vmem>>, vector<16xf32>,
          %get3A_360 = arith.index_cast %add3A_305 : i32 to index
          %get3A_361 = arith.constant 112 : index
          %get3A_362 = tpu.vector_load %arg6[%get3A_360, %get3A_361] {strides = array<i32>} : memref<128x128xf32, #tpu.memory_space<vmem>>, vector<16xf32>,
          %mul3A_363 = arith.mulf %get3A_362, %bitcast3A_310 : vector<16xf32>
          %swap3A_364 = arith.index_cast %add3A_305 : i32 to index
          %swap3A_365 = arith.constant 112 : index
          %swap3A_366 = tpu.vector_load %arg6[%swap3A_364, %swap3A_365] {strides = array<i32>} : memref<128x128xf32, #tpu.memory_space<vmem>>, vector<16xf32>,
          tpu.vector_store %arg6[%swap3A_364, %swap3A_365], %mul3A_363 {strides = array<i32>} : memref<128x128xf32, #tpu.memory_space<vmem>>, vector<16xf32>,
          %scan3A_367 = arith.constant 0 : i32
          scf.yield %scan3A_367 : i32
        }
        %scan3A_103 = arith.constant 32 : i32
        %run_scoped3A = arith.constant 1 : i32
        "tpu.region"() ({
          %run_scoped3A_110 = tpu.sem_alloc : memref<!tpu.dma_semaphore, #tpu.memory_space<semaphore_mem>>
          %dma_start3A_111 = arith.constant 0 : i32
          %dma_start3A_112 = tpu.memref_slice %arg8[%run_scoped3A, %dma_start3A_111] : memref<3x128xi32, #tpu.memory_space<vmem>> -> memref<1x128xi32, #tpu.memory_space<vmem>>
          %dma_start3A_113 = tpu.memref_squeeze %dma_start3A_112 : memref<1x128xi32, #tpu.memory_space<vmem>> -> memref<128xi32, #tpu.memory_space<vmem>>
          %dma_start3A_114 = arith.constant 0 : i32
          %dma_start3A_115 = arith.constant 0 : i32
          %dma_start3A_116 = tpu.memref_slice %arg9[%dma_start3A_114, %dma_start3A_115] : memref<10112x128xf32, #tpu.memory_space<vmem_shared>> -> memref<10112x128xf32, #tpu.memory_space<vmem_shared>>
          tpu.enqueue_indirect_dma source(%arg6 : memref<128x128xf32, #tpu.memory_space<vmem>>) target(%dma_start3A_116 : memref<10112x128xf32, #tpu.memory_space<vmem_shared>>) offsets(%dma_start3A_113 : memref<128xi32, #tpu.memory_space<vmem>>) semaphore(%run_scoped3A_110 : memref<!tpu.dma_semaphore, #tpu.memory_space<semaphore_mem>>) {add = true}
          %dma_wait3A_117 = arith.constant 0 : i32
          %dma_wait3A_118 = tpu.memref_slice %arg8[%run_scoped3A, %dma_wait3A_117] : memref<3x128xi32, #tpu.memory_space<vmem>> -> memref<1x128xi32, #tpu.memory_space<vmem>>
          %dma_wait3A_119 = tpu.memref_squeeze %dma_wait3A_118 : memref<1x128xi32, #tpu.memory_space<vmem>> -> memref<128xi32, #tpu.memory_space<vmem>>
          %dma_wait3A_120 = arith.constant 0 : i32
          %dma_wait3A_121 = arith.constant 0 : i32
          %dma_wait3A_122 = tpu.memref_slice %arg9[%dma_wait3A_120, %dma_wait3A_121] : memref<10112x128xf32, #tpu.memory_space<vmem_shared>> -> memref<10112x128xf32, #tpu.memory_space<vmem_shared>>
          tpu.wait_indirect_dma semaphore(%run_scoped3A_110 : memref<!tpu.dma_semaphore, #tpu.memory_space<semaphore_mem>>) src(%arg6 : memref<128x128xf32, #tpu.memory_space<vmem>>) dst(%dma_wait3A_122 : memref<10112x128xf32, #tpu.memory_space<vmem_shared>>)
          tpu.yield
        }) : () -> ()
        %add3A_104 = arith.constant 2 : i32
        %add3A_105 = arith.addi %add3A_78, %add3A_104 : i32
        %lt3A_106 = arith.cmpi slt, %add3A_105, %select_n3A : i32
        %convert_element_type3A_107 = arith.extui %lt3A_106 : i1 to i32
        %cond3A_108 = arith.constant 0 : i32
        %cond3A_109 = arith.cmpi ne, %convert_element_type3A_107, %cond3A_108 : i32
        scf.if %cond3A_109 {
          %add3A_110 = arith.constant 2 : i32
          %add3A_111 = arith.addi %add3A_78, %add3A_110 : i32
          %add3A_112 = arith.addi %add3A, %add3A_111 : i32
          %dma_start3A_113 = arith.constant 0 : i32
          %dma_start3A_114 = arith.constant 0 : i32
          %dma_start3A_115 = tpu.memref_slice %arg3[%add3A_112, %dma_start3A_113, %dma_start3A_114] : memref<2528x3x128xi32, #tpu.memory_space<hbm>> -> memref<1x3x128xi32, #tpu.memory_space<hbm>>
          %dma_start3A_116 = tpu.memref_squeeze %dma_start3A_115 : memref<1x3x128xi32, #tpu.memory_space<hbm>> -> memref<3x128xi32, #tpu.memory_space<hbm>>
          %dma_start3A_117 = arith.constant 0 : i32
          %dma_start3A_118 = arith.constant 0 : i32
          %dma_start3A_119 = tpu.memref_slice %arg3[%add3A_112, %dma_start3A_117, %dma_start3A_118] : memref<2528x3x128xi32, #tpu.memory_space<hbm>> -> memref<1x3x128xi32, #tpu.memory_space<hbm>>
          %dma_start3A_120 = tpu.memref_squeeze %dma_start3A_119 : memref<1x3x128xi32, #tpu.memory_space<hbm>> -> memref<3x128xi32, #tpu.memory_space<hbm>>
          tpu.enqueue_dma source(%dma_start3A_120 : memref<3x128xi32, #tpu.memory_space<hbm>>) target(%arg8 : memref<3x128xi32, #tpu.memory_space<vmem>>) target_semaphore(%arg13 : memref<!tpu.dma_semaphore, #tpu.memory_space<semaphore_mem>>)
        } else {
        }
      } else {
      }
      %scan3A_83 = arith.constant 0 : i32
      scf.yield %scan3A_83 : i32
    }
    %scan3A_59 = arith.constant 54 : i32
    %barrier3A_60 = arith.constant 0 : index
    tpu.barrier barrier_id(%barrier3A_60)
    %scan3A_61 = arith.constant 0 : i32
    %scan3A_62 = arith.constant 0 : i32
    %scan3A_63 = arith.constant 5 : i32
    %scan3A_64 = arith.addi %scan3A_62, %scan3A_63 : i32
    %scan3A_65 = arith.constant 1 : i32
    %scan3A_66 = scf.for %scan3A_68 = %scan3A_62 to %scan3A_64 step %scan3A_65 iter_args(%scan3A_69 = %scan3A_61) -> (i32)  : i32 {
      %mul3A_70 = arith.constant 16 : i32
      %mul3A_71 = arith.muli %scan3A_68, %mul3A_70 : i32
      %add3A_72 = arith.addi %arg1, %mul3A_71 : i32
      %lt3A = arith.constant 79 : i32
      %lt3A_73 = arith.cmpi slt, %add3A_72, %lt3A : i32
      %convert_element_type3A = arith.extui %lt3A_73 : i1 to i32
      %cond3A = arith.constant 0 : i32
      %cond3A_74 = arith.cmpi ne, %convert_element_type3A, %cond3A : i32
      scf.if %cond3A_74 {
        %mul3A_76 = arith.constant 128 : i32
        %mul3A_77 = arith.muli %add3A_72, %mul3A_76 : i32
        "tpu.region"() ({
          %run_scoped3A = tpu.sem_alloc : memref<!tpu.dma_semaphore, #tpu.memory_space<semaphore_mem>>
          %dma_start3A_78 = arith.constant 0 : i32
          %dma_start3A_79 = tpu.memref_slice %arg4[%arg0, %mul3A_77, %dma_start3A_78] : memref<2x10112x128xf32, #tpu.memory_space<hbm>> -> memref<1x128x128xf32, #tpu.memory_space<hbm>>
          %dma_start3A_80 = tpu.memref_squeeze %dma_start3A_79 : memref<1x128x128xf32, #tpu.memory_space<hbm>> -> memref<128x128xf32, #tpu.memory_space<hbm>>
          %dma_start3A_81 = arith.constant 0 : i32
          %dma_start3A_82 = tpu.memref_slice %arg9[%mul3A_77, %dma_start3A_81] : memref<10112x128xf32, #tpu.memory_space<vmem_shared>> -> memref<128x128xf32, #tpu.memory_space<vmem_shared>>
          tpu.enqueue_dma source(%dma_start3A_82 : memref<128x128xf32, #tpu.memory_space<vmem_shared>>) target(%dma_start3A_80 : memref<128x128xf32, #tpu.memory_space<hbm>>) target_semaphore(%run_scoped3A : memref<!tpu.dma_semaphore, #tpu.memory_space<semaphore_mem>>)
          %dma_wait3A_83 = arith.constant 0 : i32
          %dma_wait3A_84 = tpu.memref_slice %arg4[%arg0, %mul3A_77, %dma_wait3A_83] : memref<2x10112x128xf32, #tpu.memory_space<hbm>> -> memref<1x128x128xf32, #tpu.memory_space<hbm>>
          %dma_wait3A_85 = tpu.memref_squeeze %dma_wait3A_84 : memref<1x128x128xf32, #tpu.memory_space<hbm>> -> memref<128x128xf32, #tpu.memory_space<hbm>>
          %dma_wait3A_86 = arith.constant 0 : i32
          %dma_wait3A_87 = tpu.memref_slice %arg9[%mul3A_77, %dma_wait3A_86] : memref<10112x128xf32, #tpu.memory_space<vmem_shared>> -> memref<128x128xf32, #tpu.memory_space<vmem_shared>>
          tpu.wait_dma2 semaphore(%run_scoped3A : memref<!tpu.dma_semaphore, #tpu.memory_space<semaphore_mem>>) src(%dma_wait3A_87 : memref<128x128xf32, #tpu.memory_space<vmem_shared>>) dst(%dma_wait3A_85 : memref<128x128xf32, #tpu.memory_space<hbm>>)
          tpu.yield
        }) : () -> ()
      } else {
      }
      %scan3A_75 = arith.constant 0 : i32
      scf.yield %scan3A_75 : i32
    }
    %scan3A_67 = arith.constant 5 : i32
    return
  }
}

#map = affine_map<(d0, d1) -> (0, 0)>
#map1 = affine_map<(d0, d1) -> (0)>
module attributes {stable_mosaic.version = 14 : i64} {
  func.func @_edge_body(%arg0: i32, %arg1: i32, %arg2: memref<32x10112xi32, #tpu.memory_space<hbm>>, %arg3: memref<32x10112xi32, #tpu.memory_space<hbm>>, %arg4: memref<32x10112xi32, #tpu.memory_space<hbm>>, %arg5: memref<80000xf32, #tpu.memory_space<hbm>>, %arg6: memref<32x10112xi32, #tpu.memory_space<hbm>>, %arg7: memref<32x10112xi32, #tpu.memory_space<hbm>>, %arg8: memref<10112xi32, #tpu.memory_space<vmem>>, %arg9: memref<10112xi32, #tpu.memory_space<vmem>>, %arg10: memref<10112xi32, #tpu.memory_space<vmem>>, %arg11: memref<80000xf32, #tpu.memory_space<vmem>>) attributes {dimension_semantics = [#tpu.dimension_semantics<core_parallel>, #tpu.dimension_semantics<subcore_parallel>], iteration_bounds = array<i64: 2, 16>, scalar_prefetch = 0 : i64, scratch_operands = 4 : i64, tpu.core_type = #tpu.core_type<sc_vector_subcore>, window_params = [{transform_indices = #map}, {transform_indices = #map}, {transform_indices = #map}, {transform_indices = #map1}, {transform_indices = #map}, {transform_indices = #map}]} {
    %mul3A = arith.constant 2 : i32
    %mul3A_0 = arith.muli %arg1, %mul3A : i32
    %add3A = arith.addi %mul3A_0, %arg0 : i32
    "tpu.region"() ({
      %run_scoped3A = tpu.sem_alloc : memref<!tpu.dma_semaphore, #tpu.memory_space<semaphore_mem>>
      tpu.enqueue_dma source(%arg5 : memref<80000xf32, #tpu.memory_space<hbm>>) target(%arg11 : memref<80000xf32, #tpu.memory_space<vmem>>) target_semaphore(%run_scoped3A : memref<!tpu.dma_semaphore, #tpu.memory_space<semaphore_mem>>)
      tpu.wait_dma2 semaphore(%run_scoped3A : memref<!tpu.dma_semaphore, #tpu.memory_space<semaphore_mem>>) src(%arg5 : memref<80000xf32, #tpu.memory_space<hbm>>) dst(%arg11 : memref<80000xf32, #tpu.memory_space<vmem>>)
      tpu.yield
    }) : () -> ()
    "tpu.region"() ({
      %run_scoped3A = tpu.sem_alloc : memref<!tpu.dma_semaphore, #tpu.memory_space<semaphore_mem>>
      %dma_start3A = arith.constant 0 : i32
      %dma_start3A_9 = tpu.memref_slice %arg2[%add3A, %dma_start3A] : memref<32x10112xi32, #tpu.memory_space<hbm>> -> memref<1x10112xi32, #tpu.memory_space<hbm>>
      %dma_start3A_10 = tpu.memref_squeeze %dma_start3A_9 : memref<1x10112xi32, #tpu.memory_space<hbm>> -> memref<10112xi32, #tpu.memory_space<hbm>>
      %dma_start3A_11 = arith.constant 0 : i32
      %dma_start3A_12 = tpu.memref_slice %arg2[%add3A, %dma_start3A_11] : memref<32x10112xi32, #tpu.memory_space<hbm>> -> memref<1x10112xi32, #tpu.memory_space<hbm>>
      %dma_start3A_13 = tpu.memref_squeeze %dma_start3A_12 : memref<1x10112xi32, #tpu.memory_space<hbm>> -> memref<10112xi32, #tpu.memory_space<hbm>>
      tpu.enqueue_dma source(%dma_start3A_13 : memref<10112xi32, #tpu.memory_space<hbm>>) target(%arg8 : memref<10112xi32, #tpu.memory_space<vmem>>) target_semaphore(%run_scoped3A : memref<!tpu.dma_semaphore, #tpu.memory_space<semaphore_mem>>)
      %dma_wait3A = arith.constant 0 : i32
      %dma_wait3A_14 = tpu.memref_slice %arg2[%add3A, %dma_wait3A] : memref<32x10112xi32, #tpu.memory_space<hbm>> -> memref<1x10112xi32, #tpu.memory_space<hbm>>
      %dma_wait3A_15 = tpu.memref_squeeze %dma_wait3A_14 : memref<1x10112xi32, #tpu.memory_space<hbm>> -> memref<10112xi32, #tpu.memory_space<hbm>>
      %dma_wait3A_16 = arith.constant 0 : i32
      %dma_wait3A_17 = tpu.memref_slice %arg2[%add3A, %dma_wait3A_16] : memref<32x10112xi32, #tpu.memory_space<hbm>> -> memref<1x10112xi32, #tpu.memory_space<hbm>>
      %dma_wait3A_18 = tpu.memref_squeeze %dma_wait3A_17 : memref<1x10112xi32, #tpu.memory_space<hbm>> -> memref<10112xi32, #tpu.memory_space<hbm>>
      tpu.wait_dma2 semaphore(%run_scoped3A : memref<!tpu.dma_semaphore, #tpu.memory_space<semaphore_mem>>) src(%dma_wait3A_18 : memref<10112xi32, #tpu.memory_space<hbm>>) dst(%arg8 : memref<10112xi32, #tpu.memory_space<vmem>>)
      tpu.yield
    }) : () -> ()
    "tpu.region"() ({
      %run_scoped3A = tpu.sem_alloc : memref<!tpu.dma_semaphore, #tpu.memory_space<semaphore_mem>>
      %dma_start3A = arith.constant 0 : i32
      %dma_start3A_9 = tpu.memref_slice %arg3[%add3A, %dma_start3A] : memref<32x10112xi32, #tpu.memory_space<hbm>> -> memref<1x10112xi32, #tpu.memory_space<hbm>>
      %dma_start3A_10 = tpu.memref_squeeze %dma_start3A_9 : memref<1x10112xi32, #tpu.memory_space<hbm>> -> memref<10112xi32, #tpu.memory_space<hbm>>
      %dma_start3A_11 = arith.constant 0 : i32
      %dma_start3A_12 = tpu.memref_slice %arg3[%add3A, %dma_start3A_11] : memref<32x10112xi32, #tpu.memory_space<hbm>> -> memref<1x10112xi32, #tpu.memory_space<hbm>>
      %dma_start3A_13 = tpu.memref_squeeze %dma_start3A_12 : memref<1x10112xi32, #tpu.memory_space<hbm>> -> memref<10112xi32, #tpu.memory_space<hbm>>
      tpu.enqueue_dma source(%dma_start3A_13 : memref<10112xi32, #tpu.memory_space<hbm>>) target(%arg9 : memref<10112xi32, #tpu.memory_space<vmem>>) target_semaphore(%run_scoped3A : memref<!tpu.dma_semaphore, #tpu.memory_space<semaphore_mem>>)
      %dma_wait3A = arith.constant 0 : i32
      %dma_wait3A_14 = tpu.memref_slice %arg3[%add3A, %dma_wait3A] : memref<32x10112xi32, #tpu.memory_space<hbm>> -> memref<1x10112xi32, #tpu.memory_space<hbm>>
      %dma_wait3A_15 = tpu.memref_squeeze %dma_wait3A_14 : memref<1x10112xi32, #tpu.memory_space<hbm>> -> memref<10112xi32, #tpu.memory_space<hbm>>
      %dma_wait3A_16 = arith.constant 0 : i32
      %dma_wait3A_17 = tpu.memref_slice %arg3[%add3A, %dma_wait3A_16] : memref<32x10112xi32, #tpu.memory_space<hbm>> -> memref<1x10112xi32, #tpu.memory_space<hbm>>
      %dma_wait3A_18 = tpu.memref_squeeze %dma_wait3A_17 : memref<1x10112xi32, #tpu.memory_space<hbm>> -> memref<10112xi32, #tpu.memory_space<hbm>>
      tpu.wait_dma2 semaphore(%run_scoped3A : memref<!tpu.dma_semaphore, #tpu.memory_space<semaphore_mem>>) src(%dma_wait3A_18 : memref<10112xi32, #tpu.memory_space<hbm>>) dst(%arg9 : memref<10112xi32, #tpu.memory_space<vmem>>)
      tpu.yield
    }) : () -> ()
    "tpu.region"() ({
      %run_scoped3A = tpu.sem_alloc : memref<!tpu.dma_semaphore, #tpu.memory_space<semaphore_mem>>
      %dma_start3A = arith.constant 0 : i32
      %dma_start3A_9 = tpu.memref_slice %arg4[%add3A, %dma_start3A] : memref<32x10112xi32, #tpu.memory_space<hbm>> -> memref<1x10112xi32, #tpu.memory_space<hbm>>
      %dma_start3A_10 = tpu.memref_squeeze %dma_start3A_9 : memref<1x10112xi32, #tpu.memory_space<hbm>> -> memref<10112xi32, #tpu.memory_space<hbm>>
      %dma_start3A_11 = arith.constant 0 : i32
      %dma_start3A_12 = tpu.memref_slice %arg4[%add3A, %dma_start3A_11] : memref<32x10112xi32, #tpu.memory_space<hbm>> -> memref<1x10112xi32, #tpu.memory_space<hbm>>
      %dma_start3A_13 = tpu.memref_squeeze %dma_start3A_12 : memref<1x10112xi32, #tpu.memory_space<hbm>> -> memref<10112xi32, #tpu.memory_space<hbm>>
      tpu.enqueue_dma source(%dma_start3A_13 : memref<10112xi32, #tpu.memory_space<hbm>>) target(%arg10 : memref<10112xi32, #tpu.memory_space<vmem>>) target_semaphore(%run_scoped3A : memref<!tpu.dma_semaphore, #tpu.memory_space<semaphore_mem>>)
      %dma_wait3A = arith.constant 0 : i32
      %dma_wait3A_14 = tpu.memref_slice %arg4[%add3A, %dma_wait3A] : memref<32x10112xi32, #tpu.memory_space<hbm>> -> memref<1x10112xi32, #tpu.memory_space<hbm>>
      %dma_wait3A_15 = tpu.memref_squeeze %dma_wait3A_14 : memref<1x10112xi32, #tpu.memory_space<hbm>> -> memref<10112xi32, #tpu.memory_space<hbm>>
      %dma_wait3A_16 = arith.constant 0 : i32
      %dma_wait3A_17 = tpu.memref_slice %arg4[%add3A, %dma_wait3A_16] : memref<32x10112xi32, #tpu.memory_space<hbm>> -> memref<1x10112xi32, #tpu.memory_space<hbm>>
      %dma_wait3A_18 = tpu.memref_squeeze %dma_wait3A_17 : memref<1x10112xi32, #tpu.memory_space<hbm>> -> memref<10112xi32, #tpu.memory_space<hbm>>
      tpu.wait_dma2 semaphore(%run_scoped3A : memref<!tpu.dma_semaphore, #tpu.memory_space<semaphore_mem>>) src(%dma_wait3A_18 : memref<10112xi32, #tpu.memory_space<hbm>>) dst(%arg10 : memref<10112xi32, #tpu.memory_space<vmem>>)
      tpu.yield
    }) : () -> ()
    %iota3A = tpu.iota {dimensions = array<i32: 0>} : vector<16xi32>
    %mul3A_1 = arith.constant 10112 : i32
    %mul3A_2 = arith.muli %add3A, %mul3A_1 : i32
    %scan3A = arith.constant 0 : i32
    %scan3A_3 = arith.constant 0 : i32
    %scan3A_4 = arith.constant 158 : i32
    %scan3A_5 = arith.addi %scan3A_3, %scan3A_4 : i32
    %scan3A_6 = arith.constant 1 : i32
    %scan3A_7 = scf.for %scan3A_9 = %scan3A_3 to %scan3A_5 step %scan3A_6 iter_args(%scan3A_10 = %scan3A) -> (i32)  : i32 {
      %mul3A_11 = arith.constant 4 : i32
      %mul3A_12 = arith.muli %scan3A_9, %mul3A_11 : i32
      %add3A_13 = arith.constant 0 : i32
      %add3A_14 = arith.addi %mul3A_12, %add3A_13 : i32
      %mul3A_15 = arith.constant 16 : i32
      %mul3A_16 = arith.muli %add3A_14, %mul3A_15 : i32
      %get3A = arith.index_cast %mul3A_16 : i32 to index
      %get3A_17 = tpu.vector_load %arg8[%get3A] {strides = array<i32>} : memref<10112xi32, #tpu.memory_space<vmem>>, vector<16xi32>,
      %get3A_18 = arith.index_cast %mul3A_16 : i32 to index
      %get3A_19 = tpu.vector_load %arg10[%get3A_18] {strides = array<i32>} : memref<10112xi32, #tpu.memory_space<vmem>>, vector<16xi32>,
      %get3A_20 = arith.index_cast %mul3A_16 : i32 to index
      %get3A_21 = tpu.vector_load %arg9[%get3A_20] {strides = array<i32>} : memref<10112xi32, #tpu.memory_space<vmem>>, vector<16xi32>,
      %mul3A_22 = arith.constant 10000 : i32
      %mul3A_23 = vector.broadcast %mul3A_22 : i32 to vector<16xi32>
      %mul3A_24 = arith.muli %get3A_19, %mul3A_23 : vector<16xi32>
      %add3A_25 = arith.addi %mul3A_24, %get3A_17 : vector<16xi32>
      %swap3A = arith.index_cast %mul3A_16 : i32 to index
      %swap3A_26 = tpu.vector_load %arg8[%swap3A] {strides = array<i32>} : memref<10112xi32, #tpu.memory_space<vmem>>, vector<16xi32>,
      tpu.vector_store %arg8[%swap3A], %add3A_25 {strides = array<i32>} : memref<10112xi32, #tpu.memory_space<vmem>>, vector<16xi32>,
      %mul3A_27 = arith.constant 8 : i32
      %mul3A_28 = vector.broadcast %mul3A_27 : i32 to vector<16xi32>
      %mul3A_29 = arith.muli %get3A_21, %mul3A_28 : vector<16xi32>
      %add3A_30 = arith.addi %mul3A_29, %get3A_19 : vector<16xi32>
      %gather3A = tpu.vector_load_idx %arg11[%add3A_30] : memref<80000xf32, #tpu.memory_space<vmem>>[vector<16xi32>], vector<16xf32>,
      %mul3A_31 = arith.constant 16 : i32
      %mul3A_32 = arith.muli %add3A_14, %mul3A_31 : i32
      %add3A_33 = arith.addi %mul3A_2, %mul3A_32 : i32
      %add3A_34 = vector.broadcast %add3A_33 : i32 to vector<16xi32>
      %add3A_35 = arith.addi %add3A_34, %iota3A : vector<16xi32>
      %lt3A = arith.constant 320000 : i32
      %lt3A_36 = vector.broadcast %lt3A : i32 to vector<16xi32>
      %lt3A_37 = arith.cmpi slt, %add3A_35, %lt3A_36 : vector<16xi32>
      %jit3A = arith.constant 0.000000e+00 : f32
      %broadcast_in_dim3A = vector.broadcast %jit3A : f32 to vector<16xf32>
      %select_n3A = arith.select %lt3A_37, %gather3A, %broadcast_in_dim3A : vector<16xi1>, vector<16xf32>
      %bitcast3A = vector.bitcast %select_n3A : vector<16xf32> to vector<16xi32>
      %swap3A_38 = arith.index_cast %mul3A_16 : i32 to index
      %swap3A_39 = tpu.vector_load %arg10[%swap3A_38] {strides = array<i32>} : memref<10112xi32, #tpu.memory_space<vmem>>, vector<16xi32>,
      tpu.vector_store %arg10[%swap3A_38], %bitcast3A {strides = array<i32>} : memref<10112xi32, #tpu.memory_space<vmem>>, vector<16xi32>,
      %mul3A_40 = arith.constant 4 : i32
      %mul3A_41 = arith.muli %scan3A_9, %mul3A_40 : i32
      %add3A_42 = arith.constant 1 : i32
      %add3A_43 = arith.addi %mul3A_41, %add3A_42 : i32
      %mul3A_44 = arith.constant 16 : i32
      %mul3A_45 = arith.muli %add3A_43, %mul3A_44 : i32
      %get3A_46 = arith.index_cast %mul3A_45 : i32 to index
      %get3A_47 = tpu.vector_load %arg8[%get3A_46] {strides = array<i32>} : memref<10112xi32, #tpu.memory_space<vmem>>, vector<16xi32>,
      %get3A_48 = arith.index_cast %mul3A_45 : i32 to index
      %get3A_49 = tpu.vector_load %arg10[%get3A_48] {strides = array<i32>} : memref<10112xi32, #tpu.memory_space<vmem>>, vector<16xi32>,
      %get3A_50 = arith.index_cast %mul3A_45 : i32 to index
      %get3A_51 = tpu.vector_load %arg9[%get3A_50] {strides = array<i32>} : memref<10112xi32, #tpu.memory_space<vmem>>, vector<16xi32>,
      %mul3A_52 = arith.constant 10000 : i32
      %mul3A_53 = vector.broadcast %mul3A_52 : i32 to vector<16xi32>
      %mul3A_54 = arith.muli %get3A_49, %mul3A_53 : vector<16xi32>
      %add3A_55 = arith.addi %mul3A_54, %get3A_47 : vector<16xi32>
      %swap3A_56 = arith.index_cast %mul3A_45 : i32 to index
      %swap3A_57 = tpu.vector_load %arg8[%swap3A_56] {strides = array<i32>} : memref<10112xi32, #tpu.memory_space<vmem>>, vector<16xi32>,
      tpu.vector_store %arg8[%swap3A_56], %add3A_55 {strides = array<i32>} : memref<10112xi32, #tpu.memory_space<vmem>>, vector<16xi32>,
      %mul3A_58 = arith.constant 8 : i32
      %mul3A_59 = vector.broadcast %mul3A_58 : i32 to vector<16xi32>
      %mul3A_60 = arith.muli %get3A_51, %mul3A_59 : vector<16xi32>
      %add3A_61 = arith.addi %mul3A_60, %get3A_49 : vector<16xi32>
      %gather3A_62 = tpu.vector_load_idx %arg11[%add3A_61] : memref<80000xf32, #tpu.memory_space<vmem>>[vector<16xi32>], vector<16xf32>,
      %mul3A_63 = arith.constant 16 : i32
      %mul3A_64 = arith.muli %add3A_43, %mul3A_63 : i32
      %add3A_65 = arith.addi %mul3A_2, %mul3A_64 : i32
      %add3A_66 = vector.broadcast %add3A_65 : i32 to vector<16xi32>
      %add3A_67 = arith.addi %add3A_66, %iota3A : vector<16xi32>
      %lt3A_68 = arith.constant 320000 : i32
      %lt3A_69 = vector.broadcast %lt3A_68 : i32 to vector<16xi32>
      %lt3A_70 = arith.cmpi slt, %add3A_67, %lt3A_69 : vector<16xi32>
      %jit3A_71 = arith.constant 0.000000e+00 : f32
      %broadcast_in_dim3A_72 = vector.broadcast %jit3A_71 : f32 to vector<16xf32>
      %select_n3A_73 = arith.select %lt3A_70, %gather3A_62, %broadcast_in_dim3A_72 : vector<16xi1>, vector<16xf32>
      %bitcast3A_74 = vector.bitcast %select_n3A_73 : vector<16xf32> to vector<16xi32>
      %swap3A_75 = arith.index_cast %mul3A_45 : i32 to index
      %swap3A_76 = tpu.vector_load %arg10[%swap3A_75] {strides = array<i32>} : memref<10112xi32, #tpu.memory_space<vmem>>, vector<16xi32>,
      tpu.vector_store %arg10[%swap3A_75], %bitcast3A_74 {strides = array<i32>} : memref<10112xi32, #tpu.memory_space<vmem>>, vector<16xi32>,
      %mul3A_77 = arith.constant 4 : i32
      %mul3A_78 = arith.muli %scan3A_9, %mul3A_77 : i32
      %add3A_79 = arith.constant 2 : i32
      %add3A_80 = arith.addi %mul3A_78, %add3A_79 : i32
      %mul3A_81 = arith.constant 16 : i32
      %mul3A_82 = arith.muli %add3A_80, %mul3A_81 : i32
      %get3A_83 = arith.index_cast %mul3A_82 : i32 to index
      %get3A_84 = tpu.vector_load %arg8[%get3A_83] {strides = array<i32>} : memref<10112xi32, #tpu.memory_space<vmem>>, vector<16xi32>,
      %get3A_85 = arith.index_cast %mul3A_82 : i32 to index
      %get3A_86 = tpu.vector_load %arg10[%get3A_85] {strides = array<i32>} : memref<10112xi32, #tpu.memory_space<vmem>>, vector<16xi32>,
      %get3A_87 = arith.index_cast %mul3A_82 : i32 to index
      %get3A_88 = tpu.vector_load %arg9[%get3A_87] {strides = array<i32>} : memref<10112xi32, #tpu.memory_space<vmem>>, vector<16xi32>,
      %mul3A_89 = arith.constant 10000 : i32
      %mul3A_90 = vector.broadcast %mul3A_89 : i32 to vector<16xi32>
      %mul3A_91 = arith.muli %get3A_86, %mul3A_90 : vector<16xi32>
      %add3A_92 = arith.addi %mul3A_91, %get3A_84 : vector<16xi32>
      %swap3A_93 = arith.index_cast %mul3A_82 : i32 to index
      %swap3A_94 = tpu.vector_load %arg8[%swap3A_93] {strides = array<i32>} : memref<10112xi32, #tpu.memory_space<vmem>>, vector<16xi32>,
      tpu.vector_store %arg8[%swap3A_93], %add3A_92 {strides = array<i32>} : memref<10112xi32, #tpu.memory_space<vmem>>, vector<16xi32>,
      %mul3A_95 = arith.constant 8 : i32
      %mul3A_96 = vector.broadcast %mul3A_95 : i32 to vector<16xi32>
      %mul3A_97 = arith.muli %get3A_88, %mul3A_96 : vector<16xi32>
      %add3A_98 = arith.addi %mul3A_97, %get3A_86 : vector<16xi32>
      %gather3A_99 = tpu.vector_load_idx %arg11[%add3A_98] : memref<80000xf32, #tpu.memory_space<vmem>>[vector<16xi32>], vector<16xf32>,
      %mul3A_100 = arith.constant 16 : i32
      %mul3A_101 = arith.muli %add3A_80, %mul3A_100 : i32
      %add3A_102 = arith.addi %mul3A_2, %mul3A_101 : i32
      %add3A_103 = vector.broadcast %add3A_102 : i32 to vector<16xi32>
      %add3A_104 = arith.addi %add3A_103, %iota3A : vector<16xi32>
      %lt3A_105 = arith.constant 320000 : i32
      %lt3A_106 = vector.broadcast %lt3A_105 : i32 to vector<16xi32>
      %lt3A_107 = arith.cmpi slt, %add3A_104, %lt3A_106 : vector<16xi32>
      %jit3A_108 = arith.constant 0.000000e+00 : f32
      %broadcast_in_dim3A_109 = vector.broadcast %jit3A_108 : f32 to vector<16xf32>
      %select_n3A_110 = arith.select %lt3A_107, %gather3A_99, %broadcast_in_dim3A_109 : vector<16xi1>, vector<16xf32>
      %bitcast3A_111 = vector.bitcast %select_n3A_110 : vector<16xf32> to vector<16xi32>
      %swap3A_112 = arith.index_cast %mul3A_82 : i32 to index
      %swap3A_113 = tpu.vector_load %arg10[%swap3A_112] {strides = array<i32>} : memref<10112xi32, #tpu.memory_space<vmem>>, vector<16xi32>,
      tpu.vector_store %arg10[%swap3A_112], %bitcast3A_111 {strides = array<i32>} : memref<10112xi32, #tpu.memory_space<vmem>>, vector<16xi32>,
      %mul3A_114 = arith.constant 4 : i32
      %mul3A_115 = arith.muli %scan3A_9, %mul3A_114 : i32
      %add3A_116 = arith.constant 3 : i32
      %add3A_117 = arith.addi %mul3A_115, %add3A_116 : i32
      %mul3A_118 = arith.constant 16 : i32
      %mul3A_119 = arith.muli %add3A_117, %mul3A_118 : i32
      %get3A_120 = arith.index_cast %mul3A_119 : i32 to index
      %get3A_121 = tpu.vector_load %arg8[%get3A_120] {strides = array<i32>} : memref<10112xi32, #tpu.memory_space<vmem>>, vector<16xi32>,
      %get3A_122 = arith.index_cast %mul3A_119 : i32 to index
      %get3A_123 = tpu.vector_load %arg10[%get3A_122] {strides = array<i32>} : memref<10112xi32, #tpu.memory_space<vmem>>, vector<16xi32>,
      %get3A_124 = arith.index_cast %mul3A_119 : i32 to index
      %get3A_125 = tpu.vector_load %arg9[%get3A_124] {strides = array<i32>} : memref<10112xi32, #tpu.memory_space<vmem>>, vector<16xi32>,
      %mul3A_126 = arith.constant 10000 : i32
      %mul3A_127 = vector.broadcast %mul3A_126 : i32 to vector<16xi32>
      %mul3A_128 = arith.muli %get3A_123, %mul3A_127 : vector<16xi32>
      %add3A_129 = arith.addi %mul3A_128, %get3A_121 : vector<16xi32>
      %swap3A_130 = arith.index_cast %mul3A_119 : i32 to index
      %swap3A_131 = tpu.vector_load %arg8[%swap3A_130] {strides = array<i32>} : memref<10112xi32, #tpu.memory_space<vmem>>, vector<16xi32>,
      tpu.vector_store %arg8[%swap3A_130], %add3A_129 {strides = array<i32>} : memref<10112xi32, #tpu.memory_space<vmem>>, vector<16xi32>,
      %mul3A_132 = arith.constant 8 : i32
      %mul3A_133 = vector.broadcast %mul3A_132 : i32 to vector<16xi32>
      %mul3A_134 = arith.muli %get3A_125, %mul3A_133 : vector<16xi32>
      %add3A_135 = arith.addi %mul3A_134, %get3A_123 : vector<16xi32>
      %gather3A_136 = tpu.vector_load_idx %arg11[%add3A_135] : memref<80000xf32, #tpu.memory_space<vmem>>[vector<16xi32>], vector<16xf32>,
      %mul3A_137 = arith.constant 16 : i32
      %mul3A_138 = arith.muli %add3A_117, %mul3A_137 : i32
      %add3A_139 = arith.addi %mul3A_2, %mul3A_138 : i32
      %add3A_140 = vector.broadcast %add3A_139 : i32 to vector<16xi32>
      %add3A_141 = arith.addi %add3A_140, %iota3A : vector<16xi32>
      %lt3A_142 = arith.constant 320000 : i32
      %lt3A_143 = vector.broadcast %lt3A_142 : i32 to vector<16xi32>
      %lt3A_144 = arith.cmpi slt, %add3A_141, %lt3A_143 : vector<16xi32>
      %jit3A_145 = arith.constant 0.000000e+00 : f32
      %broadcast_in_dim3A_146 = vector.broadcast %jit3A_145 : f32 to vector<16xf32>
      %select_n3A_147 = arith.select %lt3A_144, %gather3A_136, %broadcast_in_dim3A_146 : vector<16xi1>, vector<16xf32>
      %bitcast3A_148 = vector.bitcast %select_n3A_147 : vector<16xf32> to vector<16xi32>
      %swap3A_149 = arith.index_cast %mul3A_119 : i32 to index
      %swap3A_150 = tpu.vector_load %arg10[%swap3A_149] {strides = array<i32>} : memref<10112xi32, #tpu.memory_space<vmem>>, vector<16xi32>,
      tpu.vector_store %arg10[%swap3A_149], %bitcast3A_148 {strides = array<i32>} : memref<10112xi32, #tpu.memory_space<vmem>>, vector<16xi32>,
      %scan3A_151 = arith.constant 0 : i32
      scf.yield %scan3A_151 : i32
    }
    %scan3A_8 = arith.constant 158 : i32
    "tpu.region"() ({
      %run_scoped3A = tpu.sem_alloc : memref<!tpu.dma_semaphore, #tpu.memory_space<semaphore_mem>>
      %dma_start3A = arith.constant 0 : i32
      %dma_start3A_9 = tpu.memref_slice %arg6[%add3A, %dma_start3A] : memref<32x10112xi32, #tpu.memory_space<hbm>> -> memref<1x10112xi32, #tpu.memory_space<hbm>>
      %dma_start3A_10 = tpu.memref_squeeze %dma_start3A_9 : memref<1x10112xi32, #tpu.memory_space<hbm>> -> memref<10112xi32, #tpu.memory_space<hbm>>
      %dma_start3A_11 = arith.constant 0 : i32
      %dma_start3A_12 = tpu.memref_slice %arg6[%add3A, %dma_start3A_11] : memref<32x10112xi32, #tpu.memory_space<hbm>> -> memref<1x10112xi32, #tpu.memory_space<hbm>>
      %dma_start3A_13 = tpu.memref_squeeze %dma_start3A_12 : memref<1x10112xi32, #tpu.memory_space<hbm>> -> memref<10112xi32, #tpu.memory_space<hbm>>
      tpu.enqueue_dma source(%arg8 : memref<10112xi32, #tpu.memory_space<vmem>>) target(%dma_start3A_13 : memref<10112xi32, #tpu.memory_space<hbm>>) target_semaphore(%run_scoped3A : memref<!tpu.dma_semaphore, #tpu.memory_space<semaphore_mem>>)
      %dma_wait3A = arith.constant 0 : i32
      %dma_wait3A_14 = tpu.memref_slice %arg6[%add3A, %dma_wait3A] : memref<32x10112xi32, #tpu.memory_space<hbm>> -> memref<1x10112xi32, #tpu.memory_space<hbm>>
      %dma_wait3A_15 = tpu.memref_squeeze %dma_wait3A_14 : memref<1x10112xi32, #tpu.memory_space<hbm>> -> memref<10112xi32, #tpu.memory_space<hbm>>
      %dma_wait3A_16 = arith.constant 0 : i32
      %dma_wait3A_17 = tpu.memref_slice %arg6[%add3A, %dma_wait3A_16] : memref<32x10112xi32, #tpu.memory_space<hbm>> -> memref<1x10112xi32, #tpu.memory_space<hbm>>
      %dma_wait3A_18 = tpu.memref_squeeze %dma_wait3A_17 : memref<1x10112xi32, #tpu.memory_space<hbm>> -> memref<10112xi32, #tpu.memory_space<hbm>>
      tpu.wait_dma2 semaphore(%run_scoped3A : memref<!tpu.dma_semaphore, #tpu.memory_space<semaphore_mem>>) src(%arg8 : memref<10112xi32, #tpu.memory_space<vmem>>) dst(%dma_wait3A_18 : memref<10112xi32, #tpu.memory_space<hbm>>)
      tpu.yield
    }) : () -> ()
    "tpu.region"() ({
      %run_scoped3A = tpu.sem_alloc : memref<!tpu.dma_semaphore, #tpu.memory_space<semaphore_mem>>
      %dma_start3A = arith.constant 0 : i32
      %dma_start3A_9 = tpu.memref_slice %arg7[%add3A, %dma_start3A] : memref<32x10112xi32, #tpu.memory_space<hbm>> -> memref<1x10112xi32, #tpu.memory_space<hbm>>
      %dma_start3A_10 = tpu.memref_squeeze %dma_start3A_9 : memref<1x10112xi32, #tpu.memory_space<hbm>> -> memref<10112xi32, #tpu.memory_space<hbm>>
      %dma_start3A_11 = arith.constant 0 : i32
      %dma_start3A_12 = tpu.memref_slice %arg7[%add3A, %dma_start3A_11] : memref<32x10112xi32, #tpu.memory_space<hbm>> -> memref<1x10112xi32, #tpu.memory_space<hbm>>
      %dma_start3A_13 = tpu.memref_squeeze %dma_start3A_12 : memref<1x10112xi32, #tpu.memory_space<hbm>> -> memref<10112xi32, #tpu.memory_space<hbm>>
      tpu.enqueue_dma source(%arg10 : memref<10112xi32, #tpu.memory_space<vmem>>) target(%dma_start3A_13 : memref<10112xi32, #tpu.memory_space<hbm>>) target_semaphore(%run_scoped3A : memref<!tpu.dma_semaphore, #tpu.memory_space<semaphore_mem>>)
      %dma_wait3A = arith.constant 0 : i32
      %dma_wait3A_14 = tpu.memref_slice %arg7[%add3A, %dma_wait3A] : memref<32x10112xi32, #tpu.memory_space<hbm>> -> memref<1x10112xi32, #tpu.memory_space<hbm>>
      %dma_wait3A_15 = tpu.memref_squeeze %dma_wait3A_14 : memref<1x10112xi32, #tpu.memory_space<hbm>> -> memref<10112xi32, #tpu.memory_space<hbm>>
      %dma_wait3A_16 = arith.constant 0 : i32
      %dma_wait3A_17 = tpu.memref_slice %arg7[%add3A, %dma_wait3A_16] : memref<32x10112xi32, #tpu.memory_space<hbm>> -> memref<1x10112xi32, #tpu.memory_space<hbm>>
      %dma_wait3A_18 = tpu.memref_squeeze %dma_wait3A_17 : memref<1x10112xi32, #tpu.memory_space<hbm>> -> memref<10112xi32, #tpu.memory_space<hbm>>
      tpu.wait_dma2 semaphore(%run_scoped3A : memref<!tpu.dma_semaphore, #tpu.memory_space<semaphore_mem>>) src(%arg10 : memref<10112xi32, #tpu.memory_space<vmem>>) dst(%dma_wait3A_18 : memref<10112xi32, #tpu.memory_space<hbm>>)
      tpu.yield
    }) : () -> ()
    return
  }
}

module attributes {stable_mosaic.version = 14 : i64} {
  func.func @_wtbl_body(%arg0: memref<32x625x128xf32, #tpu.memory_space<vmem>>, %arg1: memref<625x128xf32, #tpu.memory_space<vmem>>) attributes {dimension_semantics = [], scalar_prefetch = 0 : i64, scratch_operands = 0 : i64, tpu.core_type = #tpu.core_type<tc>} {
    %get3A = arith.constant 0 : index
    %get3A_0 = arith.constant 0 : index
    %get3A_1 = arith.constant 0 : index
    %get3A_2 = vector.load %arg0[%get3A, %get3A_0, %get3A_1] : memref<32x625x128xf32, #tpu.memory_space<vmem>>, vector<32x625x128xf32>
    %reduce_sum3A = arith.constant dense<0.000000e+00> : vector<625x128xf32>
    %reduce_sum3A_3 = vector.multi_reduction <add>, %get3A_2, %reduce_sum3A [0] : vector<32x625x128xf32> to vector<625x128xf32>
    %max3A = arith.constant 1.000000e+00 : f32
    %max3A_4 = vector.broadcast %max3A : f32 to vector<625x128xf32>
    %max3A_5 = arith.maximumf %reduce_sum3A_3, %max3A_4 : vector<625x128xf32>
    %div3A = arith.constant 1.000000e+00 : f32
    %div3A_6 = vector.broadcast %div3A : f32 to vector<625x128xf32>
    %div3A_7 = arith.divf %div3A_6, %max3A_5 : vector<625x128xf32>
    %swap3A = arith.constant 0 : index
    %swap3A_8 = arith.constant 0 : index
    %swap3A_9 = vector.load %arg1[%swap3A, %swap3A_8] : memref<625x128xf32, #tpu.memory_space<vmem>>, vector<625x128xf32>
    tpu.vector_store %arg1[%swap3A, %swap3A_8], %div3A_7 {strides = array<i32>} : memref<625x128xf32, #tpu.memory_space<vmem>>, vector<625x128xf32>,
    return
  }
}

module attributes {stable_mosaic.version = 14 : i64} {
  func.func @body(%arg0: i32, %arg1: memref<1000x128xf32, #tpu.memory_space<vmem>>, %arg2: memref<8x128x128xf32, #tpu.memory_space<vmem>>, %arg3: memref<128x128xf32, #tpu.memory_space<vmem>>, %arg4: memref<1x128xf32, #tpu.memory_space<vmem>>, %arg5: memref<8x1000x128xf32, #tpu.memory_space<vmem>>, %arg6: memref<1000x128xf32, #tpu.memory_space<vmem>>) attributes {dimension_semantics = [#tpu.dimension_semantics<arbitrary>], iteration_bounds = array<i64: 10>, scalar_prefetch = 0 : i64, scratch_operands = 0 : i64, tpu.core_type = #tpu.core_type<tc>, window_params = [{transform_indices = @transform_0, window_bounds = array<i64: 1000, 128>}, {pipeline_mode = #tpu.pipeline_mode<synchronous>, transform_indices = @transform_1, window_bounds = array<i64: 8, 128, 128>}, {pipeline_mode = #tpu.pipeline_mode<synchronous>, transform_indices = @transform_2, window_bounds = array<i64: 128, 128>}, {pipeline_mode = #tpu.pipeline_mode<synchronous>, transform_indices = @transform_3, window_bounds = array<i64: 1, 128>}, {transform_indices = @transform_4, window_bounds = array<i64: 8, 1000, 128>}, {transform_indices = @transform_5, window_bounds = array<i64: 1000, 128>}]} {
    %get3A = arith.constant 0 : index
    %get3A_0 = arith.constant 0 : index
    %get3A_1 = vector.load %arg1[%get3A, %get3A_0] : memref<1000x128xf32, #tpu.memory_space<vmem>>, vector<1000x128xf32>
    %get3A_2 = arith.constant 0 : index
    %get3A_3 = arith.constant 0 : index
    %get3A_4 = arith.constant 0 : index
    %get3A_5 = vector.load %arg2[%get3A_2, %get3A_3, %get3A_4] : memref<8x128x128xf32, #tpu.memory_space<vmem>>, vector<1x128x128xf32>
    %get3A_6 = vector.shape_cast %get3A_5 : vector<1x128x128xf32> to vector<128x128xf32>
    %dot_general3A = arith.constant dense<0.000000e+00> : vector<1000x128xf32>
    %dot_general3A_7 = tpu.matmul %get3A_1, %get3A_6, %dot_general3A {dimension_numbers = #tpu.dot_dimension_numbers<[1], [0], [0], [1], [0, 0, 1, 1], [], []>, transpose_lhs_hint = false} : vector<1000x128xf32>, vector<128x128xf32>, vector<1000x128xf32> -> vector<1000x128xf32>
    %swap3A = arith.constant 0 : index
    %swap3A_8 = arith.constant 0 : index
    %swap3A_9 = arith.constant 0 : index
    %swap3A_10 = vector.load %arg5[%swap3A, %swap3A_8, %swap3A_9] : memref<8x1000x128xf32, #tpu.memory_space<vmem>>, vector<1x1000x128xf32>
    %swap3A_11 = vector.shape_cast %swap3A_10 : vector<1x1000x128xf32> to vector<1000x128xf32>
    %swap3A_12 = vector.shape_cast %dot_general3A_7 : vector<1000x128xf32> to vector<1x1000x128xf32>
    tpu.vector_store %arg5[%swap3A, %swap3A_8, %swap3A_9], %swap3A_12 {strides = array<i32>} : memref<8x1000x128xf32, #tpu.memory_space<vmem>>, vector<1x1000x128xf32>,
    %get3A_13 = arith.constant 1 : index
    %get3A_14 = arith.constant 0 : index
    %get3A_15 = arith.constant 0 : index
    %get3A_16 = vector.load %arg2[%get3A_13, %get3A_14, %get3A_15] : memref<8x128x128xf32, #tpu.memory_space<vmem>>, vector<1x128x128xf32>
    %get3A_17 = vector.shape_cast %get3A_16 : vector<1x128x128xf32> to vector<128x128xf32>
    %dot_general3A_18 = arith.constant dense<0.000000e+00> : vector<1000x128xf32>
    %dot_general3A_19 = tpu.matmul %get3A_1, %get3A_17, %dot_general3A_18 {dimension_numbers = #tpu.dot_dimension_numbers<[1], [0], [0], [1], [0, 0, 1, 1], [], []>, transpose_lhs_hint = false} : vector<1000x128xf32>, vector<128x128xf32>, vector<1000x128xf32> -> vector<1000x128xf32>
    %swap3A_20 = arith.constant 1 : index
    %swap3A_21 = arith.constant 0 : index
    %swap3A_22 = arith.constant 0 : index
    %swap3A_23 = vector.load %arg5[%swap3A_20, %swap3A_21, %swap3A_22] : memref<8x1000x128xf32, #tpu.memory_space<vmem>>, vector<1x1000x128xf32>
    %swap3A_24 = vector.shape_cast %swap3A_23 : vector<1x1000x128xf32> to vector<1000x128xf32>
    %swap3A_25 = vector.shape_cast %dot_general3A_19 : vector<1000x128xf32> to vector<1x1000x128xf32>
    tpu.vector_store %arg5[%swap3A_20, %swap3A_21, %swap3A_22], %swap3A_25 {strides = array<i32>} : memref<8x1000x128xf32, #tpu.memory_space<vmem>>, vector<1x1000x128xf32>,
    %get3A_26 = arith.constant 2 : index
    %get3A_27 = arith.constant 0 : index
    %get3A_28 = arith.constant 0 : index
    %get3A_29 = vector.load %arg2[%get3A_26, %get3A_27, %get3A_28] : memref<8x128x128xf32, #tpu.memory_space<vmem>>, vector<1x128x128xf32>
    %get3A_30 = vector.shape_cast %get3A_29 : vector<1x128x128xf32> to vector<128x128xf32>
    %dot_general3A_31 = arith.constant dense<0.000000e+00> : vector<1000x128xf32>
    %dot_general3A_32 = tpu.matmul %get3A_1, %get3A_30, %dot_general3A_31 {dimension_numbers = #tpu.dot_dimension_numbers<[1], [0], [0], [1], [0, 0, 1, 1], [], []>, transpose_lhs_hint = false} : vector<1000x128xf32>, vector<128x128xf32>, vector<1000x128xf32> -> vector<1000x128xf32>
    %swap3A_33 = arith.constant 2 : index
    %swap3A_34 = arith.constant 0 : index
    %swap3A_35 = arith.constant 0 : index
    %swap3A_36 = vector.load %arg5[%swap3A_33, %swap3A_34, %swap3A_35] : memref<8x1000x128xf32, #tpu.memory_space<vmem>>, vector<1x1000x128xf32>
    %swap3A_37 = vector.shape_cast %swap3A_36 : vector<1x1000x128xf32> to vector<1000x128xf32>
    %swap3A_38 = vector.shape_cast %dot_general3A_32 : vector<1000x128xf32> to vector<1x1000x128xf32>
    tpu.vector_store %arg5[%swap3A_33, %swap3A_34, %swap3A_35], %swap3A_38 {strides = array<i32>} : memref<8x1000x128xf32, #tpu.memory_space<vmem>>, vector<1x1000x128xf32>,
    %get3A_39 = arith.constant 3 : index
    %get3A_40 = arith.constant 0 : index
    %get3A_41 = arith.constant 0 : index
    %get3A_42 = vector.load %arg2[%get3A_39, %get3A_40, %get3A_41] : memref<8x128x128xf32, #tpu.memory_space<vmem>>, vector<1x128x128xf32>
    %get3A_43 = vector.shape_cast %get3A_42 : vector<1x128x128xf32> to vector<128x128xf32>
    %dot_general3A_44 = arith.constant dense<0.000000e+00> : vector<1000x128xf32>
    %dot_general3A_45 = tpu.matmul %get3A_1, %get3A_43, %dot_general3A_44 {dimension_numbers = #tpu.dot_dimension_numbers<[1], [0], [0], [1], [0, 0, 1, 1], [], []>, transpose_lhs_hint = false} : vector<1000x128xf32>, vector<128x128xf32>, vector<1000x128xf32> -> vector<1000x128xf32>
    %swap3A_46 = arith.constant 3 : index
    %swap3A_47 = arith.constant 0 : index
    %swap3A_48 = arith.constant 0 : index
    %swap3A_49 = vector.load %arg5[%swap3A_46, %swap3A_47, %swap3A_48] : memref<8x1000x128xf32, #tpu.memory_space<vmem>>, vector<1x1000x128xf32>
    %swap3A_50 = vector.shape_cast %swap3A_49 : vector<1x1000x128xf32> to vector<1000x128xf32>
    %swap3A_51 = vector.shape_cast %dot_general3A_45 : vector<1000x128xf32> to vector<1x1000x128xf32>
    tpu.vector_store %arg5[%swap3A_46, %swap3A_47, %swap3A_48], %swap3A_51 {strides = array<i32>} : memref<8x1000x128xf32, #tpu.memory_space<vmem>>, vector<1x1000x128xf32>,
    %get3A_52 = arith.constant 4 : index
    %get3A_53 = arith.constant 0 : index
    %get3A_54 = arith.constant 0 : index
    %get3A_55 = vector.load %arg2[%get3A_52, %get3A_53, %get3A_54] : memref<8x128x128xf32, #tpu.memory_space<vmem>>, vector<1x128x128xf32>
    %get3A_56 = vector.shape_cast %get3A_55 : vector<1x128x128xf32> to vector<128x128xf32>
    %dot_general3A_57 = arith.constant dense<0.000000e+00> : vector<1000x128xf32>
    %dot_general3A_58 = tpu.matmul %get3A_1, %get3A_56, %dot_general3A_57 {dimension_numbers = #tpu.dot_dimension_numbers<[1], [0], [0], [1], [0, 0, 1, 1], [], []>, transpose_lhs_hint = false} : vector<1000x128xf32>, vector<128x128xf32>, vector<1000x128xf32> -> vector<1000x128xf32>
    %swap3A_59 = arith.constant 4 : index
    %swap3A_60 = arith.constant 0 : index
    %swap3A_61 = arith.constant 0 : index
    %swap3A_62 = vector.load %arg5[%swap3A_59, %swap3A_60, %swap3A_61] : memref<8x1000x128xf32, #tpu.memory_space<vmem>>, vector<1x1000x128xf32>
    %swap3A_63 = vector.shape_cast %swap3A_62 : vector<1x1000x128xf32> to vector<1000x128xf32>
    %swap3A_64 = vector.shape_cast %dot_general3A_58 : vector<1000x128xf32> to vector<1x1000x128xf32>
    tpu.vector_store %arg5[%swap3A_59, %swap3A_60, %swap3A_61], %swap3A_64 {strides = array<i32>} : memref<8x1000x128xf32, #tpu.memory_space<vmem>>, vector<1x1000x128xf32>,
    %get3A_65 = arith.constant 5 : index
    %get3A_66 = arith.constant 0 : index
    %get3A_67 = arith.constant 0 : index
    %get3A_68 = vector.load %arg2[%get3A_65, %get3A_66, %get3A_67] : memref<8x128x128xf32, #tpu.memory_space<vmem>>, vector<1x128x128xf32>
    %get3A_69 = vector.shape_cast %get3A_68 : vector<1x128x128xf32> to vector<128x128xf32>
    %dot_general3A_70 = arith.constant dense<0.000000e+00> : vector<1000x128xf32>
    %dot_general3A_71 = tpu.matmul %get3A_1, %get3A_69, %dot_general3A_70 {dimension_numbers = #tpu.dot_dimension_numbers<[1], [0], [0], [1], [0, 0, 1, 1], [], []>, transpose_lhs_hint = false} : vector<1000x128xf32>, vector<128x128xf32>, vector<1000x128xf32> -> vector<1000x128xf32>
    %swap3A_72 = arith.constant 5 : index
    %swap3A_73 = arith.constant 0 : index
    %swap3A_74 = arith.constant 0 : index
    %swap3A_75 = vector.load %arg5[%swap3A_72, %swap3A_73, %swap3A_74] : memref<8x1000x128xf32, #tpu.memory_space<vmem>>, vector<1x1000x128xf32>
    %swap3A_76 = vector.shape_cast %swap3A_75 : vector<1x1000x128xf32> to vector<1000x128xf32>
    %swap3A_77 = vector.shape_cast %dot_general3A_71 : vector<1000x128xf32> to vector<1x1000x128xf32>
    tpu.vector_store %arg5[%swap3A_72, %swap3A_73, %swap3A_74], %swap3A_77 {strides = array<i32>} : memref<8x1000x128xf32, #tpu.memory_space<vmem>>, vector<1x1000x128xf32>,
    %get3A_78 = arith.constant 6 : index
    %get3A_79 = arith.constant 0 : index
    %get3A_80 = arith.constant 0 : index
    %get3A_81 = vector.load %arg2[%get3A_78, %get3A_79, %get3A_80] : memref<8x128x128xf32, #tpu.memory_space<vmem>>, vector<1x128x128xf32>
    %get3A_82 = vector.shape_cast %get3A_81 : vector<1x128x128xf32> to vector<128x128xf32>
    %dot_general3A_83 = arith.constant dense<0.000000e+00> : vector<1000x128xf32>
    %dot_general3A_84 = tpu.matmul %get3A_1, %get3A_82, %dot_general3A_83 {dimension_numbers = #tpu.dot_dimension_numbers<[1], [0], [0], [1], [0, 0, 1, 1], [], []>, transpose_lhs_hint = false} : vector<1000x128xf32>, vector<128x128xf32>, vector<1000x128xf32> -> vector<1000x128xf32>
    %swap3A_85 = arith.constant 6 : index
    %swap3A_86 = arith.constant 0 : index
    %swap3A_87 = arith.constant 0 : index
    %swap3A_88 = vector.load %arg5[%swap3A_85, %swap3A_86, %swap3A_87] : memref<8x1000x128xf32, #tpu.memory_space<vmem>>, vector<1x1000x128xf32>
    %swap3A_89 = vector.shape_cast %swap3A_88 : vector<1x1000x128xf32> to vector<1000x128xf32>
    %swap3A_90 = vector.shape_cast %dot_general3A_84 : vector<1000x128xf32> to vector<1x1000x128xf32>
    tpu.vector_store %arg5[%swap3A_85, %swap3A_86, %swap3A_87], %swap3A_90 {strides = array<i32>} : memref<8x1000x128xf32, #tpu.memory_space<vmem>>, vector<1x1000x128xf32>,
    %get3A_91 = arith.constant 7 : index
    %get3A_92 = arith.constant 0 : index
    %get3A_93 = arith.constant 0 : index
    %get3A_94 = vector.load %arg2[%get3A_91, %get3A_92, %get3A_93] : memref<8x128x128xf32, #tpu.memory_space<vmem>>, vector<1x128x128xf32>
    %get3A_95 = vector.shape_cast %get3A_94 : vector<1x128x128xf32> to vector<128x128xf32>
    %dot_general3A_96 = arith.constant dense<0.000000e+00> : vector<1000x128xf32>
    %dot_general3A_97 = tpu.matmul %get3A_1, %get3A_95, %dot_general3A_96 {dimension_numbers = #tpu.dot_dimension_numbers<[1], [0], [0], [1], [0, 0, 1, 1], [], []>, transpose_lhs_hint = false} : vector<1000x128xf32>, vector<128x128xf32>, vector<1000x128xf32> -> vector<1000x128xf32>
    %swap3A_98 = arith.constant 7 : index
    %swap3A_99 = arith.constant 0 : index
    %swap3A_100 = arith.constant 0 : index
    %swap3A_101 = vector.load %arg5[%swap3A_98, %swap3A_99, %swap3A_100] : memref<8x1000x128xf32, #tpu.memory_space<vmem>>, vector<1x1000x128xf32>
    %swap3A_102 = vector.shape_cast %swap3A_101 : vector<1x1000x128xf32> to vector<1000x128xf32>
    %swap3A_103 = vector.shape_cast %dot_general3A_97 : vector<1000x128xf32> to vector<1x1000x128xf32>
    tpu.vector_store %arg5[%swap3A_98, %swap3A_99, %swap3A_100], %swap3A_103 {strides = array<i32>} : memref<8x1000x128xf32, #tpu.memory_space<vmem>>, vector<1x1000x128xf32>,
    %get3A_104 = arith.constant 0 : index
    %get3A_105 = arith.constant 0 : index
    %get3A_106 = vector.load %arg3[%get3A_104, %get3A_105] : memref<128x128xf32, #tpu.memory_space<vmem>>, vector<128x128xf32>
    %dot_general3A_107 = arith.constant dense<0.000000e+00> : vector<1000x128xf32>
    %dot_general3A_108 = tpu.matmul %get3A_1, %get3A_106, %dot_general3A_107 {dimension_numbers = #tpu.dot_dimension_numbers<[1], [0], [0], [1], [0, 0, 1, 1], [], []>, transpose_lhs_hint = false} : vector<1000x128xf32>, vector<128x128xf32>, vector<1000x128xf32> -> vector<1000x128xf32>
    %get3A_109 = arith.constant 0 : index
    %get3A_110 = arith.constant 0 : index
    %get3A_111 = vector.load %arg4[%get3A_109, %get3A_110] : memref<1x128xf32, #tpu.memory_space<vmem>>, vector<1x128xf32>
    %add3A = vector.broadcast %get3A_111 : vector<1x128xf32> to vector<1000x128xf32>
    %add3A_112 = arith.addf %dot_general3A_108, %add3A : vector<1000x128xf32>
    %swap3A_113 = arith.constant 0 : index
    %swap3A_114 = arith.constant 0 : index
    %swap3A_115 = vector.load %arg6[%swap3A_113, %swap3A_114] : memref<1000x128xf32, #tpu.memory_space<vmem>>, vector<1000x128xf32>
    tpu.vector_store %arg6[%swap3A_113, %swap3A_114], %add3A_112 {strides = array<i32>} : memref<1000x128xf32, #tpu.memory_space<vmem>>, vector<1000x128xf32>,
    return
  }
  func.func @transform_0(%arg0: i32) -> (i32, i32) {
    %c0_i32 = arith.constant 0 : i32
    %c0_i32_0 = arith.constant 0 : i32
    return %arg0, %c0_i32 : i32, i32
  }
  func.func @transform_1(%arg0: i32) -> (i32, i32, i32) {
    %c0_i32 = arith.constant 0 : i32
    %c0_i32_0 = arith.constant 0 : i32
    %c0_i32_1 = arith.constant 0 : i32
    %c0_i32_2 = arith.constant 0 : i32
    return %c0_i32, %c0_i32_0, %c0_i32_1 : i32, i32, i32
  }
  func.func @transform_2(%arg0: i32) -> (i32, i32) {
    %c0_i32 = arith.constant 0 : i32
    %c0_i32_0 = arith.constant 0 : i32
    %c0_i32_1 = arith.constant 0 : i32
    return %c0_i32, %c0_i32_0 : i32, i32
  }
  func.func @transform_3(%arg0: i32) -> (i32, i32) {
    %c0_i32 = arith.constant 0 : i32
    %c0_i32_0 = arith.constant 0 : i32
    %c0_i32_1 = arith.constant 0 : i32
    return %c0_i32, %c0_i32_0 : i32, i32
  }
  func.func @transform_4(%arg0: i32) -> (i32, i32, i32) {
    %c0_i32 = arith.constant 0 : i32
    %c0_i32_0 = arith.constant 0 : i32
    %c0_i32_1 = arith.constant 0 : i32
    return %c0_i32, %arg0, %c0_i32_0 : i32, i32, i32
  }
  func.func @transform_5(%arg0: i32) -> (i32, i32) {
    %c0_i32 = arith.constant 0 : i32
    %c0_i32_0 = arith.constant 0 : i32
    return %arg0, %c0_i32 : i32, i32
  }
}

module attributes {stable_mosaic.version = 14 : i64} {
  func.func @body(%arg0: i32, %arg1: memref<2x1000x128xf32, #tpu.memory_space<vmem>>, %arg2: memref<1000x128xf32, #tpu.memory_space<vmem>>, %arg3: memref<8x128x128xf32, #tpu.memory_space<vmem>>, %arg4: memref<128x128xf32, #tpu.memory_space<vmem>>, %arg5: memref<1x128xf32, #tpu.memory_space<vmem>>, %arg6: memref<8x1000x128xf32, #tpu.memory_space<vmem>>, %arg7: memref<1000x128xf32, #tpu.memory_space<vmem>>) attributes {dimension_semantics = [#tpu.dimension_semantics<arbitrary>], iteration_bounds = array<i64: 10>, scalar_prefetch = 0 : i64, scratch_operands = 0 : i64, tpu.core_type = #tpu.core_type<tc>, window_params = [{transform_indices = @transform_0, window_bounds = array<i64: 2, 1000, 128>}, {transform_indices = @transform_1, window_bounds = array<i64: 1000, 128>}, {pipeline_mode = #tpu.pipeline_mode<synchronous>, transform_indices = @transform_2, window_bounds = array<i64: 8, 128, 128>}, {pipeline_mode = #tpu.pipeline_mode<synchronous>, transform_indices = @transform_3, window_bounds = array<i64: 128, 128>}, {pipeline_mode = #tpu.pipeline_mode<synchronous>, transform_indices = @transform_4, window_bounds = array<i64: 1, 128>}, {transform_indices = @transform_5, window_bounds = array<i64: 8, 1000, 128>}, {transform_indices = @transform_6, window_bounds = array<i64: 1000, 128>}]} {
    %get3A = arith.constant 0 : index
    %get3A_0 = arith.constant 0 : index
    %get3A_1 = arith.constant 0 : index
    %get3A_2 = vector.load %arg1[%get3A, %get3A_0, %get3A_1] : memref<2x1000x128xf32, #tpu.memory_space<vmem>>, vector<1x1000x128xf32>
    %get3A_3 = vector.shape_cast %get3A_2 : vector<1x1000x128xf32> to vector<1000x128xf32>
    %get3A_4 = arith.constant 1 : index
    %get3A_5 = arith.constant 0 : index
    %get3A_6 = arith.constant 0 : index
    %get3A_7 = vector.load %arg1[%get3A_4, %get3A_5, %get3A_6] : memref<2x1000x128xf32, #tpu.memory_space<vmem>>, vector<1x1000x128xf32>
    %get3A_8 = vector.shape_cast %get3A_7 : vector<1x1000x128xf32> to vector<1000x128xf32>
    %add3A = arith.addf %get3A_3, %get3A_8 : vector<1000x128xf32>
    %get3A_9 = arith.constant 0 : index
    %get3A_10 = arith.constant 0 : index
    %get3A_11 = vector.load %arg2[%get3A_9, %get3A_10] : memref<1000x128xf32, #tpu.memory_space<vmem>>, vector<1000x128xf32>
    %add3A_12 = arith.addf %add3A, %get3A_11 : vector<1000x128xf32>
    %max3A = arith.constant 0.000000e+00 : f32
    %max3A_13 = vector.broadcast %max3A : f32 to vector<1000x128xf32>
    %max3A_14 = arith.maximumf %add3A_12, %max3A_13 : vector<1000x128xf32>
    %get3A_15 = arith.constant 0 : index
    %get3A_16 = arith.constant 0 : index
    %get3A_17 = arith.constant 0 : index
    %get3A_18 = vector.load %arg3[%get3A_15, %get3A_16, %get3A_17] : memref<8x128x128xf32, #tpu.memory_space<vmem>>, vector<1x128x128xf32>
    %get3A_19 = vector.shape_cast %get3A_18 : vector<1x128x128xf32> to vector<128x128xf32>
    %dot_general3A = arith.constant dense<0.000000e+00> : vector<1000x128xf32>
    %dot_general3A_20 = tpu.matmul %max3A_14, %get3A_19, %dot_general3A {dimension_numbers = #tpu.dot_dimension_numbers<[1], [0], [0], [1], [0, 0, 1, 1], [], []>, transpose_lhs_hint = false} : vector<1000x128xf32>, vector<128x128xf32>, vector<1000x128xf32> -> vector<1000x128xf32>
    %swap3A = arith.constant 0 : index
    %swap3A_21 = arith.constant 0 : index
    %swap3A_22 = arith.constant 0 : index
    %swap3A_23 = vector.load %arg6[%swap3A, %swap3A_21, %swap3A_22] : memref<8x1000x128xf32, #tpu.memory_space<vmem>>, vector<1x1000x128xf32>
    %swap3A_24 = vector.shape_cast %swap3A_23 : vector<1x1000x128xf32> to vector<1000x128xf32>
    %swap3A_25 = vector.shape_cast %dot_general3A_20 : vector<1000x128xf32> to vector<1x1000x128xf32>
    tpu.vector_store %arg6[%swap3A, %swap3A_21, %swap3A_22], %swap3A_25 {strides = array<i32>} : memref<8x1000x128xf32, #tpu.memory_space<vmem>>, vector<1x1000x128xf32>,
    %get3A_26 = arith.constant 1 : index
    %get3A_27 = arith.constant 0 : index
    %get3A_28 = arith.constant 0 : index
    %get3A_29 = vector.load %arg3[%get3A_26, %get3A_27, %get3A_28] : memref<8x128x128xf32, #tpu.memory_space<vmem>>, vector<1x128x128xf32>
    %get3A_30 = vector.shape_cast %get3A_29 : vector<1x128x128xf32> to vector<128x128xf32>
    %dot_general3A_31 = arith.constant dense<0.000000e+00> : vector<1000x128xf32>
    %dot_general3A_32 = tpu.matmul %max3A_14, %get3A_30, %dot_general3A_31 {dimension_numbers = #tpu.dot_dimension_numbers<[1], [0], [0], [1], [0, 0, 1, 1], [], []>, transpose_lhs_hint = false} : vector<1000x128xf32>, vector<128x128xf32>, vector<1000x128xf32> -> vector<1000x128xf32>
    %swap3A_33 = arith.constant 1 : index
    %swap3A_34 = arith.constant 0 : index
    %swap3A_35 = arith.constant 0 : index
    %swap3A_36 = vector.load %arg6[%swap3A_33, %swap3A_34, %swap3A_35] : memref<8x1000x128xf32, #tpu.memory_space<vmem>>, vector<1x1000x128xf32>
    %swap3A_37 = vector.shape_cast %swap3A_36 : vector<1x1000x128xf32> to vector<1000x128xf32>
    %swap3A_38 = vector.shape_cast %dot_general3A_32 : vector<1000x128xf32> to vector<1x1000x128xf32>
    tpu.vector_store %arg6[%swap3A_33, %swap3A_34, %swap3A_35], %swap3A_38 {strides = array<i32>} : memref<8x1000x128xf32, #tpu.memory_space<vmem>>, vector<1x1000x128xf32>,
    %get3A_39 = arith.constant 2 : index
    %get3A_40 = arith.constant 0 : index
    %get3A_41 = arith.constant 0 : index
    %get3A_42 = vector.load %arg3[%get3A_39, %get3A_40, %get3A_41] : memref<8x128x128xf32, #tpu.memory_space<vmem>>, vector<1x128x128xf32>
    %get3A_43 = vector.shape_cast %get3A_42 : vector<1x128x128xf32> to vector<128x128xf32>
    %dot_general3A_44 = arith.constant dense<0.000000e+00> : vector<1000x128xf32>
    %dot_general3A_45 = tpu.matmul %max3A_14, %get3A_43, %dot_general3A_44 {dimension_numbers = #tpu.dot_dimension_numbers<[1], [0], [0], [1], [0, 0, 1, 1], [], []>, transpose_lhs_hint = false} : vector<1000x128xf32>, vector<128x128xf32>, vector<1000x128xf32> -> vector<1000x128xf32>
    %swap3A_46 = arith.constant 2 : index
    %swap3A_47 = arith.constant 0 : index
    %swap3A_48 = arith.constant 0 : index
    %swap3A_49 = vector.load %arg6[%swap3A_46, %swap3A_47, %swap3A_48] : memref<8x1000x128xf32, #tpu.memory_space<vmem>>, vector<1x1000x128xf32>
    %swap3A_50 = vector.shape_cast %swap3A_49 : vector<1x1000x128xf32> to vector<1000x128xf32>
    %swap3A_51 = vector.shape_cast %dot_general3A_45 : vector<1000x128xf32> to vector<1x1000x128xf32>
    tpu.vector_store %arg6[%swap3A_46, %swap3A_47, %swap3A_48], %swap3A_51 {strides = array<i32>} : memref<8x1000x128xf32, #tpu.memory_space<vmem>>, vector<1x1000x128xf32>,
    %get3A_52 = arith.constant 3 : index
    %get3A_53 = arith.constant 0 : index
    %get3A_54 = arith.constant 0 : index
    %get3A_55 = vector.load %arg3[%get3A_52, %get3A_53, %get3A_54] : memref<8x128x128xf32, #tpu.memory_space<vmem>>, vector<1x128x128xf32>
    %get3A_56 = vector.shape_cast %get3A_55 : vector<1x128x128xf32> to vector<128x128xf32>
    %dot_general3A_57 = arith.constant dense<0.000000e+00> : vector<1000x128xf32>
    %dot_general3A_58 = tpu.matmul %max3A_14, %get3A_56, %dot_general3A_57 {dimension_numbers = #tpu.dot_dimension_numbers<[1], [0], [0], [1], [0, 0, 1, 1], [], []>, transpose_lhs_hint = false} : vector<1000x128xf32>, vector<128x128xf32>, vector<1000x128xf32> -> vector<1000x128xf32>
    %swap3A_59 = arith.constant 3 : index
    %swap3A_60 = arith.constant 0 : index
    %swap3A_61 = arith.constant 0 : index
    %swap3A_62 = vector.load %arg6[%swap3A_59, %swap3A_60, %swap3A_61] : memref<8x1000x128xf32, #tpu.memory_space<vmem>>, vector<1x1000x128xf32>
    %swap3A_63 = vector.shape_cast %swap3A_62 : vector<1x1000x128xf32> to vector<1000x128xf32>
    %swap3A_64 = vector.shape_cast %dot_general3A_58 : vector<1000x128xf32> to vector<1x1000x128xf32>
    tpu.vector_store %arg6[%swap3A_59, %swap3A_60, %swap3A_61], %swap3A_64 {strides = array<i32>} : memref<8x1000x128xf32, #tpu.memory_space<vmem>>, vector<1x1000x128xf32>,
    %get3A_65 = arith.constant 4 : index
    %get3A_66 = arith.constant 0 : index
    %get3A_67 = arith.constant 0 : index
    %get3A_68 = vector.load %arg3[%get3A_65, %get3A_66, %get3A_67] : memref<8x128x128xf32, #tpu.memory_space<vmem>>, vector<1x128x128xf32>
    %get3A_69 = vector.shape_cast %get3A_68 : vector<1x128x128xf32> to vector<128x128xf32>
    %dot_general3A_70 = arith.constant dense<0.000000e+00> : vector<1000x128xf32>
    %dot_general3A_71 = tpu.matmul %max3A_14, %get3A_69, %dot_general3A_70 {dimension_numbers = #tpu.dot_dimension_numbers<[1], [0], [0], [1], [0, 0, 1, 1], [], []>, transpose_lhs_hint = false} : vector<1000x128xf32>, vector<128x128xf32>, vector<1000x128xf32> -> vector<1000x128xf32>
    %swap3A_72 = arith.constant 4 : index
    %swap3A_73 = arith.constant 0 : index
    %swap3A_74 = arith.constant 0 : index
    %swap3A_75 = vector.load %arg6[%swap3A_72, %swap3A_73, %swap3A_74] : memref<8x1000x128xf32, #tpu.memory_space<vmem>>, vector<1x1000x128xf32>
    %swap3A_76 = vector.shape_cast %swap3A_75 : vector<1x1000x128xf32> to vector<1000x128xf32>
    %swap3A_77 = vector.shape_cast %dot_general3A_71 : vector<1000x128xf32> to vector<1x1000x128xf32>
    tpu.vector_store %arg6[%swap3A_72, %swap3A_73, %swap3A_74], %swap3A_77 {strides = array<i32>} : memref<8x1000x128xf32, #tpu.memory_space<vmem>>, vector<1x1000x128xf32>,
    %get3A_78 = arith.constant 5 : index
    %get3A_79 = arith.constant 0 : index
    %get3A_80 = arith.constant 0 : index
    %get3A_81 = vector.load %arg3[%get3A_78, %get3A_79, %get3A_80] : memref<8x128x128xf32, #tpu.memory_space<vmem>>, vector<1x128x128xf32>
    %get3A_82 = vector.shape_cast %get3A_81 : vector<1x128x128xf32> to vector<128x128xf32>
    %dot_general3A_83 = arith.constant dense<0.000000e+00> : vector<1000x128xf32>
    %dot_general3A_84 = tpu.matmul %max3A_14, %get3A_82, %dot_general3A_83 {dimension_numbers = #tpu.dot_dimension_numbers<[1], [0], [0], [1], [0, 0, 1, 1], [], []>, transpose_lhs_hint = false} : vector<1000x128xf32>, vector<128x128xf32>, vector<1000x128xf32> -> vector<1000x128xf32>
    %swap3A_85 = arith.constant 5 : index
    %swap3A_86 = arith.constant 0 : index
    %swap3A_87 = arith.constant 0 : index
    %swap3A_88 = vector.load %arg6[%swap3A_85, %swap3A_86, %swap3A_87] : memref<8x1000x128xf32, #tpu.memory_space<vmem>>, vector<1x1000x128xf32>
    %swap3A_89 = vector.shape_cast %swap3A_88 : vector<1x1000x128xf32> to vector<1000x128xf32>
    %swap3A_90 = vector.shape_cast %dot_general3A_84 : vector<1000x128xf32> to vector<1x1000x128xf32>
    tpu.vector_store %arg6[%swap3A_85, %swap3A_86, %swap3A_87], %swap3A_90 {strides = array<i32>} : memref<8x1000x128xf32, #tpu.memory_space<vmem>>, vector<1x1000x128xf32>,
    %get3A_91 = arith.constant 6 : index
    %get3A_92 = arith.constant 0 : index
    %get3A_93 = arith.constant 0 : index
    %get3A_94 = vector.load %arg3[%get3A_91, %get3A_92, %get3A_93] : memref<8x128x128xf32, #tpu.memory_space<vmem>>, vector<1x128x128xf32>
    %get3A_95 = vector.shape_cast %get3A_94 : vector<1x128x128xf32> to vector<128x128xf32>
    %dot_general3A_96 = arith.constant dense<0.000000e+00> : vector<1000x128xf32>
    %dot_general3A_97 = tpu.matmul %max3A_14, %get3A_95, %dot_general3A_96 {dimension_numbers = #tpu.dot_dimension_numbers<[1], [0], [0], [1], [0, 0, 1, 1], [], []>, transpose_lhs_hint = false} : vector<1000x128xf32>, vector<128x128xf32>, vector<1000x128xf32> -> vector<1000x128xf32>
    %swap3A_98 = arith.constant 6 : index
    %swap3A_99 = arith.constant 0 : index
    %swap3A_100 = arith.constant 0 : index
    %swap3A_101 = vector.load %arg6[%swap3A_98, %swap3A_99, %swap3A_100] : memref<8x1000x128xf32, #tpu.memory_space<vmem>>, vector<1x1000x128xf32>
    %swap3A_102 = vector.shape_cast %swap3A_101 : vector<1x1000x128xf32> to vector<1000x128xf32>
    %swap3A_103 = vector.shape_cast %dot_general3A_97 : vector<1000x128xf32> to vector<1x1000x128xf32>
    tpu.vector_store %arg6[%swap3A_98, %swap3A_99, %swap3A_100], %swap3A_103 {strides = array<i32>} : memref<8x1000x128xf32, #tpu.memory_space<vmem>>, vector<1x1000x128xf32>,
    %get3A_104 = arith.constant 7 : index
    %get3A_105 = arith.constant 0 : index
    %get3A_106 = arith.constant 0 : index
    %get3A_107 = vector.load %arg3[%get3A_104, %get3A_105, %get3A_106] : memref<8x128x128xf32, #tpu.memory_space<vmem>>, vector<1x128x128xf32>
    %get3A_108 = vector.shape_cast %get3A_107 : vector<1x128x128xf32> to vector<128x128xf32>
    %dot_general3A_109 = arith.constant dense<0.000000e+00> : vector<1000x128xf32>
    %dot_general3A_110 = tpu.matmul %max3A_14, %get3A_108, %dot_general3A_109 {dimension_numbers = #tpu.dot_dimension_numbers<[1], [0], [0], [1], [0, 0, 1, 1], [], []>, transpose_lhs_hint = false} : vector<1000x128xf32>, vector<128x128xf32>, vector<1000x128xf32> -> vector<1000x128xf32>
    %swap3A_111 = arith.constant 7 : index
    %swap3A_112 = arith.constant 0 : index
    %swap3A_113 = arith.constant 0 : index
    %swap3A_114 = vector.load %arg6[%swap3A_111, %swap3A_112, %swap3A_113] : memref<8x1000x128xf32, #tpu.memory_space<vmem>>, vector<1x1000x128xf32>
    %swap3A_115 = vector.shape_cast %swap3A_114 : vector<1x1000x128xf32> to vector<1000x128xf32>
    %swap3A_116 = vector.shape_cast %dot_general3A_110 : vector<1000x128xf32> to vector<1x1000x128xf32>
    tpu.vector_store %arg6[%swap3A_111, %swap3A_112, %swap3A_113], %swap3A_116 {strides = array<i32>} : memref<8x1000x128xf32, #tpu.memory_space<vmem>>, vector<1x1000x128xf32>,
    %get3A_117 = arith.constant 0 : index
    %get3A_118 = arith.constant 0 : index
    %get3A_119 = vector.load %arg4[%get3A_117, %get3A_118] : memref<128x128xf32, #tpu.memory_space<vmem>>, vector<128x128xf32>
    %dot_general3A_120 = arith.constant dense<0.000000e+00> : vector<1000x128xf32>
    %dot_general3A_121 = tpu.matmul %max3A_14, %get3A_119, %dot_general3A_120 {dimension_numbers = #tpu.dot_dimension_numbers<[1], [0], [0], [1], [0, 0, 1, 1], [], []>, transpose_lhs_hint = false} : vector<1000x128xf32>, vector<128x128xf32>, vector<1000x128xf32> -> vector<1000x128xf32>
    %get3A_122 = arith.constant 0 : index
    %get3A_123 = arith.constant 0 : index
    %get3A_124 = vector.load %arg5[%get3A_122, %get3A_123] : memref<1x128xf32, #tpu.memory_space<vmem>>, vector<1x128xf32>
    %add3A_125 = vector.broadcast %get3A_124 : vector<1x128xf32> to vector<1000x128xf32>
    %add3A_126 = arith.addf %dot_general3A_121, %add3A_125 : vector<1000x128xf32>
    %swap3A_127 = arith.constant 0 : index
    %swap3A_128 = arith.constant 0 : index
    %swap3A_129 = vector.load %arg7[%swap3A_127, %swap3A_128] : memref<1000x128xf32, #tpu.memory_space<vmem>>, vector<1000x128xf32>
    tpu.vector_store %arg7[%swap3A_127, %swap3A_128], %add3A_126 {strides = array<i32>} : memref<1000x128xf32, #tpu.memory_space<vmem>>, vector<1000x128xf32>,
    return
  }
  func.func @transform_0(%arg0: i32) -> (i32, i32, i32) {
    %c0_i32 = arith.constant 0 : i32
    %c0_i32_0 = arith.constant 0 : i32
    %c0_i32_1 = arith.constant 0 : i32
    return %c0_i32, %arg0, %c0_i32_0 : i32, i32, i32
  }
  func.func @transform_1(%arg0: i32) -> (i32, i32) {
    %c0_i32 = arith.constant 0 : i32
    %c0_i32_0 = arith.constant 0 : i32
    return %arg0, %c0_i32 : i32, i32
  }
  func.func @transform_2(%arg0: i32) -> (i32, i32, i32) {
    %c0_i32 = arith.constant 0 : i32
    %c0_i32_0 = arith.constant 0 : i32
    %c0_i32_1 = arith.constant 0 : i32
    %c0_i32_2 = arith.constant 0 : i32
    return %c0_i32, %c0_i32_0, %c0_i32_1 : i32, i32, i32
  }
  func.func @transform_3(%arg0: i32) -> (i32, i32) {
    %c0_i32 = arith.constant 0 : i32
    %c0_i32_0 = arith.constant 0 : i32
    %c0_i32_1 = arith.constant 0 : i32
    return %c0_i32, %c0_i32_0 : i32, i32
  }
  func.func @transform_4(%arg0: i32) -> (i32, i32) {
    %c0_i32 = arith.constant 0 : i32
    %c0_i32_0 = arith.constant 0 : i32
    %c0_i32_1 = arith.constant 0 : i32
    return %c0_i32, %c0_i32_0 : i32, i32
  }
  func.func @transform_5(%arg0: i32) -> (i32, i32, i32) {
    %c0_i32 = arith.constant 0 : i32
    %c0_i32_0 = arith.constant 0 : i32
    %c0_i32_1 = arith.constant 0 : i32
    return %c0_i32, %arg0, %c0_i32_0 : i32, i32, i32
  }
  func.func @transform_6(%arg0: i32) -> (i32, i32) {
    %c0_i32 = arith.constant 0 : i32
    %c0_i32_0 = arith.constant 0 : i32
    return %arg0, %c0_i32 : i32, i32
  }
}

module attributes {stable_mosaic.version = 14 : i64} {
  func.func @_final_body(%arg0: i32, %arg1: memref<2x1000x128xf32, #tpu.memory_space<vmem>>, %arg2: memref<1000x128xf32, #tpu.memory_space<vmem>>, %arg3: memref<128x1xf32, #tpu.memory_space<vmem>>, %arg4: memref<1x1xf32, #tpu.memory_space<vmem>>, %arg5: memref<1000x1xf32, #tpu.memory_space<vmem>>) attributes {dimension_semantics = [#tpu.dimension_semantics<arbitrary>], iteration_bounds = array<i64: 10>, scalar_prefetch = 0 : i64, scratch_operands = 0 : i64, tpu.core_type = #tpu.core_type<tc>, window_params = [{transform_indices = @transform_0, window_bounds = array<i64: 2, 1000, 128>}, {transform_indices = @transform_1, window_bounds = array<i64: 1000, 128>}, {pipeline_mode = #tpu.pipeline_mode<synchronous>, transform_indices = @transform_2, window_bounds = array<i64: 128, 1>}, {pipeline_mode = #tpu.pipeline_mode<synchronous>, transform_indices = @transform_3, window_bounds = array<i64: 1, 1>}, {transform_indices = @transform_4, window_bounds = array<i64: 1000, 1>}]} {
    %get3A = arith.constant 0 : index
    %get3A_0 = arith.constant 0 : index
    %get3A_1 = arith.constant 0 : index
    %get3A_2 = vector.load %arg1[%get3A, %get3A_0, %get3A_1] : memref<2x1000x128xf32, #tpu.memory_space<vmem>>, vector<1x1000x128xf32>
    %get3A_3 = vector.shape_cast %get3A_2 : vector<1x1000x128xf32> to vector<1000x128xf32>
    %get3A_4 = arith.constant 1 : index
    %get3A_5 = arith.constant 0 : index
    %get3A_6 = arith.constant 0 : index
    %get3A_7 = vector.load %arg1[%get3A_4, %get3A_5, %get3A_6] : memref<2x1000x128xf32, #tpu.memory_space<vmem>>, vector<1x1000x128xf32>
    %get3A_8 = vector.shape_cast %get3A_7 : vector<1x1000x128xf32> to vector<1000x128xf32>
    %add3A = arith.addf %get3A_3, %get3A_8 : vector<1000x128xf32>
    %get3A_9 = arith.constant 0 : index
    %get3A_10 = arith.constant 0 : index
    %get3A_11 = vector.load %arg2[%get3A_9, %get3A_10] : memref<1000x128xf32, #tpu.memory_space<vmem>>, vector<1000x128xf32>
    %add3A_12 = arith.addf %add3A, %get3A_11 : vector<1000x128xf32>
    %max3A = arith.constant 0.000000e+00 : f32
    %max3A_13 = vector.broadcast %max3A : f32 to vector<1000x128xf32>
    %max3A_14 = arith.maximumf %add3A_12, %max3A_13 : vector<1000x128xf32>
    %get3A_15 = arith.constant 0 : index
    %get3A_16 = arith.constant 0 : index
    %get3A_17 = vector.load %arg3[%get3A_15, %get3A_16] : memref<128x1xf32, #tpu.memory_space<vmem>>, vector<128x1xf32>
    %dot_general3A = arith.constant dense<0.000000e+00> : vector<1000x1xf32>
    %dot_general3A_18 = tpu.matmul %max3A_14, %get3A_17, %dot_general3A {dimension_numbers = #tpu.dot_dimension_numbers<[1], [0], [0], [1], [0, 0, 1, 1], [], []>, transpose_lhs_hint = false} : vector<1000x128xf32>, vector<128x1xf32>, vector<1000x1xf32> -> vector<1000x1xf32>
    %get3A_19 = arith.constant 0 : index
    %get3A_20 = arith.constant 0 : index
    %get3A_21 = vector.load %arg4[%get3A_19, %get3A_20] : memref<1x1xf32, #tpu.memory_space<vmem>>, vector<1x1xf32>
    %add3A_22 = vector.broadcast %get3A_21 : vector<1x1xf32> to vector<1000x1xf32>
    %add3A_23 = arith.addf %dot_general3A_18, %add3A_22 : vector<1000x1xf32>
    %swap3A = arith.constant 0 : index
    %swap3A_24 = arith.constant 0 : index
    %swap3A_25 = vector.load %arg5[%swap3A, %swap3A_24] : memref<1000x1xf32, #tpu.memory_space<vmem>>, vector<1000x1xf32>
    tpu.vector_store %arg5[%swap3A, %swap3A_24], %add3A_23 {strides = array<i32>} : memref<1000x1xf32, #tpu.memory_space<vmem>>, vector<1000x1xf32>,
    return
  }
  func.func @transform_0(%arg0: i32) -> (i32, i32, i32) {
    %c0_i32 = arith.constant 0 : i32
    %c0_i32_0 = arith.constant 0 : i32
    %c0_i32_1 = arith.constant 0 : i32
    return %c0_i32, %arg0, %c0_i32_0 : i32, i32, i32
  }
  func.func @transform_1(%arg0: i32) -> (i32, i32) {
    %c0_i32 = arith.constant 0 : i32
    %c0_i32_0 = arith.constant 0 : i32
    return %arg0, %c0_i32 : i32, i32
  }
  func.func @transform_2(%arg0: i32) -> (i32, i32) {
    %c0_i32 = arith.constant 0 : i32
    %c0_i32_0 = arith.constant 0 : i32
    %c0_i32_1 = arith.constant 0 : i32
    return %c0_i32, %c0_i32_0 : i32, i32
  }
  func.func @transform_3(%arg0: i32) -> (i32, i32) {
    %c0_i32 = arith.constant 0 : i32
    %c0_i32_0 = arith.constant 0 : i32
    %c0_i32_1 = arith.constant 0 : i32
    return %c0_i32, %c0_i32_0 : i32, i32
  }
  func.func @transform_4(%arg0: i32) -> (i32, i32) {
    %c0_i32 = arith.constant 0 : i32
    %c0_i32_0 = arith.constant 0 : i32
    return %arg0, %c0_i32 : i32, i32
  }
}

</mosaic_0001>

<sc_bundles>
// kernel: kernel.10.cloned.1.call-start
scs
__scs_entry_jumppad:
0x0: {  	(pc) =	sbr.rel $0x88, $3  }
0x1: {  	(tag) =	ssettag $0x0;
	lr =	simm.s32 $0x1  }
0x2: {  	[smem:$0x3F96] =	sst lr;
	_ =	strace $0xD0000000  }
0x3: {  	_ = 	snop  }
0x4: {  	_ = 	snop  }
0x5: {  	_ = 	snop  }
0x6: {  	_ = 	snop  }
0x7: {  	_ = 	snop  }
__scs_overlays_trampoline_lowered:
0x8: {  	[smem:$0x3FA5] =	sst s0  }
0x9: {  	[smem:$0x3FA6] =	sst s1  }
0xa: {  	[smem:$0x3FA7] =	sst s2  }
0xb: {  	[smem:$0x3FA8] =	sst s3  }
0xc: {  	[smem:$0x3FA9] =	sst s4  }
0xd: {  	[smem:$0x3FAA] =	sst s5  }
0xe: {  	[smem:$0x3FAB] =	sst s6  }
0xf: {  	[smem:$0x3FAC] =	sst s7  }
0x10: {  	[smem:$0x3FAD] =	sst s8  }
0x11: {  	[smem:$0x3FAE] =	sst s9;
	s0 =	simm.s32 @!p0 $0x0  }
0x12: {  	s1 =	sld [smem:$0x3F94];
	s0 =	simm.s32 @p0 $0x1  }
0x13: {  	[smem:$0x3FAF] =	sst s0;
	s0 =	simm.s32 @!p1 $0x0  }
0x14: {  	s2 =	sld [smem:$0x3F93];
	s0 =	simm.s32 @p1 $0x1  }
0x15: {  	[smem:$0x3FB0] =	sst s0;
	s0 =	simm.s32 @!p2 $0x0  }
0x16: {  	s3 =	sld [smem:$0x3FDB];
	s0 =	simm.s32 @p2 $0x1  }
0x17: {  	s4 =	simm.s32 $0x1BF5;
	[smem:$0x3FB2] =	sst s0  }
0x18: {  	s0 =	sld [smem:$0x3F95];
	_ =	swait.ge [sflag:s4], $0x0  }
0x19: {  	s7 =	sld [smem:$0x3F96]  }
0x1a: {  	s8 =	sadd.s32 $0xFFFFE003, lr  }
0x1b: {  	s9 =	sadd.s32 $0xFFFFFEF7, lr;
	s5 =	simm.s32 $0xFFFFFFFF;
	p2 =	slt.u32 s8, $0xFFFFF086  }
0x1c: {  	p1 =	slt.u32 s9, $0xF7A;
	s5 =	simm.s32 @!p2 $0x0  }
0x1d: {  	s5 =	simm.s32 @p1 $0x1;
	p0 =	seq.s32 s7, s2  }
0x1e: {  	s7 =	smul.u32 @!p0 $0xF7A, s2;
	p2 =	seq.s32 @!p0 s5, $0x0  }
0x1f: {  	s9 =	smul.u32 $0xF7A, s1;
	s8 =	simm.s32 @!p0 $0x1BF5;
	p2 =	por !p2, p0  }
0x20: {  	[sflag:s8] =	ssyncset.s32 @!p0 $0xFFFFF086;
	s6 =	sadd.s32 @!p0 s3, s7;
	s7 =	simm.s32 @!p0 $0x108  }
0x21: {  	s3 =	sadd.s32 s3, s9;
	s6 =	sadd.s32 @!p0 $0x88, s6;
	s7 =	simm.s32 @p2 $0x1082  }
0x22: {  	[simem:s7], [sflag:s8] =	dma.local @!p0 [hbm:s6], $0xF7A  }
0x23: {  	s9 =	sor.u32 $0xD0000000, s2;
	s6 =	simm.s32 $0x108;
	_ =	swait.ge @!p0 [sflag:s8], $0x0  }
0x24: {  	s3 =	sadd.s32 $0x88, s3;
	s6 =	simm.s32 @!p1 $0x1082;
	[sflag:s4] =	ssyncset.s32 $0xFFFFF086  }
0x25: {  	[simem:s6], [sflag:s4] =	dma.local [hbm:s3], $0xF7A  }
0x26: {  	[smem:$0x3F96] =	sst s1;
	(tag) =	ssettag s2;
	_ =	strace s9  }
0x27: {  	s1 =	sld [smem:$0x3FA6]  }
0x28: {  	s2 =	sld [smem:$0x3FA7]  }
0x29: {  	s4 =	sld [smem:$0x3FA9]  }
0x2a: {  	p0 =	seq.s32 s5, $0x0;
	s5 =	sld [smem:$0x3FAA]  }
0x2b: {  	s6 =	sld [smem:$0x3FAB]  }
0x2c: {  	s7 =	sld [smem:$0x3FAC]  }
0x2d: {  	s3 =	simm.s32 $0x108;
	s8 =	sld [smem:$0x3FAD]  }
0x2e: {  	s3 =	simm.s32 @!p0 $0x1082;
	s9 =	sld [smem:$0x3FAE]  }
0x2f: {  	lr =	sadd.s32 s0, s3;
	s0 =	sld [smem:$0x3FA5]  }
0x30: {  	s3 =	sld [smem:$0x3FA8]  }
0x31: {  	[smem:$0x3FB1] =	sst s10  }
0x32: {  	s10 =	sld [smem:$0x3FAF];
	_ =	sdelay $0x3  }
0x33: {  	p0 =	seq.s32 s10, $0x1;
	s10 =	sld [smem:$0x3FB1];
	_ =	sdelay $0x3  }
0x34: {  	[smem:$0x3FB1] =	sst s10  }
0x35: {  	s10 =	sld [smem:$0x3FB0];
	_ =	sdelay $0x3  }
0x36: {  	p1 =	seq.s32 s10, $0x1;
	s10 =	sld [smem:$0x3FB1];
	_ =	sdelay $0x3  }
0x37: {  	[smem:$0x3FB1] =	sst s10  }
0x38: {  	s10 =	sld [smem:$0x3FB2]  }
0x39: {  	_ = 	snop;
	(pc) =	sbr.ind lr, $3  }
0x3a: {  	_ = 	snop  }
0x3b: {  	_ = 	snop  }
0x3c: {  	p2 =	seq.s32 s10, $0x1;
	s10 =	sld [smem:$0x3FB1]  }
0x3d: {  	_ =	shalt  }
0x3e: {  	_ =	shalt  }
0x3f: {  	_ =	shalt  }
0x40: {  	_ =	shalt  }
0x41: {  	_ =	shalt  }
0x42: {  	_ =	shalt  }
0x43: {  	_ =	shalt  }
0x44: {  	_ =	shalt  }
0x45: {  	_ =	shalt  }
0x46: {  	_ =	shalt  }
0x47: {  	_ =	shalt  }
0x48: {  	_ =	shalt  }
0x49: {  	_ =	shalt  }
0x4a: {  	_ =	shalt  }
0x4b: {  	_ =	shalt  }
0x4c: {  	_ =	shalt  }
0x4d: {  	_ =	shalt  }
0x4e: {  	_ =	shalt  }
0x4f: {  	_ =	shalt  }
0x50: {  	_ =	shalt  }
0x51: {  	_ =	shalt  }
0x52: {  	_ =	shalt  }
0x53: {  	_ =	shalt  }
0x54: {  	_ =	shalt  }
0x55: {  	_ =	shalt  }
0x56: {  	_ =	shalt  }
0x57: {  	_ =	shalt  }
0x58: {  	_ =	shalt  }
0x59: {  	_ =	shalt  }
0x5a: {  	_ =	shalt  }
0x5b: {  	_ =	shalt  }
0x5c: {  	_ =	shalt  }
0x5d: {  	_ =	shalt  }
0x5e: {  	_ =	shalt  }
0x5f: {  	_ =	shalt  }
0x60: {  	_ =	shalt  }
0x61: {  	_ =	shalt  }
0x62: {  	_ =	shalt  }
0x63: {  	_ =	shalt  }
0x64: {  	_ =	shalt  }
0x65: {  	_ =	shalt  }
0x66: {  	_ =	shalt  }
0x67: {  	_ =	shalt  }
0x68: {  	_ =	shalt  }
0x69: {  	_ =	shalt  }
0x6a: {  	_ =	shalt  }
0x6b: {  	_ =	shalt  }
0x6c: {  	_ =	shalt  }
0x6d: {  	_ =	shalt  }
0x6e: {  	_ =	shalt  }
0x6f: {  	_ =	shalt  }
0x70: {  	_ =	shalt  }
0x71: {  	_ =	shalt  }
0x72: {  	_ =	shalt  }
0x73: {  	_ =	shalt  }
0x74: {  	_ =	shalt  }
0x75: {  	_ =	shalt  }
0x76: {  	_ =	shalt  }
0x77: {  	_ =	shalt  }
0x78: {  	_ =	shalt  }
0x79: {  	_ =	shalt  }
0x7a: {  	_ =	shalt  }
0x7b: {  	_ =	shalt  }
0x7c: {  	_ =	shalt  }
0x7d: {  	_ =	shalt  }
0x7e: {  	_ =	shalt  }
0x7f: {  	_ =	shalt  }
0x80: {  	_ =	shalt  }
0x81: {  	_ =	shalt  }
0x82: {  	_ =	shalt  }
0x83: {  	_ =	shalt  }
0x84: {  	_ =	shalt  }
0x85: {  	_ =	shalt  }
0x86: {  	_ =	shalt  }
0x87: {  	_ =	shalt  }
.Lfunc_end0:
.L_simem_size_0:
called_computation_lowered:
.L_overlay_start_0:
0x88: {  	s2 =	sld [smem:$0x3FD9]  }
0x89: {  	s3 =	sld [smem:$0x3FFE];
	_ =	sdelay $0x1  }
0x8a: {  	s1 =	srdreg.scid  }
0x8b: {  	s0 =	sand.u32 $0x1, s1  }
0x8c: {  	s16 =	sshll.u32 s0, $0xA;
	s2 =	sadd.s32 s3, s2  }
0x8d: {  	s2 =	sadd.s32 s2, s16  }
0x8e: {  	[smem:$0x3FBD] =	sst s2  }
0x8f: {  	_ = 	snop  }
0x90: {  	(tm) =	ssettm $0x1  }
0x91: {  	s17 =	sld [smem:$0x3FFB];
	_ =	sdelay $0x3  }
0x92: {  	_ =	strace s17  }
0x93: {  	s2 =	sld [smem:$0x3FFC];
	_ =	sdelay $0x3  }
0x94: {  	_ =	strace s2  }
0x95: {  	s2 =	sld [smem:$0x3FFD];
	_ =	sdelay $0x3  }
0x96: {  	_ =	strace s2  }
0x97: {  	_ =	strace $0x8FFFFFFF  }
0x98: {  	s18 =	sld [smem:$0x3FDB];
	_ =	sdelay $0x1  }
0x99: {  	s19 =	simm.s32 $_scs_section_size  }
0x9a: {  	s4 =	simm.s32 $_size__tile_overlayer_lowered;
	s5 =	simm.s32 $_tile_overlayer_lowered  }
0x9b: {  	s22 =	simm.s32 $0x1BFF;
	s21 =	sshll.u32 s5, $0x1;
	s2 =	sadd.s32 s19, s18  }
0x9c: {  	s6 =	simm.s32 $0x0;
	s20 =	sshll.u32 s4, $0x1;
	s4 =	sadd.s32 s21, s2  }
0x9d: {  	[timem:s6], [sflag:s22] =	dma.local [hbm:s4], s20  }
0x9e: {  	_ =	swait.ge [sflag:s22], s20  }
0x9f: {  	s3 =	ssub.s32 $0x0, s20;
	[sflag:s22] =	ssyncset.done $0x0  }
0xa0: {  	[sflag:s22] =	ssyncadd.s32 s3;
	_ =	sdelay $0x1  }
0xa1: {  	s23 =	simm.s32 $0x1B8B  }
0xa2: {  	_ =	swait.ge [sflag:s23], $0x1  }
0xa3: {  	[sflag:s23] =	ssyncset.done $0x0  }
0xa4: {  	s25 =	simm.s32 $0x1B8E;
	s24 =	sld [smem:$0x3FFE];
	[sflag:s23] =	ssyncadd.s32 $0xFFFFFFFF  }
0xa5: {  	s26 =	simm.s32 $execute0_lowered;
	[smem:$0x3FD2] =	sst s25  }
0xa6: {  	s4 =	sshll.u32 s26, $0x1;
	_ =	strace $0x80000046;
	[dreg:$0x1] =	wrdreg $0xFFFFFFFF  }
0xa7: {  	s28 =	simm.s32 $_size_execute0_lowered;
	s2 =	sadd.s32 s2, s4;
	[dreg:$0x0] =	wrdreg $0x0  }
0xa8: {  	s4 =	sshll.u32 s28, $0x1;
	[dreg:$0x2] =	wrdreg s2  }
0xa9: {  	[dreg:$0x3] =	wrdreg s4  }
0xaa: {  	[dreg:$0x4] =	wrdreg $0xC0  }
0xab: {  	_ =	task [dreg:s6], $0x5FFFF  }
0xac: {  	[dreg:$0x1] =	wrdreg $0xFFFFFFFF  }
0xad: {  	[dreg:$0x0] =	wrdreg $0x60  }
0xae: {  	[dreg:$0x2] =	wrdreg s24  }
0xaf: {  	[dreg:$0x3] =	wrdreg $0x9  }
0xb0: {  	_ =	task.clear_ibuf [dreg:s6], $0x4FFFF;
	_ =	strace $0x90000046  }
0xb1: {  	s29 =	simm.s32 $0x9;
	_ =	strace $0x80000048  }
0xb2: {  	_ =	swait.ge [sflag:s29], $0x1  }
0xb3: {  	[sflag:s29] =	ssyncadd.s32 $0xFFFFFFFF  }
0xb4: {  	_ =	strace $0x90000048  }
0xb5: {  	_ =	sfence  }
0xb6: {  	s30 =	sld [smem:$0x0];
	_ =	sdelay $0x2  }
0xb7: {  	s31 =	sshll.u32 s1, $0xD;
	s1 =	sshrl.u32 s1, $0x2  }
0xb8: {  	s3 =	sand.u32 $0x4000, s31;
	s1 =	sadd.s32 s1, s30  }
0xb9: {  	s0 =	sor.u32 s3, s0;
	s1 =	sshll.u32 s1, $0x11  }
0xba: {  	s0 =	sor.u32 s1, s0  }
0xbb: {  	s0 =	sadd.s32 $0x8F2B, s0  }
0xbc: {  	[sflag:s0] =	ssyncadd.remote.s32 $0x1  }
0xbd: {  	_ =	sfence.sel $0xFFFF  }
0xbe: {  	[dreg:$0x0] =	wrdreg $0xFFFFFFFF;
	(pc) =	sbr.abs _section_cstart, $3  }
0xbf: {  	[dreg:$0x1] =	wrdreg $0xFFFFFFFF  }
0xc0: {  	_ =	task.clear_ibuf [dreg:s6], $0x2FFFF;
	_ =	strace $0x9FFFFFFF  }
0xc1: {  	(tm) =	ssettm $0x7FFFFFFF  }
tec
execute0_lowered:
.L_overlay_start_1:
0x0: {  	(tag) =	ssettag $0x1  }
0x1: {  	s1 =	srdreg.scid  }
0x2: {  	s3 =	rddreg [dreg:$0x0];
	s0 =	stileid.u32  }
0x3: {  	s10 =	simm.s32 $0x1;
	s11 =	simm.s32 $0x2780;
	s12 =	simm.s32 $0x4F00  }
0x4: {  	s4 =	sand.u32 $0x1, s1;
	s5 =	sshrl.u32 s0, $0x2;
	s8 =	smul.u32 $0x4F00, s0  }
0x5: {  	s2 =	sshll.u32 s0, $0x8;
	s6 =	sshll.u32 s4, $0x7;
	s7 =	smul.u32 $0x13C00, s5  }
0x6: {  	s1 =	rddreg [dreg:$0x1];
	s5 =	smul.u32 $0x9C400, s5;
	s6 =	sor.u32 s6, s2  }
0x7: {  	s30 =	ssub.s32 $0x2, s4;
	s9 =	smul.u32 $0x2780, s4;
	s6 =	sand.u32 $0x380, s6  }
0x8: {  	s2 =	simm.s32 $0x0;
	s31 =	sshrl.u32 s30, $0x1;
	s7 =	sor.u32 s7, s6  }
0x9: {  	[smem:$0x7FF] =	sst s2;
	s5 =	sor.u32 s5, s6;
	s7 =	sshrl.u32 s7, $0x3  }
0xa: {  	_ =	strace $0x80000047;
	s5 =	sshrl.u32 s5, $0x3;
	s29 =	sadd.s32 s7, s3  }
0xb: {  	s5 =	sadd.s32 s5, s3;
	s7 =	ssub.s32 s30, s31;
	s3 =	sadd.s32 $0x2600, s29  }
0xc: {  	s4 =	sadd.s32 $0xC400, s29;
	s5 =	sadd.s32 $0x16200, s5;
	s6 =	smax.u32 s7, $0x1  }
0xd: {  	v0 =	vimm.f32 $0.0e+00;
	vm0 =	vmxor vm0, vm0;
	v1 =	vimm.f32 $1.000000000e+00;
	s7 =	sadd.s32 s9, s8;
	s8 =	simm.s32 $0x80;
	s9 =	simm.s32 $0x400  }
.LBB2_1:
0xe: {  	s13 =	simm.s32 $0x40;
	s14 =	simm.s32 $0x0  }
.LBB2_2:
0xf: {  	p0 =	sne.s32 s13, $0x4E1C0;
	[tilespmem:s14+$0x4F00] =	vst v0;
	s14 =	smov.u32 s13;
	s13 =	sadd.s32 $0x40, s13  }
.Ltmp0:
0x10: {  	(pc) =	sbr.rel @p0 .LBB2_2-.Ltmp0, $2  }
0x11: {  	_ =	sdelay $0x2  }
0x12: {  	s14 =	sshra.s32 s14, $0x2  }
0x13: {  	[tilespmem:s14+$0x4F00] =	vst v0;
	s13 =	simm.s32 $0x0  }
0x14: {  	[tilespmem:s13], [sflag:$0x1] =	stream.strided.gather [hbm4b:s3+s8], $0x2780, s9, s8, $0x38;
	[tilespmem:$0x18780] =	vst v63  }
0x15: {  	_ =	swait.ge [sflag:s10], $0x2780  }
0x16: {  	[sflag:s10] =	ssyncset.done $0x0  }
0x17: {  	[sflag:s10] =	ssyncadd.s32 $0xFFFFD880  }
0x18: {  	[tilespmem:s11], [sflag:$0x1] =	stream.strided.gather [hbm4b:s4+s8], $0x2780, s9, s8, $0x38;
	[tilespmem:$0x18780] =	vst v63  }
0x19: {  	_ =	swait.ge [sflag:s10], $0x2780  }
0x1a: {  	[sflag:s10] =	ssyncset.done $0x0  }
0x1b: {  	s31 =	simm.s32 $0x0;
	[sflag:s10] =	ssyncadd.s32 $0xFFFFD880  }
0x1c: {  	v2 =	vld [tilespmem:s31+$0x0]  }
0x1d: {  	v3 =	vld [tilespmem:s31+$0x2780];
	_ =	sdelay $0x2  }
0x1e: {  	p0 =	slt.u32 s7, $0x4E200;
	vm1 =	vmmov vm0  }
0x1f: {  	vm1 =	vmneg @p0 vm1;
	v2 =	vshll.u32 v2, $0x3  }
0x20: {  	v2 =	vadd.s32 v3, v2;
	_ =	sdelay $0x4  }
0x21: {  	s15 =	simm.s32 $0x10;
	s14 =	simm.s32 $0x80;
	s13 =	smov.u32 s7;
	[tilespmem:v2+s12+$0x0] =	vst.idx.add.f32.msk vm1, v1  }
.LBB2_4:
0x22: {  	p0 =	sne.s32 s14, $0x9DC0;
	v2 =	vld [tilespmem:s15+$0x0]  }
0x23: {  	v3 =	vld [tilespmem:s15+$0x2780];
	_ =	sdelay $0x1  }
0x24: {  	s13 =	sadd.s32 $0x10, s13  }
0x25: {  	vm1 =	vmmov vm0;
	p1 =	slt.u32 s13, $0x4E200  }
0x26: {  	vm1 =	vmneg @p1 vm1;
	v2 =	vshll.u32 v2, $0x3  }
0x27: {  	v2 =	vadd.s32 v3, v2  }
.Ltmp1:
0x28: {  	(pc) =	sbr.rel @p0 .LBB2_4-.Ltmp1, $2  }
0x29: {  	_ =	sdelay $0x2  }
0x2a: {  	s15 =	sshra.s32 s14, $0x2;
	s14 =	sadd.s32 $0x40, s14;
	[tilespmem:v2+s12+$0x0] =	vst.idx.add.f32.msk vm1, v1  }
0x2b: {  	v2 =	vld [tilespmem:s15+$0x0]  }
0x2c: {  	v3 =	vld [tilespmem:s15+$0x2780];
	_ =	sdelay $0x1  }
0x2d: {  	s13 =	sadd.s32 $0x10, s13  }
0x2e: {  	vm1 =	vmmov vm0;
	p0 =	slt.u32 s13, $0x4E200  }
0x2f: {  	vm1 =	vmneg @p0 vm1;
	v2 =	vshll.u32 v2, $0x3  }
0x30: {  	v2 =	vadd.s32 v3, v2;
	_ =	sdelay $0x2  }
0x31: {  	s2 =	sadd.s32 $0x1, s2  }
0x32: {  	p0 =	sne.s32 s2, s6  }
.Ltmp2:
0x33: {  	[tilespmem:v2+s12+$0x0] =	vst.idx.add.f32.msk vm1, v1;
	(pc) =	sbr.rel @p0 .LBB2_1-.Ltmp2, $4  }
0x34: {  	[hbm4b:s5+s8] =	stream.strided.scatter [tilespmem:s12], [sflag:$0x1], $0x13880, s9, s8, $0x38;
	[tilespmem:$0x18780] =	vst v63  }
0x35: {  	_ =	swait.ge [sflag:s10], $0x13880  }
0x36: {  	[sflag:s10] =	ssyncset.done $0x0  }
0x37: {  	[sflag:s10] =	ssyncadd.s32 $0xFFFEC780  }
0x38: {  	_ =	sfence.sel $0x180000  }
0x39: {  	[bflag:$0x0] =	sbarrier.arrive $0xFFFF  }
0x3a: {  	p0 =	sne.s32 s0, $0x0;
	_ =	strace $0x90000047  }
0x3b: {  	s0 =	sadd.s32 @!p0 $0x100000, s1;
	[bflag:$0x2] =	sbarrier.arrive $0xFFFF  }
0x3c: {  	[sflag:s0] =	ssyncadd.tile.s32 @!p0 $0x1;
	_ =	shalt  }
.Lfunc_end2:
_tile_overlayer_lowered:
.L_overlay_start_2:
0x3d: {  	(tag) =	ssettag $0x2  }
0x3e: {  	s0 =	rddreg [dreg:$0x0];
	s2 =	stileid.u32  }
0x3f: {  	s1 =	rddreg [dreg:$0x1];
	p0 =	sne.s32 s2, $0x0  }
0x40: {  	s3 =	rddreg [dreg:$0x2];
	[bflag:$0x3] =	sbarrier.arrive $0xFFFF;
	s2 =	simm.s32 @!p0 $0x1C01  }
0x41: {  	[timem:s3], [sflag:s2] =	dma.local @!p0 [hbm:s0], s1  }
0x42: {  	s0 =	simm.s32 @!p0 $0x1  }
0x43: {  	_ =	swait.ge @!p0 [sflag:s0], s1  }
0x44: {  	s1 =	ssub.s32 @!p0 $0x0, s1;
	[sflag:s0] =	ssyncset.done @!p0 $0x0  }
0x45: {  	[sflag:s0] =	ssyncadd.s32 @!p0 s1  }
0x46: {  	[bflag:$0x3] =	sbarrier.arrive $0xFFFF  }
0x47: {  	_ =	shalt  }

// kernel: kernel.13.cloned.1.call-start
scs
__scs_entry_jumppad:
0x0: {  	(pc) =	sbr.rel $0x88, $3  }
0x1: {  	(tag) =	ssettag $0x0;
	lr =	simm.s32 $0x1  }
0x2: {  	[smem:$0x3F96] =	sst lr;
	_ =	strace $0xD0000000  }
0x3: {  	_ = 	snop  }
0x4: {  	_ = 	snop  }
0x5: {  	_ = 	snop  }
0x6: {  	_ = 	snop  }
0x7: {  	_ = 	snop  }
__scs_overlays_trampoline_lowered:
0x8: {  	[smem:$0x3FA5] =	sst s0  }
0x9: {  	[smem:$0x3FA6] =	sst s1  }
0xa: {  	[smem:$0x3FA7] =	sst s2  }
0xb: {  	[smem:$0x3FA8] =	sst s3  }
0xc: {  	[smem:$0x3FA9] =	sst s4  }
0xd: {  	[smem:$0x3FAA] =	sst s5  }
0xe: {  	[smem:$0x3FAB] =	sst s6  }
0xf: {  	[smem:$0x3FAC] =	sst s7  }
0x10: {  	[smem:$0x3FAD] =	sst s8  }
0x11: {  	[smem:$0x3FAE] =	sst s9;
	s0 =	simm.s32 @!p0 $0x0  }
0x12: {  	s1 =	sld [smem:$0x3F94];
	s0 =	simm.s32 @p0 $0x1  }
0x13: {  	[smem:$0x3FAF] =	sst s0;
	s0 =	simm.s32 @!p1 $0x0  }
0x14: {  	s2 =	sld [smem:$0x3F93];
	s0 =	simm.s32 @p1 $0x1  }
0x15: {  	[smem:$0x3FB0] =	sst s0;
	s0 =	simm.s32 @!p2 $0x0  }
0x16: {  	s3 =	sld [smem:$0x3FDB];
	s0 =	simm.s32 @p2 $0x1  }
0x17: {  	s4 =	simm.s32 $0x1BF5;
	[smem:$0x3FB2] =	sst s0  }
0x18: {  	s0 =	sld [smem:$0x3F95];
	_ =	swait.ge [sflag:s4], $0x0  }
0x19: {  	s7 =	sld [smem:$0x3F96]  }
0x1a: {  	s8 =	sadd.s32 $0xFFFFE003, lr  }
0x1b: {  	s9 =	sadd.s32 $0xFFFFFEF7, lr;
	s5 =	simm.s32 $0xFFFFFFFF;
	p2 =	slt.u32 s8, $0xFFFFF086  }
0x1c: {  	p1 =	slt.u32 s9, $0xF7A;
	s5 =	simm.s32 @!p2 $0x0  }
0x1d: {  	s5 =	simm.s32 @p1 $0x1;
	p0 =	seq.s32 s7, s2  }
0x1e: {  	s7 =	smul.u32 @!p0 $0xF7A, s2;
	p2 =	seq.s32 @!p0 s5, $0x0  }
0x1f: {  	s9 =	smul.u32 $0xF7A, s1;
	s8 =	simm.s32 @!p0 $0x1BF5;
	p2 =	por !p2, p0  }
0x20: {  	[sflag:s8] =	ssyncset.s32 @!p0 $0xFFFFF086;
	s6 =	sadd.s32 @!p0 s3, s7;
	s7 =	simm.s32 @!p0 $0x108  }
0x21: {  	s3 =	sadd.s32 s3, s9;
	s6 =	sadd.s32 @!p0 $0x88, s6;
	s7 =	simm.s32 @p2 $0x1082  }
0x22: {  	[simem:s7], [sflag:s8] =	dma.local @!p0 [hbm:s6], $0xF7A  }
0x23: {  	s9 =	sor.u32 $0xD0000000, s2;
	s6 =	simm.s32 $0x108;
	_ =	swait.ge @!p0 [sflag:s8], $0x0  }
0x24: {  	s3 =	sadd.s32 $0x88, s3;
	s6 =	simm.s32 @!p1 $0x1082;
	[sflag:s4] =	ssyncset.s32 $0xFFFFF086  }
0x25: {  	[simem:s6], [sflag:s4] =	dma.local [hbm:s3], $0xF7A  }
0x26: {  	[smem:$0x3F96] =	sst s1;
	(tag) =	ssettag s2;
	_ =	strace s9  }
0x27: {  	s1 =	sld [smem:$0x3FA6]  }
0x28: {  	s2 =	sld [smem:$0x3FA7]  }
0x29: {  	s4 =	sld [smem:$0x3FA9]  }
0x2a: {  	p0 =	seq.s32 s5, $0x0;
	s5 =	sld [smem:$0x3FAA]  }
0x2b: {  	s6 =	sld [smem:$0x3FAB]  }
0x2c: {  	s7 =	sld [smem:$0x3FAC]  }
0x2d: {  	s3 =	simm.s32 $0x108;
	s8 =	sld [smem:$0x3FAD]  }
0x2e: {  	s3 =	simm.s32 @!p0 $0x1082;
	s9 =	sld [smem:$0x3FAE]  }
0x2f: {  	lr =	sadd.s32 s0, s3;
	s0 =	sld [smem:$0x3FA5]  }
0x30: {  	s3 =	sld [smem:$0x3FA8]  }
0x31: {  	[smem:$0x3FB1] =	sst s10  }
0x32: {  	s10 =	sld [smem:$0x3FAF];
	_ =	sdelay $0x3  }
0x33: {  	p0 =	seq.s32 s10, $0x1;
	s10 =	sld [smem:$0x3FB1];
	_ =	sdelay $0x3  }
0x34: {  	[smem:$0x3FB1] =	sst s10  }
0x35: {  	s10 =	sld [smem:$0x3FB0];
	_ =	sdelay $0x3  }
0x36: {  	p1 =	seq.s32 s10, $0x1;
	s10 =	sld [smem:$0x3FB1];
	_ =	sdelay $0x3  }
0x37: {  	[smem:$0x3FB1] =	sst s10  }
0x38: {  	s10 =	sld [smem:$0x3FB2]  }
0x39: {  	_ = 	snop;
	(pc) =	sbr.ind lr, $3  }
0x3a: {  	_ = 	snop  }
0x3b: {  	_ = 	snop  }
0x3c: {  	p2 =	seq.s32 s10, $0x1;
	s10 =	sld [smem:$0x3FB1]  }
0x3d: {  	_ =	shalt  }
0x3e: {  	_ =	shalt  }
0x3f: {  	_ =	shalt  }
0x40: {  	_ =	shalt  }
0x41: {  	_ =	shalt  }
0x42: {  	_ =	shalt  }
0x43: {  	_ =	shalt  }
0x44: {  	_ =	shalt  }
0x45: {  	_ =	shalt  }
0x46: {  	_ =	shalt  }
0x47: {  	_ =	shalt  }
0x48: {  	_ =	shalt  }
0x49: {  	_ =	shalt  }
0x4a: {  	_ =	shalt  }
0x4b: {  	_ =	shalt  }
0x4c: {  	_ =	shalt  }
0x4d: {  	_ =	shalt  }
0x4e: {  	_ =	shalt  }
0x4f: {  	_ =	shalt  }
0x50: {  	_ =	shalt  }
0x51: {  	_ =	shalt  }
0x52: {  	_ =	shalt  }
0x53: {  	_ =	shalt  }
0x54: {  	_ =	shalt  }
0x55: {  	_ =	shalt  }
0x56: {  	_ =	shalt  }
0x57: {  	_ =	shalt  }
0x58: {  	_ =	shalt  }
0x59: {  	_ =	shalt  }
0x5a: {  	_ =	shalt  }
0x5b: {  	_ =	shalt  }
0x5c: {  	_ =	shalt  }
0x5d: {  	_ =	shalt  }
0x5e: {  	_ =	shalt  }
0x5f: {  	_ =	shalt  }
0x60: {  	_ =	shalt  }
0x61: {  	_ =	shalt  }
0x62: {  	_ =	shalt  }
0x63: {  	_ =	shalt  }
0x64: {  	_ =	shalt  }
0x65: {  	_ =	shalt  }
0x66: {  	_ =	shalt  }
0x67: {  	_ =	shalt  }
0x68: {  	_ =	shalt  }
0x69: {  	_ =	shalt  }
0x6a: {  	_ =	shalt  }
0x6b: {  	_ =	shalt  }
0x6c: {  	_ =	shalt  }
0x6d: {  	_ =	shalt  }
0x6e: {  	_ =	shalt  }
0x6f: {  	_ =	shalt  }
0x70: {  	_ =	shalt  }
0x71: {  	_ =	shalt  }
0x72: {  	_ =	shalt  }
0x73: {  	_ =	shalt  }
0x74: {  	_ =	shalt  }
0x75: {  	_ =	shalt  }
0x76: {  	_ =	shalt  }
0x77: {  	_ =	shalt  }
0x78: {  	_ =	shalt  }
0x79: {  	_ =	shalt  }
0x7a: {  	_ =	shalt  }
0x7b: {  	_ =	shalt  }
0x7c: {  	_ =	shalt  }
0x7d: {  	_ =	shalt  }
0x7e: {  	_ =	shalt  }
0x7f: {  	_ =	shalt  }
0x80: {  	_ =	shalt  }
0x81: {  	_ =	shalt  }
0x82: {  	_ =	shalt  }
0x83: {  	_ =	shalt  }
0x84: {  	_ =	shalt  }
0x85: {  	_ =	shalt  }
0x86: {  	_ =	shalt  }
0x87: {  	_ =	shalt  }
.Lfunc_end0:
.L_simem_size_0:
called_computation.1_lowered:
.L_overlay_start_0:
0x88: {  	s2 =	sld [smem:$0x3FD9]  }
0x89: {  	s3 =	sld [smem:$0x3FFE];
	_ =	sdelay $0x1  }
0x8a: {  	s1 =	srdreg.scid  }
0x8b: {  	s0 =	sand.u32 $0x1, s1  }
0x8c: {  	s16 =	sshll.u32 s0, $0xA;
	s2 =	sadd.s32 s3, s2  }
0x8d: {  	s2 =	sadd.s32 s2, s16  }
0x8e: {  	[smem:$0x3FBD] =	sst s2  }
0x8f: {  	_ = 	snop  }
0x90: {  	(tm) =	ssettm $0x1  }
0x91: {  	s17 =	sld [smem:$0x3FFB];
	_ =	sdelay $0x3  }
0x92: {  	_ =	strace s17  }
0x93: {  	s2 =	sld [smem:$0x3FFC];
	_ =	sdelay $0x3  }
0x94: {  	_ =	strace s2  }
0x95: {  	s2 =	sld [smem:$0x3FFD];
	_ =	sdelay $0x3  }
0x96: {  	_ =	strace s2  }
0x97: {  	_ =	strace $0x8FFFFFFF  }
0x98: {  	s18 =	sld [smem:$0x3FDB];
	_ =	sdelay $0x1  }
0x99: {  	s19 =	simm.s32 $_scs_section_size  }
0x9a: {  	s4 =	simm.s32 $_size__tile_overlayer_lowered;
	s5 =	simm.s32 $_tile_overlayer_lowered  }
0x9b: {  	s22 =	simm.s32 $0x1BFF;
	s21 =	sshll.u32 s5, $0x1;
	s2 =	sadd.s32 s19, s18  }
0x9c: {  	s6 =	simm.s32 $0x0;
	s20 =	sshll.u32 s4, $0x1;
	s4 =	sadd.s32 s21, s2  }
0x9d: {  	[timem:s6], [sflag:s22] =	dma.local [hbm:s4], s20  }
0x9e: {  	_ =	swait.ge [sflag:s22], s20  }
0x9f: {  	s3 =	ssub.s32 $0x0, s20;
	[sflag:s22] =	ssyncset.done $0x0  }
0xa0: {  	[sflag:s22] =	ssyncadd.s32 s3;
	_ =	sdelay $0x1  }
0xa1: {  	s23 =	simm.s32 $0x1B8B  }
0xa2: {  	_ =	swait.ge [sflag:s23], $0x1  }
0xa3: {  	[sflag:s23] =	ssyncset.done $0x0  }
0xa4: {  	s25 =	simm.s32 $0x1B8E;
	s24 =	sld [smem:$0x3FFE];
	[sflag:s23] =	ssyncadd.s32 $0xFFFFFFFF  }
0xa5: {  	s26 =	simm.s32 $execute0_lowered;
	[smem:$0x3FD2] =	sst s25  }
0xa6: {  	s4 =	sshll.u32 s26, $0x1;
	_ =	strace $0x80000049;
	[dreg:$0x1] =	wrdreg $0xFFFFFFFF  }
0xa7: {  	s28 =	simm.s32 $_size_execute0_lowered;
	s2 =	sadd.s32 s2, s4;
	[dreg:$0x0] =	wrdreg $0x0  }
0xa8: {  	s4 =	sshll.u32 s28, $0x1;
	[dreg:$0x2] =	wrdreg s2  }
0xa9: {  	[dreg:$0x3] =	wrdreg s4  }
0xaa: {  	[dreg:$0x4] =	wrdreg $0xC0  }
0xab: {  	_ =	task [dreg:s6], $0x5FFFF  }
0xac: {  	[dreg:$0x1] =	wrdreg $0xFFFFFFFF  }
0xad: {  	[dreg:$0x0] =	wrdreg $0x60  }
0xae: {  	[dreg:$0x2] =	wrdreg s24  }
0xaf: {  	[dreg:$0x3] =	wrdreg $0x9  }
0xb0: {  	_ =	task.clear_ibuf [dreg:s6], $0x4FFFF;
	_ =	strace $0x90000049  }
0xb1: {  	s29 =	simm.s32 $0x9;
	_ =	strace $0x8000004B  }
0xb2: {  	_ =	swait.ge [sflag:s29], $0x1  }
0xb3: {  	[sflag:s29] =	ssyncadd.s32 $0xFFFFFFFF  }
0xb4: {  	_ =	strace $0x9000004B  }
0xb5: {  	_ =	sfence  }
0xb6: {  	s30 =	sld [smem:$0x0];
	_ =	sdelay $0x2  }
0xb7: {  	s31 =	sshll.u32 s1, $0xD;
	s1 =	sshrl.u32 s1, $0x2  }
0xb8: {  	s3 =	sand.u32 $0x4000, s31;
	s1 =	sadd.s32 s1, s30  }
0xb9: {  	s0 =	sor.u32 s3, s0;
	s1 =	sshll.u32 s1, $0x11  }
0xba: {  	s0 =	sor.u32 s1, s0  }
0xbb: {  	s0 =	sadd.s32 $0x8F2B, s0  }
0xbc: {  	[sflag:s0] =	ssyncadd.remote.s32 $0x1  }
0xbd: {  	_ =	sfence.sel $0xFFFF  }
0xbe: {  	[dreg:$0x0] =	wrdreg $0xFFFFFFFF;
	(pc) =	sbr.abs _section_cstart, $3  }
0xbf: {  	[dreg:$0x1] =	wrdreg $0xFFFFFFFF  }
0xc0: {  	_ =	task.clear_ibuf [dreg:s6], $0x2FFFF;
	_ =	strace $0x9FFFFFFF  }
0xc1: {  	(tm) =	ssettm $0x7FFFFFFF  }
tec
execute0_lowered:
.L_overlay_start_1:
0x0: {  	(tag) =	ssettag $0x1  }
0x1: {  	s4 =	rddreg [dreg:$0x0];
	s2 =	srdreg.scid  }
0x2: {  	s0 =	rddreg [dreg:$0x1];
	s1 =	stileid.u32  }
0x3: {  	s13 =	simm.s32 $0x80;
	s14 =	simm.s32 $0x400;
	s15 =	simm.s32 $0x2780  }
0x4: {  	s16 =	simm.s32 $0x4F00;
	s17 =	simm.s32 $0x0;
	s6 =	sand.u32 $0x1, s2  }
0x5: {  	s3 =	sshrl.u32 s1, $0x2;
	s5 =	sshll.u32 s1, $0x8;
	s7 =	sshll.u32 s6, $0x7  }
0x6: {  	s2 =	simm.s32 $0x0;
	s3 =	smul.u32 $0x13C00, s3;
	s5 =	sor.u32 s7, s5  }
0x7: {  	s11 =	smul.u32 $0x4F00, s1;
	[smem:$0x7FF] =	sst s2;
	s5 =	sand.u32 $0x380, s5  }
0x8: {  	s31 =	ssub.s32 $0x2, s6;
	s12 =	smul.u32 $0x2780, s6;
	s5 =	sor.u32 s3, s5  }
0x9: {  	_ =	strace $0x8000004A;
	s8 =	sshrl.u32 s31, $0x1;
	s5 =	sshrl.u32 s5, $0x3  }
0xa: {  	s10 =	ssub.s32 s31, s8;
	s3 =	sadd.s32 $0x16200, s4;
	s9 =	sadd.s32 s5, s4  }
0xb: {  	s4 =	sadd.s32 $0x64400, s9;
	s5 =	sadd.s32 $0x2600, s9;
	s6 =	sadd.s32 $0xC400, s9  }
0xc: {  	s7 =	sadd.s32 $0x18A00, s9;
	s8 =	sadd.s32 $0x22800, s9;
	s9 =	smax.u32 s10, $0x1  }
0xd: {  	s10 =	sadd.s32 s12, s11;
	s11 =	simm.s32 $0x7680;
	s12 =	simm.s32 $0x1  }
.LBB2_1:
0xe: {  	[tilespmem:s11], [sflag:$0x1] =	stream.linear.gather [hbm4b:s3+s2], $0x13880, $0x38;
	[tilespmem:$0x1AF00] =	vst v63  }
0xf: {  	_ =	swait.ge [sflag:s12], $0x13880  }
0x10: {  	[sflag:s12] =	ssyncset.done $0x0  }
0x11: {  	[sflag:s12] =	ssyncadd.s32 $0xFFFEC780  }
0x12: {  	[tilespmem:s2], [sflag:$0x1] =	stream.strided.gather [hbm4b:s4+s13], $0x2780, s14, s13, $0x38;
	[tilespmem:$0x1AF00] =	vst v63  }
0x13: {  	_ =	swait.ge [sflag:s12], $0x2780  }
0x14: {  	[sflag:s12] =	ssyncset.done $0x0  }
0x15: {  	[sflag:s12] =	ssyncadd.s32 $0xFFFFD880  }
0x16: {  	[tilespmem:s15], [sflag:$0x1] =	stream.strided.gather [hbm4b:s5+s13], $0x2780, s14, s13, $0x38;
	[tilespmem:$0x1AF00] =	vst v63  }
0x17: {  	_ =	swait.ge [sflag:s12], $0x2780  }
0x18: {  	[sflag:s12] =	ssyncset.done $0x0  }
0x19: {  	[sflag:s12] =	ssyncadd.s32 $0xFFFFD880  }
0x1a: {  	[tilespmem:s16], [sflag:$0x1] =	stream.strided.gather [hbm4b:s6+s13], $0x2780, s14, s13, $0x38;
	[tilespmem:$0x1AF00] =	vst v63  }
0x1b: {  	_ =	swait.ge [sflag:s12], $0x2780  }
0x1c: {  	s18 =	simm.s32 $0x27A0;
	s19 =	simm.s32 $0x4F20;
	[sflag:s12] =	ssyncset.done $0x0  }
0x1d: {  	s20 =	simm.s32 $0x20;
	s21 =	simm.s32 $0x0;
	[sflag:s12] =	ssyncadd.s32 $0xFFFFD880  }
.LBB2_2:
0x1e: {  	v0 =	vld [tilespmem:s18+$0xFFFFFFE0]  }
0x1f: {  	v1 =	vld [tilespmem:s19+$0xFFFFFFE0];
	_ =	sdelay $0x2  }
0x20: {  	v2 =	vld [tilespmem:s20+$0xFFFFFFE0]  }
0x21: {  	v0 =	vshll.u32 v0, $0x3  }
0x22: {  	v0 =	vadd.s32 v1, v0  }
0x23: {  	v1 =	vmul.u32 $0x2710, v1;
	_ =	sdelay $0x1  }
0x24: {  	v1 =	vadd.s32 v2, v1  }
0x25: {  	[tilespmem:s20+$0xFFFFFFE0] =	vst v1  }
0x26: {  	v0 =	vld.idx.msk [tilespmem:v0+s11+$0x0], $0xffff;
	_ =	sdelay $0x2  }
0x27: {  	s22 =	sadd.s32 s21, s10  }
0x28: {  	p0 =	slt.u32 s22, $0x4E200  }
0x29: {  	v0 =	vpsel !p0, $0x0, v0  }
0x2a: {  	[tilespmem:s19+$0xFFFFFFE0] =	vst v0  }
0x2b: {  	v0 =	vld [tilespmem:s18+$0xFFFFFFF0]  }
0x2c: {  	v1 =	vld [tilespmem:s19+$0xFFFFFFF0];
	_ =	sdelay $0x2  }
0x2d: {  	v61 =	vld [tilespmem:s20+$0xFFFFFFF0]  }
0x2e: {  	v0 =	vshll.u32 v0, $0x3  }
0x2f: {  	v0 =	vadd.s32 v1, v0  }
0x30: {  	v1 =	vmul.u32 $0x2710, v1;
	_ =	sdelay $0x1  }
0x31: {  	v1 =	vadd.s32 v61, v1  }
0x32: {  	[tilespmem:s20+$0xFFFFFFF0] =	vst v1  }
0x33: {  	v0 =	vld.idx.msk [tilespmem:v0+s11+$0x0], $0xffff;
	_ =	sdelay $0x2  }
0x34: {  	s23 =	sadd.s32 $0x10, s22  }
0x35: {  	p4 =	slt.u32 s23, $0x4E200  }
0x36: {  	v0 =	vpsel !p4, $0x0, v0  }
0x37: {  	[tilespmem:s19+$0xFFFFFFF0] =	vst v0  }
0x38: {  	v0 =	vld [tilespmem:s18+$0x0]  }
0x39: {  	v1 =	vld [tilespmem:s19+$0x0];
	_ =	sdelay $0x2  }
0x3a: {  	v62 =	vld [tilespmem:s20+$0x0]  }
0x3b: {  	v0 =	vshll.u32 v0, $0x3  }
0x3c: {  	v0 =	vadd.s32 v1, v0  }
0x3d: {  	v1 =	vmul.u32 $0x2710, v1;
	_ =	sdelay $0x1  }
0x3e: {  	v1 =	vadd.s32 v62, v1  }
0x3f: {  	[tilespmem:s20+$0x0] =	vst v1  }
0x40: {  	v0 =	vld.idx.msk [tilespmem:v0+s11+$0x0], $0xffff;
	_ =	sdelay $0x2  }
0x41: {  	s31 =	sadd.s32 $0x20, s22  }
0x42: {  	p5 =	slt.u32 s31, $0x4E200  }
0x43: {  	v0 =	vpsel !p5, $0x0, v0  }
0x44: {  	[tilespmem:s19+$0x0] =	vst v0  }
0x45: {  	v0 =	vld [tilespmem:s18+$0x10]  }
0x46: {  	v1 =	vld [tilespmem:s19+$0x10];
	_ =	sdelay $0x2  }
0x47: {  	v63 =	vld [tilespmem:s20+$0x10]  }
0x48: {  	v0 =	vshll.u32 v0, $0x3  }
0x49: {  	v0 =	vadd.s32 v1, v0  }
0x4a: {  	v1 =	vmul.u32 $0x2710, v1;
	_ =	sdelay $0x1  }
0x4b: {  	v1 =	vadd.s32 v63, v1  }
0x4c: {  	[tilespmem:s20+$0x10] =	vst v1  }
0x4d: {  	v0 =	vld.idx.msk [tilespmem:v0+s11+$0x0], $0xffff  }
0x4e: {  	p0 =	sne.s32 s21, $0x2740  }
.Ltmp0:
0x4f: {  	_ = 	snop;
	(pc) =	sbr.rel @p0 .LBB2_2-.Ltmp0, $4  }
0x50: {  	s22 =	sadd.s32 $0x30, s22  }
0x51: {  	p6 =	slt.u32 s22, $0x4E200  }
0x52: {  	s21 =	sadd.s32 $0x40, s21;
	v0 =	vpsel !p6, $0x0, v0  }
0x53: {  	s18 =	sadd.s32 $0x40, s18;
	s20 =	sadd.s32 $0x40, s20;
	[tilespmem:s19+$0x10] =	vst v0;
	s19 =	sadd.s32 $0x40, s19  }
0x54: {  	[hbm4b:s7+s13] =	stream.strided.scatter [tilespmem:s2], [sflag:$0x1], $0x2780, s14, s13, $0x38;
	[tilespmem:$0x1AF00] =	vst v63  }
0x55: {  	s17 =	sadd.s32 $0x1, s17;
	_ =	swait.ge [sflag:s12], $0x2780  }
0x56: {  	p0 =	sne.s32 s17, s9;
	[sflag:s12] =	ssyncset.done $0x0  }
.Ltmp1:
0x57: {  	[sflag:s12] =	ssyncadd.s32 $0xFFFFD880;
	(pc) =	sbr.rel @p0 .LBB2_1-.Ltmp1, $4  }
0x58: {  	[hbm4b:s8+s13] =	stream.strided.scatter [tilespmem:s16], [sflag:$0x1], $0x2780, s14, s13, $0x38;
	[tilespmem:$0x1AF00] =	vst v63  }
0x59: {  	_ =	swait.ge [sflag:s12], $0x2780  }
0x5a: {  	[sflag:s12] =	ssyncset.done $0x0  }
0x5b: {  	[sflag:s12] =	ssyncadd.s32 $0xFFFFD880  }
0x5c: {  	_ =	sfence.sel $0x180000  }
0x5d: {  	[bflag:$0x0] =	sbarrier.arrive $0xFFFF  }
0x5e: {  	p0 =	sne.s32 s1, $0x0;
	_ =	strace $0x9000004A  }
0x5f: {  	s0 =	sadd.s32 @!p0 $0x100000, s0;
	[bflag:$0x2] =	sbarrier.arrive $0xFFFF  }
0x60: {  	[sflag:s0] =	ssyncadd.tile.s32 @!p0 $0x1;
	_ =	shalt  }
.Lfunc_end2:
_tile_overlayer_lowered:
.L_overlay_start_2:
0x61: {  	(tag) =	ssettag $0x2  }
0x62: {  	s0 =	rddreg [dreg:$0x0];
	s2 =	stileid.u32  }
0x63: {  	s1 =	rddreg [dreg:$0x1];
	p0 =	sne.s32 s2, $0x0  }
0x64: {  	s3 =	rddreg [dreg:$0x2];
	[bflag:$0x3] =	sbarrier.arrive $0xFFFF;
	s2 =	simm.s32 @!p0 $0x1C01  }
0x65: {  	[timem:s3], [sflag:s2] =	dma.local @!p0 [hbm:s0], s1  }
0x66: {  	s0 =	simm.s32 @!p0 $0x1  }
0x67: {  	_ =	swait.ge @!p0 [sflag:s0], s1  }
0x68: {  	s1 =	ssub.s32 @!p0 $0x0, s1;
	[sflag:s0] =	ssyncset.done @!p0 $0x0  }
0x69: {  	[sflag:s0] =	ssyncadd.s32 @!p0 s1  }
0x6a: {  	[bflag:$0x3] =	sbarrier.arrive $0xFFFF  }
0x6b: {  	_ =	shalt  }

// kernel: kernel.16.cloned.1.call-start
scs
__scs_entry_jumppad:
0x0: {  	(pc) =	sbr.rel $0x88, $3  }
0x1: {  	(tag) =	ssettag $0x0;
	lr =	simm.s32 $0x1  }
0x2: {  	[smem:$0x3F96] =	sst lr;
	_ =	strace $0xD0000000  }
0x3: {  	_ = 	snop  }
0x4: {  	_ = 	snop  }
0x5: {  	_ = 	snop  }
0x6: {  	_ = 	snop  }
0x7: {  	_ = 	snop  }
__scs_overlays_trampoline_lowered:
0x8: {  	[smem:$0x3FA5] =	sst s0  }
0x9: {  	[smem:$0x3FA6] =	sst s1  }
0xa: {  	[smem:$0x3FA7] =	sst s2  }
0xb: {  	[smem:$0x3FA8] =	sst s3  }
0xc: {  	[smem:$0x3FA9] =	sst s4  }
0xd: {  	[smem:$0x3FAA] =	sst s5  }
0xe: {  	[smem:$0x3FAB] =	sst s6  }
0xf: {  	[smem:$0x3FAC] =	sst s7  }
0x10: {  	[smem:$0x3FAD] =	sst s8  }
0x11: {  	[smem:$0x3FAE] =	sst s9;
	s0 =	simm.s32 @!p0 $0x0  }
0x12: {  	s1 =	sld [smem:$0x3F94];
	s0 =	simm.s32 @p0 $0x1  }
0x13: {  	[smem:$0x3FAF] =	sst s0;
	s0 =	simm.s32 @!p1 $0x0  }
0x14: {  	s2 =	sld [smem:$0x3F93];
	s0 =	simm.s32 @p1 $0x1  }
0x15: {  	[smem:$0x3FB0] =	sst s0;
	s0 =	simm.s32 @!p2 $0x0  }
0x16: {  	s3 =	sld [smem:$0x3FDB];
	s0 =	simm.s32 @p2 $0x1  }
0x17: {  	s4 =	simm.s32 $0x1BF5;
	[smem:$0x3FB2] =	sst s0  }
0x18: {  	s0 =	sld [smem:$0x3F95];
	_ =	swait.ge [sflag:s4], $0x0  }
0x19: {  	s7 =	sld [smem:$0x3F96]  }
0x1a: {  	s8 =	sadd.s32 $0xFFFFE003, lr  }
0x1b: {  	s9 =	sadd.s32 $0xFFFFFEF7, lr;
	s5 =	simm.s32 $0xFFFFFFFF;
	p2 =	slt.u32 s8, $0xFFFFF086  }
0x1c: {  	p1 =	slt.u32 s9, $0xF7A;
	s5 =	simm.s32 @!p2 $0x0  }
0x1d: {  	s5 =	simm.s32 @p1 $0x1;
	p0 =	seq.s32 s7, s2  }
0x1e: {  	s7 =	smul.u32 @!p0 $0xF7A, s2;
	p2 =	seq.s32 @!p0 s5, $0x0  }
0x1f: {  	s9 =	smul.u32 $0xF7A, s1;
	s8 =	simm.s32 @!p0 $0x1BF5;
	p2 =	por !p2, p0  }
0x20: {  	[sflag:s8] =	ssyncset.s32 @!p0 $0xFFFFF086;
	s6 =	sadd.s32 @!p0 s3, s7;
	s7 =	simm.s32 @!p0 $0x108  }
0x21: {  	s3 =	sadd.s32 s3, s9;
	s6 =	sadd.s32 @!p0 $0x88, s6;
	s7 =	simm.s32 @p2 $0x1082  }
0x22: {  	[simem:s7], [sflag:s8] =	dma.local @!p0 [hbm:s6], $0xF7A  }
0x23: {  	s9 =	sor.u32 $0xD0000000, s2;
	s6 =	simm.s32 $0x108;
	_ =	swait.ge @!p0 [sflag:s8], $0x0  }
0x24: {  	s3 =	sadd.s32 $0x88, s3;
	s6 =	simm.s32 @!p1 $0x1082;
	[sflag:s4] =	ssyncset.s32 $0xFFFFF086  }
0x25: {  	[simem:s6], [sflag:s4] =	dma.local [hbm:s3], $0xF7A  }
0x26: {  	[smem:$0x3F96] =	sst s1;
	(tag) =	ssettag s2;
	_ =	strace s9  }
0x27: {  	s1 =	sld [smem:$0x3FA6]  }
0x28: {  	s2 =	sld [smem:$0x3FA7]  }
0x29: {  	s4 =	sld [smem:$0x3FA9]  }
0x2a: {  	p0 =	seq.s32 s5, $0x0;
	s5 =	sld [smem:$0x3FAA]  }
0x2b: {  	s6 =	sld [smem:$0x3FAB]  }
0x2c: {  	s7 =	sld [smem:$0x3FAC]  }
0x2d: {  	s3 =	simm.s32 $0x108;
	s8 =	sld [smem:$0x3FAD]  }
0x2e: {  	s3 =	simm.s32 @!p0 $0x1082;
	s9 =	sld [smem:$0x3FAE]  }
0x2f: {  	lr =	sadd.s32 s0, s3;
	s0 =	sld [smem:$0x3FA5]  }
0x30: {  	s3 =	sld [smem:$0x3FA8]  }
0x31: {  	[smem:$0x3FB1] =	sst s10  }
0x32: {  	s10 =	sld [smem:$0x3FAF];
	_ =	sdelay $0x3  }
0x33: {  	p0 =	seq.s32 s10, $0x1;
	s10 =	sld [smem:$0x3FB1];
	_ =	sdelay $0x3  }
0x34: {  	[smem:$0x3FB1] =	sst s10  }
0x35: {  	s10 =	sld [smem:$0x3FB0];
	_ =	sdelay $0x3  }
0x36: {  	p1 =	seq.s32 s10, $0x1;
	s10 =	sld [smem:$0x3FB1];
	_ =	sdelay $0x3  }
0x37: {  	[smem:$0x3FB1] =	sst s10  }
0x38: {  	s10 =	sld [smem:$0x3FB2]  }
0x39: {  	_ = 	snop;
	(pc) =	sbr.ind lr, $3  }
0x3a: {  	_ = 	snop  }
0x3b: {  	_ = 	snop  }
0x3c: {  	p2 =	seq.s32 s10, $0x1;
	s10 =	sld [smem:$0x3FB1]  }
0x3d: {  	_ =	shalt  }
0x3e: {  	_ =	shalt  }
0x3f: {  	_ =	shalt  }
0x40: {  	_ =	shalt  }
0x41: {  	_ =	shalt  }
0x42: {  	_ =	shalt  }
0x43: {  	_ =	shalt  }
0x44: {  	_ =	shalt  }
0x45: {  	_ =	shalt  }
0x46: {  	_ =	shalt  }
0x47: {  	_ =	shalt  }
0x48: {  	_ =	shalt  }
0x49: {  	_ =	shalt  }
0x4a: {  	_ =	shalt  }
0x4b: {  	_ =	shalt  }
0x4c: {  	_ =	shalt  }
0x4d: {  	_ =	shalt  }
0x4e: {  	_ =	shalt  }
0x4f: {  	_ =	shalt  }
0x50: {  	_ =	shalt  }
0x51: {  	_ =	shalt  }
0x52: {  	_ =	shalt  }
0x53: {  	_ =	shalt  }
0x54: {  	_ =	shalt  }
0x55: {  	_ =	shalt  }
0x56: {  	_ =	shalt  }
0x57: {  	_ =	shalt  }
0x58: {  	_ =	shalt  }
0x59: {  	_ =	shalt  }
0x5a: {  	_ =	shalt  }
0x5b: {  	_ =	shalt  }
0x5c: {  	_ =	shalt  }
0x5d: {  	_ =	shalt  }
0x5e: {  	_ =	shalt  }
0x5f: {  	_ =	shalt  }
0x60: {  	_ =	shalt  }
0x61: {  	_ =	shalt  }
0x62: {  	_ =	shalt  }
0x63: {  	_ =	shalt  }
0x64: {  	_ =	shalt  }
0x65: {  	_ =	shalt  }
0x66: {  	_ =	shalt  }
0x67: {  	_ =	shalt  }
0x68: {  	_ =	shalt  }
0x69: {  	_ =	shalt  }
0x6a: {  	_ =	shalt  }
0x6b: {  	_ =	shalt  }
0x6c: {  	_ =	shalt  }
0x6d: {  	_ =	shalt  }
0x6e: {  	_ =	shalt  }
0x6f: {  	_ =	shalt  }
0x70: {  	_ =	shalt  }
0x71: {  	_ =	shalt  }
0x72: {  	_ =	shalt  }
0x73: {  	_ =	shalt  }
0x74: {  	_ =	shalt  }
0x75: {  	_ =	shalt  }
0x76: {  	_ =	shalt  }
0x77: {  	_ =	shalt  }
0x78: {  	_ =	shalt  }
0x79: {  	_ =	shalt  }
0x7a: {  	_ =	shalt  }
0x7b: {  	_ =	shalt  }
0x7c: {  	_ =	shalt  }
0x7d: {  	_ =	shalt  }
0x7e: {  	_ =	shalt  }
0x7f: {  	_ =	shalt  }
0x80: {  	_ =	shalt  }
0x81: {  	_ =	shalt  }
0x82: {  	_ =	shalt  }
0x83: {  	_ =	shalt  }
0x84: {  	_ =	shalt  }
0x85: {  	_ =	shalt  }
0x86: {  	_ =	shalt  }
0x87: {  	_ =	shalt  }
.Lfunc_end0:
.L_simem_size_0:
called_computation.2_lowered:
.L_overlay_start_0:
0x88: {  	s2 =	sld [smem:$0x3FD9]  }
0x89: {  	s3 =	sld [smem:$0x3FFE];
	_ =	sdelay $0x1  }
0x8a: {  	s1 =	srdreg.scid  }
0x8b: {  	s0 =	sand.u32 $0x1, s1  }
0x8c: {  	s16 =	sshll.u32 s0, $0xA;
	s2 =	sadd.s32 s3, s2  }
0x8d: {  	s2 =	sadd.s32 s2, s16  }
0x8e: {  	[smem:$0x3FBD] =	sst s2  }
0x8f: {  	_ = 	snop  }
0x90: {  	(tm) =	ssettm $0x1  }
0x91: {  	s17 =	sld [smem:$0x3FFB];
	_ =	sdelay $0x3  }
0x92: {  	_ =	strace s17  }
0x93: {  	s2 =	sld [smem:$0x3FFC];
	_ =	sdelay $0x3  }
0x94: {  	_ =	strace s2  }
0x95: {  	s2 =	sld [smem:$0x3FFD];
	_ =	sdelay $0x3  }
0x96: {  	_ =	strace s2  }
0x97: {  	_ =	strace $0x8FFFFFFF  }
0x98: {  	s18 =	sld [smem:$0x3FDB];
	_ =	sdelay $0x1  }
0x99: {  	s19 =	simm.s32 $_scs_section_size  }
0x9a: {  	s4 =	simm.s32 $_size__tile_overlayer_lowered;
	s5 =	simm.s32 $_tile_overlayer_lowered  }
0x9b: {  	s22 =	simm.s32 $0x1BFF;
	s21 =	sshll.u32 s5, $0x1;
	s2 =	sadd.s32 s19, s18  }
0x9c: {  	s6 =	simm.s32 $0x0;
	s20 =	sshll.u32 s4, $0x1;
	s4 =	sadd.s32 s21, s2  }
0x9d: {  	[timem:s6], [sflag:s22] =	dma.local [hbm:s4], s20  }
0x9e: {  	_ =	swait.ge [sflag:s22], s20  }
0x9f: {  	s3 =	ssub.s32 $0x0, s20;
	[sflag:s22] =	ssyncset.done $0x0  }
0xa0: {  	[sflag:s22] =	ssyncadd.s32 s3;
	_ =	sdelay $0x1  }
0xa1: {  	s23 =	simm.s32 $0x1B8B  }
0xa2: {  	_ =	swait.ge [sflag:s23], $0x1  }
0xa3: {  	[sflag:s23] =	ssyncset.done $0x0  }
0xa4: {  	s25 =	simm.s32 $0x1B8E;
	s24 =	sld [smem:$0x3FFE];
	[sflag:s23] =	ssyncadd.s32 $0xFFFFFFFF  }
0xa5: {  	s26 =	simm.s32 $execute0_lowered;
	[smem:$0x3FD2] =	sst s25  }
0xa6: {  	s4 =	sshll.u32 s26, $0x1;
	_ =	strace $0x8000004C;
	[dreg:$0x1] =	wrdreg $0xFFFFFFFF  }
0xa7: {  	s28 =	simm.s32 $_size_execute0_lowered;
	s2 =	sadd.s32 s2, s4;
	[dreg:$0x0] =	wrdreg $0x0  }
0xa8: {  	s4 =	sshll.u32 s28, $0x1;
	[dreg:$0x2] =	wrdreg s2  }
0xa9: {  	[dreg:$0x3] =	wrdreg s4  }
0xaa: {  	[dreg:$0x4] =	wrdreg $0xC0  }
0xab: {  	_ =	task [dreg:s6], $0x5FFFF  }
0xac: {  	[dreg:$0x1] =	wrdreg $0xFFFFFFFF  }
0xad: {  	[dreg:$0x0] =	wrdreg $0x60  }
0xae: {  	[dreg:$0x2] =	wrdreg s24  }
0xaf: {  	[dreg:$0x3] =	wrdreg $0x84000  }
0xb0: {  	[dreg:$0x4] =	wrdreg $0x9  }
0xb1: {  	_ =	task.clear_ibuf [dreg:s6], $0x5FFFF;
	_ =	strace $0x9000004C  }
0xb2: {  	s29 =	simm.s32 $0x9;
	_ =	strace $0x8000004E  }
0xb3: {  	_ =	swait.ge [sflag:s29], $0x1  }
0xb4: {  	[sflag:s29] =	ssyncadd.s32 $0xFFFFFFFF  }
0xb5: {  	_ =	strace $0x9000004E  }
0xb6: {  	_ =	sfence  }
0xb7: {  	s30 =	sld [smem:$0x0];
	_ =	sdelay $0x2  }
0xb8: {  	s31 =	sshll.u32 s1, $0xD;
	s1 =	sshrl.u32 s1, $0x2  }
0xb9: {  	s3 =	sand.u32 $0x4000, s31;
	s1 =	sadd.s32 s1, s30  }
0xba: {  	s0 =	sor.u32 s3, s0;
	s1 =	sshll.u32 s1, $0x11  }
0xbb: {  	s0 =	sor.u32 s1, s0  }
0xbc: {  	s0 =	sadd.s32 $0x8F2B, s0  }
0xbd: {  	[sflag:s0] =	ssyncadd.remote.s32 $0x1  }
0xbe: {  	_ =	sfence.sel $0xFFFF  }
0xbf: {  	[dreg:$0x0] =	wrdreg $0xFFFFFFFF;
	(pc) =	sbr.abs _section_cstart, $3  }
0xc0: {  	[dreg:$0x1] =	wrdreg $0xFFFFFFFF  }
0xc1: {  	_ =	task.clear_ibuf [dreg:s6], $0x2FFFF;
	_ =	strace $0x9FFFFFFF  }
0xc2: {  	(tm) =	ssettm $0x7FFFFFFF  }
0xc3: {  	_ =	shalt  }
tec
execute0_lowered:
.L_overlay_start_1:
0x0: {  	(tag) =	ssettag $0x1  }
0x1: {  	s0 =	rddreg [dreg:$0x0]  }
0x2: {  	s2 =	rddreg [dreg:$0x1];
	s3 =	simm.s32 $0x0  }
0x3: {  	s1 =	srdreg.scid;
	s20 =	stileid.u32;
	s28 =	simm.s32 $0x80  }
0x4: {  	s29 =	simm.s32 $0x1;
	s30 =	simm.s32 $0x8080;
	s31 =	simm.s32 $0x2  }
0x5: {  	[smem:$0x7FF] =	sst s3;
	s1 =	sand.u32 $0x1, s1;
	s6 =	smul.u32 $0x9E, s20  }
0x6: {  	s4 =	sadd.s32 $0x6E200, s0;
	s5 =	sadd.s32 $0x2600, s0;
	s0 =	sadd.s32 $0x1A6A00, s0  }
0x7: {  	s19 =	sshll.u32 s20, $0xE;
	_ =	strace $0x8000004D;
	s7 =	smul.u32 $0x6C, s1  }
0x8: {  	s8 =	ssub.s32 $0x2, s1;
	p0 =	seq.s32 s1, $0x0;
	s1 =	smul.u32 $0x13C000, s1  }
0x9: {  	s13 =	sadd.s32 s19, s2;
	s21 =	sor.u32 $0x40000, s19;
	s12 =	sor.u32 $0x80000, s19  }
0xa: {  	s9 =	sshrl.u32 s8, $0x1;
	s14 =	sadd.s32 s21, s2;
	s15 =	sadd.s32 s12, s2  }
0xb: {  	s6 =	sadd.s32 s7, s6;
	s7 =	simm.s32 $0x6C;
	s8 =	ssub.s32 s8, s9  }
0xc: {  	s17 =	sadd.s32 s1, s19;
	s22 =	sadd.s32 s1, s12;
	s10 =	sshll.u32 s6, $0x6  }
0xd: {  	s7 =	simm.s32 @!p0 $0x32;
	s8 =	smax.u32 s8, $0x1;
	s24 =	sshrl.u32 s22, $0x3  }
0xe: {  	p0 =	seq.s32 s20, $0xF;
	s18 =	sadd.s32 s5, s10;
	s10 =	sadd.s32 $0xFFFFFFFF, s7  }
0xf: {  	s11 =	sadd.s32 $0xFFFFFFFE, s7;
	[dreg:$0x5] =	wrdreg s8;
	s8 =	sor.u32 $0x100000, s19  }
0x10: {  	[dreg:$0x3] =	wrdreg s18;
	s9 =	sadd.s32 $0x40, s18;
	s18 =	sor.u32 $0xC0000, s19  }
0x11: {  	s19 =	sshrl.u32 s17, $0x3;
	s17 =	sadd.s32 s8, s2;
	[dreg:$0x4] =	wrdreg s9  }
0x12: {  	s16 =	sadd.s32 s18, s2;
	s9 =	sadd.s32 s1, s21;
	s19 =	sadd.s32 s0, s19  }
0x13: {  	s23 =	sadd.s32 s1, s18;
	s1 =	sadd.s32 s1, s8;
	s8 =	sadd.s32 s0, s24  }
0x14: {  	s24 =	simm.s32 $0x8000;
	s9 =	sshrl.u32 s9, $0x3;
	[dreg:$0x6] =	wrdreg s19  }
.Ltmp0:
0x15: {  	s25 =	sshrl.u32 s23, $0x3;
	s1 =	sshrl.u32 s1, $0x3;
	(pc) =	sbr.rel .LBB2_1-.Ltmp0, $4  }
0x16: {  	[dreg:$0x8] =	wrdreg s8;
	s23 =	simm.s32 $0x5;
	s9 =	sadd.s32 s0, s9  }
0x17: {  	s26 =	sadd.s32 s0, s25;
	s0 =	sadd.s32 s0, s1;
	[dreg:$0x7] =	wrdreg s9  }
0x18: {  	s25 =	simm.s32 $0x8200;
	s1 =	simm.s32 $0x4000;
	[dreg:$0x9] =	wrdreg s26  }
0x19: {  	v0 =	vimm.f32 $0.0e+00;
	[dreg:$0xa] =	wrdreg s0;
	s0 =	simm.s32 $0x8280;
	s9 =	simm.s32 $0x0  }
.LBB2_13:
0x1a: {  	s8 =	stileid.u32  }
0x1b: {  	[bflag:$0x0] =	sbarrier.arrive $0xFFFF;
	s8 =	sshll.u32 s8, $0x6  }
0x1c: {  	s12 =	sshrl.u32 s13, $0x3;
	s18 =	rddreg [dreg:$0x6];
	s8 =	sor.u32 $0x1C05, s8  }
0x1d: {  	[hbm:s18], [sflag:s8] =	dma.local [spmem:s12], $0x800  }
0x1e: {  	_ =	swait.ge [sflag:s23], $0x800  }
0x1f: {  	[sflag:s23] =	ssyncset.done $0x0  }
0x20: {  	s22 =	sshrl.u32 s14, $0x3;
	s26 =	rddreg [dreg:$0x7];
	[sflag:s23] =	ssyncadd.s32 $0xFFFFF800  }
0x21: {  	[hbm:s26], [sflag:s8] =	dma.local [spmem:s22], $0x800  }
0x22: {  	_ =	swait.ge [sflag:s23], $0x800  }
0x23: {  	[sflag:s23] =	ssyncset.done $0x0  }
0x24: {  	s19 =	sshrl.u32 s15, $0x3;
	s20 =	rddreg [dreg:$0x8];
	[sflag:s23] =	ssyncadd.s32 $0xFFFFF800  }
0x25: {  	[hbm:s20], [sflag:s8] =	dma.local [spmem:s19], $0x800  }
0x26: {  	_ =	swait.ge [sflag:s23], $0x800  }
0x27: {  	[sflag:s23] =	ssyncset.done $0x0  }
0x28: {  	s21 =	sshrl.u32 s16, $0x3;
	s22 =	rddreg [dreg:$0x9];
	[sflag:s23] =	ssyncadd.s32 $0xFFFFF800  }
0x29: {  	[hbm:s22], [sflag:s8] =	dma.local [spmem:s21], $0x800  }
0x2a: {  	_ =	swait.ge [sflag:s23], $0x800  }
0x2b: {  	[sflag:s23] =	ssyncset.done $0x0  }
0x2c: {  	s12 =	sshrl.u32 @!p0 s17, $0x3;
	s18 =	rddreg [dreg:$0xa];
	[sflag:s23] =	ssyncadd.s32 $0xFFFFF800  }
0x2d: {  	[hbm:s18], [sflag:s8] =	dma.local @!p0 [spmem:s12], $0x800  }
0x2e: {  	s8 =	simm.s32 @!p0 $0x5  }
0x2f: {  	_ =	swait.ge @!p0 [sflag:s8], $0x800  }
0x30: {  	s9 =	sadd.s32 $0x1, s9;
	s26 =	rddreg [dreg:$0x5]  }
0x31: {  	p1 =	sne.s32 s9, s26  }
.Ltmp1:
0x32: {  	_ = 	snop;
	(pc) =	sbr.rel @!p1 .LBB2_14-.Ltmp1, $3  }
0x33: {  	_ =	sdelay $0x1  }
0x34: {  	[sflag:s8] =	ssyncset.done @!p0 $0x0  }
0x35: {  	[sflag:s8] =	ssyncadd.s32 @!p0 $0xFFFFF800  }
.LBB2_1:
0x36: {  	s8 =	simm.s32 $0x0;
	s12 =	simm.s32 $0x800  }
.LBB2_2:
0x37: {  	p1 =	sne.s32 s12, $0xF800;
	[tilespmem:s8+$0x1F0] =	vst v0  }
0x38: {  	[tilespmem:s8+$0x0] =	vst v0  }
0x39: {  	[tilespmem:s8+$0x10] =	vst v0  }
0x3a: {  	[tilespmem:s8+$0x20] =	vst v0  }
0x3b: {  	[tilespmem:s8+$0x30] =	vst v0  }
0x3c: {  	[tilespmem:s8+$0x40] =	vst v0  }
0x3d: {  	[tilespmem:s8+$0x50] =	vst v0  }
0x3e: {  	[tilespmem:s8+$0x60] =	vst v0  }
0x3f: {  	[tilespmem:s8+$0x70] =	vst v0  }
0x40: {  	[tilespmem:s8+$0x80] =	vst v0  }
0x41: {  	[tilespmem:s8+$0x90] =	vst v0  }
0x42: {  	[tilespmem:s8+$0xA0] =	vst v0  }
0x43: {  	[tilespmem:s8+$0xB0] =	vst v0  }
0x44: {  	[tilespmem:s8+$0xC0] =	vst v0  }
0x45: {  	[tilespmem:s8+$0xD0] =	vst v0  }
0x46: {  	[tilespmem:s8+$0xE0] =	vst v0  }
0x47: {  	[tilespmem:s8+$0xF0] =	vst v0  }
0x48: {  	[tilespmem:s8+$0x100] =	vst v0  }
0x49: {  	[tilespmem:s8+$0x110] =	vst v0  }
0x4a: {  	[tilespmem:s8+$0x120] =	vst v0  }
0x4b: {  	[tilespmem:s8+$0x130] =	vst v0  }
0x4c: {  	[tilespmem:s8+$0x140] =	vst v0  }
0x4d: {  	[tilespmem:s8+$0x150] =	vst v0  }
0x4e: {  	[tilespmem:s8+$0x160] =	vst v0  }
0x4f: {  	[tilespmem:s8+$0x170] =	vst v0  }
0x50: {  	[tilespmem:s8+$0x180] =	vst v0  }
0x51: {  	[tilespmem:s8+$0x190] =	vst v0  }
.Ltmp2:
0x52: {  	[tilespmem:s8+$0x1A0] =	vst v0;
	(pc) =	sbr.rel @p1 .LBB2_2-.Ltmp2, $4  }
0x53: {  	[tilespmem:s8+$0x1B0] =	vst v0  }
0x54: {  	[tilespmem:s8+$0x1C0] =	vst v0  }
0x55: {  	[tilespmem:s8+$0x1D0] =	vst v0  }
0x56: {  	[tilespmem:s8+$0x1E0] =	vst v0;
	s8 =	sshra.s32 s12, $0x2;
	s12 =	sadd.s32 $0x800, s12  }
0x57: {  	[tilespmem:s8+$0x1F0] =	vst v0  }
0x58: {  	[tilespmem:s8+$0x0] =	vst v0  }
0x59: {  	[tilespmem:s8+$0x10] =	vst v0  }
0x5a: {  	[tilespmem:s8+$0x20] =	vst v0  }
0x5b: {  	[tilespmem:s8+$0x30] =	vst v0  }
0x5c: {  	[tilespmem:s8+$0x40] =	vst v0  }
0x5d: {  	[tilespmem:s8+$0x50] =	vst v0  }
0x5e: {  	[tilespmem:s8+$0x60] =	vst v0  }
0x5f: {  	[tilespmem:s8+$0x70] =	vst v0  }
0x60: {  	[tilespmem:s8+$0x80] =	vst v0  }
0x61: {  	[tilespmem:s8+$0x90] =	vst v0  }
0x62: {  	[tilespmem:s8+$0xA0] =	vst v0  }
0x63: {  	[tilespmem:s8+$0xB0] =	vst v0  }
0x64: {  	[tilespmem:s8+$0xC0] =	vst v0  }
0x65: {  	[tilespmem:s8+$0xD0] =	vst v0  }
0x66: {  	[tilespmem:s8+$0xE0] =	vst v0  }
0x67: {  	[tilespmem:s8+$0xF0] =	vst v0  }
0x68: {  	[tilespmem:s8+$0x100] =	vst v0  }
0x69: {  	[tilespmem:s8+$0x110] =	vst v0  }
0x6a: {  	[tilespmem:s8+$0x120] =	vst v0  }
0x6b: {  	[tilespmem:s8+$0x130] =	vst v0  }
0x6c: {  	[tilespmem:s8+$0x140] =	vst v0  }
0x6d: {  	[tilespmem:s8+$0x150] =	vst v0  }
0x6e: {  	[tilespmem:s8+$0x160] =	vst v0  }
0x6f: {  	[tilespmem:s8+$0x170] =	vst v0  }
0x70: {  	[tilespmem:s8+$0x180] =	vst v0  }
0x71: {  	[tilespmem:s8+$0x190] =	vst v0  }
0x72: {  	[tilespmem:s8+$0x1A0] =	vst v0  }
0x73: {  	[tilespmem:s8+$0x1B0] =	vst v0  }
0x74: {  	[tilespmem:s8+$0x1C0] =	vst v0  }
0x75: {  	[tilespmem:s8+$0x1D0] =	vst v0  }
0x76: {  	[tilespmem:s8+$0x1E0] =	vst v0  }
0x77: {  	[spmem:s13] =	stream.linear.scatter [tilespmem:s3], [sflag:$0x5], $0x4000, $0x38;
	[tilespmem:$0x1C000] =	vst v63  }
0x78: {  	_ =	swait.ge [sflag:s23], $0x4000  }
0x79: {  	[sflag:s23] =	ssyncset.done $0x0  }
0x7a: {  	[sflag:s23] =	ssyncadd.s32 $0xFFFFC000  }
0x7b: {  	[spmem:s14] =	stream.linear.scatter [tilespmem:s3], [sflag:$0x5], $0x4000, $0x38;
	[tilespmem:$0x1C000] =	vst v63  }
0x7c: {  	_ =	swait.ge [sflag:s23], $0x4000  }
0x7d: {  	[sflag:s23] =	ssyncset.done $0x0  }
0x7e: {  	[sflag:s23] =	ssyncadd.s32 $0xFFFFC000  }
0x7f: {  	[spmem:s15] =	stream.linear.scatter [tilespmem:s3], [sflag:$0x5], $0x4000, $0x38;
	[tilespmem:$0x1C000] =	vst v63  }
0x80: {  	_ =	swait.ge [sflag:s23], $0x4000  }
0x81: {  	[sflag:s23] =	ssyncset.done $0x0  }
0x82: {  	[sflag:s23] =	ssyncadd.s32 $0xFFFFC000  }
0x83: {  	[spmem:s16] =	stream.linear.scatter [tilespmem:s3], [sflag:$0x5], $0x4000, $0x38;
	[tilespmem:$0x1C000] =	vst v63  }
0x84: {  	_ =	swait.ge [sflag:s23], $0x4000  }
0x85: {  	[sflag:s23] =	ssyncset.done $0x0  }
0x86: {  	s8 =	simm.s32 @!p0 $0x0;
	[sflag:s23] =	ssyncadd.s32 $0xFFFFC000  }
0x87: {  	[spmem:s17] =	stream.linear.scatter @!p0 [tilespmem:s8], [sflag:$0x5], $0x4000, $0x38;
	[tilespmem:$0x1C000] =	vst v63  }
0x88: {  	s8 =	simm.s32 @!p0 $0x5  }
0x89: {  	_ =	swait.ge @!p0 [sflag:s8], $0x4000  }
0x8a: {  	[sflag:s8] =	ssyncset.done @!p0 $0x0  }
0x8b: {  	[sflag:s8] =	ssyncadd.s32 @!p0 $0xFFFFC000  }
0x8c: {  	[bflag:$0x0] =	sbarrier.arrive $0xFFFF  }
0x8d: {  	s12 =	simm.s32 $0x0;
	s21 =	rddreg [dreg:$0x3]  }
0x8e: {  	[tilespmem:s24], [sflag:$0x3] =	stream.linear.gather [hbm4b:s21+s12], $0x180, $0x38;
	[tilespmem:$0x1C000] =	vst v63  }
0x8f: {  	s22 =	rddreg [dreg:$0x4]  }
0x90: {  	[tilespmem:s25], [sflag:$0x4] =	stream.linear.gather [hbm4b:s22+s12], $0x180, $0x38;
	[tilespmem:$0x1C000] =	vst v63  }
.Ltmp3:
0x91: {  	s26 =	simm.s32 $0x3;
	(pc) =	sbr.rel .LBB2_4-.Ltmp3, $4  }
0x92: {  	_ =	swait.ge [sflag:s26], $0x180  }
0x93: {  	[sflag:s26] =	ssyncset.done $0x0  }
0x94: {  	[sflag:s26] =	ssyncadd.s32 $0xFFFFFE80  }
0x95: {  	[tilespmem:s12], [sflag:$0x1] =	stream.indirect.gather [hbm4b:s4+s28], $0x80, s24, s28, $0xb8;
	[tilespmem:$0x1C000] =	vst v63  }
.LBB2_12:
0x96: {  	s12 =	sadd.s32 $0x1, s12  }
0x97: {  	p1 =	sne.s32 s12, $0x36  }
.Ltmp4:
0x98: {  	_ = 	snop;
	(pc) =	sbr.rel @!p1 .LBB2_13-.Ltmp4, $1  }
0x99: {  	_ =	sdelay $0x3  }
.LBB2_4:
0x9a: {  	s18 =	sshll.u32 s12, $0x1  }
0x9b: {  	p2 =	sge.u32 s18, s7  }
.Ltmp5:
0x9c: {  	_ = 	snop;
	(pc) =	sbr.rel @p2 .LBB2_8-.Ltmp5, $2  }
0x9d: {  	_ =	sdelay $0x2  }
0x9e: {  	p1 =	sge.u32 s18, s10  }
0x9f: {  	s8 =	simm.s32 $0x0  }
0xa0: {  	_ =	swait.ge [sflag:s29], $0x4000;
	v1 =	vmov s8  }
0xa1: {  	[sflag:s29] =	ssyncset.done $0x0;
	v1 =	vand.u32 $0x7C, v1  }
0xa2: {  	s19 =	simm.s32 @!p1 $0x4;
	[sflag:s29] =	ssyncadd.s32 $0xFFFFC000;
	v1 =	vor.u32 $0x100, v1  }
0xa3: {  	_ =	swait.ge @!p1 [sflag:s19], $0x180;
	v1 =	vbroadcast v1, $0x0  }
0xa4: {  	s20 =	simm.s32 @!p1 $0x8200;
	[sflag:s19] =	ssyncset.done @!p1 $0x0  }
0xa5: {  	s21 =	simm.s32 @!p1 $0x4000;
	[sflag:s19] =	ssyncadd.s32 @!p1 $0xFFFFFE80;
	s19 =	simm.s32 @!p1 $0x80  }
0xa6: {  	[tilespmem:s21], [sflag:$0x2] =	stream.indirect.gather @!p1 [hbm4b:s4+s19], $0x80, s20, s19, $0xb8;
	[tilespmem:$0x1C000] =	vst v63  }
0xa7: {  	s19 =	simm.s32 $0x100  }
0xa8: {  	v3 =	vld [tilespmem:s19+$0xFFFFFF70]  }
0xa9: {  	v1 =	vld.idx.msk [tilespmem:v1+s24+$0x0], $0xffff  }
0xaa: {  	v4 =	vld [tilespmem:s19+$0xFFFFFF00]  }
0xab: {  	v5 =	vld [tilespmem:s19+$0xFFFFFF20]  }
0xac: {  	v6 =	vld [tilespmem:s19+$0xFFFFFF30]  }
0xad: {  	v2 =	vld [tilespmem:s19+$0xFFFFFF50]  }
0xae: {  	s22 =	simm.s32 $0x1;
	v8 =	vld [tilespmem:s19+$0xFFFFFF10];
	v3 =	vmul.f32 v1, v3  }
0xaf: {  	v10 =	vmov s22;
	v7 =	vld [tilespmem:s19+$0xFFFFFF60];
	v4 =	vmul.f32 v1, v4  }
0xb0: {  	v9 =	vld [tilespmem:s19+$0xFFFFFF40];
	v5 =	vmul.f32 v1, v5;
	[tilespmem:s19+$0xFFFFFF70] =	vst v3;
	v3 =	vand.u32 $0x7D, v10  }
0xb1: {  	v6 =	vmul.f32 v1, v6;
	[tilespmem:s19+$0xFFFFFF00] =	vst v4;
	v3 =	vor.u32 $0x100, v3  }
0xb2: {  	v2 =	vmul.f32 v1, v2;
	[tilespmem:s19+$0xFFFFFF20] =	vst v5;
	v3 =	vbroadcast v3, $0x0  }
0xb3: {  	v4 =	vmul.f32 v1, v8;
	[tilespmem:s19+$0xFFFFFF30] =	vst v6  }
0xb4: {  	v5 =	vmul.f32 v1, v7;
	[tilespmem:s19+$0xFFFFFF50] =	vst v2  }
0xb5: {  	v1 =	vmul.f32 v1, v9;
	[tilespmem:s19+$0xFFFFFF10] =	vst v4  }
0xb6: {  	[tilespmem:s19+$0xFFFFFF60] =	vst v5  }
0xb7: {  	[tilespmem:s19+$0xFFFFFF40] =	vst v1;
	v1 =	vld [tilespmem:s19+$0xFFFFFF80]  }
0xb8: {  	v3 =	vld.idx.msk [tilespmem:v3+s24+$0x0], $0xffff  }
0xb9: {  	v2 =	vld [tilespmem:s19+$0xFFFFFFA0]  }
0xba: {  	v4 =	vld [tilespmem:s19+$0xFFFFFFF0]  }
0xbb: {  	v5 =	vld [tilespmem:s19+$0xFFFFFFC0]  }
0xbc: {  	v6 =	vld [tilespmem:s19+$0xFFFFFF90]  }
0xbd: {  	s26 =	simm.s32 $0x2;
	v7 =	vld [tilespmem:s19+$0xFFFFFFD0];
	v1 =	vmul.f32 v3, v1  }
0xbe: {  	v62 =	vmov s26;
	v8 =	vld [tilespmem:s19+$0xFFFFFFB0];
	v2 =	vmul.f32 v3, v2  }
0xbf: {  	v63 =	vld [tilespmem:s19+$0xFFFFFFE0];
	v4 =	vmul.f32 v3, v4;
	[tilespmem:s19+$0xFFFFFF80] =	vst v1;
	v1 =	vand.u32 $0x7E, v62  }
0xc0: {  	v5 =	vmul.f32 v3, v5;
	[tilespmem:s19+$0xFFFFFFA0] =	vst v2;
	v1 =	vor.u32 $0x100, v1  }
0xc1: {  	v2 =	vmul.f32 v3, v6;
	[tilespmem:s19+$0xFFFFFFF0] =	vst v4;
	v4 =	vbroadcast v1, $0x0  }
0xc2: {  	v6 =	vmul.f32 v3, v7;
	[tilespmem:s19+$0xFFFFFFC0] =	vst v5;
	v7 =	vld [tilespmem:s19+$0x30]  }
0xc3: {  	v5 =	vmul.f32 v3, v8;
	v1 =	vld [tilespmem:s19+$0x60];
	[tilespmem:s19+$0xFFFFFF90] =	vst v2  }
0xc4: {  	v3 =	vmul.f32 v3, v63;
	v2 =	vld [tilespmem:s19+$0x70];
	[tilespmem:s19+$0xFFFFFFD0] =	vst v6  }
0xc5: {  	[tilespmem:s19+$0xFFFFFFB0] =	vst v5;
	v6 =	vld [tilespmem:s19+$0x20]  }
0xc6: {  	[tilespmem:s19+$0xFFFFFFE0] =	vst v3;
	v5 =	vld [tilespmem:s19+$0x0]  }
0xc7: {  	v3 =	vld.idx.msk [tilespmem:v4+s24+$0x0], $0xffff  }
0xc8: {  	s20 =	simm.s32 $0x4;
	s21 =	simm.s32 $0x100;
	v4 =	vld [tilespmem:s19+$0x10]  }
.LBB2_6:
0xc9: {  	p2 =	sne.s32 s20, $0x7C  }
0xca: {  	v8 =	vld [tilespmem:s19+$0x50];
	s21 =	sadd.s32 $0x200, s21;
	s22 =	smov.u32 s20;
	s20 =	sadd.s32 $0x4, s20  }
0xcb: {  	v9 =	vld [tilespmem:s19+$0x40];
	_ =	sdelay $0x1  }
0xcc: {  	s26 =	sadd.s32 $0x3, s8;
	s8 =	smov.u32 s22;
	v7 =	vmul.f32 v3, v7;
	v5 =	vmul.f32 v3, v5  }
0xcd: {  	v10 =	vmov s26;
	v6 =	vmul.f32 v3, v6;
	v4 =	vmul.f32 v3, v4  }
0xce: {  	v1 =	vmul.f32 v3, v1;
	v2 =	vmul.f32 v3, v2;
	[tilespmem:s19+$0x30] =	vst v7;
	v7 =	vand.u32 $0x7F, v10  }
0xcf: {  	[tilespmem:s19+$0x20] =	vst v6;
	v6 =	vmul.f32 v3, v9;
	v3 =	vmul.f32 v3, v8;
	v7 =	vor.u32 $0x100, v7  }
0xd0: {  	[tilespmem:s19+$0x70] =	vst v2;
	v7 =	vbroadcast v7, $0x0;
	v8 =	vld [tilespmem:s19+$0x80]  }
0xd1: {  	[tilespmem:s19+$0x60] =	vst v1;
	v9 =	vld [tilespmem:s19+$0xF0]  }
0xd2: {  	v1 =	vld [tilespmem:s21+$0x60];
	[tilespmem:s19+$0x50] =	vst v3  }
0xd3: {  	v2 =	vld [tilespmem:s21+$0x70];
	[tilespmem:s19+$0x40] =	vst v6  }
0xd4: {  	[tilespmem:s19+$0x0] =	vst v5;
	v3 =	vld [tilespmem:s19+$0xD0]  }
0xd5: {  	[tilespmem:s19+$0x10] =	vst v4;
	v4 =	vld [tilespmem:s19+$0xB0]  }
0xd6: {  	v5 =	vld.idx.msk [tilespmem:v7+s24+$0x0], $0xffff  }
0xd7: {  	v6 =	vld [tilespmem:s19+$0x90]  }
0xd8: {  	v7 =	vld [tilespmem:s19+$0xA0]  }
0xd9: {  	v10 =	vld [tilespmem:s19+$0xC0]  }
0xda: {  	v11 =	vld [tilespmem:s19+$0xE0];
	_ =	sdelay $0x1  }
0xdb: {  	v8 =	vmul.f32 v5, v8;
	v6 =	vmul.f32 v5, v6  }
0xdc: {  	v12 =	vmov s8;
	v4 =	vmul.f32 v5, v4;
	v7 =	vmul.f32 v5, v7  }
0xdd: {  	v12 =	vand.u32 $0x7C, v12;
	v3 =	vmul.f32 v5, v3;
	[tilespmem:s19+$0x80] =	vst v8;
	v8 =	vmul.f32 v5, v10  }
0xde: {  	v10 =	vor.u32 $0x100, v12;
	[tilespmem:s19+$0xB0] =	vst v4;
	v4 =	vmul.f32 v5, v11;
	v5 =	vmul.f32 v5, v9  }
0xdf: {  	v9 =	vbroadcast v10, $0x0;
	[tilespmem:s19+$0xA0] =	vst v7  }
0xe0: {  	[tilespmem:s19+$0xD0] =	vst v3  }
0xe1: {  	v3 =	vld [tilespmem:s21+$0xFFFFFF50];
	[tilespmem:s19+$0xF0] =	vst v5  }
0xe2: {  	v5 =	vld [tilespmem:s21+$0xFFFFFF30];
	[tilespmem:s19+$0x90] =	vst v6  }
0xe3: {  	v6 =	vld [tilespmem:s21+$0xFFFFFF60];
	[tilespmem:s19+$0xC0] =	vst v8  }
0xe4: {  	v7 =	vld [tilespmem:s21+$0xFFFFFF70];
	[tilespmem:s19+$0xE0] =	vst v4;
	s19 =	smov.u32 s21  }
0xe5: {  	v4 =	vld.idx.msk [tilespmem:v9+s24+$0x0], $0xffff  }
0xe6: {  	v8 =	vld [tilespmem:s21+$0xFFFFFF00]  }
0xe7: {  	v9 =	vld [tilespmem:s21+$0xFFFFFF20]  }
0xe8: {  	v10 =	vld [tilespmem:s21+$0xFFFFFF10]  }
0xe9: {  	v11 =	vld [tilespmem:s21+$0xFFFFFF40];
	_ =	sdelay $0x1  }
0xea: {  	s22 =	sadd.s32 $0x1, s8;
	v7 =	vmul.f32 v4, v7;
	v8 =	vmul.f32 v4, v8  }
0xeb: {  	v12 =	vmov s22;
	v6 =	vmul.f32 v4, v6;
	v9 =	vmul.f32 v4, v9  }
0xec: {  	v5 =	vmul.f32 v4, v5;
	v10 =	vmul.f32 v4, v10;
	[tilespmem:s21+$0xFFFFFF70] =	vst v7;
	v7 =	vand.u32 $0x7D, v12  }
0xed: {  	v3 =	vmul.f32 v4, v3;
	[tilespmem:s21+$0xFFFFFF00] =	vst v8;
	v8 =	vmul.f32 v4, v11;
	v4 =	vor.u32 $0x100, v7  }
0xee: {  	[tilespmem:s21+$0xFFFFFF20] =	vst v9;
	v4 =	vbroadcast v4, $0x0  }
0xef: {  	[tilespmem:s21+$0xFFFFFF30] =	vst v5  }
0xf0: {  	[tilespmem:s21+$0xFFFFFF50] =	vst v3;
	v3 =	vld [tilespmem:s21+$0xFFFFFFD0]  }
0xf1: {  	[tilespmem:s21+$0xFFFFFF10] =	vst v10;
	v5 =	vld [tilespmem:s21+$0xFFFFFFE0]  }
0xf2: {  	[tilespmem:s21+$0xFFFFFF60] =	vst v6;
	v6 =	vld [tilespmem:s21+$0xFFFFFFB0]  }
0xf3: {  	[tilespmem:s21+$0xFFFFFF40] =	vst v8;
	v7 =	vld [tilespmem:s21+$0xFFFFFFF0]  }
0xf4: {  	v4 =	vld.idx.msk [tilespmem:v4+s24+$0x0], $0xffff  }
0xf5: {  	v8 =	vld [tilespmem:s21+$0xFFFFFF80]  }
0xf6: {  	v9 =	vld [tilespmem:s21+$0xFFFFFFA0]  }
0xf7: {  	v10 =	vld [tilespmem:s21+$0xFFFFFFC0]  }
0xf8: {  	v11 =	vld [tilespmem:s21+$0xFFFFFF90];
	_ =	sdelay $0x1  }
0xf9: {  	s22 =	sadd.s32 $0x2, s8;
	v7 =	vmul.f32 v4, v7;
	v8 =	vmul.f32 v4, v8  }
0xfa: {  	v12 =	vmov s22;
	v6 =	vmul.f32 v4, v6;
	v9 =	vmul.f32 v4, v9  }
0xfb: {  	v5 =	vmul.f32 v4, v5;
	[tilespmem:s21+$0xFFFFFF80] =	vst v8;
	v8 =	vmul.f32 v4, v10;
	v10 =	vand.u32 $0x7E, v12  }
0xfc: {  	v3 =	vmul.f32 v4, v3;
	v11 =	vmul.f32 v4, v11;
	[tilespmem:s21+$0xFFFFFFA0] =	vst v9;
	v4 =	vor.u32 $0x100, v10  }
0xfd: {  	[tilespmem:s21+$0xFFFFFFF0] =	vst v7;
	v4 =	vbroadcast v4, $0x0  }
0xfe: {  	[tilespmem:s21+$0xFFFFFFC0] =	vst v8  }
0xff: {  	[tilespmem:s21+$0xFFFFFF90] =	vst v11  }
0x100: {  	[tilespmem:s21+$0xFFFFFFD0] =	vst v3  }
.Ltmp6:
0x101: {  	[tilespmem:s21+$0xFFFFFFB0] =	vst v6;
	v7 =	vld [tilespmem:s21+$0x30];
	(pc) =	sbr.rel @p2 .LBB2_6-.Ltmp6, $4  }
0x102: {  	[tilespmem:s21+$0xFFFFFFE0] =	vst v5;
	v6 =	vld [tilespmem:s21+$0x20]  }
0x103: {  	v3 =	vld.idx.msk [tilespmem:v4+s24+$0x0], $0xffff  }
0x104: {  	v5 =	vld [tilespmem:s21+$0x0]  }
0x105: {  	v4 =	vld [tilespmem:s21+$0x10]  }
0x106: {  	_ =	sdelay $0x1  }
0x107: {  	v8 =	vld [tilespmem:s19+$0x50];
	s8 =	sadd.s32 $0x3, s8;
	v7 =	vmul.f32 v3, v7  }
0x108: {  	v9 =	vld [tilespmem:s19+$0x40];
	v10 =	vmov s8;
	v2 =	vmul.f32 v3, v2  }
0x109: {  	v54 =	vand.u32 $0x7F, v10;
	v1 =	vmul.f32 v3, v1;
	[tilespmem:s19+$0x30] =	vst v7  }
0x10a: {  	v6 =	vmul.f32 v3, v6;
	v7 =	vor.u32 $0x100, v54;
	[tilespmem:s19+$0x70] =	vst v2  }
0x10b: {  	[tilespmem:s19+$0x60] =	vst v1;
	v1 =	vmul.f32 v3, v5;
	v55 =	vbroadcast v7, $0x0  }
0x10c: {  	[tilespmem:s19+$0x20] =	vst v6;
	v2 =	vmul.f32 v3, v8  }
0x10d: {  	v57 =	vmul.f32 v3, v9;
	[tilespmem:s19+$0x0] =	vst v1  }
0x10e: {  	[tilespmem:s19+$0x50] =	vst v2;
	v2 =	vmul.f32 v3, v4  }
0x10f: {  	[tilespmem:s19+$0x40] =	vst v57  }
0x110: {  	v56 =	vld [tilespmem:s19+$0x80];
	[tilespmem:s19+$0x10] =	vst v2  }
0x111: {  	v1 =	vld.idx.msk [tilespmem:v55+s24+$0x0], $0xffff  }
0x112: {  	v2 =	vld [tilespmem:s19+$0xB0]  }
0x113: {  	v3 =	vld [tilespmem:s19+$0xA0]  }
0x114: {  	v58 =	vld [tilespmem:s19+$0xD0]  }
0x115: {  	v61 =	vld [tilespmem:s19+$0xC0]  }
0x116: {  	v59 =	vld [tilespmem:s19+$0xF0];
	v7 =	vmul.f32 v1, v56  }
0x117: {  	v60 =	vld [tilespmem:s19+$0x90];
	v2 =	vmul.f32 v1, v2  }
0x118: {  	v62 =	vld [tilespmem:s19+$0xE0];
	v3 =	vmul.f32 v1, v3;
	[tilespmem:s19+$0x80] =	vst v7  }
0x119: {  	v4 =	vmul.f32 v1, v58;
	[tilespmem:s19+$0xB0] =	vst v2  }
0x11a: {  	v63 =	vmul.f32 v1, v61;
	[tilespmem:s19+$0xA0] =	vst v3  }
0x11b: {  	v2 =	vmul.f32 v1, v59;
	[tilespmem:s19+$0xD0] =	vst v4  }
0x11c: {  	v3 =	vmul.f32 v1, v60;
	[tilespmem:s19+$0xC0] =	vst v63  }
0x11d: {  	v1 =	vmul.f32 v1, v62;
	[tilespmem:s19+$0xF0] =	vst v2  }
0x11e: {  	s8 =	sadd.s32 $0x2, s18;
	[tilespmem:s19+$0x90] =	vst v3  }
0x11f: {  	p2 =	sge.u32 s8, s7;
	[tilespmem:s19+$0xE0] =	vst v1  }
0x120: {  	[spmem:s2] =	stream.indirect.scatter.add.f32 [tilespmem:s3], [sflag:$0x5], $0x80, s30, s28, $0xb8;
	[tilespmem:$0x1C000] =	vst v63  }
0x121: {  	s8 =	sadd.s32 @!p2 s6, s8;
	_ =	swait.ge [sflag:s23], $0x4000  }
0x122: {  	s20 =	simm.s32 @!p2 $0x8000;
	s8 =	sshll.u32 @!p2 s8, $0x6;
	[sflag:s23] =	ssyncset.done $0x0  }
0x123: {  	s8 =	sadd.s32 @!p2 s5, s8;
	s19 =	simm.s32 @!p2 $0x0;
	[sflag:s23] =	ssyncadd.s32 $0xFFFFC000  }
0x124: {  	[tilespmem:s20], [sflag:$0x3] =	stream.linear.gather @!p2 [hbm4b:s8+s19], $0x180, $0x38;
	[tilespmem:$0x1C000] =	vst v63  }
.LBB2_8:
.Ltmp7:
0x125: {  	(pc) =	sbr.rel @p1 .LBB2_12-.Ltmp7, $1  }
0x126: {  	_ =	sdelay $0x3  }
0x127: {  	s8 =	simm.s32 $0x0  }
0x128: {  	_ =	swait.ge [sflag:s31], $0x4000;
	v1 =	vmov s8  }
0x129: {  	p1 =	sge.u32 s18, s11;
	[sflag:s31] =	ssyncset.done $0x0;
	v1 =	vand.u32 $0x7C, v1  }
0x12a: {  	s19 =	simm.s32 @!p1 $0x3;
	[sflag:s31] =	ssyncadd.s32 $0xFFFFC000;
	v1 =	vor.u32 $0x100, v1  }
0x12b: {  	_ =	swait.ge @!p1 [sflag:s19], $0x180;
	v1 =	vbroadcast v1, $0x0  }
0x12c: {  	s20 =	simm.s32 @!p1 $0x8000;
	[sflag:s19] =	ssyncset.done @!p1 $0x0  }
0x12d: {  	s21 =	simm.s32 @!p1 $0x0;
	[sflag:s19] =	ssyncadd.s32 @!p1 $0xFFFFFE80;
	s19 =	simm.s32 @!p1 $0x80  }
0x12e: {  	[tilespmem:s21], [sflag:$0x1] =	stream.indirect.gather @!p1 [hbm4b:s4+s19], $0x80, s20, s19, $0xb8;
	[tilespmem:$0x1C000] =	vst v63  }
0x12f: {  	s19 =	simm.s32 $0x4100  }
0x130: {  	v3 =	vld [tilespmem:s19+$0xFFFFFF70]  }
0x131: {  	v1 =	vld.idx.msk [tilespmem:v1+s25+$0x0], $0xffff  }
0x132: {  	v4 =	vld [tilespmem:s19+$0xFFFFFF00]  }
0x133: {  	v5 =	vld [tilespmem:s19+$0xFFFFFF20]  }
0x134: {  	v6 =	vld [tilespmem:s19+$0xFFFFFF30]  }
0x135: {  	v2 =	vld [tilespmem:s19+$0xFFFFFF50]  }
0x136: {  	s22 =	simm.s32 $0x1;
	v8 =	vld [tilespmem:s19+$0xFFFFFF10];
	v3 =	vmul.f32 v1, v3  }
0x137: {  	v10 =	vmov s22;
	v7 =	vld [tilespmem:s19+$0xFFFFFF60];
	v4 =	vmul.f32 v1, v4  }
0x138: {  	v9 =	vld [tilespmem:s19+$0xFFFFFF40];
	v5 =	vmul.f32 v1, v5;
	[tilespmem:s19+$0xFFFFFF70] =	vst v3;
	v3 =	vand.u32 $0x7D, v10  }
0x139: {  	v6 =	vmul.f32 v1, v6;
	[tilespmem:s19+$0xFFFFFF00] =	vst v4;
	v3 =	vor.u32 $0x100, v3  }
0x13a: {  	v2 =	vmul.f32 v1, v2;
	[tilespmem:s19+$0xFFFFFF20] =	vst v5;
	v3 =	vbroadcast v3, $0x0  }
0x13b: {  	v4 =	vmul.f32 v1, v8;
	[tilespmem:s19+$0xFFFFFF30] =	vst v6  }
0x13c: {  	v5 =	vmul.f32 v1, v7;
	[tilespmem:s19+$0xFFFFFF50] =	vst v2  }
0x13d: {  	v1 =	vmul.f32 v1, v9;
	[tilespmem:s19+$0xFFFFFF10] =	vst v4  }
0x13e: {  	[tilespmem:s19+$0xFFFFFF60] =	vst v5  }
0x13f: {  	[tilespmem:s19+$0xFFFFFF40] =	vst v1;
	v1 =	vld [tilespmem:s19+$0xFFFFFF80]  }
0x140: {  	v3 =	vld.idx.msk [tilespmem:v3+s25+$0x0], $0xffff  }
0x141: {  	v2 =	vld [tilespmem:s19+$0xFFFFFFA0]  }
0x142: {  	v4 =	vld [tilespmem:s19+$0xFFFFFFF0]  }
0x143: {  	v5 =	vld [tilespmem:s19+$0xFFFFFFC0]  }
0x144: {  	v6 =	vld [tilespmem:s19+$0xFFFFFF90]  }
0x145: {  	s26 =	simm.s32 $0x2;
	v7 =	vld [tilespmem:s19+$0xFFFFFFD0];
	v1 =	vmul.f32 v3, v1  }
0x146: {  	v62 =	vmov s26;
	v8 =	vld [tilespmem:s19+$0xFFFFFFB0];
	v2 =	vmul.f32 v3, v2  }
0x147: {  	v63 =	vld [tilespmem:s19+$0xFFFFFFE0];
	v4 =	vmul.f32 v3, v4;
	[tilespmem:s19+$0xFFFFFF80] =	vst v1;
	v1 =	vand.u32 $0x7E, v62  }
0x148: {  	v5 =	vmul.f32 v3, v5;
	[tilespmem:s19+$0xFFFFFFA0] =	vst v2;
	v1 =	vor.u32 $0x100, v1  }
0x149: {  	v2 =	vmul.f32 v3, v6;
	[tilespmem:s19+$0xFFFFFFF0] =	vst v4;
	v4 =	vbroadcast v1, $0x0  }
0x14a: {  	v6 =	vmul.f32 v3, v7;
	[tilespmem:s19+$0xFFFFFFC0] =	vst v5;
	v7 =	vld [tilespmem:s19+$0x30]  }
0x14b: {  	v5 =	vmul.f32 v3, v8;
	v1 =	vld [tilespmem:s19+$0x60];
	[tilespmem:s19+$0xFFFFFF90] =	vst v2  }
0x14c: {  	v3 =	vmul.f32 v3, v63;
	v2 =	vld [tilespmem:s19+$0x70];
	[tilespmem:s19+$0xFFFFFFD0] =	vst v6  }
0x14d: {  	[tilespmem:s19+$0xFFFFFFB0] =	vst v5;
	v6 =	vld [tilespmem:s19+$0x20]  }
0x14e: {  	[tilespmem:s19+$0xFFFFFFE0] =	vst v3;
	v5 =	vld [tilespmem:s19+$0x0]  }
0x14f: {  	v3 =	vld.idx.msk [tilespmem:v4+s25+$0x0], $0xffff  }
0x150: {  	s20 =	simm.s32 $0x4;
	s21 =	simm.s32 $0x4100;
	v4 =	vld [tilespmem:s19+$0x10]  }
.LBB2_10:
0x151: {  	p1 =	sne.s32 s20, $0x7C  }
0x152: {  	v8 =	vld [tilespmem:s19+$0x50];
	s21 =	sadd.s32 $0x200, s21;
	s22 =	smov.u32 s20;
	s20 =	sadd.s32 $0x4, s20  }
0x153: {  	v9 =	vld [tilespmem:s19+$0x40];
	_ =	sdelay $0x1  }
0x154: {  	s26 =	sadd.s32 $0x3, s8;
	s8 =	smov.u32 s22;
	v7 =	vmul.f32 v3, v7;
	v5 =	vmul.f32 v3, v5  }
0x155: {  	v10 =	vmov s26;
	v6 =	vmul.f32 v3, v6;
	v4 =	vmul.f32 v3, v4  }
0x156: {  	v1 =	vmul.f32 v3, v1;
	v2 =	vmul.f32 v3, v2;
	[tilespmem:s19+$0x30] =	vst v7;
	v7 =	vand.u32 $0x7F, v10  }
0x157: {  	[tilespmem:s19+$0x20] =	vst v6;
	v6 =	vmul.f32 v3, v9;
	v3 =	vmul.f32 v3, v8;
	v7 =	vor.u32 $0x100, v7  }
0x158: {  	[tilespmem:s19+$0x70] =	vst v2;
	v7 =	vbroadcast v7, $0x0;
	v8 =	vld [tilespmem:s19+$0x80]  }
0x159: {  	[tilespmem:s19+$0x60] =	vst v1;
	v9 =	vld [tilespmem:s19+$0xF0]  }
0x15a: {  	v1 =	vld [tilespmem:s21+$0x60];
	[tilespmem:s19+$0x50] =	vst v3  }
0x15b: {  	v2 =	vld [tilespmem:s21+$0x70];
	[tilespmem:s19+$0x40] =	vst v6  }
0x15c: {  	[tilespmem:s19+$0x0] =	vst v5;
	v3 =	vld [tilespmem:s19+$0xD0]  }
0x15d: {  	[tilespmem:s19+$0x10] =	vst v4;
	v4 =	vld [tilespmem:s19+$0xB0]  }
0x15e: {  	v5 =	vld.idx.msk [tilespmem:v7+s25+$0x0], $0xffff  }
0x15f: {  	v6 =	vld [tilespmem:s19+$0x90]  }
0x160: {  	v7 =	vld [tilespmem:s19+$0xA0]  }
0x161: {  	v10 =	vld [tilespmem:s19+$0xC0]  }
0x162: {  	v11 =	vld [tilespmem:s19+$0xE0];
	_ =	sdelay $0x1  }
0x163: {  	v8 =	vmul.f32 v5, v8;
	v6 =	vmul.f32 v5, v6  }
0x164: {  	v12 =	vmov s8;
	v4 =	vmul.f32 v5, v4;
	v7 =	vmul.f32 v5, v7  }
0x165: {  	v12 =	vand.u32 $0x7C, v12;
	v3 =	vmul.f32 v5, v3;
	[tilespmem:s19+$0x80] =	vst v8;
	v8 =	vmul.f32 v5, v10  }
0x166: {  	v10 =	vor.u32 $0x100, v12;
	[tilespmem:s19+$0xB0] =	vst v4;
	v4 =	vmul.f32 v5, v11;
	v5 =	vmul.f32 v5, v9  }
0x167: {  	v9 =	vbroadcast v10, $0x0;
	[tilespmem:s19+$0xA0] =	vst v7  }
0x168: {  	[tilespmem:s19+$0xD0] =	vst v3  }
0x169: {  	v3 =	vld [tilespmem:s21+$0xFFFFFF50];
	[tilespmem:s19+$0xF0] =	vst v5  }
0x16a: {  	v5 =	vld [tilespmem:s21+$0xFFFFFF30];
	[tilespmem:s19+$0x90] =	vst v6  }
0x16b: {  	v6 =	vld [tilespmem:s21+$0xFFFFFF60];
	[tilespmem:s19+$0xC0] =	vst v8  }
0x16c: {  	v7 =	vld [tilespmem:s21+$0xFFFFFF70];
	[tilespmem:s19+$0xE0] =	vst v4;
	s19 =	smov.u32 s21  }
0x16d: {  	v4 =	vld.idx.msk [tilespmem:v9+s25+$0x0], $0xffff  }
0x16e: {  	v8 =	vld [tilespmem:s21+$0xFFFFFF00]  }
0x16f: {  	v9 =	vld [tilespmem:s21+$0xFFFFFF20]  }
0x170: {  	v10 =	vld [tilespmem:s21+$0xFFFFFF10]  }
0x171: {  	v11 =	vld [tilespmem:s21+$0xFFFFFF40];
	_ =	sdelay $0x1  }
0x172: {  	s22 =	sadd.s32 $0x1, s8;
	v7 =	vmul.f32 v4, v7;
	v8 =	vmul.f32 v4, v8  }
0x173: {  	v12 =	vmov s22;
	v6 =	vmul.f32 v4, v6;
	v9 =	vmul.f32 v4, v9  }
0x174: {  	v5 =	vmul.f32 v4, v5;
	v10 =	vmul.f32 v4, v10;
	[tilespmem:s21+$0xFFFFFF70] =	vst v7;
	v7 =	vand.u32 $0x7D, v12  }
0x175: {  	v3 =	vmul.f32 v4, v3;
	[tilespmem:s21+$0xFFFFFF00] =	vst v8;
	v8 =	vmul.f32 v4, v11;
	v4 =	vor.u32 $0x100, v7  }
0x176: {  	[tilespmem:s21+$0xFFFFFF20] =	vst v9;
	v4 =	vbroadcast v4, $0x0  }
0x177: {  	[tilespmem:s21+$0xFFFFFF30] =	vst v5  }
0x178: {  	[tilespmem:s21+$0xFFFFFF50] =	vst v3;
	v3 =	vld [tilespmem:s21+$0xFFFFFFD0]  }
0x179: {  	[tilespmem:s21+$0xFFFFFF10] =	vst v10;
	v5 =	vld [tilespmem:s21+$0xFFFFFFE0]  }
0x17a: {  	[tilespmem:s21+$0xFFFFFF60] =	vst v6;
	v6 =	vld [tilespmem:s21+$0xFFFFFFB0]  }
0x17b: {  	[tilespmem:s21+$0xFFFFFF40] =	vst v8;
	v7 =	vld [tilespmem:s21+$0xFFFFFFF0]  }
0x17c: {  	v4 =	vld.idx.msk [tilespmem:v4+s25+$0x0], $0xffff  }
0x17d: {  	v8 =	vld [tilespmem:s21+$0xFFFFFF80]  }
0x17e: {  	v9 =	vld [tilespmem:s21+$0xFFFFFFA0]  }
0x17f: {  	v10 =	vld [tilespmem:s21+$0xFFFFFFC0]  }
0x180: {  	v11 =	vld [tilespmem:s21+$0xFFFFFF90];
	_ =	sdelay $0x1  }
0x181: {  	s22 =	sadd.s32 $0x2, s8;
	v7 =	vmul.f32 v4, v7;
	v8 =	vmul.f32 v4, v8  }
0x182: {  	v12 =	vmov s22;
	v6 =	vmul.f32 v4, v6;
	v9 =	vmul.f32 v4, v9  }
0x183: {  	v5 =	vmul.f32 v4, v5;
	[tilespmem:s21+$0xFFFFFF80] =	vst v8;
	v8 =	vmul.f32 v4, v10;
	v10 =	vand.u32 $0x7E, v12  }
0x184: {  	v3 =	vmul.f32 v4, v3;
	v11 =	vmul.f32 v4, v11;
	[tilespmem:s21+$0xFFFFFFA0] =	vst v9;
	v4 =	vor.u32 $0x100, v10  }
0x185: {  	[tilespmem:s21+$0xFFFFFFF0] =	vst v7;
	v4 =	vbroadcast v4, $0x0  }
0x186: {  	[tilespmem:s21+$0xFFFFFFC0] =	vst v8  }
0x187: {  	[tilespmem:s21+$0xFFFFFF90] =	vst v11  }
0x188: {  	[tilespmem:s21+$0xFFFFFFD0] =	vst v3  }
.Ltmp8:
0x189: {  	[tilespmem:s21+$0xFFFFFFB0] =	vst v6;
	v7 =	vld [tilespmem:s21+$0x30];
	(pc) =	sbr.rel @p1 .LBB2_10-.Ltmp8, $4  }
0x18a: {  	[tilespmem:s21+$0xFFFFFFE0] =	vst v5;
	v6 =	vld [tilespmem:s21+$0x20]  }
0x18b: {  	v3 =	vld.idx.msk [tilespmem:v4+s25+$0x0], $0xffff  }
0x18c: {  	v5 =	vld [tilespmem:s21+$0x0]  }
0x18d: {  	v4 =	vld [tilespmem:s21+$0x10]  }
0x18e: {  	_ =	sdelay $0x1  }
0x18f: {  	v8 =	vld [tilespmem:s19+$0x50];
	s8 =	sadd.s32 $0x3, s8;
	v7 =	vmul.f32 v3, v7  }
0x190: {  	v9 =	vld [tilespmem:s19+$0x40];
	v10 =	vmov s8;
	v2 =	vmul.f32 v3, v2  }
0x191: {  	v54 =	vand.u32 $0x7F, v10;
	v1 =	vmul.f32 v3, v1;
	[tilespmem:s19+$0x30] =	vst v7  }
0x192: {  	v6 =	vmul.f32 v3, v6;
	v7 =	vor.u32 $0x100, v54;
	[tilespmem:s19+$0x70] =	vst v2  }
0x193: {  	[tilespmem:s19+$0x60] =	vst v1;
	v1 =	vmul.f32 v3, v5;
	v55 =	vbroadcast v7, $0x0  }
0x194: {  	[tilespmem:s19+$0x20] =	vst v6;
	v2 =	vmul.f32 v3, v8  }
0x195: {  	v57 =	vmul.f32 v3, v9;
	[tilespmem:s19+$0x0] =	vst v1  }
0x196: {  	[tilespmem:s19+$0x50] =	vst v2;
	v2 =	vmul.f32 v3, v4  }
0x197: {  	[tilespmem:s19+$0x40] =	vst v57  }
0x198: {  	v56 =	vld [tilespmem:s19+$0x80];
	[tilespmem:s19+$0x10] =	vst v2  }
0x199: {  	v1 =	vld.idx.msk [tilespmem:v55+s25+$0x0], $0xffff  }
0x19a: {  	v2 =	vld [tilespmem:s19+$0xB0]  }
0x19b: {  	v3 =	vld [tilespmem:s19+$0xA0]  }
0x19c: {  	v58 =	vld [tilespmem:s19+$0xD0]  }
0x19d: {  	v61 =	vld [tilespmem:s19+$0xC0]  }
0x19e: {  	v59 =	vld [tilespmem:s19+$0xF0];
	v7 =	vmul.f32 v1, v56  }
0x19f: {  	v60 =	vld [tilespmem:s19+$0x90];
	v2 =	vmul.f32 v1, v2  }
0x1a0: {  	v62 =	vld [tilespmem:s19+$0xE0];
	v3 =	vmul.f32 v1, v3;
	[tilespmem:s19+$0x80] =	vst v7  }
0x1a1: {  	v4 =	vmul.f32 v1, v58;
	[tilespmem:s19+$0xB0] =	vst v2  }
0x1a2: {  	v63 =	vmul.f32 v1, v61;
	[tilespmem:s19+$0xA0] =	vst v3  }
0x1a3: {  	v2 =	vmul.f32 v1, v59;
	[tilespmem:s19+$0xD0] =	vst v4  }
0x1a4: {  	v3 =	vmul.f32 v1, v60;
	[tilespmem:s19+$0xC0] =	vst v63  }
0x1a5: {  	v1 =	vmul.f32 v1, v62;
	[tilespmem:s19+$0xF0] =	vst v2  }
0x1a6: {  	[tilespmem:s19+$0x90] =	vst v3  }
0x1a7: {  	s8 =	sadd.s32 $0x3, s18;
	[tilespmem:s19+$0xE0] =	vst v1  }
0x1a8: {  	[spmem:s2] =	stream.indirect.scatter.add.f32 [tilespmem:s1], [sflag:$0x5], $0x80, s0, s28, $0xb8;
	[tilespmem:$0x1C000] =	vst v63  }
.Ltmp9:
0x1a9: {  	p1 =	sge.u32 s8, s7;
	(pc) =	sbr.rel .LBB2_12-.Ltmp9, $4  }
0x1aa: {  	s8 =	sadd.s32 @!p1 s6, s8;
	_ =	swait.ge [sflag:s23], $0x4000  }
0x1ab: {  	s18 =	simm.s32 @!p1 $0x0;
	s8 =	sshll.u32 @!p1 s8, $0x6;
	[sflag:s23] =	ssyncset.done $0x0  }
0x1ac: {  	s8 =	sadd.s32 @!p1 s5, s8;
	s19 =	simm.s32 @!p1 $0x8200;
	[sflag:s23] =	ssyncadd.s32 $0xFFFFC000  }
0x1ad: {  	[tilespmem:s19], [sflag:$0x4] =	stream.linear.gather @!p1 [hbm4b:s8+s18], $0x180, $0x38;
	[tilespmem:$0x1C000] =	vst v63  }
.LBB2_14:
0x1ae: {  	_ =	sfence.sel $0x180000  }
0x1af: {  	[bflag:$0x0] =	sbarrier.arrive $0xFFFF  }
0x1b0: {  	_ =	strace $0x9000004D  }
0x1b1: {  	s0 =	stileid.u32;
	[bflag:$0x2] =	sbarrier.arrive $0xFFFF  }
0x1b2: {  	p0 =	sne.s32 s0, $0x0;
	s0 =	rddreg [dreg:$0x2]  }
0x1b3: {  	s0 =	sadd.s32 @!p0 $0x100000, s0  }
0x1b4: {  	[sflag:s0] =	ssyncadd.tile.s32 @!p0 $0x1;
	_ =	shalt  }
.Lfunc_end2:
_tile_overlayer_lowered:
.L_overlay_start_2:
0x1b5: {  	(tag) =	ssettag $0x2  }
0x1b6: {  	s0 =	rddreg [dreg:$0x0];
	s2 =	stileid.u32  }
0x1b7: {  	s1 =	rddreg [dreg:$0x1];
	p0 =	sne.s32 s2, $0x0  }
0x1b8: {  	s3 =	rddreg [dreg:$0x2];
	[bflag:$0x3] =	sbarrier.arrive $0xFFFF;
	s2 =	simm.s32 @!p0 $0x1C05  }
0x1b9: {  	[timem:s3], [sflag:s2] =	dma.local @!p0 [hbm:s0], s1  }
0x1ba: {  	s0 =	simm.s32 @!p0 $0x5  }
0x1bb: {  	_ =	swait.ge @!p0 [sflag:s0], s1  }
0x1bc: {  	s1 =	ssub.s32 @!p0 $0x0, s1;
	[sflag:s0] =	ssyncset.done @!p0 $0x0  }
0x1bd: {  	[sflag:s0] =	ssyncadd.s32 @!p0 s1  }
0x1be: {  	[bflag:$0x3] =	sbarrier.arrive $0xFFFF  }
0x1bf: {  	_ =	shalt  }

// kernel: kernel.19.cloned.1.call-start
scs
__scs_entry_jumppad:
0x0: {  	(pc) =	sbr.rel $0x88, $3  }
0x1: {  	(tag) =	ssettag $0x0;
	lr =	simm.s32 $0x1  }
0x2: {  	[smem:$0x3F96] =	sst lr;
	_ =	strace $0xD0000000  }
0x3: {  	_ = 	snop  }
0x4: {  	_ = 	snop  }
0x5: {  	_ = 	snop  }
0x6: {  	_ = 	snop  }
0x7: {  	_ = 	snop  }
__scs_overlays_trampoline_lowered:
0x8: {  	[smem:$0x3FA5] =	sst s0  }
0x9: {  	[smem:$0x3FA6] =	sst s1  }
0xa: {  	[smem:$0x3FA7] =	sst s2  }
0xb: {  	[smem:$0x3FA8] =	sst s3  }
0xc: {  	[smem:$0x3FA9] =	sst s4  }
0xd: {  	[smem:$0x3FAA] =	sst s5  }
0xe: {  	[smem:$0x3FAB] =	sst s6  }
0xf: {  	[smem:$0x3FAC] =	sst s7  }
0x10: {  	[smem:$0x3FAD] =	sst s8  }
0x11: {  	[smem:$0x3FAE] =	sst s9;
	s0 =	simm.s32 @!p0 $0x0  }
0x12: {  	s1 =	sld [smem:$0x3F94];
	s0 =	simm.s32 @p0 $0x1  }
0x13: {  	[smem:$0x3FAF] =	sst s0;
	s0 =	simm.s32 @!p1 $0x0  }
0x14: {  	s2 =	sld [smem:$0x3F93];
	s0 =	simm.s32 @p1 $0x1  }
0x15: {  	[smem:$0x3FB0] =	sst s0;
	s0 =	simm.s32 @!p2 $0x0  }
0x16: {  	s3 =	sld [smem:$0x3FDB];
	s0 =	simm.s32 @p2 $0x1  }
0x17: {  	s4 =	simm.s32 $0x1BF5;
	[smem:$0x3FB2] =	sst s0  }
0x18: {  	s0 =	sld [smem:$0x3F95];
	_ =	swait.ge [sflag:s4], $0x0  }
0x19: {  	s7 =	sld [smem:$0x3F96]  }
0x1a: {  	s8 =	sadd.s32 $0xFFFFE003, lr  }
0x1b: {  	s9 =	sadd.s32 $0xFFFFFEF7, lr;
	s5 =	simm.s32 $0xFFFFFFFF;
	p2 =	slt.u32 s8, $0xFFFFF086  }
0x1c: {  	p1 =	slt.u32 s9, $0xF7A;
	s5 =	simm.s32 @!p2 $0x0  }
0x1d: {  	s5 =	simm.s32 @p1 $0x1;
	p0 =	seq.s32 s7, s2  }
0x1e: {  	s7 =	smul.u32 @!p0 $0xF7A, s2;
	p2 =	seq.s32 @!p0 s5, $0x0  }
0x1f: {  	s9 =	smul.u32 $0xF7A, s1;
	s8 =	simm.s32 @!p0 $0x1BF5;
	p2 =	por !p2, p0  }
0x20: {  	[sflag:s8] =	ssyncset.s32 @!p0 $0xFFFFF086;
	s6 =	sadd.s32 @!p0 s3, s7;
	s7 =	simm.s32 @!p0 $0x108  }
0x21: {  	s3 =	sadd.s32 s3, s9;
	s6 =	sadd.s32 @!p0 $0x88, s6;
	s7 =	simm.s32 @p2 $0x1082  }
0x22: {  	[simem:s7], [sflag:s8] =	dma.local @!p0 [hbm:s6], $0xF7A  }
0x23: {  	s9 =	sor.u32 $0xD0000000, s2;
	s6 =	simm.s32 $0x108;
	_ =	swait.ge @!p0 [sflag:s8], $0x0  }
0x24: {  	s3 =	sadd.s32 $0x88, s3;
	s6 =	simm.s32 @!p1 $0x1082;
	[sflag:s4] =	ssyncset.s32 $0xFFFFF086  }
0x25: {  	[simem:s6], [sflag:s4] =	dma.local [hbm:s3], $0xF7A  }
0x26: {  	[smem:$0x3F96] =	sst s1;
	(tag) =	ssettag s2;
	_ =	strace s9  }
0x27: {  	s1 =	sld [smem:$0x3FA6]  }
0x28: {  	s2 =	sld [smem:$0x3FA7]  }
0x29: {  	s4 =	sld [smem:$0x3FA9]  }
0x2a: {  	p0 =	seq.s32 s5, $0x0;
	s5 =	sld [smem:$0x3FAA]  }
0x2b: {  	s6 =	sld [smem:$0x3FAB]  }
0x2c: {  	s7 =	sld [smem:$0x3FAC]  }
0x2d: {  	s3 =	simm.s32 $0x108;
	s8 =	sld [smem:$0x3FAD]  }
0x2e: {  	s3 =	simm.s32 @!p0 $0x1082;
	s9 =	sld [smem:$0x3FAE]  }
0x2f: {  	lr =	sadd.s32 s0, s3;
	s0 =	sld [smem:$0x3FA5]  }
0x30: {  	s3 =	sld [smem:$0x3FA8]  }
0x31: {  	[smem:$0x3FB1] =	sst s10  }
0x32: {  	s10 =	sld [smem:$0x3FAF];
	_ =	sdelay $0x3  }
0x33: {  	p0 =	seq.s32 s10, $0x1;
	s10 =	sld [smem:$0x3FB1];
	_ =	sdelay $0x3  }
0x34: {  	[smem:$0x3FB1] =	sst s10  }
0x35: {  	s10 =	sld [smem:$0x3FB0];
	_ =	sdelay $0x3  }
0x36: {  	p1 =	seq.s32 s10, $0x1;
	s10 =	sld [smem:$0x3FB1];
	_ =	sdelay $0x3  }
0x37: {  	[smem:$0x3FB1] =	sst s10  }
0x38: {  	s10 =	sld [smem:$0x3FB2]  }
0x39: {  	_ = 	snop;
	(pc) =	sbr.ind lr, $3  }
0x3a: {  	_ = 	snop  }
0x3b: {  	_ = 	snop  }
0x3c: {  	p2 =	seq.s32 s10, $0x1;
	s10 =	sld [smem:$0x3FB1]  }
0x3d: {  	_ =	shalt  }
0x3e: {  	_ =	shalt  }
0x3f: {  	_ =	shalt  }
0x40: {  	_ =	shalt  }
0x41: {  	_ =	shalt  }
0x42: {  	_ =	shalt  }
0x43: {  	_ =	shalt  }
0x44: {  	_ =	shalt  }
0x45: {  	_ =	shalt  }
0x46: {  	_ =	shalt  }
0x47: {  	_ =	shalt  }
0x48: {  	_ =	shalt  }
0x49: {  	_ =	shalt  }
0x4a: {  	_ =	shalt  }
0x4b: {  	_ =	shalt  }
0x4c: {  	_ =	shalt  }
0x4d: {  	_ =	shalt  }
0x4e: {  	_ =	shalt  }
0x4f: {  	_ =	shalt  }
0x50: {  	_ =	shalt  }
0x51: {  	_ =	shalt  }
0x52: {  	_ =	shalt  }
0x53: {  	_ =	shalt  }
0x54: {  	_ =	shalt  }
0x55: {  	_ =	shalt  }
0x56: {  	_ =	shalt  }
0x57: {  	_ =	shalt  }
0x58: {  	_ =	shalt  }
0x59: {  	_ =	shalt  }
0x5a: {  	_ =	shalt  }
0x5b: {  	_ =	shalt  }
0x5c: {  	_ =	shalt  }
0x5d: {  	_ =	shalt  }
0x5e: {  	_ =	shalt  }
0x5f: {  	_ =	shalt  }
0x60: {  	_ =	shalt  }
0x61: {  	_ =	shalt  }
0x62: {  	_ =	shalt  }
0x63: {  	_ =	shalt  }
0x64: {  	_ =	shalt  }
0x65: {  	_ =	shalt  }
0x66: {  	_ =	shalt  }
0x67: {  	_ =	shalt  }
0x68: {  	_ =	shalt  }
0x69: {  	_ =	shalt  }
0x6a: {  	_ =	shalt  }
0x6b: {  	_ =	shalt  }
0x6c: {  	_ =	shalt  }
0x6d: {  	_ =	shalt  }
0x6e: {  	_ =	shalt  }
0x6f: {  	_ =	shalt  }
0x70: {  	_ =	shalt  }
0x71: {  	_ =	shalt  }
0x72: {  	_ =	shalt  }
0x73: {  	_ =	shalt  }
0x74: {  	_ =	shalt  }
0x75: {  	_ =	shalt  }
0x76: {  	_ =	shalt  }
0x77: {  	_ =	shalt  }
0x78: {  	_ =	shalt  }
0x79: {  	_ =	shalt  }
0x7a: {  	_ =	shalt  }
0x7b: {  	_ =	shalt  }
0x7c: {  	_ =	shalt  }
0x7d: {  	_ =	shalt  }
0x7e: {  	_ =	shalt  }
0x7f: {  	_ =	shalt  }
0x80: {  	_ =	shalt  }
0x81: {  	_ =	shalt  }
0x82: {  	_ =	shalt  }
0x83: {  	_ =	shalt  }
0x84: {  	_ =	shalt  }
0x85: {  	_ =	shalt  }
0x86: {  	_ =	shalt  }
0x87: {  	_ =	shalt  }
.Lfunc_end0:
.L_simem_size_0:
called_computation.3_lowered:
.L_overlay_start_0:
0x88: {  	s2 =	sld [smem:$0x3FD9]  }
0x89: {  	s3 =	sld [smem:$0x3FFE];
	_ =	sdelay $0x1  }
0x8a: {  	s1 =	srdreg.scid  }
0x8b: {  	s0 =	sand.u32 $0x1, s1  }
0x8c: {  	s16 =	sshll.u32 s0, $0xA;
	s2 =	sadd.s32 s3, s2  }
0x8d: {  	s2 =	sadd.s32 s2, s16  }
0x8e: {  	[smem:$0x3FBD] =	sst s2  }
0x8f: {  	_ = 	snop  }
0x90: {  	(tm) =	ssettm $0x1  }
0x91: {  	s17 =	sld [smem:$0x3FFB];
	_ =	sdelay $0x3  }
0x92: {  	_ =	strace s17  }
0x93: {  	s2 =	sld [smem:$0x3FFC];
	_ =	sdelay $0x3  }
0x94: {  	_ =	strace s2  }
0x95: {  	s2 =	sld [smem:$0x3FFD];
	_ =	sdelay $0x3  }
0x96: {  	_ =	strace s2  }
0x97: {  	_ =	strace $0x8FFFFFFF  }
0x98: {  	s18 =	sld [smem:$0x3FDB];
	_ =	sdelay $0x1  }
0x99: {  	s19 =	simm.s32 $_scs_section_size  }
0x9a: {  	s4 =	simm.s32 $_size__tile_overlayer_lowered;
	s5 =	simm.s32 $_tile_overlayer_lowered  }
0x9b: {  	s22 =	simm.s32 $0x1BFF;
	s21 =	sshll.u32 s5, $0x1;
	s2 =	sadd.s32 s19, s18  }
0x9c: {  	s6 =	simm.s32 $0x0;
	s20 =	sshll.u32 s4, $0x1;
	s4 =	sadd.s32 s21, s2  }
0x9d: {  	[timem:s6], [sflag:s22] =	dma.local [hbm:s4], s20  }
0x9e: {  	_ =	swait.ge [sflag:s22], s20  }
0x9f: {  	s3 =	ssub.s32 $0x0, s20;
	[sflag:s22] =	ssyncset.done $0x0  }
0xa0: {  	[sflag:s22] =	ssyncadd.s32 s3;
	_ =	sdelay $0x1  }
0xa1: {  	s23 =	simm.s32 $0x1B8B  }
0xa2: {  	_ =	swait.ge [sflag:s23], $0x1  }
0xa3: {  	[sflag:s23] =	ssyncset.done $0x0  }
0xa4: {  	s25 =	simm.s32 $0x1B8E;
	s24 =	sld [smem:$0x3FFE];
	[sflag:s23] =	ssyncadd.s32 $0xFFFFFFFF  }
0xa5: {  	s26 =	simm.s32 $execute0_lowered;
	[smem:$0x3FD2] =	sst s25  }
0xa6: {  	s4 =	sshll.u32 s26, $0x1;
	_ =	strace $0x8000004F;
	[dreg:$0x1] =	wrdreg $0xFFFFFFFF  }
0xa7: {  	s28 =	simm.s32 $_size_execute0_lowered;
	s2 =	sadd.s32 s2, s4;
	[dreg:$0x0] =	wrdreg $0x0  }
0xa8: {  	s4 =	sshll.u32 s28, $0x1;
	[dreg:$0x2] =	wrdreg s2  }
0xa9: {  	[dreg:$0x3] =	wrdreg s4  }
0xaa: {  	[dreg:$0x4] =	wrdreg $0xC0  }
0xab: {  	_ =	task [dreg:s6], $0x5FFFF  }
0xac: {  	[dreg:$0x1] =	wrdreg $0xFFFFFFFF  }
0xad: {  	[dreg:$0x0] =	wrdreg $0x60  }
0xae: {  	[dreg:$0x2] =	wrdreg s24  }
0xaf: {  	[dreg:$0x3] =	wrdreg $0x84000  }
0xb0: {  	[dreg:$0x4] =	wrdreg $0x9  }
0xb1: {  	_ =	task.clear_ibuf [dreg:s6], $0x5FFFF;
	_ =	strace $0x9000004F  }
0xb2: {  	s29 =	simm.s32 $0x9;
	_ =	strace $0x80000051  }
0xb3: {  	_ =	swait.ge [sflag:s29], $0x1  }
0xb4: {  	[sflag:s29] =	ssyncadd.s32 $0xFFFFFFFF  }
0xb5: {  	_ =	strace $0x90000051  }
0xb6: {  	_ =	sfence  }
0xb7: {  	s30 =	sld [smem:$0x0];
	_ =	sdelay $0x2  }
0xb8: {  	s31 =	sshll.u32 s1, $0xD;
	s1 =	sshrl.u32 s1, $0x2  }
0xb9: {  	s3 =	sand.u32 $0x4000, s31;
	s1 =	sadd.s32 s1, s30  }
0xba: {  	s0 =	sor.u32 s3, s0;
	s1 =	sshll.u32 s1, $0x11  }
0xbb: {  	s0 =	sor.u32 s1, s0  }
0xbc: {  	s0 =	sadd.s32 $0x8F2B, s0  }
0xbd: {  	[sflag:s0] =	ssyncadd.remote.s32 $0x1  }
0xbe: {  	_ =	sfence.sel $0xFFFF  }
0xbf: {  	[dreg:$0x0] =	wrdreg $0xFFFFFFFF;
	(pc) =	sbr.abs _section_cstart, $3  }
0xc0: {  	[dreg:$0x1] =	wrdreg $0xFFFFFFFF  }
0xc1: {  	_ =	task.clear_ibuf [dreg:s6], $0x2FFFF;
	_ =	strace $0x9FFFFFFF  }
0xc2: {  	(tm) =	ssettm $0x7FFFFFFF  }
0xc3: {  	_ =	shalt  }
tec
execute0_lowered:
.L_overlay_start_1:
0x0: {  	(tag) =	ssettag $0x1  }
0x1: {  	s0 =	rddreg [dreg:$0x0]  }
0x2: {  	s2 =	rddreg [dreg:$0x1];
	s3 =	simm.s32 $0x0  }
0x3: {  	s1 =	srdreg.scid;
	s20 =	stileid.u32;
	s28 =	simm.s32 $0x80  }
0x4: {  	s29 =	simm.s32 $0x1;
	s30 =	simm.s32 $0x8080;
	s31 =	simm.s32 $0x2  }
0x5: {  	[smem:$0x7FF] =	sst s3;
	s1 =	sand.u32 $0x1, s1;
	s6 =	smul.u32 $0x9E, s20  }
0x6: {  	s4 =	sadd.s32 $0x29E00, s0;
	s5 =	sadd.s32 $0x2600, s0;
	s0 =	sadd.s32 $0x162600, s0  }
0x7: {  	s19 =	sshll.u32 s20, $0xE;
	_ =	strace $0x80000050;
	s7 =	smul.u32 $0x6C, s1  }
0x8: {  	s8 =	ssub.s32 $0x2, s1;
	p0 =	seq.s32 s1, $0x0;
	s1 =	smul.u32 $0x13C000, s1  }
0x9: {  	s13 =	sadd.s32 s19, s2;
	s21 =	sor.u32 $0x40000, s19;
	s12 =	sor.u32 $0x80000, s19  }
0xa: {  	s9 =	sshrl.u32 s8, $0x1;
	s14 =	sadd.s32 s21, s2;
	s15 =	sadd.s32 s12, s2  }
0xb: {  	s6 =	sadd.s32 s7, s6;
	s7 =	simm.s32 $0x6C;
	s8 =	ssub.s32 s8, s9  }
0xc: {  	s17 =	sadd.s32 s1, s19;
	s22 =	sadd.s32 s1, s12;
	s10 =	sshll.u32 s6, $0x6  }
0xd: {  	s7 =	simm.s32 @!p0 $0x32;
	s8 =	smax.u32 s8, $0x1;
	s24 =	sshrl.u32 s22, $0x3  }
0xe: {  	p0 =	seq.s32 s20, $0xF;
	s18 =	sadd.s32 s5, s10;
	s10 =	sadd.s32 $0xFFFFFFFF, s7  }
0xf: {  	s11 =	sadd.s32 $0xFFFFFFFE, s7;
	[dreg:$0x5] =	wrdreg s8;
	s8 =	sor.u32 $0x100000, s19  }
0x10: {  	[dreg:$0x3] =	wrdreg s18;
	s9 =	sadd.s32 $0x40, s18;
	s18 =	sor.u32 $0xC0000, s19  }
0x11: {  	s19 =	sshrl.u32 s17, $0x3;
	s17 =	sadd.s32 s8, s2;
	[dreg:$0x4] =	wrdreg s9  }
0x12: {  	s16 =	sadd.s32 s18, s2;
	s9 =	sadd.s32 s1, s21;
	s19 =	sadd.s32 s0, s19  }
0x13: {  	s23 =	sadd.s32 s1, s18;
	s1 =	sadd.s32 s1, s8;
	s8 =	sadd.s32 s0, s24  }
0x14: {  	s24 =	simm.s32 $0x8000;
	s9 =	sshrl.u32 s9, $0x3;
	[dreg:$0x6] =	wrdreg s19  }
.Ltmp0:
0x15: {  	s25 =	sshrl.u32 s23, $0x3;
	s1 =	sshrl.u32 s1, $0x3;
	(pc) =	sbr.rel .LBB2_1-.Ltmp0, $4  }
0x16: {  	[dreg:$0x8] =	wrdreg s8;
	s23 =	simm.s32 $0x5;
	s9 =	sadd.s32 s0, s9  }
0x17: {  	s26 =	sadd.s32 s0, s25;
	s0 =	sadd.s32 s0, s1;
	[dreg:$0x7] =	wrdreg s9  }
0x18: {  	s25 =	simm.s32 $0x8200;
	s1 =	simm.s32 $0x4000;
	[dreg:$0x9] =	wrdreg s26  }
0x19: {  	v0 =	vimm.f32 $0.0e+00;
	[dreg:$0xa] =	wrdreg s0;
	s0 =	simm.s32 $0x8280;
	s9 =	simm.s32 $0x0  }
.LBB2_13:
0x1a: {  	s8 =	stileid.u32  }
0x1b: {  	[bflag:$0x0] =	sbarrier.arrive $0xFFFF;
	s8 =	sshll.u32 s8, $0x6  }
0x1c: {  	s12 =	sshrl.u32 s13, $0x3;
	s18 =	rddreg [dreg:$0x6];
	s8 =	sor.u32 $0x1C05, s8  }
0x1d: {  	[hbm:s18], [sflag:s8] =	dma.local [spmem:s12], $0x800  }
0x1e: {  	_ =	swait.ge [sflag:s23], $0x800  }
0x1f: {  	[sflag:s23] =	ssyncset.done $0x0  }
0x20: {  	s22 =	sshrl.u32 s14, $0x3;
	s26 =	rddreg [dreg:$0x7];
	[sflag:s23] =	ssyncadd.s32 $0xFFFFF800  }
0x21: {  	[hbm:s26], [sflag:s8] =	dma.local [spmem:s22], $0x800  }
0x22: {  	_ =	swait.ge [sflag:s23], $0x800  }
0x23: {  	[sflag:s23] =	ssyncset.done $0x0  }
0x24: {  	s19 =	sshrl.u32 s15, $0x3;
	s20 =	rddreg [dreg:$0x8];
	[sflag:s23] =	ssyncadd.s32 $0xFFFFF800  }
0x25: {  	[hbm:s20], [sflag:s8] =	dma.local [spmem:s19], $0x800  }
0x26: {  	_ =	swait.ge [sflag:s23], $0x800  }
0x27: {  	[sflag:s23] =	ssyncset.done $0x0  }
0x28: {  	s21 =	sshrl.u32 s16, $0x3;
	s22 =	rddreg [dreg:$0x9];
	[sflag:s23] =	ssyncadd.s32 $0xFFFFF800  }
0x29: {  	[hbm:s22], [sflag:s8] =	dma.local [spmem:s21], $0x800  }
0x2a: {  	_ =	swait.ge [sflag:s23], $0x800  }
0x2b: {  	[sflag:s23] =	ssyncset.done $0x0  }
0x2c: {  	s12 =	sshrl.u32 @!p0 s17, $0x3;
	s18 =	rddreg [dreg:$0xa];
	[sflag:s23] =	ssyncadd.s32 $0xFFFFF800  }
0x2d: {  	[hbm:s18], [sflag:s8] =	dma.local @!p0 [spmem:s12], $0x800  }
0x2e: {  	s8 =	simm.s32 @!p0 $0x5  }
0x2f: {  	_ =	swait.ge @!p0 [sflag:s8], $0x800  }
0x30: {  	s9 =	sadd.s32 $0x1, s9;
	s26 =	rddreg [dreg:$0x5]  }
0x31: {  	p1 =	sne.s32 s9, s26  }
.Ltmp1:
0x32: {  	_ = 	snop;
	(pc) =	sbr.rel @!p1 .LBB2_14-.Ltmp1, $3  }
0x33: {  	_ =	sdelay $0x1  }
0x34: {  	[sflag:s8] =	ssyncset.done @!p0 $0x0  }
0x35: {  	[sflag:s8] =	ssyncadd.s32 @!p0 $0xFFFFF800  }
.LBB2_1:
0x36: {  	s8 =	simm.s32 $0x0;
	s12 =	simm.s32 $0x800  }
.LBB2_2:
0x37: {  	p1 =	sne.s32 s12, $0xF800;
	[tilespmem:s8+$0x1F0] =	vst v0  }
0x38: {  	[tilespmem:s8+$0x0] =	vst v0  }
0x39: {  	[tilespmem:s8+$0x10] =	vst v0  }
0x3a: {  	[tilespmem:s8+$0x20] =	vst v0  }
0x3b: {  	[tilespmem:s8+$0x30] =	vst v0  }
0x3c: {  	[tilespmem:s8+$0x40] =	vst v0  }
0x3d: {  	[tilespmem:s8+$0x50] =	vst v0  }
0x3e: {  	[tilespmem:s8+$0x60] =	vst v0  }
0x3f: {  	[tilespmem:s8+$0x70] =	vst v0  }
0x40: {  	[tilespmem:s8+$0x80] =	vst v0  }
0x41: {  	[tilespmem:s8+$0x90] =	vst v0  }
0x42: {  	[tilespmem:s8+$0xA0] =	vst v0  }
0x43: {  	[tilespmem:s8+$0xB0] =	vst v0  }
0x44: {  	[tilespmem:s8+$0xC0] =	vst v0  }
0x45: {  	[tilespmem:s8+$0xD0] =	vst v0  }
0x46: {  	[tilespmem:s8+$0xE0] =	vst v0  }
0x47: {  	[tilespmem:s8+$0xF0] =	vst v0  }
0x48: {  	[tilespmem:s8+$0x100] =	vst v0  }
0x49: {  	[tilespmem:s8+$0x110] =	vst v0  }
0x4a: {  	[tilespmem:s8+$0x120] =	vst v0  }
0x4b: {  	[tilespmem:s8+$0x130] =	vst v0  }
0x4c: {  	[tilespmem:s8+$0x140] =	vst v0  }
0x4d: {  	[tilespmem:s8+$0x150] =	vst v0  }
0x4e: {  	[tilespmem:s8+$0x160] =	vst v0  }
0x4f: {  	[tilespmem:s8+$0x170] =	vst v0  }
0x50: {  	[tilespmem:s8+$0x180] =	vst v0  }
0x51: {  	[tilespmem:s8+$0x190] =	vst v0  }
.Ltmp2:
0x52: {  	[tilespmem:s8+$0x1A0] =	vst v0;
	(pc) =	sbr.rel @p1 .LBB2_2-.Ltmp2, $4  }
0x53: {  	[tilespmem:s8+$0x1B0] =	vst v0  }
0x54: {  	[tilespmem:s8+$0x1C0] =	vst v0  }
0x55: {  	[tilespmem:s8+$0x1D0] =	vst v0  }
0x56: {  	[tilespmem:s8+$0x1E0] =	vst v0;
	s8 =	sshra.s32 s12, $0x2;
	s12 =	sadd.s32 $0x800, s12  }
0x57: {  	[tilespmem:s8+$0x1F0] =	vst v0  }
0x58: {  	[tilespmem:s8+$0x0] =	vst v0  }
0x59: {  	[tilespmem:s8+$0x10] =	vst v0  }
0x5a: {  	[tilespmem:s8+$0x20] =	vst v0  }
0x5b: {  	[tilespmem:s8+$0x30] =	vst v0  }
0x5c: {  	[tilespmem:s8+$0x40] =	vst v0  }
0x5d: {  	[tilespmem:s8+$0x50] =	vst v0  }
0x5e: {  	[tilespmem:s8+$0x60] =	vst v0  }
0x5f: {  	[tilespmem:s8+$0x70] =	vst v0  }
0x60: {  	[tilespmem:s8+$0x80] =	vst v0  }
0x61: {  	[tilespmem:s8+$0x90] =	vst v0  }
0x62: {  	[tilespmem:s8+$0xA0] =	vst v0  }
0x63: {  	[tilespmem:s8+$0xB0] =	vst v0  }
0x64: {  	[tilespmem:s8+$0xC0] =	vst v0  }
0x65: {  	[tilespmem:s8+$0xD0] =	vst v0  }
0x66: {  	[tilespmem:s8+$0xE0] =	vst v0  }
0x67: {  	[tilespmem:s8+$0xF0] =	vst v0  }
0x68: {  	[tilespmem:s8+$0x100] =	vst v0  }
0x69: {  	[tilespmem:s8+$0x110] =	vst v0  }
0x6a: {  	[tilespmem:s8+$0x120] =	vst v0  }
0x6b: {  	[tilespmem:s8+$0x130] =	vst v0  }
0x6c: {  	[tilespmem:s8+$0x140] =	vst v0  }
0x6d: {  	[tilespmem:s8+$0x150] =	vst v0  }
0x6e: {  	[tilespmem:s8+$0x160] =	vst v0  }
0x6f: {  	[tilespmem:s8+$0x170] =	vst v0  }
0x70: {  	[tilespmem:s8+$0x180] =	vst v0  }
0x71: {  	[tilespmem:s8+$0x190] =	vst v0  }
0x72: {  	[tilespmem:s8+$0x1A0] =	vst v0  }
0x73: {  	[tilespmem:s8+$0x1B0] =	vst v0  }
0x74: {  	[tilespmem:s8+$0x1C0] =	vst v0  }
0x75: {  	[tilespmem:s8+$0x1D0] =	vst v0  }
0x76: {  	[tilespmem:s8+$0x1E0] =	vst v0  }
0x77: {  	[spmem:s13] =	stream.linear.scatter [tilespmem:s3], [sflag:$0x5], $0x4000, $0x38;
	[tilespmem:$0x1C000] =	vst v63  }
0x78: {  	_ =	swait.ge [sflag:s23], $0x4000  }
0x79: {  	[sflag:s23] =	ssyncset.done $0x0  }
0x7a: {  	[sflag:s23] =	ssyncadd.s32 $0xFFFFC000  }
0x7b: {  	[spmem:s14] =	stream.linear.scatter [tilespmem:s3], [sflag:$0x5], $0x4000, $0x38;
	[tilespmem:$0x1C000] =	vst v63  }
0x7c: {  	_ =	swait.ge [sflag:s23], $0x4000  }
0x7d: {  	[sflag:s23] =	ssyncset.done $0x0  }
0x7e: {  	[sflag:s23] =	ssyncadd.s32 $0xFFFFC000  }
0x7f: {  	[spmem:s15] =	stream.linear.scatter [tilespmem:s3], [sflag:$0x5], $0x4000, $0x38;
	[tilespmem:$0x1C000] =	vst v63  }
0x80: {  	_ =	swait.ge [sflag:s23], $0x4000  }
0x81: {  	[sflag:s23] =	ssyncset.done $0x0  }
0x82: {  	[sflag:s23] =	ssyncadd.s32 $0xFFFFC000  }
0x83: {  	[spmem:s16] =	stream.linear.scatter [tilespmem:s3], [sflag:$0x5], $0x4000, $0x38;
	[tilespmem:$0x1C000] =	vst v63  }
0x84: {  	_ =	swait.ge [sflag:s23], $0x4000  }
0x85: {  	[sflag:s23] =	ssyncset.done $0x0  }
0x86: {  	s8 =	simm.s32 @!p0 $0x0;
	[sflag:s23] =	ssyncadd.s32 $0xFFFFC000  }
0x87: {  	[spmem:s17] =	stream.linear.scatter @!p0 [tilespmem:s8], [sflag:$0x5], $0x4000, $0x38;
	[tilespmem:$0x1C000] =	vst v63  }
0x88: {  	s8 =	simm.s32 @!p0 $0x5  }
0x89: {  	_ =	swait.ge @!p0 [sflag:s8], $0x4000  }
0x8a: {  	[sflag:s8] =	ssyncset.done @!p0 $0x0  }
0x8b: {  	[sflag:s8] =	ssyncadd.s32 @!p0 $0xFFFFC000  }
0x8c: {  	[bflag:$0x0] =	sbarrier.arrive $0xFFFF  }
0x8d: {  	s12 =	simm.s32 $0x0;
	s21 =	rddreg [dreg:$0x3]  }
0x8e: {  	[tilespmem:s24], [sflag:$0x3] =	stream.linear.gather [hbm4b:s21+s12], $0x180, $0x38;
	[tilespmem:$0x1C000] =	vst v63  }
0x8f: {  	s22 =	rddreg [dreg:$0x4]  }
0x90: {  	[tilespmem:s25], [sflag:$0x4] =	stream.linear.gather [hbm4b:s22+s12], $0x180, $0x38;
	[tilespmem:$0x1C000] =	vst v63  }
.Ltmp3:
0x91: {  	s26 =	simm.s32 $0x3;
	(pc) =	sbr.rel .LBB2_4-.Ltmp3, $4  }
0x92: {  	_ =	swait.ge [sflag:s26], $0x180  }
0x93: {  	[sflag:s26] =	ssyncset.done $0x0  }
0x94: {  	[sflag:s26] =	ssyncadd.s32 $0xFFFFFE80  }
0x95: {  	[tilespmem:s12], [sflag:$0x1] =	stream.indirect.gather [hbm4b:s4+s28], $0x80, s24, s28, $0xb8;
	[tilespmem:$0x1C000] =	vst v63  }
.LBB2_12:
0x96: {  	s12 =	sadd.s32 $0x1, s12  }
0x97: {  	p1 =	sne.s32 s12, $0x36  }
.Ltmp4:
0x98: {  	_ = 	snop;
	(pc) =	sbr.rel @!p1 .LBB2_13-.Ltmp4, $1  }
0x99: {  	_ =	sdelay $0x3  }
.LBB2_4:
0x9a: {  	s18 =	sshll.u32 s12, $0x1  }
0x9b: {  	p2 =	sge.u32 s18, s7  }
.Ltmp5:
0x9c: {  	_ = 	snop;
	(pc) =	sbr.rel @p2 .LBB2_8-.Ltmp5, $2  }
0x9d: {  	_ =	sdelay $0x2  }
0x9e: {  	p1 =	sge.u32 s18, s10  }
0x9f: {  	s8 =	simm.s32 $0x0  }
0xa0: {  	_ =	swait.ge [sflag:s29], $0x4000;
	v1 =	vmov s8  }
0xa1: {  	[sflag:s29] =	ssyncset.done $0x0;
	v1 =	vand.u32 $0x7C, v1  }
0xa2: {  	s19 =	simm.s32 @!p1 $0x4;
	[sflag:s29] =	ssyncadd.s32 $0xFFFFC000;
	v1 =	vor.u32 $0x100, v1  }
0xa3: {  	_ =	swait.ge @!p1 [sflag:s19], $0x180;
	v1 =	vbroadcast v1, $0x0  }
0xa4: {  	s20 =	simm.s32 @!p1 $0x8200;
	[sflag:s19] =	ssyncset.done @!p1 $0x0  }
0xa5: {  	s21 =	simm.s32 @!p1 $0x4000;
	[sflag:s19] =	ssyncadd.s32 @!p1 $0xFFFFFE80;
	s19 =	simm.s32 @!p1 $0x80  }
0xa6: {  	[tilespmem:s21], [sflag:$0x2] =	stream.indirect.gather @!p1 [hbm4b:s4+s19], $0x80, s20, s19, $0xb8;
	[tilespmem:$0x1C000] =	vst v63  }
0xa7: {  	s19 =	simm.s32 $0x100  }
0xa8: {  	v3 =	vld [tilespmem:s19+$0xFFFFFF70]  }
0xa9: {  	v1 =	vld.idx.msk [tilespmem:v1+s24+$0x0], $0xffff  }
0xaa: {  	v4 =	vld [tilespmem:s19+$0xFFFFFF00]  }
0xab: {  	v5 =	vld [tilespmem:s19+$0xFFFFFF20]  }
0xac: {  	v6 =	vld [tilespmem:s19+$0xFFFFFF30]  }
0xad: {  	v2 =	vld [tilespmem:s19+$0xFFFFFF50]  }
0xae: {  	s22 =	simm.s32 $0x1;
	v8 =	vld [tilespmem:s19+$0xFFFFFF10];
	v3 =	vmul.f32 v1, v3  }
0xaf: {  	v10 =	vmov s22;
	v7 =	vld [tilespmem:s19+$0xFFFFFF60];
	v4 =	vmul.f32 v1, v4  }
0xb0: {  	v9 =	vld [tilespmem:s19+$0xFFFFFF40];
	v5 =	vmul.f32 v1, v5;
	[tilespmem:s19+$0xFFFFFF70] =	vst v3;
	v3 =	vand.u32 $0x7D, v10  }
0xb1: {  	v6 =	vmul.f32 v1, v6;
	[tilespmem:s19+$0xFFFFFF00] =	vst v4;
	v3 =	vor.u32 $0x100, v3  }
0xb2: {  	v2 =	vmul.f32 v1, v2;
	[tilespmem:s19+$0xFFFFFF20] =	vst v5;
	v3 =	vbroadcast v3, $0x0  }
0xb3: {  	v4 =	vmul.f32 v1, v8;
	[tilespmem:s19+$0xFFFFFF30] =	vst v6  }
0xb4: {  	v5 =	vmul.f32 v1, v7;
	[tilespmem:s19+$0xFFFFFF50] =	vst v2  }
0xb5: {  	v1 =	vmul.f32 v1, v9;
	[tilespmem:s19+$0xFFFFFF10] =	vst v4  }
0xb6: {  	[tilespmem:s19+$0xFFFFFF60] =	vst v5  }
0xb7: {  	[tilespmem:s19+$0xFFFFFF40] =	vst v1;
	v1 =	vld [tilespmem:s19+$0xFFFFFF80]  }
0xb8: {  	v3 =	vld.idx.msk [tilespmem:v3+s24+$0x0], $0xffff  }
0xb9: {  	v2 =	vld [tilespmem:s19+$0xFFFFFFA0]  }
0xba: {  	v4 =	vld [tilespmem:s19+$0xFFFFFFF0]  }
0xbb: {  	v5 =	vld [tilespmem:s19+$0xFFFFFFC0]  }
0xbc: {  	v6 =	vld [tilespmem:s19+$0xFFFFFF90]  }
0xbd: {  	s26 =	simm.s32 $0x2;
	v7 =	vld [tilespmem:s19+$0xFFFFFFD0];
	v1 =	vmul.f32 v3, v1  }
0xbe: {  	v62 =	vmov s26;
	v8 =	vld [tilespmem:s19+$0xFFFFFFB0];
	v2 =	vmul.f32 v3, v2  }
0xbf: {  	v63 =	vld [tilespmem:s19+$0xFFFFFFE0];
	v4 =	vmul.f32 v3, v4;
	[tilespmem:s19+$0xFFFFFF80] =	vst v1;
	v1 =	vand.u32 $0x7E, v62  }
0xc0: {  	v5 =	vmul.f32 v3, v5;
	[tilespmem:s19+$0xFFFFFFA0] =	vst v2;
	v1 =	vor.u32 $0x100, v1  }
0xc1: {  	v2 =	vmul.f32 v3, v6;
	[tilespmem:s19+$0xFFFFFFF0] =	vst v4;
	v4 =	vbroadcast v1, $0x0  }
0xc2: {  	v6 =	vmul.f32 v3, v7;
	[tilespmem:s19+$0xFFFFFFC0] =	vst v5;
	v7 =	vld [tilespmem:s19+$0x30]  }
0xc3: {  	v5 =	vmul.f32 v3, v8;
	v1 =	vld [tilespmem:s19+$0x60];
	[tilespmem:s19+$0xFFFFFF90] =	vst v2  }
0xc4: {  	v3 =	vmul.f32 v3, v63;
	v2 =	vld [tilespmem:s19+$0x70];
	[tilespmem:s19+$0xFFFFFFD0] =	vst v6  }
0xc5: {  	[tilespmem:s19+$0xFFFFFFB0] =	vst v5;
	v6 =	vld [tilespmem:s19+$0x20]  }
0xc6: {  	[tilespmem:s19+$0xFFFFFFE0] =	vst v3;
	v5 =	vld [tilespmem:s19+$0x0]  }
0xc7: {  	v3 =	vld.idx.msk [tilespmem:v4+s24+$0x0], $0xffff  }
0xc8: {  	s20 =	simm.s32 $0x4;
	s21 =	simm.s32 $0x100;
	v4 =	vld [tilespmem:s19+$0x10]  }
.LBB2_6:
0xc9: {  	p2 =	sne.s32 s20, $0x7C  }
0xca: {  	v8 =	vld [tilespmem:s19+$0x50];
	s21 =	sadd.s32 $0x200, s21;
	s22 =	smov.u32 s20;
	s20 =	sadd.s32 $0x4, s20  }
0xcb: {  	v9 =	vld [tilespmem:s19+$0x40];
	_ =	sdelay $0x1  }
0xcc: {  	s26 =	sadd.s32 $0x3, s8;
	s8 =	smov.u32 s22;
	v7 =	vmul.f32 v3, v7;
	v5 =	vmul.f32 v3, v5  }
0xcd: {  	v10 =	vmov s26;
	v6 =	vmul.f32 v3, v6;
	v4 =	vmul.f32 v3, v4  }
0xce: {  	v1 =	vmul.f32 v3, v1;
	v2 =	vmul.f32 v3, v2;
	[tilespmem:s19+$0x30] =	vst v7;
	v7 =	vand.u32 $0x7F, v10  }
0xcf: {  	[tilespmem:s19+$0x20] =	vst v6;
	v6 =	vmul.f32 v3, v9;
	v3 =	vmul.f32 v3, v8;
	v7 =	vor.u32 $0x100, v7  }
0xd0: {  	[tilespmem:s19+$0x70] =	vst v2;
	v7 =	vbroadcast v7, $0x0;
	v8 =	vld [tilespmem:s19+$0x80]  }
0xd1: {  	[tilespmem:s19+$0x60] =	vst v1;
	v9 =	vld [tilespmem:s19+$0xF0]  }
0xd2: {  	v1 =	vld [tilespmem:s21+$0x60];
	[tilespmem:s19+$0x50] =	vst v3  }
0xd3: {  	v2 =	vld [tilespmem:s21+$0x70];
	[tilespmem:s19+$0x40] =	vst v6  }
0xd4: {  	[tilespmem:s19+$0x0] =	vst v5;
	v3 =	vld [tilespmem:s19+$0xD0]  }
0xd5: {  	[tilespmem:s19+$0x10] =	vst v4;
	v4 =	vld [tilespmem:s19+$0xB0]  }
0xd6: {  	v5 =	vld.idx.msk [tilespmem:v7+s24+$0x0], $0xffff  }
0xd7: {  	v6 =	vld [tilespmem:s19+$0x90]  }
0xd8: {  	v7 =	vld [tilespmem:s19+$0xA0]  }
0xd9: {  	v10 =	vld [tilespmem:s19+$0xC0]  }
0xda: {  	v11 =	vld [tilespmem:s19+$0xE0];
	_ =	sdelay $0x1  }
0xdb: {  	v8 =	vmul.f32 v5, v8;
	v6 =	vmul.f32 v5, v6  }
0xdc: {  	v12 =	vmov s8;
	v4 =	vmul.f32 v5, v4;
	v7 =	vmul.f32 v5, v7  }
0xdd: {  	v12 =	vand.u32 $0x7C, v12;
	v3 =	vmul.f32 v5, v3;
	[tilespmem:s19+$0x80] =	vst v8;
	v8 =	vmul.f32 v5, v10  }
0xde: {  	v10 =	vor.u32 $0x100, v12;
	[tilespmem:s19+$0xB0] =	vst v4;
	v4 =	vmul.f32 v5, v11;
	v5 =	vmul.f32 v5, v9  }
0xdf: {  	v9 =	vbroadcast v10, $0x0;
	[tilespmem:s19+$0xA0] =	vst v7  }
0xe0: {  	[tilespmem:s19+$0xD0] =	vst v3  }
0xe1: {  	v3 =	vld [tilespmem:s21+$0xFFFFFF50];
	[tilespmem:s19+$0xF0] =	vst v5  }
0xe2: {  	v5 =	vld [tilespmem:s21+$0xFFFFFF30];
	[tilespmem:s19+$0x90] =	vst v6  }
0xe3: {  	v6 =	vld [tilespmem:s21+$0xFFFFFF60];
	[tilespmem:s19+$0xC0] =	vst v8  }
0xe4: {  	v7 =	vld [tilespmem:s21+$0xFFFFFF70];
	[tilespmem:s19+$0xE0] =	vst v4;
	s19 =	smov.u32 s21  }
0xe5: {  	v4 =	vld.idx.msk [tilespmem:v9+s24+$0x0], $0xffff  }
0xe6: {  	v8 =	vld [tilespmem:s21+$0xFFFFFF00]  }
0xe7: {  	v9 =	vld [tilespmem:s21+$0xFFFFFF20]  }
0xe8: {  	v10 =	vld [tilespmem:s21+$0xFFFFFF10]  }
0xe9: {  	v11 =	vld [tilespmem:s21+$0xFFFFFF40];
	_ =	sdelay $0x1  }
0xea: {  	s22 =	sadd.s32 $0x1, s8;
	v7 =	vmul.f32 v4, v7;
	v8 =	vmul.f32 v4, v8  }
0xeb: {  	v12 =	vmov s22;
	v6 =	vmul.f32 v4, v6;
	v9 =	vmul.f32 v4, v9  }
0xec: {  	v5 =	vmul.f32 v4, v5;
	v10 =	vmul.f32 v4, v10;
	[tilespmem:s21+$0xFFFFFF70] =	vst v7;
	v7 =	vand.u32 $0x7D, v12  }
0xed: {  	v3 =	vmul.f32 v4, v3;
	[tilespmem:s21+$0xFFFFFF00] =	vst v8;
	v8 =	vmul.f32 v4, v11;
	v4 =	vor.u32 $0x100, v7  }
0xee: {  	[tilespmem:s21+$0xFFFFFF20] =	vst v9;
	v4 =	vbroadcast v4, $0x0  }
0xef: {  	[tilespmem:s21+$0xFFFFFF30] =	vst v5  }
0xf0: {  	[tilespmem:s21+$0xFFFFFF50] =	vst v3;
	v3 =	vld [tilespmem:s21+$0xFFFFFFD0]  }
0xf1: {  	[tilespmem:s21+$0xFFFFFF10] =	vst v10;
	v5 =	vld [tilespmem:s21+$0xFFFFFFE0]  }
0xf2: {  	[tilespmem:s21+$0xFFFFFF60] =	vst v6;
	v6 =	vld [tilespmem:s21+$0xFFFFFFB0]  }
0xf3: {  	[tilespmem:s21+$0xFFFFFF40] =	vst v8;
	v7 =	vld [tilespmem:s21+$0xFFFFFFF0]  }
0xf4: {  	v4 =	vld.idx.msk [tilespmem:v4+s24+$0x0], $0xffff  }
0xf5: {  	v8 =	vld [tilespmem:s21+$0xFFFFFF80]  }
0xf6: {  	v9 =	vld [tilespmem:s21+$0xFFFFFFA0]  }
0xf7: {  	v10 =	vld [tilespmem:s21+$0xFFFFFFC0]  }
0xf8: {  	v11 =	vld [tilespmem:s21+$0xFFFFFF90];
	_ =	sdelay $0x1  }
0xf9: {  	s22 =	sadd.s32 $0x2, s8;
	v7 =	vmul.f32 v4, v7;
	v8 =	vmul.f32 v4, v8  }
0xfa: {  	v12 =	vmov s22;
	v6 =	vmul.f32 v4, v6;
	v9 =	vmul.f32 v4, v9  }
0xfb: {  	v5 =	vmul.f32 v4, v5;
	[tilespmem:s21+$0xFFFFFF80] =	vst v8;
	v8 =	vmul.f32 v4, v10;
	v10 =	vand.u32 $0x7E, v12  }
0xfc: {  	v3 =	vmul.f32 v4, v3;
	v11 =	vmul.f32 v4, v11;
	[tilespmem:s21+$0xFFFFFFA0] =	vst v9;
	v4 =	vor.u32 $0x100, v10  }
0xfd: {  	[tilespmem:s21+$0xFFFFFFF0] =	vst v7;
	v4 =	vbroadcast v4, $0x0  }
0xfe: {  	[tilespmem:s21+$0xFFFFFFC0] =	vst v8  }
0xff: {  	[tilespmem:s21+$0xFFFFFF90] =	vst v11  }
0x100: {  	[tilespmem:s21+$0xFFFFFFD0] =	vst v3  }
.Ltmp6:
0x101: {  	[tilespmem:s21+$0xFFFFFFB0] =	vst v6;
	v7 =	vld [tilespmem:s21+$0x30];
	(pc) =	sbr.rel @p2 .LBB2_6-.Ltmp6, $4  }
0x102: {  	[tilespmem:s21+$0xFFFFFFE0] =	vst v5;
	v6 =	vld [tilespmem:s21+$0x20]  }
0x103: {  	v3 =	vld.idx.msk [tilespmem:v4+s24+$0x0], $0xffff  }
0x104: {  	v5 =	vld [tilespmem:s21+$0x0]  }
0x105: {  	v4 =	vld [tilespmem:s21+$0x10]  }
0x106: {  	_ =	sdelay $0x1  }
0x107: {  	v8 =	vld [tilespmem:s19+$0x50];
	s8 =	sadd.s32 $0x3, s8;
	v7 =	vmul.f32 v3, v7  }
0x108: {  	v9 =	vld [tilespmem:s19+$0x40];
	v10 =	vmov s8;
	v2 =	vmul.f32 v3, v2  }
0x109: {  	v54 =	vand.u32 $0x7F, v10;
	v1 =	vmul.f32 v3, v1;
	[tilespmem:s19+$0x30] =	vst v7  }
0x10a: {  	v6 =	vmul.f32 v3, v6;
	v7 =	vor.u32 $0x100, v54;
	[tilespmem:s19+$0x70] =	vst v2  }
0x10b: {  	[tilespmem:s19+$0x60] =	vst v1;
	v1 =	vmul.f32 v3, v5;
	v55 =	vbroadcast v7, $0x0  }
0x10c: {  	[tilespmem:s19+$0x20] =	vst v6;
	v2 =	vmul.f32 v3, v8  }
0x10d: {  	v57 =	vmul.f32 v3, v9;
	[tilespmem:s19+$0x0] =	vst v1  }
0x10e: {  	[tilespmem:s19+$0x50] =	vst v2;
	v2 =	vmul.f32 v3, v4  }
0x10f: {  	[tilespmem:s19+$0x40] =	vst v57  }
0x110: {  	v56 =	vld [tilespmem:s19+$0x80];
	[tilespmem:s19+$0x10] =	vst v2  }
0x111: {  	v1 =	vld.idx.msk [tilespmem:v55+s24+$0x0], $0xffff  }
0x112: {  	v2 =	vld [tilespmem:s19+$0xB0]  }
0x113: {  	v3 =	vld [tilespmem:s19+$0xA0]  }
0x114: {  	v58 =	vld [tilespmem:s19+$0xD0]  }
0x115: {  	v61 =	vld [tilespmem:s19+$0xC0]  }
0x116: {  	v59 =	vld [tilespmem:s19+$0xF0];
	v7 =	vmul.f32 v1, v56  }
0x117: {  	v60 =	vld [tilespmem:s19+$0x90];
	v2 =	vmul.f32 v1, v2  }
0x118: {  	v62 =	vld [tilespmem:s19+$0xE0];
	v3 =	vmul.f32 v1, v3;
	[tilespmem:s19+$0x80] =	vst v7  }
0x119: {  	v4 =	vmul.f32 v1, v58;
	[tilespmem:s19+$0xB0] =	vst v2  }
0x11a: {  	v63 =	vmul.f32 v1, v61;
	[tilespmem:s19+$0xA0] =	vst v3  }
0x11b: {  	v2 =	vmul.f32 v1, v59;
	[tilespmem:s19+$0xD0] =	vst v4  }
0x11c: {  	v3 =	vmul.f32 v1, v60;
	[tilespmem:s19+$0xC0] =	vst v63  }
0x11d: {  	v1 =	vmul.f32 v1, v62;
	[tilespmem:s19+$0xF0] =	vst v2  }
0x11e: {  	s8 =	sadd.s32 $0x2, s18;
	[tilespmem:s19+$0x90] =	vst v3  }
0x11f: {  	p2 =	sge.u32 s8, s7;
	[tilespmem:s19+$0xE0] =	vst v1  }
0x120: {  	[spmem:s2] =	stream.indirect.scatter.add.f32 [tilespmem:s3], [sflag:$0x5], $0x80, s30, s28, $0xb8;
	[tilespmem:$0x1C000] =	vst v63  }
0x121: {  	s8 =	sadd.s32 @!p2 s6, s8;
	_ =	swait.ge [sflag:s23], $0x4000  }
0x122: {  	s20 =	simm.s32 @!p2 $0x8000;
	s8 =	sshll.u32 @!p2 s8, $0x6;
	[sflag:s23] =	ssyncset.done $0x0  }
0x123: {  	s8 =	sadd.s32 @!p2 s5, s8;
	s19 =	simm.s32 @!p2 $0x0;
	[sflag:s23] =	ssyncadd.s32 $0xFFFFC000  }
0x124: {  	[tilespmem:s20], [sflag:$0x3] =	stream.linear.gather @!p2 [hbm4b:s8+s19], $0x180, $0x38;
	[tilespmem:$0x1C000] =	vst v63  }
.LBB2_8:
.Ltmp7:
0x125: {  	(pc) =	sbr.rel @p1 .LBB2_12-.Ltmp7, $1  }
0x126: {  	_ =	sdelay $0x3  }
0x127: {  	s8 =	simm.s32 $0x0  }
0x128: {  	_ =	swait.ge [sflag:s31], $0x4000;
	v1 =	vmov s8  }
0x129: {  	p1 =	sge.u32 s18, s11;
	[sflag:s31] =	ssyncset.done $0x0;
	v1 =	vand.u32 $0x7C, v1  }
0x12a: {  	s19 =	simm.s32 @!p1 $0x3;
	[sflag:s31] =	ssyncadd.s32 $0xFFFFC000;
	v1 =	vor.u32 $0x100, v1  }
0x12b: {  	_ =	swait.ge @!p1 [sflag:s19], $0x180;
	v1 =	vbroadcast v1, $0x0  }
0x12c: {  	s20 =	simm.s32 @!p1 $0x8000;
	[sflag:s19] =	ssyncset.done @!p1 $0x0  }
0x12d: {  	s21 =	simm.s32 @!p1 $0x0;
	[sflag:s19] =	ssyncadd.s32 @!p1 $0xFFFFFE80;
	s19 =	simm.s32 @!p1 $0x80  }
0x12e: {  	[tilespmem:s21], [sflag:$0x1] =	stream.indirect.gather @!p1 [hbm4b:s4+s19], $0x80, s20, s19, $0xb8;
	[tilespmem:$0x1C000] =	vst v63  }
0x12f: {  	s19 =	simm.s32 $0x4100  }
0x130: {  	v3 =	vld [tilespmem:s19+$0xFFFFFF70]  }
0x131: {  	v1 =	vld.idx.msk [tilespmem:v1+s25+$0x0], $0xffff  }
0x132: {  	v4 =	vld [tilespmem:s19+$0xFFFFFF00]  }
0x133: {  	v5 =	vld [tilespmem:s19+$0xFFFFFF20]  }
0x134: {  	v6 =	vld [tilespmem:s19+$0xFFFFFF30]  }
0x135: {  	v2 =	vld [tilespmem:s19+$0xFFFFFF50]  }
0x136: {  	s22 =	simm.s32 $0x1;
	v8 =	vld [tilespmem:s19+$0xFFFFFF10];
	v3 =	vmul.f32 v1, v3  }
0x137: {  	v10 =	vmov s22;
	v7 =	vld [tilespmem:s19+$0xFFFFFF60];
	v4 =	vmul.f32 v1, v4  }
0x138: {  	v9 =	vld [tilespmem:s19+$0xFFFFFF40];
	v5 =	vmul.f32 v1, v5;
	[tilespmem:s19+$0xFFFFFF70] =	vst v3;
	v3 =	vand.u32 $0x7D, v10  }
0x139: {  	v6 =	vmul.f32 v1, v6;
	[tilespmem:s19+$0xFFFFFF00] =	vst v4;
	v3 =	vor.u32 $0x100, v3  }
0x13a: {  	v2 =	vmul.f32 v1, v2;
	[tilespmem:s19+$0xFFFFFF20] =	vst v5;
	v3 =	vbroadcast v3, $0x0  }
0x13b: {  	v4 =	vmul.f32 v1, v8;
	[tilespmem:s19+$0xFFFFFF30] =	vst v6  }
0x13c: {  	v5 =	vmul.f32 v1, v7;
	[tilespmem:s19+$0xFFFFFF50] =	vst v2  }
0x13d: {  	v1 =	vmul.f32 v1, v9;
	[tilespmem:s19+$0xFFFFFF10] =	vst v4  }
0x13e: {  	[tilespmem:s19+$0xFFFFFF60] =	vst v5  }
0x13f: {  	[tilespmem:s19+$0xFFFFFF40] =	vst v1;
	v1 =	vld [tilespmem:s19+$0xFFFFFF80]  }
0x140: {  	v3 =	vld.idx.msk [tilespmem:v3+s25+$0x0], $0xffff  }
0x141: {  	v2 =	vld [tilespmem:s19+$0xFFFFFFA0]  }
0x142: {  	v4 =	vld [tilespmem:s19+$0xFFFFFFF0]  }
0x143: {  	v5 =	vld [tilespmem:s19+$0xFFFFFFC0]  }
0x144: {  	v6 =	vld [tilespmem:s19+$0xFFFFFF90]  }
0x145: {  	s26 =	simm.s32 $0x2;
	v7 =	vld [tilespmem:s19+$0xFFFFFFD0];
	v1 =	vmul.f32 v3, v1  }
0x146: {  	v62 =	vmov s26;
	v8 =	vld [tilespmem:s19+$0xFFFFFFB0];
	v2 =	vmul.f32 v3, v2  }
0x147: {  	v63 =	vld [tilespmem:s19+$0xFFFFFFE0];
	v4 =	vmul.f32 v3, v4;
	[tilespmem:s19+$0xFFFFFF80] =	vst v1;
	v1 =	vand.u32 $0x7E, v62  }
0x148: {  	v5 =	vmul.f32 v3, v5;
	[tilespmem:s19+$0xFFFFFFA0] =	vst v2;
	v1 =	vor.u32 $0x100, v1  }
0x149: {  	v2 =	vmul.f32 v3, v6;
	[tilespmem:s19+$0xFFFFFFF0] =	vst v4;
	v4 =	vbroadcast v1, $0x0  }
0x14a: {  	v6 =	vmul.f32 v3, v7;
	[tilespmem:s19+$0xFFFFFFC0] =	vst v5;
	v7 =	vld [tilespmem:s19+$0x30]  }
0x14b: {  	v5 =	vmul.f32 v3, v8;
	v1 =	vld [tilespmem:s19+$0x60];
	[tilespmem:s19+$0xFFFFFF90] =	vst v2  }
0x14c: {  	v3 =	vmul.f32 v3, v63;
	v2 =	vld [tilespmem:s19+$0x70];
	[tilespmem:s19+$0xFFFFFFD0] =	vst v6  }
0x14d: {  	[tilespmem:s19+$0xFFFFFFB0] =	vst v5;
	v6 =	vld [tilespmem:s19+$0x20]  }
0x14e: {  	[tilespmem:s19+$0xFFFFFFE0] =	vst v3;
	v5 =	vld [tilespmem:s19+$0x0]  }
0x14f: {  	v3 =	vld.idx.msk [tilespmem:v4+s25+$0x0], $0xffff  }
0x150: {  	s20 =	simm.s32 $0x4;
	s21 =	simm.s32 $0x4100;
	v4 =	vld [tilespmem:s19+$0x10]  }
.LBB2_10:
0x151: {  	p1 =	sne.s32 s20, $0x7C  }
0x152: {  	v8 =	vld [tilespmem:s19+$0x50];
	s21 =	sadd.s32 $0x200, s21;
	s22 =	smov.u32 s20;
	s20 =	sadd.s32 $0x4, s20  }
0x153: {  	v9 =	vld [tilespmem:s19+$0x40];
	_ =	sdelay $0x1  }
0x154: {  	s26 =	sadd.s32 $0x3, s8;
	s8 =	smov.u32 s22;
	v7 =	vmul.f32 v3, v7;
	v5 =	vmul.f32 v3, v5  }
0x155: {  	v10 =	vmov s26;
	v6 =	vmul.f32 v3, v6;
	v4 =	vmul.f32 v3, v4  }
0x156: {  	v1 =	vmul.f32 v3, v1;
	v2 =	vmul.f32 v3, v2;
	[tilespmem:s19+$0x30] =	vst v7;
	v7 =	vand.u32 $0x7F, v10  }
0x157: {  	[tilespmem:s19+$0x20] =	vst v6;
	v6 =	vmul.f32 v3, v9;
	v3 =	vmul.f32 v3, v8;
	v7 =	vor.u32 $0x100, v7  }
0x158: {  	[tilespmem:s19+$0x70] =	vst v2;
	v7 =	vbroadcast v7, $0x0;
	v8 =	vld [tilespmem:s19+$0x80]  }
0x159: {  	[tilespmem:s19+$0x60] =	vst v1;
	v9 =	vld [tilespmem:s19+$0xF0]  }
0x15a: {  	v1 =	vld [tilespmem:s21+$0x60];
	[tilespmem:s19+$0x50] =	vst v3  }
0x15b: {  	v2 =	vld [tilespmem:s21+$0x70];
	[tilespmem:s19+$0x40] =	vst v6  }
0x15c: {  	[tilespmem:s19+$0x0] =	vst v5;
	v3 =	vld [tilespmem:s19+$0xD0]  }
0x15d: {  	[tilespmem:s19+$0x10] =	vst v4;
	v4 =	vld [tilespmem:s19+$0xB0]  }
0x15e: {  	v5 =	vld.idx.msk [tilespmem:v7+s25+$0x0], $0xffff  }
0x15f: {  	v6 =	vld [tilespmem:s19+$0x90]  }
0x160: {  	v7 =	vld [tilespmem:s19+$0xA0]  }
0x161: {  	v10 =	vld [tilespmem:s19+$0xC0]  }
0x162: {  	v11 =	vld [tilespmem:s19+$0xE0];
	_ =	sdelay $0x1  }
0x163: {  	v8 =	vmul.f32 v5, v8;
	v6 =	vmul.f32 v5, v6  }
0x164: {  	v12 =	vmov s8;
	v4 =	vmul.f32 v5, v4;
	v7 =	vmul.f32 v5, v7  }
0x165: {  	v12 =	vand.u32 $0x7C, v12;
	v3 =	vmul.f32 v5, v3;
	[tilespmem:s19+$0x80] =	vst v8;
	v8 =	vmul.f32 v5, v10  }
0x166: {  	v10 =	vor.u32 $0x100, v12;
	[tilespmem:s19+$0xB0] =	vst v4;
	v4 =	vmul.f32 v5, v11;
	v5 =	vmul.f32 v5, v9  }
0x167: {  	v9 =	vbroadcast v10, $0x0;
	[tilespmem:s19+$0xA0] =	vst v7  }
0x168: {  	[tilespmem:s19+$0xD0] =	vst v3  }
0x169: {  	v3 =	vld [tilespmem:s21+$0xFFFFFF50];
	[tilespmem:s19+$0xF0] =	vst v5  }
0x16a: {  	v5 =	vld [tilespmem:s21+$0xFFFFFF30];
	[tilespmem:s19+$0x90] =	vst v6  }
0x16b: {  	v6 =	vld [tilespmem:s21+$0xFFFFFF60];
	[tilespmem:s19+$0xC0] =	vst v8  }
0x16c: {  	v7 =	vld [tilespmem:s21+$0xFFFFFF70];
	[tilespmem:s19+$0xE0] =	vst v4;
	s19 =	smov.u32 s21  }
0x16d: {  	v4 =	vld.idx.msk [tilespmem:v9+s25+$0x0], $0xffff  }
0x16e: {  	v8 =	vld [tilespmem:s21+$0xFFFFFF00]  }
0x16f: {  	v9 =	vld [tilespmem:s21+$0xFFFFFF20]  }
0x170: {  	v10 =	vld [tilespmem:s21+$0xFFFFFF10]  }
0x171: {  	v11 =	vld [tilespmem:s21+$0xFFFFFF40];
	_ =	sdelay $0x1  }
0x172: {  	s22 =	sadd.s32 $0x1, s8;
	v7 =	vmul.f32 v4, v7;
	v8 =	vmul.f32 v4, v8  }
0x173: {  	v12 =	vmov s22;
	v6 =	vmul.f32 v4, v6;
	v9 =	vmul.f32 v4, v9  }
0x174: {  	v5 =	vmul.f32 v4, v5;
	v10 =	vmul.f32 v4, v10;
	[tilespmem:s21+$0xFFFFFF70] =	vst v7;
	v7 =	vand.u32 $0x7D, v12  }
0x175: {  	v3 =	vmul.f32 v4, v3;
	[tilespmem:s21+$0xFFFFFF00] =	vst v8;
	v8 =	vmul.f32 v4, v11;
	v4 =	vor.u32 $0x100, v7  }
0x176: {  	[tilespmem:s21+$0xFFFFFF20] =	vst v9;
	v4 =	vbroadcast v4, $0x0  }
0x177: {  	[tilespmem:s21+$0xFFFFFF30] =	vst v5  }
0x178: {  	[tilespmem:s21+$0xFFFFFF50] =	vst v3;
	v3 =	vld [tilespmem:s21+$0xFFFFFFD0]  }
0x179: {  	[tilespmem:s21+$0xFFFFFF10] =	vst v10;
	v5 =	vld [tilespmem:s21+$0xFFFFFFE0]  }
0x17a: {  	[tilespmem:s21+$0xFFFFFF60] =	vst v6;
	v6 =	vld [tilespmem:s21+$0xFFFFFFB0]  }
0x17b: {  	[tilespmem:s21+$0xFFFFFF40] =	vst v8;
	v7 =	vld [tilespmem:s21+$0xFFFFFFF0]  }
0x17c: {  	v4 =	vld.idx.msk [tilespmem:v4+s25+$0x0], $0xffff  }
0x17d: {  	v8 =	vld [tilespmem:s21+$0xFFFFFF80]  }
0x17e: {  	v9 =	vld [tilespmem:s21+$0xFFFFFFA0]  }
0x17f: {  	v10 =	vld [tilespmem:s21+$0xFFFFFFC0]  }
0x180: {  	v11 =	vld [tilespmem:s21+$0xFFFFFF90];
	_ =	sdelay $0x1  }
0x181: {  	s22 =	sadd.s32 $0x2, s8;
	v7 =	vmul.f32 v4, v7;
	v8 =	vmul.f32 v4, v8  }
0x182: {  	v12 =	vmov s22;
	v6 =	vmul.f32 v4, v6;
	v9 =	vmul.f32 v4, v9  }
0x183: {  	v5 =	vmul.f32 v4, v5;
	[tilespmem:s21+$0xFFFFFF80] =	vst v8;
	v8 =	vmul.f32 v4, v10;
	v10 =	vand.u32 $0x7E, v12  }
0x184: {  	v3 =	vmul.f32 v4, v3;
	v11 =	vmul.f32 v4, v11;
	[tilespmem:s21+$0xFFFFFFA0] =	vst v9;
	v4 =	vor.u32 $0x100, v10  }
0x185: {  	[tilespmem:s21+$0xFFFFFFF0] =	vst v7;
	v4 =	vbroadcast v4, $0x0  }
0x186: {  	[tilespmem:s21+$0xFFFFFFC0] =	vst v8  }
0x187: {  	[tilespmem:s21+$0xFFFFFF90] =	vst v11  }
0x188: {  	[tilespmem:s21+$0xFFFFFFD0] =	vst v3  }
.Ltmp8:
0x189: {  	[tilespmem:s21+$0xFFFFFFB0] =	vst v6;
	v7 =	vld [tilespmem:s21+$0x30];
	(pc) =	sbr.rel @p1 .LBB2_10-.Ltmp8, $4  }
0x18a: {  	[tilespmem:s21+$0xFFFFFFE0] =	vst v5;
	v6 =	vld [tilespmem:s21+$0x20]  }
0x18b: {  	v3 =	vld.idx.msk [tilespmem:v4+s25+$0x0], $0xffff  }
0x18c: {  	v5 =	vld [tilespmem:s21+$0x0]  }
0x18d: {  	v4 =	vld [tilespmem:s21+$0x10]  }
0x18e: {  	_ =	sdelay $0x1  }
0x18f: {  	v8 =	vld [tilespmem:s19+$0x50];
	s8 =	sadd.s32 $0x3, s8;
	v7 =	vmul.f32 v3, v7  }
0x190: {  	v9 =	vld [tilespmem:s19+$0x40];
	v10 =	vmov s8;
	v2 =	vmul.f32 v3, v2  }
0x191: {  	v54 =	vand.u32 $0x7F, v10;
	v1 =	vmul.f32 v3, v1;
	[tilespmem:s19+$0x30] =	vst v7  }
0x192: {  	v6 =	vmul.f32 v3, v6;
	v7 =	vor.u32 $0x100, v54;
	[tilespmem:s19+$0x70] =	vst v2  }
0x193: {  	[tilespmem:s19+$0x60] =	vst v1;
	v1 =	vmul.f32 v3, v5;
	v55 =	vbroadcast v7, $0x0  }
0x194: {  	[tilespmem:s19+$0x20] =	vst v6;
	v2 =	vmul.f32 v3, v8  }
0x195: {  	v57 =	vmul.f32 v3, v9;
	[tilespmem:s19+$0x0] =	vst v1  }
0x196: {  	[tilespmem:s19+$0x50] =	vst v2;
	v2 =	vmul.f32 v3, v4  }
0x197: {  	[tilespmem:s19+$0x40] =	vst v57  }
0x198: {  	v56 =	vld [tilespmem:s19+$0x80];
	[tilespmem:s19+$0x10] =	vst v2  }
0x199: {  	v1 =	vld.idx.msk [tilespmem:v55+s25+$0x0], $0xffff  }
0x19a: {  	v2 =	vld [tilespmem:s19+$0xB0]  }
0x19b: {  	v3 =	vld [tilespmem:s19+$0xA0]  }
0x19c: {  	v58 =	vld [tilespmem:s19+$0xD0]  }
0x19d: {  	v61 =	vld [tilespmem:s19+$0xC0]  }
0x19e: {  	v59 =	vld [tilespmem:s19+$0xF0];
	v7 =	vmul.f32 v1, v56  }
0x19f: {  	v60 =	vld [tilespmem:s19+$0x90];
	v2 =	vmul.f32 v1, v2  }
0x1a0: {  	v62 =	vld [tilespmem:s19+$0xE0];
	v3 =	vmul.f32 v1, v3;
	[tilespmem:s19+$0x80] =	vst v7  }
0x1a1: {  	v4 =	vmul.f32 v1, v58;
	[tilespmem:s19+$0xB0] =	vst v2  }
0x1a2: {  	v63 =	vmul.f32 v1, v61;
	[tilespmem:s19+$0xA0] =	vst v3  }
0x1a3: {  	v2 =	vmul.f32 v1, v59;
	[tilespmem:s19+$0xD0] =	vst v4  }
0x1a4: {  	v3 =	vmul.f32 v1, v60;
	[tilespmem:s19+$0xC0] =	vst v63  }
0x1a5: {  	v1 =	vmul.f32 v1, v62;
	[tilespmem:s19+$0xF0] =	vst v2  }
0x1a6: {  	[tilespmem:s19+$0x90] =	vst v3  }
0x1a7: {  	s8 =	sadd.s32 $0x3, s18;
	[tilespmem:s19+$0xE0] =	vst v1  }
0x1a8: {  	[spmem:s2] =	stream.indirect.scatter.add.f32 [tilespmem:s1], [sflag:$0x5], $0x80, s0, s28, $0xb8;
	[tilespmem:$0x1C000] =	vst v63  }
.Ltmp9:
0x1a9: {  	p1 =	sge.u32 s8, s7;
	(pc) =	sbr.rel .LBB2_12-.Ltmp9, $4  }
0x1aa: {  	s8 =	sadd.s32 @!p1 s6, s8;
	_ =	swait.ge [sflag:s23], $0x4000  }
0x1ab: {  	s18 =	simm.s32 @!p1 $0x0;
	s8 =	sshll.u32 @!p1 s8, $0x6;
	[sflag:s23] =	ssyncset.done $0x0  }
0x1ac: {  	s8 =	sadd.s32 @!p1 s5, s8;
	s19 =	simm.s32 @!p1 $0x8200;
	[sflag:s23] =	ssyncadd.s32 $0xFFFFC000  }
0x1ad: {  	[tilespmem:s19], [sflag:$0x4] =	stream.linear.gather @!p1 [hbm4b:s8+s18], $0x180, $0x38;
	[tilespmem:$0x1C000] =	vst v63  }
.LBB2_14:
0x1ae: {  	_ =	sfence.sel $0x180000  }
0x1af: {  	[bflag:$0x0] =	sbarrier.arrive $0xFFFF  }
0x1b0: {  	_ =	strace $0x90000050  }
0x1b1: {  	s0 =	stileid.u32;
	[bflag:$0x2] =	sbarrier.arrive $0xFFFF  }
0x1b2: {  	p0 =	sne.s32 s0, $0x0;
	s0 =	rddreg [dreg:$0x2]  }
0x1b3: {  	s0 =	sadd.s32 @!p0 $0x100000, s0  }
0x1b4: {  	[sflag:s0] =	ssyncadd.tile.s32 @!p0 $0x1;
	_ =	shalt  }
.Lfunc_end2:
_tile_overlayer_lowered:
.L_overlay_start_2:
0x1b5: {  	(tag) =	ssettag $0x2  }
0x1b6: {  	s0 =	rddreg [dreg:$0x0];
	s2 =	stileid.u32  }
0x1b7: {  	s1 =	rddreg [dreg:$0x1];
	p0 =	sne.s32 s2, $0x0  }
0x1b8: {  	s3 =	rddreg [dreg:$0x2];
	[bflag:$0x3] =	sbarrier.arrive $0xFFFF;
	s2 =	simm.s32 @!p0 $0x1C05  }
0x1b9: {  	[timem:s3], [sflag:s2] =	dma.local @!p0 [hbm:s0], s1  }
0x1ba: {  	s0 =	simm.s32 @!p0 $0x5  }
0x1bb: {  	_ =	swait.ge @!p0 [sflag:s0], s1  }
0x1bc: {  	s1 =	ssub.s32 @!p0 $0x0, s1;
	[sflag:s0] =	ssyncset.done @!p0 $0x0  }
0x1bd: {  	[sflag:s0] =	ssyncadd.s32 @!p0 s1  }
0x1be: {  	[bflag:$0x3] =	sbarrier.arrive $0xFFFF  }
0x1bf: {  	_ =	shalt  }

</sc_bundles>
